<compile_context>
chip_gen: v7x
topology: tpu7x:2x2x1
jax: 0.10.2.dev20260603
libtpu: 0.0.44.dev20260713+nightly
codegen_flags: <defaults>
</compile_context>

<pallas_src>
import functools

import jax
import jax.numpy as jnp
from jax import lax
from jax.experimental import pallas as pl
from jax.experimental.pallas import tpu as pltpu
from jax.experimental.pallas import tpu_sc as plsc

NSEG = 512
NPOS = 8192
NNODES = 10000
DIM = 128
L = 16
NC = 2
NS = 16
NW = NC * NS
RPW = NPOS // NS
NG_T = RPW // L
PRED_CHUNK = 320
PRED_LAST = NNODES - PRED_CHUNK * (NW - 1)
DSTEPS = DIM // 8


def _rsqrt(s):
    i = plsc.bitcast(s, jnp.int32)
    y = plsc.bitcast(jnp.int32(0x5F3759DF) - (i >> 1), jnp.float32)
    for _ in range(3):
        y = y * (1.5 - 0.5 * s * y * y)
    return y


def _sc_body(pred_hbm, tgt_hbm, ids_hbm, out_hbm,
             ids_v, stt_v, end_v, cnt_all, recip_v, tgt_v, scale_v,
             vv, vtmp_v, out_v, sh_cnt, sh_v):
    cid = lax.axis_index("c")
    sid = lax.axis_index("s")
    wid = cid * NS + sid
    lanes = lax.iota(jnp.int32, L)
    zf = jnp.zeros((L,), jnp.float32)

    pltpu.sync_copy(ids_hbm, ids_v)

    zi = jnp.zeros((L,), jnp.int32)

    def _zero(i, _):
        stt_v[pl.ds(i * L, L)] = zi
        end_v[pl.ds(i * L, L)] = zi
        return 0

    lax.fori_loop(0, NSEG // L, _zero, 0)

    base = sid * RPW

    def _bounds(g, _):
        o = base + g * L
        gidx = o + lanes
        cur = ids_v[pl.ds(o, L)]
        prv = plsc.load_gather(ids_v, [jnp.maximum(gidx - 1, 0)])
        nxt = plsc.load_gather(ids_v, [jnp.minimum(gidx + 1, NPOS - 1)])
        m_s = (cur != prv) | (gidx == 0)
        m_e = (cur != nxt) | (gidx == NPOS - 1)
        plsc.store_scatter(stt_v, [cur], gidx, mask=m_s)
        plsc.store_scatter(end_v, [cur], gidx + 1, mask=m_e)
        return 0

    lax.fori_loop(0, NG_T, _bounds, 0)

    def _diff(i, _):
        c = (end_v[pl.ds(i * L, L)] - stt_v[pl.ds(i * L, L)]).astype(jnp.float32)
        recip_v[pl.ds(i * L, L)] = c
        return 0

    lax.fori_loop(0, NSEG // L, _diff, 0)
    pltpu.sync_copy(recip_v, sh_cnt.at[sid])
    plsc.subcore_barrier()
    pltpu.sync_copy(sh_cnt, cnt_all)

    def _recip(i, _):
        acc = zf
        for r in range(NS):
            acc = acc + cnt_all[r, pl.ds(i * L, L)]
        recip_v[pl.ds(i * L, L)] = 1.0 / (float(NSEG) * jnp.maximum(acc, 1.0))
        return 0

    lax.fori_loop(0, NSEG // L, _recip, 0)

    pltpu.sync_copy(tgt_hbm.at[pl.ds(base, RPW)], tgt_v)

    def _scales(g, _):
        o = g * L
        rows = o + lanes

        def _dstep(d8, acc):
            for k in range(8):
                dd = d8 * 8 + k
                col = jnp.full((L,), dd, jnp.int32)
                gth = plsc.load_gather(tgt_v, [rows, col])
                acc = acc + gth * gth
            return acc

        ssq = lax.fori_loop(0, DSTEPS, _dstep, zf)
        y = _rsqrt(jnp.maximum(ssq, 1e-30))
        ids16 = ids_v[pl.ds(base + o, L)]
        w16 = plsc.load_gather(recip_v, [ids16])
        scale_v[pl.ds(o, L)] = w16 * y
        return 0

    lax.fori_loop(0, NG_T, _scales, 0)

    def _rowacc(g, accs):
        o = g * L
        sc16 = scale_v[pl.ds(o, L)]
        accs = list(accs)
        for l in range(L):
            sc = jnp.full((L,), sc16[l], jnp.float32)
            for k in range(8):
                t = tgt_v[o + l, pl.ds(k * L, L)]
                accs[k] = accs[k] + sc * t
        return tuple(accs)

    accs = lax.fori_loop(0, NG_T, _rowacc, tuple(zf for _ in range(8)))
    for k in range(8):
        vv[pl.ds(k * L, L)] = accs[k]
    pltpu.sync_copy(vv, sh_v.at[sid])
    plsc.subcore_barrier()
    pltpu.sync_copy(sh_v, vtmp_v)
    for k in range(8):
        acc = zf
        for r in range(NS):
            acc = acc + vtmp_v[r, pl.ds(k * L, L)]
        vv[pl.ds(k * L, L)] = acc

    pbase = wid * PRED_CHUNK

    @pl.when(wid < NW - 1)
    def _():
        pltpu.sync_copy(pred_hbm.at[pl.ds(pbase, PRED_CHUNK)],
                        tgt_v.at[pl.ds(0, PRED_CHUNK)])

    @pl.when(wid == NW - 1)
    def _():
        pltpu.sync_copy(pred_hbm.at[pl.ds(NNODES - PRED_LAST, PRED_LAST)],
                        tgt_v.at[pl.ds(0, PRED_LAST)])

    ng = jnp.where(wid == NW - 1, PRED_LAST // L, PRED_CHUNK // L)

    def _outg(g, _):
        o = g * L
        rows = o + lanes

        def _dstep(d16, carry):
            accd, accs2 = carry
            vvec = vv[pl.ds(d16 * L, L)]
            for k in range(L):
                col = jnp.full((L,), d16 * L + k, jnp.int32)
                gth = plsc.load_gather(tgt_v, [rows, col])
                vd = jnp.full((L,), vvec[k], jnp.float32)
                accd = accd + gth * vd
                accs2 = accs2 + gth * gth
            return (accd, accs2)

        accd, accs2 = lax.fori_loop(0, DIM // L, _dstep, (zf, zf))
        y = _rsqrt(jnp.maximum(accs2, 1e-30))
        out_v[pl.ds(o, L)] = -(accd * y)
        return 0

    lax.fori_loop(0, ng, _outg, 0)

    @pl.when(wid < NW - 1)
    def _():
        pltpu.sync_copy(out_v, out_hbm.at[pl.ds(pbase, PRED_CHUNK)])

    @pl.when(wid == NW - 1)
    def _():
        pltpu.sync_copy(out_v.at[pl.ds(0, PRED_LAST)],
                        out_hbm.at[pl.ds(NNODES - PRED_LAST, PRED_LAST)])


def _build(interpret=False):
    return pl.kernel(
        _sc_body,
        out_type=jax.ShapeDtypeStruct((NNODES,), jnp.float32),
        mesh=plsc.VectorSubcoreMesh(core_axis_name="c", subcore_axis_name="s",
                                    num_cores=NC, num_subcores=NS),
        scratch_types=[
            pltpu.VMEM((NPOS,), jnp.int32),
            pltpu.VMEM((NSEG,), jnp.int32),
            pltpu.VMEM((NSEG,), jnp.int32),
            pltpu.VMEM((NS, NSEG), jnp.float32),
            pltpu.VMEM((NSEG,), jnp.float32),
            pltpu.VMEM((RPW, DIM), jnp.float32),
            pltpu.VMEM((RPW,), jnp.float32),
            pltpu.VMEM((DIM,), jnp.float32),
            pltpu.VMEM((NS, DIM), jnp.float32),
            pltpu.VMEM((PRED_CHUNK,), jnp.float32),
            pltpu.VMEM_SHARED((NS, NSEG), jnp.float32),
            pltpu.VMEM_SHARED((NS, DIM), jnp.float32),
        ],
        compiler_params=pltpu.CompilerParams(needs_layout_passes=False),
        interpret=interpret,
    )


_sc_kernel = _build()


@jax.jit
def kernel(pred, target, target_identifiers):
    ids = target_identifiers.astype(jnp.int32)
    return _sc_kernel(pred, target, ids)

# --- scband reference (transcript-rebuilt; emitter-appended) ---
"""Pipeline reference for scband-cosine-dist-42013370089991 (READ-ONLY COPY).

The authoritative reference and input builder live on the scoring server;
editing this copy changes nothing except your own understanding.
"""

import jax, jax.numpy as jnp
import numpy as np

NUM_SEGMENTS = 512
N_NODES = 10000
N_POS = 8192
D = 128

def setup_inputs(seed: int = 0) -> dict:
    key = jax.random.key(seed)
    k1, k2, k3 = jax.random.split(key, 3)
    pred = jax.random.normal(k1, (N_NODES, D), dtype=jnp.float32)
    target = jax.random.normal(k2, (N_POS, D), dtype=jnp.float32)
    target_identifiers = jnp.sort(jax.random.randint(k3, (N_POS,), 0, NUM_SEGMENTS, dtype=jnp.int64))
    return {"pred": pred, "target": target, "target_identifiers": target_identifiers}

def reference(pred, target, target_identifiers):
    # dist_mat[i, j] = -(target_i . pred_j) / (||target_i|| * ||pred_j|| + 1e-8)
    # (algebraically identical to the broadcasted elementwise form in the torch code)
    t_norm = jnp.linalg.norm(target, axis=-1, keepdims=True)          # [n_pos, 1]
    p_norm = jnp.linalg.norm(pred, axis=-1, keepdims=True)            # [n_nodes, 1]
    dot = target @ pred.T                                             # [n_pos, n_nodes]
    denom = t_norm * p_norm.T + 1e-08
    dist_mat = -(dot / denom)
    # stage1_aggr == 'mean' -> scatter_mean over dim 0 by target_identifiers
    seg_sum = jax.ops.segment_sum(dist_mat, target_identifiers, num_segments=NUM_SEGMENTS)
    counts = jax.ops.segment_sum(jnp.ones((target.shape[0],), dtype=dist_mat.dtype),
                                 target_identifiers, num_segments=NUM_SEGMENTS)
    seg_mean = seg_sum / jnp.maximum(counts, 1.0)[:, None]            # [num_segments, n_nodes]
    # stage2_aggr == 'mean'
    return seg_mean.mean(axis=0)                                      # [n_nodes]

if __name__ == "__main__":
    import jax
    _d = setup_inputs()
    print(jax.jit(kernel)(*tuple(_d.values())))

</pallas_src>

<mosaic_0001>
#map = affine_map<(d0, d1) -> (0, 0)>
#map1 = affine_map<(d0, d1) -> (0)>
module attributes {stable_mosaic.version = 14 : i64} {
  func.func @_sc_body(%arg0: i32, %arg1: i32, %arg2: memref<10000x128xf32, #tpu.memory_space<hbm>>, %arg3: memref<8192x128xf32, #tpu.memory_space<hbm>>, %arg4: memref<8192xi32, #tpu.memory_space<hbm>>, %arg5: memref<10000xf32, #tpu.memory_space<hbm>>, %arg6: memref<8192xi32, #tpu.memory_space<vmem>>, %arg7: memref<512xi32, #tpu.memory_space<vmem>>, %arg8: memref<512xi32, #tpu.memory_space<vmem>>, %arg9: memref<16x512xf32, #tpu.memory_space<vmem>>, %arg10: memref<512xf32, #tpu.memory_space<vmem>>, %arg11: memref<512x128xf32, #tpu.memory_space<vmem>>, %arg12: memref<512xf32, #tpu.memory_space<vmem>>, %arg13: memref<128xf32, #tpu.memory_space<vmem>>, %arg14: memref<16x128xf32, #tpu.memory_space<vmem>>, %arg15: memref<320xf32, #tpu.memory_space<vmem>>, %arg16: memref<16x512xf32, #tpu.memory_space<vmem_shared>>, %arg17: memref<16x128xf32, #tpu.memory_space<vmem_shared>>) attributes {dimension_semantics = [#tpu.dimension_semantics<core_parallel>, #tpu.dimension_semantics<subcore_parallel>], iteration_bounds = array<i64: 2, 16>, scalar_prefetch = 0 : i64, scratch_operands = 12 : i64, tpu.core_type = #tpu.core_type<sc_vector_subcore>, window_params = [{transform_indices = #map}, {transform_indices = #map}, {transform_indices = #map1}, {transform_indices = #map1}]} {
    %mul3A = arith.constant 16 : i32
    %mul3A_0 = arith.muli %arg0, %mul3A : i32
    %add3A = arith.addi %mul3A_0, %arg1 : i32
    %iota3A = tpu.iota {dimensions = array<i32: 0>} : vector<16xi32>
    %broadcast_in_dim3A = arith.constant 0.000000e+00 : f32
    %broadcast_in_dim3A_1 = vector.broadcast %broadcast_in_dim3A : f32 to vector<16xf32>
    "tpu.region"() ({
      %run_scoped3A = tpu.sem_alloc : memref<!tpu.dma_semaphore, #tpu.memory_space<semaphore_mem>>
      tpu.enqueue_dma source(%arg4 : memref<8192xi32, #tpu.memory_space<hbm>>) target(%arg6 : memref<8192xi32, #tpu.memory_space<vmem>>) target_semaphore(%run_scoped3A : memref<!tpu.dma_semaphore, #tpu.memory_space<semaphore_mem>>)
      tpu.wait_dma2 semaphore(%run_scoped3A : memref<!tpu.dma_semaphore, #tpu.memory_space<semaphore_mem>>) src(%arg4 : memref<8192xi32, #tpu.memory_space<hbm>>) dst(%arg6 : memref<8192xi32, #tpu.memory_space<vmem>>)
      tpu.yield
    }) : () -> ()
    %broadcast_in_dim3A_2 = arith.constant 0 : i32
    %broadcast_in_dim3A_3 = vector.broadcast %broadcast_in_dim3A_2 : i32 to vector<16xi32>
    %scan3A = arith.constant 0 : i32
    %scan3A_4 = arith.constant 0 : i32
    %scan3A_5 = arith.constant 32 : i32
    %scan3A_6 = arith.addi %scan3A_4, %scan3A_5 : i32
    %scan3A_7 = arith.constant 1 : i32
    %scan3A_8 = scf.for %scan3A_749 = %scan3A_4 to %scan3A_6 step %scan3A_7 iter_args(%scan3A_750 = %scan3A) -> (i32)  : i32 {
      %mul3A_751 = arith.constant 16 : i32
      %mul3A_752 = arith.muli %scan3A_749, %mul3A_751 : i32
      %swap3A_753 = arith.index_cast %mul3A_752 : i32 to index
      %swap3A_754 = tpu.vector_load %arg7[%swap3A_753] {strides = array<i32>} : memref<512xi32, #tpu.memory_space<vmem>>, vector<16xi32>,
      tpu.vector_store %arg7[%swap3A_753], %broadcast_in_dim3A_3 {strides = array<i32>} : memref<512xi32, #tpu.memory_space<vmem>>, vector<16xi32>,
      %mul3A_755 = arith.constant 16 : i32
      %mul3A_756 = arith.muli %scan3A_749, %mul3A_755 : i32
      %swap3A_757 = arith.index_cast %mul3A_756 : i32 to index
      %swap3A_758 = tpu.vector_load %arg8[%swap3A_757] {strides = array<i32>} : memref<512xi32, #tpu.memory_space<vmem>>, vector<16xi32>,
      tpu.vector_store %arg8[%swap3A_757], %broadcast_in_dim3A_3 {strides = array<i32>} : memref<512xi32, #tpu.memory_space<vmem>>, vector<16xi32>,
      %scan3A_759 = arith.constant 0 : i32
      scf.yield %scan3A_759 : i32
    }
    %scan3A_9 = arith.constant 32 : i32
    %mul3A_10 = arith.constant 512 : i32
    %mul3A_11 = arith.muli %arg1, %mul3A_10 : i32
    %scan3A_12 = arith.constant 0 : i32
    %scan3A_13 = arith.constant 0 : i32
    %scan3A_14 = arith.constant 32 : i32
    %scan3A_15 = arith.addi %scan3A_13, %scan3A_14 : i32
    %scan3A_16 = arith.constant 1 : i32
    %scan3A_17 = scf.for %scan3A_749 = %scan3A_13 to %scan3A_15 step %scan3A_16 iter_args(%scan3A_750 = %scan3A_12) -> (i32)  : i32 {
      %mul3A_751 = arith.constant 16 : i32
      %mul3A_752 = arith.muli %scan3A_749, %mul3A_751 : i32
      %add3A_753 = arith.addi %mul3A_11, %mul3A_752 : i32
      %add3A_754 = vector.broadcast %add3A_753 : i32 to vector<16xi32>
      %add3A_755 = arith.addi %add3A_754, %iota3A : vector<16xi32>
      %get3A_756 = arith.index_cast %add3A_753 : i32 to index
      %get3A_757 = tpu.vector_load %arg6[%get3A_756] {strides = array<i32>} : memref<8192xi32, #tpu.memory_space<vmem>>, vector<16xi32>,
      %sub3A = arith.constant 1 : i32
      %sub3A_758 = vector.broadcast %sub3A : i32 to vector<16xi32>
      %sub3A_759 = arith.subi %add3A_755, %sub3A_758 : vector<16xi32>
      %max3A = arith.constant 0 : i32
      %max3A_760 = vector.broadcast %max3A : i32 to vector<16xi32>
      %max3A_761 = arith.maxsi %sub3A_759, %max3A_760 : vector<16xi32>
      %gather3A = tpu.vector_load_idx %arg6[%max3A_761] : memref<8192xi32, #tpu.memory_space<vmem>>[vector<16xi32>], vector<16xi32>,
      %add3A_762 = arith.constant 1 : i32
      %add3A_763 = vector.broadcast %add3A_762 : i32 to vector<16xi32>
      %add3A_764 = arith.addi %add3A_755, %add3A_763 : vector<16xi32>
      %min3A = arith.constant 8191 : i32
      %min3A_765 = vector.broadcast %min3A : i32 to vector<16xi32>
      %min3A_766 = arith.minsi %add3A_764, %min3A_765 : vector<16xi32>
      %gather3A_767 = tpu.vector_load_idx %arg6[%min3A_766] : memref<8192xi32, #tpu.memory_space<vmem>>[vector<16xi32>], vector<16xi32>,
      %ne3A = arith.cmpi ne, %get3A_757, %gather3A : vector<16xi32>
      %eq3A_768 = arith.constant 0 : i32
      %eq3A_769 = vector.broadcast %eq3A_768 : i32 to vector<16xi32>
      %eq3A_770 = arith.cmpi eq, %add3A_755, %eq3A_769 : vector<16xi32>
      %or3A = arith.ori %ne3A, %eq3A_770 : vector<16xi1>
      %ne3A_771 = arith.cmpi ne, %get3A_757, %gather3A_767 : vector<16xi32>
      %eq3A_772 = arith.constant 8191 : i32
      %eq3A_773 = vector.broadcast %eq3A_772 : i32 to vector<16xi32>
      %eq3A_774 = arith.cmpi eq, %add3A_755, %eq3A_773 : vector<16xi32>
      %or3A_775 = arith.ori %ne3A_771, %eq3A_774 : vector<16xi1>
      tpu.vector_store_idx %arg7[%get3A_757], %add3A_755 masked %or3A : memref<512xi32, #tpu.memory_space<vmem>>[vector<16xi32>], vector<16xi32>, vector<16xi1>
      %add3A_776 = arith.constant 1 : i32
      %add3A_777 = vector.broadcast %add3A_776 : i32 to vector<16xi32>
      %add3A_778 = arith.addi %add3A_755, %add3A_777 : vector<16xi32>
      tpu.vector_store_idx %arg8[%get3A_757], %add3A_778 masked %or3A_775 : memref<512xi32, #tpu.memory_space<vmem>>[vector<16xi32>], vector<16xi32>, vector<16xi1>
      %scan3A_779 = arith.constant 0 : i32
      scf.yield %scan3A_779 : i32
    }
    %scan3A_18 = arith.constant 32 : i32
    %scan3A_19 = arith.constant 0 : i32
    %scan3A_20 = arith.constant 0 : i32
    %scan3A_21 = arith.constant 32 : i32
    %scan3A_22 = arith.addi %scan3A_20, %scan3A_21 : i32
    %scan3A_23 = arith.constant 1 : i32
    %scan3A_24 = scf.for %scan3A_749 = %scan3A_20 to %scan3A_22 step %scan3A_23 iter_args(%scan3A_750 = %scan3A_19) -> (i32)  : i32 {
      %mul3A_751 = arith.constant 16 : i32
      %mul3A_752 = arith.muli %scan3A_749, %mul3A_751 : i32
      %get3A_753 = arith.index_cast %mul3A_752 : i32 to index
      %get3A_754 = tpu.vector_load %arg8[%get3A_753] {strides = array<i32>} : memref<512xi32, #tpu.memory_space<vmem>>, vector<16xi32>,
      %mul3A_755 = arith.constant 16 : i32
      %mul3A_756 = arith.muli %scan3A_749, %mul3A_755 : i32
      %get3A_757 = arith.index_cast %mul3A_756 : i32 to index
      %get3A_758 = tpu.vector_load %arg7[%get3A_757] {strides = array<i32>} : memref<512xi32, #tpu.memory_space<vmem>>, vector<16xi32>,
      %sub3A = arith.subi %get3A_754, %get3A_758 : vector<16xi32>
      %convert_element_type3A_759 = arith.sitofp %sub3A : vector<16xi32> to vector<16xf32>
      %mul3A_760 = arith.constant 16 : i32
      %mul3A_761 = arith.muli %scan3A_749, %mul3A_760 : i32
      %swap3A_762 = arith.index_cast %mul3A_761 : i32 to index
      %swap3A_763 = tpu.vector_load %arg10[%swap3A_762] {strides = array<i32>} : memref<512xf32, #tpu.memory_space<vmem>>, vector<16xf32>,
      tpu.vector_store %arg10[%swap3A_762], %convert_element_type3A_759 {strides = array<i32>} : memref<512xf32, #tpu.memory_space<vmem>>, vector<16xf32>,
      %scan3A_764 = arith.constant 0 : i32
      scf.yield %scan3A_764 : i32
    }
    %scan3A_25 = arith.constant 32 : i32
    "tpu.region"() ({
      %run_scoped3A = tpu.sem_alloc : memref<!tpu.dma_semaphore, #tpu.memory_space<semaphore_mem>>
      %dma_start3A = arith.constant 0 : i32
      %dma_start3A_749 = tpu.memref_slice %arg16[%arg1, %dma_start3A] : memref<16x512xf32, #tpu.memory_space<vmem_shared>> -> memref<1x512xf32, #tpu.memory_space<vmem_shared>>
      %dma_start3A_750 = tpu.memref_squeeze %dma_start3A_749 : memref<1x512xf32, #tpu.memory_space<vmem_shared>> -> memref<512xf32, #tpu.memory_space<vmem_shared>>
      %dma_start3A_751 = arith.constant 0 : i32
      %dma_start3A_752 = tpu.memref_slice %arg16[%arg1, %dma_start3A_751] : memref<16x512xf32, #tpu.memory_space<vmem_shared>> -> memref<1x512xf32, #tpu.memory_space<vmem_shared>>
      %dma_start3A_753 = tpu.memref_squeeze %dma_start3A_752 : memref<1x512xf32, #tpu.memory_space<vmem_shared>> -> memref<512xf32, #tpu.memory_space<vmem_shared>>
      tpu.enqueue_dma source(%arg10 : memref<512xf32, #tpu.memory_space<vmem>>) target(%dma_start3A_753 : memref<512xf32, #tpu.memory_space<vmem_shared>>) target_semaphore(%run_scoped3A : memref<!tpu.dma_semaphore, #tpu.memory_space<semaphore_mem>>)
      %dma_wait3A = arith.constant 0 : i32
      %dma_wait3A_754 = tpu.memref_slice %arg16[%arg1, %dma_wait3A] : memref<16x512xf32, #tpu.memory_space<vmem_shared>> -> memref<1x512xf32, #tpu.memory_space<vmem_shared>>
      %dma_wait3A_755 = tpu.memref_squeeze %dma_wait3A_754 : memref<1x512xf32, #tpu.memory_space<vmem_shared>> -> memref<512xf32, #tpu.memory_space<vmem_shared>>
      %dma_wait3A_756 = arith.constant 0 : i32
      %dma_wait3A_757 = tpu.memref_slice %arg16[%arg1, %dma_wait3A_756] : memref<16x512xf32, #tpu.memory_space<vmem_shared>> -> memref<1x512xf32, #tpu.memory_space<vmem_shared>>
      %dma_wait3A_758 = tpu.memref_squeeze %dma_wait3A_757 : memref<1x512xf32, #tpu.memory_space<vmem_shared>> -> memref<512xf32, #tpu.memory_space<vmem_shared>>
      tpu.wait_dma2 semaphore(%run_scoped3A : memref<!tpu.dma_semaphore, #tpu.memory_space<semaphore_mem>>) src(%arg10 : memref<512xf32, #tpu.memory_space<vmem>>) dst(%dma_wait3A_758 : memref<512xf32, #tpu.memory_space<vmem_shared>>)
      tpu.yield
    }) : () -> ()
    %barrier3A = arith.constant 0 : index
    tpu.barrier barrier_id(%barrier3A)
    "tpu.region"() ({
      %run_scoped3A = tpu.sem_alloc : memref<!tpu.dma_semaphore, #tpu.memory_space<semaphore_mem>>
      tpu.enqueue_dma source(%arg16 : memref<16x512xf32, #tpu.memory_space<vmem_shared>>) target(%arg9 : memref<16x512xf32, #tpu.memory_space<vmem>>) target_semaphore(%run_scoped3A : memref<!tpu.dma_semaphore, #tpu.memory_space<semaphore_mem>>)
      tpu.wait_dma2 semaphore(%run_scoped3A : memref<!tpu.dma_semaphore, #tpu.memory_space<semaphore_mem>>) src(%arg16 : memref<16x512xf32, #tpu.memory_space<vmem_shared>>) dst(%arg9 : memref<16x512xf32, #tpu.memory_space<vmem>>)
      tpu.yield
    }) : () -> ()
    %scan3A_26 = arith.constant 0 : i32
    %scan3A_27 = arith.constant 0 : i32
    %scan3A_28 = arith.constant 32 : i32
    %scan3A_29 = arith.addi %scan3A_27, %scan3A_28 : i32
    %scan3A_30 = arith.constant 1 : i32
    %scan3A_31 = scf.for %scan3A_749 = %scan3A_27 to %scan3A_29 step %scan3A_30 iter_args(%scan3A_750 = %scan3A_26) -> (i32)  : i32 {
      %mul3A_751 = arith.constant 16 : i32
      %mul3A_752 = arith.muli %scan3A_749, %mul3A_751 : i32
      %get3A_753 = arith.constant 0 : i32
      %get3A_754 = arith.index_cast %get3A_753 : i32 to index
      %get3A_755 = arith.index_cast %mul3A_752 : i32 to index
      %get3A_756 = tpu.vector_load %arg9[%get3A_754, %get3A_755] {strides = array<i32>} : memref<16x512xf32, #tpu.memory_space<vmem>>, vector<16xf32>,
      %add3A_757 = arith.addf %broadcast_in_dim3A_1, %get3A_756 : vector<16xf32>
      %mul3A_758 = arith.constant 16 : i32
      %mul3A_759 = arith.muli %scan3A_749, %mul3A_758 : i32
      %get3A_760 = arith.constant 1 : i32
      %get3A_761 = arith.index_cast %get3A_760 : i32 to index
      %get3A_762 = arith.index_cast %mul3A_759 : i32 to index
      %get3A_763 = tpu.vector_load %arg9[%get3A_761, %get3A_762] {strides = array<i32>} : memref<16x512xf32, #tpu.memory_space<vmem>>, vector<16xf32>,
      %add3A_764 = arith.addf %add3A_757, %get3A_763 : vector<16xf32>
      %mul3A_765 = arith.constant 16 : i32
      %mul3A_766 = arith.muli %scan3A_749, %mul3A_765 : i32
      %get3A_767 = arith.constant 2 : i32
      %get3A_768 = arith.index_cast %get3A_767 : i32 to index
      %get3A_769 = arith.index_cast %mul3A_766 : i32 to index
      %get3A_770 = tpu.vector_load %arg9[%get3A_768, %get3A_769] {strides = array<i32>} : memref<16x512xf32, #tpu.memory_space<vmem>>, vector<16xf32>,
      %add3A_771 = arith.addf %add3A_764, %get3A_770 : vector<16xf32>
      %mul3A_772 = arith.constant 16 : i32
      %mul3A_773 = arith.muli %scan3A_749, %mul3A_772 : i32
      %get3A_774 = arith.constant 3 : i32
      %get3A_775 = arith.index_cast %get3A_774 : i32 to index
      %get3A_776 = arith.index_cast %mul3A_773 : i32 to index
      %get3A_777 = tpu.vector_load %arg9[%get3A_775, %get3A_776] {strides = array<i32>} : memref<16x512xf32, #tpu.memory_space<vmem>>, vector<16xf32>,
      %add3A_778 = arith.addf %add3A_771, %get3A_777 : vector<16xf32>
      %mul3A_779 = arith.constant 16 : i32
      %mul3A_780 = arith.muli %scan3A_749, %mul3A_779 : i32
      %get3A_781 = arith.constant 4 : i32
      %get3A_782 = arith.index_cast %get3A_781 : i32 to index
      %get3A_783 = arith.index_cast %mul3A_780 : i32 to index
      %get3A_784 = tpu.vector_load %arg9[%get3A_782, %get3A_783] {strides = array<i32>} : memref<16x512xf32, #tpu.memory_space<vmem>>, vector<16xf32>,
      %add3A_785 = arith.addf %add3A_778, %get3A_784 : vector<16xf32>
      %mul3A_786 = arith.constant 16 : i32
      %mul3A_787 = arith.muli %scan3A_749, %mul3A_786 : i32
      %get3A_788 = arith.constant 5 : i32
      %get3A_789 = arith.index_cast %get3A_788 : i32 to index
      %get3A_790 = arith.index_cast %mul3A_787 : i32 to index
      %get3A_791 = tpu.vector_load %arg9[%get3A_789, %get3A_790] {strides = array<i32>} : memref<16x512xf32, #tpu.memory_space<vmem>>, vector<16xf32>,
      %add3A_792 = arith.addf %add3A_785, %get3A_791 : vector<16xf32>
      %mul3A_793 = arith.constant 16 : i32
      %mul3A_794 = arith.muli %scan3A_749, %mul3A_793 : i32
      %get3A_795 = arith.constant 6 : i32
      %get3A_796 = arith.index_cast %get3A_795 : i32 to index
      %get3A_797 = arith.index_cast %mul3A_794 : i32 to index
      %get3A_798 = tpu.vector_load %arg9[%get3A_796, %get3A_797] {strides = array<i32>} : memref<16x512xf32, #tpu.memory_space<vmem>>, vector<16xf32>,
      %add3A_799 = arith.addf %add3A_792, %get3A_798 : vector<16xf32>
      %mul3A_800 = arith.constant 16 : i32
      %mul3A_801 = arith.muli %scan3A_749, %mul3A_800 : i32
      %get3A_802 = arith.constant 7 : i32
      %get3A_803 = arith.index_cast %get3A_802 : i32 to index
      %get3A_804 = arith.index_cast %mul3A_801 : i32 to index
      %get3A_805 = tpu.vector_load %arg9[%get3A_803, %get3A_804] {strides = array<i32>} : memref<16x512xf32, #tpu.memory_space<vmem>>, vector<16xf32>,
      %add3A_806 = arith.addf %add3A_799, %get3A_805 : vector<16xf32>
      %mul3A_807 = arith.constant 16 : i32
      %mul3A_808 = arith.muli %scan3A_749, %mul3A_807 : i32
      %get3A_809 = arith.constant 8 : i32
      %get3A_810 = arith.index_cast %get3A_809 : i32 to index
      %get3A_811 = arith.index_cast %mul3A_808 : i32 to index
      %get3A_812 = tpu.vector_load %arg9[%get3A_810, %get3A_811] {strides = array<i32>} : memref<16x512xf32, #tpu.memory_space<vmem>>, vector<16xf32>,
      %add3A_813 = arith.addf %add3A_806, %get3A_812 : vector<16xf32>
      %mul3A_814 = arith.constant 16 : i32
      %mul3A_815 = arith.muli %scan3A_749, %mul3A_814 : i32
      %get3A_816 = arith.constant 9 : i32
      %get3A_817 = arith.index_cast %get3A_816 : i32 to index
      %get3A_818 = arith.index_cast %mul3A_815 : i32 to index
      %get3A_819 = tpu.vector_load %arg9[%get3A_817, %get3A_818] {strides = array<i32>} : memref<16x512xf32, #tpu.memory_space<vmem>>, vector<16xf32>,
      %add3A_820 = arith.addf %add3A_813, %get3A_819 : vector<16xf32>
      %mul3A_821 = arith.constant 16 : i32
      %mul3A_822 = arith.muli %scan3A_749, %mul3A_821 : i32
      %get3A_823 = arith.constant 10 : i32
      %get3A_824 = arith.index_cast %get3A_823 : i32 to index
      %get3A_825 = arith.index_cast %mul3A_822 : i32 to index
      %get3A_826 = tpu.vector_load %arg9[%get3A_824, %get3A_825] {strides = array<i32>} : memref<16x512xf32, #tpu.memory_space<vmem>>, vector<16xf32>,
      %add3A_827 = arith.addf %add3A_820, %get3A_826 : vector<16xf32>
      %mul3A_828 = arith.constant 16 : i32
      %mul3A_829 = arith.muli %scan3A_749, %mul3A_828 : i32
      %get3A_830 = arith.constant 11 : i32
      %get3A_831 = arith.index_cast %get3A_830 : i32 to index
      %get3A_832 = arith.index_cast %mul3A_829 : i32 to index
      %get3A_833 = tpu.vector_load %arg9[%get3A_831, %get3A_832] {strides = array<i32>} : memref<16x512xf32, #tpu.memory_space<vmem>>, vector<16xf32>,
      %add3A_834 = arith.addf %add3A_827, %get3A_833 : vector<16xf32>
      %mul3A_835 = arith.constant 16 : i32
      %mul3A_836 = arith.muli %scan3A_749, %mul3A_835 : i32
      %get3A_837 = arith.constant 12 : i32
      %get3A_838 = arith.index_cast %get3A_837 : i32 to index
      %get3A_839 = arith.index_cast %mul3A_836 : i32 to index
      %get3A_840 = tpu.vector_load %arg9[%get3A_838, %get3A_839] {strides = array<i32>} : memref<16x512xf32, #tpu.memory_space<vmem>>, vector<16xf32>,
      %add3A_841 = arith.addf %add3A_834, %get3A_840 : vector<16xf32>
      %mul3A_842 = arith.constant 16 : i32
      %mul3A_843 = arith.muli %scan3A_749, %mul3A_842 : i32
      %get3A_844 = arith.constant 13 : i32
      %get3A_845 = arith.index_cast %get3A_844 : i32 to index
      %get3A_846 = arith.index_cast %mul3A_843 : i32 to index
      %get3A_847 = tpu.vector_load %arg9[%get3A_845, %get3A_846] {strides = array<i32>} : memref<16x512xf32, #tpu.memory_space<vmem>>, vector<16xf32>,
      %add3A_848 = arith.addf %add3A_841, %get3A_847 : vector<16xf32>
      %mul3A_849 = arith.constant 16 : i32
      %mul3A_850 = arith.muli %scan3A_749, %mul3A_849 : i32
      %get3A_851 = arith.constant 14 : i32
      %get3A_852 = arith.index_cast %get3A_851 : i32 to index
      %get3A_853 = arith.index_cast %mul3A_850 : i32 to index
      %get3A_854 = tpu.vector_load %arg9[%get3A_852, %get3A_853] {strides = array<i32>} : memref<16x512xf32, #tpu.memory_space<vmem>>, vector<16xf32>,
      %add3A_855 = arith.addf %add3A_848, %get3A_854 : vector<16xf32>
      %mul3A_856 = arith.constant 16 : i32
      %mul3A_857 = arith.muli %scan3A_749, %mul3A_856 : i32
      %get3A_858 = arith.constant 15 : i32
      %get3A_859 = arith.index_cast %get3A_858 : i32 to index
      %get3A_860 = arith.index_cast %mul3A_857 : i32 to index
      %get3A_861 = tpu.vector_load %arg9[%get3A_859, %get3A_860] {strides = array<i32>} : memref<16x512xf32, #tpu.memory_space<vmem>>, vector<16xf32>,
      %add3A_862 = arith.addf %add3A_855, %get3A_861 : vector<16xf32>
      %max3A = arith.constant 1.000000e+00 : f32
      %max3A_863 = vector.broadcast %max3A : f32 to vector<16xf32>
      %max3A_864 = arith.maximumf %add3A_862, %max3A_863 : vector<16xf32>
      %mul3A_865 = arith.constant 5.120000e+02 : f32
      %mul3A_866 = vector.broadcast %mul3A_865 : f32 to vector<16xf32>
      %mul3A_867 = arith.mulf %mul3A_866, %max3A_864 : vector<16xf32>
      %div3A = arith.constant 1.000000e+00 : f32
      %div3A_868 = vector.broadcast %div3A : f32 to vector<16xf32>
      %div3A_869 = arith.divf %div3A_868, %mul3A_867 : vector<16xf32>
      %mul3A_870 = arith.constant 16 : i32
      %mul3A_871 = arith.muli %scan3A_749, %mul3A_870 : i32
      %swap3A_872 = arith.index_cast %mul3A_871 : i32 to index
      %swap3A_873 = tpu.vector_load %arg10[%swap3A_872] {strides = array<i32>} : memref<512xf32, #tpu.memory_space<vmem>>, vector<16xf32>,
      tpu.vector_store %arg10[%swap3A_872], %div3A_869 {strides = array<i32>} : memref<512xf32, #tpu.memory_space<vmem>>, vector<16xf32>,
      %scan3A_874 = arith.constant 0 : i32
      scf.yield %scan3A_874 : i32
    }
    %scan3A_32 = arith.constant 32 : i32
    "tpu.region"() ({
      %run_scoped3A = tpu.sem_alloc : memref<!tpu.dma_semaphore, #tpu.memory_space<semaphore_mem>>
      %dma_start3A = arith.constant 0 : i32
      %dma_start3A_749 = tpu.memref_slice %arg3[%mul3A_11, %dma_start3A] : memref<8192x128xf32, #tpu.memory_space<hbm>> -> memref<512x128xf32, #tpu.memory_space<hbm>>
      %dma_start3A_750 = arith.constant 0 : i32
      %dma_start3A_751 = tpu.memref_slice %arg3[%mul3A_11, %dma_start3A_750] : memref<8192x128xf32, #tpu.memory_space<hbm>> -> memref<512x128xf32, #tpu.memory_space<hbm>>
      tpu.enqueue_dma source(%dma_start3A_751 : memref<512x128xf32, #tpu.memory_space<hbm>>) target(%arg11 : memref<512x128xf32, #tpu.memory_space<vmem>>) target_semaphore(%run_scoped3A : memref<!tpu.dma_semaphore, #tpu.memory_space<semaphore_mem>>)
      %dma_wait3A = arith.constant 0 : i32
      %dma_wait3A_752 = tpu.memref_slice %arg3[%mul3A_11, %dma_wait3A] : memref<8192x128xf32, #tpu.memory_space<hbm>> -> memref<512x128xf32, #tpu.memory_space<hbm>>
      %dma_wait3A_753 = arith.constant 0 : i32
      %dma_wait3A_754 = tpu.memref_slice %arg3[%mul3A_11, %dma_wait3A_753] : memref<8192x128xf32, #tpu.memory_space<hbm>> -> memref<512x128xf32, #tpu.memory_space<hbm>>
      tpu.wait_dma2 semaphore(%run_scoped3A : memref<!tpu.dma_semaphore, #tpu.memory_space<semaphore_mem>>) src(%dma_wait3A_754 : memref<512x128xf32, #tpu.memory_space<hbm>>) dst(%arg11 : memref<512x128xf32, #tpu.memory_space<vmem>>)
      tpu.yield
    }) : () -> ()
    %scan3A_33 = arith.constant 0 : i32
    %scan3A_34 = arith.constant 0 : i32
    %scan3A_35 = arith.constant 32 : i32
    %scan3A_36 = arith.addi %scan3A_34, %scan3A_35 : i32
    %scan3A_37 = arith.constant 1 : i32
    %scan3A_38 = scf.for %scan3A_749 = %scan3A_34 to %scan3A_36 step %scan3A_37 iter_args(%scan3A_750 = %scan3A_33) -> (i32)  : i32 {
      %mul3A_751 = arith.constant 16 : i32
      %mul3A_752 = arith.muli %scan3A_749, %mul3A_751 : i32
      %add3A_753 = vector.broadcast %mul3A_752 : i32 to vector<16xi32>
      %add3A_754 = arith.addi %add3A_753, %iota3A : vector<16xi32>
      %scan3A_755 = arith.constant 0 : i32
      %scan3A_756 = arith.constant 16 : i32
      %scan3A_757 = arith.addi %scan3A_755, %scan3A_756 : i32
      %scan3A_758 = arith.constant 1 : i32
      %scan3A_759 = scf.for %scan3A_802 = %scan3A_755 to %scan3A_757 step %scan3A_758 iter_args(%scan3A_803 = %broadcast_in_dim3A_1) -> (vector<16xf32>)  : i32 {
        %mul3A_804 = arith.constant 8 : i32
        %mul3A_805 = arith.muli %scan3A_802, %mul3A_804 : i32
        %add3A_806 = arith.constant 0 : i32
        %add3A_807 = arith.addi %mul3A_805, %add3A_806 : i32
        %broadcast_in_dim3A_808 = vector.broadcast %add3A_807 : i32 to vector<16xi32>
        %gather3A_809 = tpu.vector_load_idx %arg11[%add3A_754, %broadcast_in_dim3A_808] : memref<512x128xf32, #tpu.memory_space<vmem>>[vector<16xi32>, vector<16xi32>], vector<16xf32>,
        %mul3A_810 = arith.mulf %gather3A_809, %gather3A_809 : vector<16xf32>
        %add3A_811 = arith.addf %scan3A_803, %mul3A_810 : vector<16xf32>
        %mul3A_812 = arith.constant 8 : i32
        %mul3A_813 = arith.muli %scan3A_802, %mul3A_812 : i32
        %add3A_814 = arith.constant 1 : i32
        %add3A_815 = arith.addi %mul3A_813, %add3A_814 : i32
        %broadcast_in_dim3A_816 = vector.broadcast %add3A_815 : i32 to vector<16xi32>
        %gather3A_817 = tpu.vector_load_idx %arg11[%add3A_754, %broadcast_in_dim3A_816] : memref<512x128xf32, #tpu.memory_space<vmem>>[vector<16xi32>, vector<16xi32>], vector<16xf32>,
        %mul3A_818 = arith.mulf %gather3A_817, %gather3A_817 : vector<16xf32>
        %add3A_819 = arith.addf %add3A_811, %mul3A_818 : vector<16xf32>
        %mul3A_820 = arith.constant 8 : i32
        %mul3A_821 = arith.muli %scan3A_802, %mul3A_820 : i32
        %add3A_822 = arith.constant 2 : i32
        %add3A_823 = arith.addi %mul3A_821, %add3A_822 : i32
        %broadcast_in_dim3A_824 = vector.broadcast %add3A_823 : i32 to vector<16xi32>
        %gather3A_825 = tpu.vector_load_idx %arg11[%add3A_754, %broadcast_in_dim3A_824] : memref<512x128xf32, #tpu.memory_space<vmem>>[vector<16xi32>, vector<16xi32>], vector<16xf32>,
        %mul3A_826 = arith.mulf %gather3A_825, %gather3A_825 : vector<16xf32>
        %add3A_827 = arith.addf %add3A_819, %mul3A_826 : vector<16xf32>
        %mul3A_828 = arith.constant 8 : i32
        %mul3A_829 = arith.muli %scan3A_802, %mul3A_828 : i32
        %add3A_830 = arith.constant 3 : i32
        %add3A_831 = arith.addi %mul3A_829, %add3A_830 : i32
        %broadcast_in_dim3A_832 = vector.broadcast %add3A_831 : i32 to vector<16xi32>
        %gather3A_833 = tpu.vector_load_idx %arg11[%add3A_754, %broadcast_in_dim3A_832] : memref<512x128xf32, #tpu.memory_space<vmem>>[vector<16xi32>, vector<16xi32>], vector<16xf32>,
        %mul3A_834 = arith.mulf %gather3A_833, %gather3A_833 : vector<16xf32>
        %add3A_835 = arith.addf %add3A_827, %mul3A_834 : vector<16xf32>
        %mul3A_836 = arith.constant 8 : i32
        %mul3A_837 = arith.muli %scan3A_802, %mul3A_836 : i32
        %add3A_838 = arith.constant 4 : i32
        %add3A_839 = arith.addi %mul3A_837, %add3A_838 : i32
        %broadcast_in_dim3A_840 = vector.broadcast %add3A_839 : i32 to vector<16xi32>
        %gather3A_841 = tpu.vector_load_idx %arg11[%add3A_754, %broadcast_in_dim3A_840] : memref<512x128xf32, #tpu.memory_space<vmem>>[vector<16xi32>, vector<16xi32>], vector<16xf32>,
        %mul3A_842 = arith.mulf %gather3A_841, %gather3A_841 : vector<16xf32>
        %add3A_843 = arith.addf %add3A_835, %mul3A_842 : vector<16xf32>
        %mul3A_844 = arith.constant 8 : i32
        %mul3A_845 = arith.muli %scan3A_802, %mul3A_844 : i32
        %add3A_846 = arith.constant 5 : i32
        %add3A_847 = arith.addi %mul3A_845, %add3A_846 : i32
        %broadcast_in_dim3A_848 = vector.broadcast %add3A_847 : i32 to vector<16xi32>
        %gather3A_849 = tpu.vector_load_idx %arg11[%add3A_754, %broadcast_in_dim3A_848] : memref<512x128xf32, #tpu.memory_space<vmem>>[vector<16xi32>, vector<16xi32>], vector<16xf32>,
        %mul3A_850 = arith.mulf %gather3A_849, %gather3A_849 : vector<16xf32>
        %add3A_851 = arith.addf %add3A_843, %mul3A_850 : vector<16xf32>
        %mul3A_852 = arith.constant 8 : i32
        %mul3A_853 = arith.muli %scan3A_802, %mul3A_852 : i32
        %add3A_854 = arith.constant 6 : i32
        %add3A_855 = arith.addi %mul3A_853, %add3A_854 : i32
        %broadcast_in_dim3A_856 = vector.broadcast %add3A_855 : i32 to vector<16xi32>
        %gather3A_857 = tpu.vector_load_idx %arg11[%add3A_754, %broadcast_in_dim3A_856] : memref<512x128xf32, #tpu.memory_space<vmem>>[vector<16xi32>, vector<16xi32>], vector<16xf32>,
        %mul3A_858 = arith.mulf %gather3A_857, %gather3A_857 : vector<16xf32>
        %add3A_859 = arith.addf %add3A_851, %mul3A_858 : vector<16xf32>
        %mul3A_860 = arith.constant 8 : i32
        %mul3A_861 = arith.muli %scan3A_802, %mul3A_860 : i32
        %add3A_862 = arith.constant 7 : i32
        %add3A_863 = arith.addi %mul3A_861, %add3A_862 : i32
        %broadcast_in_dim3A_864 = vector.broadcast %add3A_863 : i32 to vector<16xi32>
        %gather3A_865 = tpu.vector_load_idx %arg11[%add3A_754, %broadcast_in_dim3A_864] : memref<512x128xf32, #tpu.memory_space<vmem>>[vector<16xi32>, vector<16xi32>], vector<16xf32>,
        %mul3A_866 = arith.mulf %gather3A_865, %gather3A_865 : vector<16xf32>
        %add3A_867 = arith.addf %add3A_859, %mul3A_866 : vector<16xf32>
        scf.yield %add3A_867 : vector<16xf32>
      }
      %scan3A_760 = arith.constant 16 : i32
      %max3A = arith.constant 1.000000e-30 : f32
      %max3A_761 = vector.broadcast %max3A : f32 to vector<16xf32>
      %max3A_762 = arith.maximumf %scan3A_759, %max3A_761 : vector<16xf32>
      %bitcast3A = vector.bitcast %max3A_762 : vector<16xf32> to vector<16xi32>
      %shift_right_arithmetic3A = arith.constant 1 : i32
      %shift_right_arithmetic3A_763 = vector.broadcast %shift_right_arithmetic3A : i32 to vector<16xi32>
      %shift_right_arithmetic3A_764 = arith.shrsi %bitcast3A, %shift_right_arithmetic3A_763 : vector<16xi32>
      %sub3A = arith.constant 1597463007 : i32
      %sub3A_765 = vector.broadcast %sub3A : i32 to vector<16xi32>
      %sub3A_766 = arith.subi %sub3A_765, %shift_right_arithmetic3A_764 : vector<16xi32>
      %bitcast3A_767 = vector.bitcast %sub3A_766 : vector<16xi32> to vector<16xf32>
      %mul3A_768 = arith.constant 5.000000e-01 : f32
      %mul3A_769 = vector.broadcast %mul3A_768 : f32 to vector<16xf32>
      %mul3A_770 = arith.mulf %mul3A_769, %max3A_762 : vector<16xf32>
      %mul3A_771 = arith.mulf %mul3A_770, %bitcast3A_767 : vector<16xf32>
      %mul3A_772 = arith.mulf %mul3A_771, %bitcast3A_767 : vector<16xf32>
      %sub3A_773 = arith.constant 1.500000e+00 : f32
      %sub3A_774 = vector.broadcast %sub3A_773 : f32 to vector<16xf32>
      %sub3A_775 = arith.subf %sub3A_774, %mul3A_772 : vector<16xf32>
      %mul3A_776 = arith.mulf %bitcast3A_767, %sub3A_775 : vector<16xf32>
      %mul3A_777 = arith.constant 5.000000e-01 : f32
      %mul3A_778 = vector.broadcast %mul3A_777 : f32 to vector<16xf32>
      %mul3A_779 = arith.mulf %mul3A_778, %max3A_762 : vector<16xf32>
      %mul3A_780 = arith.mulf %mul3A_779, %mul3A_776 : vector<16xf32>
      %mul3A_781 = arith.mulf %mul3A_780, %mul3A_776 : vector<16xf32>
      %sub3A_782 = arith.constant 1.500000e+00 : f32
      %sub3A_783 = vector.broadcast %sub3A_782 : f32 to vector<16xf32>
      %sub3A_784 = arith.subf %sub3A_783, %mul3A_781 : vector<16xf32>
      %mul3A_785 = arith.mulf %mul3A_776, %sub3A_784 : vector<16xf32>
      %mul3A_786 = arith.constant 5.000000e-01 : f32
      %mul3A_787 = vector.broadcast %mul3A_786 : f32 to vector<16xf32>
      %mul3A_788 = arith.mulf %mul3A_787, %max3A_762 : vector<16xf32>
      %mul3A_789 = arith.mulf %mul3A_788, %mul3A_785 : vector<16xf32>
      %mul3A_790 = arith.mulf %mul3A_789, %mul3A_785 : vector<16xf32>
      %sub3A_791 = arith.constant 1.500000e+00 : f32
      %sub3A_792 = vector.broadcast %sub3A_791 : f32 to vector<16xf32>
      %sub3A_793 = arith.subf %sub3A_792, %mul3A_790 : vector<16xf32>
      %mul3A_794 = arith.mulf %mul3A_785, %sub3A_793 : vector<16xf32>
      %add3A_795 = arith.addi %mul3A_11, %mul3A_752 : i32
      %get3A_796 = arith.index_cast %add3A_795 : i32 to index
      %get3A_797 = tpu.vector_load %arg6[%get3A_796] {strides = array<i32>} : memref<8192xi32, #tpu.memory_space<vmem>>, vector<16xi32>,
      %gather3A = tpu.vector_load_idx %arg10[%get3A_797] : memref<512xf32, #tpu.memory_space<vmem>>[vector<16xi32>], vector<16xf32>,
      %mul3A_798 = arith.mulf %gather3A, %mul3A_794 : vector<16xf32>
      %swap3A_799 = arith.index_cast %mul3A_752 : i32 to index
      %swap3A_800 = tpu.vector_load %arg12[%swap3A_799] {strides = array<i32>} : memref<512xf32, #tpu.memory_space<vmem>>, vector<16xf32>,
      tpu.vector_store %arg12[%swap3A_799], %mul3A_798 {strides = array<i32>} : memref<512xf32, #tpu.memory_space<vmem>>, vector<16xf32>,
      %scan3A_801 = arith.constant 0 : i32
      scf.yield %scan3A_801 : i32
    }
    %scan3A_39 = arith.constant 32 : i32
    %scan3A_40 = arith.constant 0 : i32
    %scan3A_41 = arith.constant 32 : i32
    %scan3A_42 = arith.addi %scan3A_40, %scan3A_41 : i32
    %scan3A_43 = arith.constant 1 : i32
    %scan3A_44:8 = scf.for %scan3A_749 = %scan3A_40 to %scan3A_42 step %scan3A_43 iter_args(%scan3A_750 = %broadcast_in_dim3A_1, %scan3A_751 = %broadcast_in_dim3A_1, %scan3A_752 = %broadcast_in_dim3A_1, %scan3A_753 = %broadcast_in_dim3A_1, %scan3A_754 = %broadcast_in_dim3A_1, %scan3A_755 = %broadcast_in_dim3A_1, %scan3A_756 = %broadcast_in_dim3A_1, %scan3A_757 = %broadcast_in_dim3A_1) -> (vector<16xf32>, vector<16xf32>, vector<16xf32>, vector<16xf32>, vector<16xf32>, vector<16xf32>, vector<16xf32>, vector<16xf32>)  : i32 {
      %mul3A_758 = arith.constant 16 : i32
      %mul3A_759 = arith.muli %scan3A_749, %mul3A_758 : i32
      %get3A_760 = arith.index_cast %mul3A_759 : i32 to index
      %get3A_761 = tpu.vector_load %arg12[%get3A_760] {strides = array<i32>} : memref<512xf32, #tpu.memory_space<vmem>>, vector<16xf32>,
      %slice3A = vector.extract_strided_slice %get3A_761 {offsets = [0], sizes = [1], strides = [1]} : vector<16xf32> to vector<1xf32>
      %squeeze3A = vector.extract %slice3A[0] : f32 from vector<1xf32>
      %broadcast_in_dim3A_762 = vector.broadcast %squeeze3A : f32 to vector<16xf32>
      %add3A_763 = arith.constant 0 : i32
      %add3A_764 = arith.addi %mul3A_759, %add3A_763 : i32
      %get3A_765 = arith.index_cast %add3A_764 : i32 to index
      %get3A_766 = arith.constant 0 : index
      %get3A_767 = tpu.vector_load %arg11[%get3A_765, %get3A_766] {strides = array<i32>} : memref<512x128xf32, #tpu.memory_space<vmem>>, vector<16xf32>,
      %mul3A_768 = arith.mulf %broadcast_in_dim3A_762, %get3A_767 : vector<16xf32>
      %add3A_769 = arith.addf %scan3A_750, %mul3A_768 : vector<16xf32>
      %add3A_770 = arith.constant 0 : i32
      %add3A_771 = arith.addi %mul3A_759, %add3A_770 : i32
      %get3A_772 = arith.index_cast %add3A_771 : i32 to index
      %get3A_773 = arith.constant 16 : index
      %get3A_774 = tpu.vector_load %arg11[%get3A_772, %get3A_773] {strides = array<i32>} : memref<512x128xf32, #tpu.memory_space<vmem>>, vector<16xf32>,
      %mul3A_775 = arith.mulf %broadcast_in_dim3A_762, %get3A_774 : vector<16xf32>
      %add3A_776 = arith.addf %scan3A_751, %mul3A_775 : vector<16xf32>
      %add3A_777 = arith.constant 0 : i32
      %add3A_778 = arith.addi %mul3A_759, %add3A_777 : i32
      %get3A_779 = arith.index_cast %add3A_778 : i32 to index
      %get3A_780 = arith.constant 32 : index
      %get3A_781 = tpu.vector_load %arg11[%get3A_779, %get3A_780] {strides = array<i32>} : memref<512x128xf32, #tpu.memory_space<vmem>>, vector<16xf32>,
      %mul3A_782 = arith.mulf %broadcast_in_dim3A_762, %get3A_781 : vector<16xf32>
      %add3A_783 = arith.addf %scan3A_752, %mul3A_782 : vector<16xf32>
      %add3A_784 = arith.constant 0 : i32
      %add3A_785 = arith.addi %mul3A_759, %add3A_784 : i32
      %get3A_786 = arith.index_cast %add3A_785 : i32 to index
      %get3A_787 = arith.constant 48 : index
      %get3A_788 = tpu.vector_load %arg11[%get3A_786, %get3A_787] {strides = array<i32>} : memref<512x128xf32, #tpu.memory_space<vmem>>, vector<16xf32>,
      %mul3A_789 = arith.mulf %broadcast_in_dim3A_762, %get3A_788 : vector<16xf32>
      %add3A_790 = arith.addf %scan3A_753, %mul3A_789 : vector<16xf32>
      %add3A_791 = arith.constant 0 : i32
      %add3A_792 = arith.addi %mul3A_759, %add3A_791 : i32
      %get3A_793 = arith.index_cast %add3A_792 : i32 to index
      %get3A_794 = arith.constant 64 : index
      %get3A_795 = tpu.vector_load %arg11[%get3A_793, %get3A_794] {strides = array<i32>} : memref<512x128xf32, #tpu.memory_space<vmem>>, vector<16xf32>,
      %mul3A_796 = arith.mulf %broadcast_in_dim3A_762, %get3A_795 : vector<16xf32>
      %add3A_797 = arith.addf %scan3A_754, %mul3A_796 : vector<16xf32>
      %add3A_798 = arith.constant 0 : i32
      %add3A_799 = arith.addi %mul3A_759, %add3A_798 : i32
      %get3A_800 = arith.index_cast %add3A_799 : i32 to index
      %get3A_801 = arith.constant 80 : index
      %get3A_802 = tpu.vector_load %arg11[%get3A_800, %get3A_801] {strides = array<i32>} : memref<512x128xf32, #tpu.memory_space<vmem>>, vector<16xf32>,
      %mul3A_803 = arith.mulf %broadcast_in_dim3A_762, %get3A_802 : vector<16xf32>
      %add3A_804 = arith.addf %scan3A_755, %mul3A_803 : vector<16xf32>
      %add3A_805 = arith.constant 0 : i32
      %add3A_806 = arith.addi %mul3A_759, %add3A_805 : i32
      %get3A_807 = arith.index_cast %add3A_806 : i32 to index
      %get3A_808 = arith.constant 96 : index
      %get3A_809 = tpu.vector_load %arg11[%get3A_807, %get3A_808] {strides = array<i32>} : memref<512x128xf32, #tpu.memory_space<vmem>>, vector<16xf32>,
      %mul3A_810 = arith.mulf %broadcast_in_dim3A_762, %get3A_809 : vector<16xf32>
      %add3A_811 = arith.addf %scan3A_756, %mul3A_810 : vector<16xf32>
      %add3A_812 = arith.constant 0 : i32
      %add3A_813 = arith.addi %mul3A_759, %add3A_812 : i32
      %get3A_814 = arith.index_cast %add3A_813 : i32 to index
      %get3A_815 = arith.constant 112 : index
      %get3A_816 = tpu.vector_load %arg11[%get3A_814, %get3A_815] {strides = array<i32>} : memref<512x128xf32, #tpu.memory_space<vmem>>, vector<16xf32>,
      %mul3A_817 = arith.mulf %broadcast_in_dim3A_762, %get3A_816 : vector<16xf32>
      %add3A_818 = arith.addf %scan3A_757, %mul3A_817 : vector<16xf32>
      %slice3A_819 = vector.extract_strided_slice %get3A_761 {offsets = [1], sizes = [1], strides = [1]} : vector<16xf32> to vector<1xf32>
      %squeeze3A_820 = vector.extract %slice3A_819[0] : f32 from vector<1xf32>
      %broadcast_in_dim3A_821 = vector.broadcast %squeeze3A_820 : f32 to vector<16xf32>
      %add3A_822 = arith.constant 1 : i32
      %add3A_823 = arith.addi %mul3A_759, %add3A_822 : i32
      %get3A_824 = arith.index_cast %add3A_823 : i32 to index
      %get3A_825 = arith.constant 0 : index
      %get3A_826 = tpu.vector_load %arg11[%get3A_824, %get3A_825] {strides = array<i32>} : memref<512x128xf32, #tpu.memory_space<vmem>>, vector<16xf32>,
      %mul3A_827 = arith.mulf %broadcast_in_dim3A_821, %get3A_826 : vector<16xf32>
      %add3A_828 = arith.addf %add3A_769, %mul3A_827 : vector<16xf32>
      %add3A_829 = arith.constant 1 : i32
      %add3A_830 = arith.addi %mul3A_759, %add3A_829 : i32
      %get3A_831 = arith.index_cast %add3A_830 : i32 to index
      %get3A_832 = arith.constant 16 : index
      %get3A_833 = tpu.vector_load %arg11[%get3A_831, %get3A_832] {strides = array<i32>} : memref<512x128xf32, #tpu.memory_space<vmem>>, vector<16xf32>,
      %mul3A_834 = arith.mulf %broadcast_in_dim3A_821, %get3A_833 : vector<16xf32>
      %add3A_835 = arith.addf %add3A_776, %mul3A_834 : vector<16xf32>
      %add3A_836 = arith.constant 1 : i32
      %add3A_837 = arith.addi %mul3A_759, %add3A_836 : i32
      %get3A_838 = arith.index_cast %add3A_837 : i32 to index
      %get3A_839 = arith.constant 32 : index
      %get3A_840 = tpu.vector_load %arg11[%get3A_838, %get3A_839] {strides = array<i32>} : memref<512x128xf32, #tpu.memory_space<vmem>>, vector<16xf32>,
      %mul3A_841 = arith.mulf %broadcast_in_dim3A_821, %get3A_840 : vector<16xf32>
      %add3A_842 = arith.addf %add3A_783, %mul3A_841 : vector<16xf32>
      %add3A_843 = arith.constant 1 : i32
      %add3A_844 = arith.addi %mul3A_759, %add3A_843 : i32
      %get3A_845 = arith.index_cast %add3A_844 : i32 to index
      %get3A_846 = arith.constant 48 : index
      %get3A_847 = tpu.vector_load %arg11[%get3A_845, %get3A_846] {strides = array<i32>} : memref<512x128xf32, #tpu.memory_space<vmem>>, vector<16xf32>,
      %mul3A_848 = arith.mulf %broadcast_in_dim3A_821, %get3A_847 : vector<16xf32>
      %add3A_849 = arith.addf %add3A_790, %mul3A_848 : vector<16xf32>
      %add3A_850 = arith.constant 1 : i32
      %add3A_851 = arith.addi %mul3A_759, %add3A_850 : i32
      %get3A_852 = arith.index_cast %add3A_851 : i32 to index
      %get3A_853 = arith.constant 64 : index
      %get3A_854 = tpu.vector_load %arg11[%get3A_852, %get3A_853] {strides = array<i32>} : memref<512x128xf32, #tpu.memory_space<vmem>>, vector<16xf32>,
      %mul3A_855 = arith.mulf %broadcast_in_dim3A_821, %get3A_854 : vector<16xf32>
      %add3A_856 = arith.addf %add3A_797, %mul3A_855 : vector<16xf32>
      %add3A_857 = arith.constant 1 : i32
      %add3A_858 = arith.addi %mul3A_759, %add3A_857 : i32
      %get3A_859 = arith.index_cast %add3A_858 : i32 to index
      %get3A_860 = arith.constant 80 : index
      %get3A_861 = tpu.vector_load %arg11[%get3A_859, %get3A_860] {strides = array<i32>} : memref<512x128xf32, #tpu.memory_space<vmem>>, vector<16xf32>,
      %mul3A_862 = arith.mulf %broadcast_in_dim3A_821, %get3A_861 : vector<16xf32>
      %add3A_863 = arith.addf %add3A_804, %mul3A_862 : vector<16xf32>
      %add3A_864 = arith.constant 1 : i32
      %add3A_865 = arith.addi %mul3A_759, %add3A_864 : i32
      %get3A_866 = arith.index_cast %add3A_865 : i32 to index
      %get3A_867 = arith.constant 96 : index
      %get3A_868 = tpu.vector_load %arg11[%get3A_866, %get3A_867] {strides = array<i32>} : memref<512x128xf32, #tpu.memory_space<vmem>>, vector<16xf32>,
      %mul3A_869 = arith.mulf %broadcast_in_dim3A_821, %get3A_868 : vector<16xf32>
      %add3A_870 = arith.addf %add3A_811, %mul3A_869 : vector<16xf32>
      %add3A_871 = arith.constant 1 : i32
      %add3A_872 = arith.addi %mul3A_759, %add3A_871 : i32
      %get3A_873 = arith.index_cast %add3A_872 : i32 to index
      %get3A_874 = arith.constant 112 : index
      %get3A_875 = tpu.vector_load %arg11[%get3A_873, %get3A_874] {strides = array<i32>} : memref<512x128xf32, #tpu.memory_space<vmem>>, vector<16xf32>,
      %mul3A_876 = arith.mulf %broadcast_in_dim3A_821, %get3A_875 : vector<16xf32>
      %add3A_877 = arith.addf %add3A_818, %mul3A_876 : vector<16xf32>
      %slice3A_878 = vector.extract_strided_slice %get3A_761 {offsets = [2], sizes = [1], strides = [1]} : vector<16xf32> to vector<1xf32>
      %squeeze3A_879 = vector.extract %slice3A_878[0] : f32 from vector<1xf32>
      %broadcast_in_dim3A_880 = vector.broadcast %squeeze3A_879 : f32 to vector<16xf32>
      %add3A_881 = arith.constant 2 : i32
      %add3A_882 = arith.addi %mul3A_759, %add3A_881 : i32
      %get3A_883 = arith.index_cast %add3A_882 : i32 to index
      %get3A_884 = arith.constant 0 : index
      %get3A_885 = tpu.vector_load %arg11[%get3A_883, %get3A_884] {strides = array<i32>} : memref<512x128xf32, #tpu.memory_space<vmem>>, vector<16xf32>,
      %mul3A_886 = arith.mulf %broadcast_in_dim3A_880, %get3A_885 : vector<16xf32>
      %add3A_887 = arith.addf %add3A_828, %mul3A_886 : vector<16xf32>
      %add3A_888 = arith.constant 2 : i32
      %add3A_889 = arith.addi %mul3A_759, %add3A_888 : i32
      %get3A_890 = arith.index_cast %add3A_889 : i32 to index
      %get3A_891 = arith.constant 16 : index
      %get3A_892 = tpu.vector_load %arg11[%get3A_890, %get3A_891] {strides = array<i32>} : memref<512x128xf32, #tpu.memory_space<vmem>>, vector<16xf32>,
      %mul3A_893 = arith.mulf %broadcast_in_dim3A_880, %get3A_892 : vector<16xf32>
      %add3A_894 = arith.addf %add3A_835, %mul3A_893 : vector<16xf32>
      %add3A_895 = arith.constant 2 : i32
      %add3A_896 = arith.addi %mul3A_759, %add3A_895 : i32
      %get3A_897 = arith.index_cast %add3A_896 : i32 to index
      %get3A_898 = arith.constant 32 : index
      %get3A_899 = tpu.vector_load %arg11[%get3A_897, %get3A_898] {strides = array<i32>} : memref<512x128xf32, #tpu.memory_space<vmem>>, vector<16xf32>,
      %mul3A_900 = arith.mulf %broadcast_in_dim3A_880, %get3A_899 : vector<16xf32>
      %add3A_901 = arith.addf %add3A_842, %mul3A_900 : vector<16xf32>
      %add3A_902 = arith.constant 2 : i32
      %add3A_903 = arith.addi %mul3A_759, %add3A_902 : i32
      %get3A_904 = arith.index_cast %add3A_903 : i32 to index
      %get3A_905 = arith.constant 48 : index
      %get3A_906 = tpu.vector_load %arg11[%get3A_904, %get3A_905] {strides = array<i32>} : memref<512x128xf32, #tpu.memory_space<vmem>>, vector<16xf32>,
      %mul3A_907 = arith.mulf %broadcast_in_dim3A_880, %get3A_906 : vector<16xf32>
      %add3A_908 = arith.addf %add3A_849, %mul3A_907 : vector<16xf32>
      %add3A_909 = arith.constant 2 : i32
      %add3A_910 = arith.addi %mul3A_759, %add3A_909 : i32
      %get3A_911 = arith.index_cast %add3A_910 : i32 to index
      %get3A_912 = arith.constant 64 : index
      %get3A_913 = tpu.vector_load %arg11[%get3A_911, %get3A_912] {strides = array<i32>} : memref<512x128xf32, #tpu.memory_space<vmem>>, vector<16xf32>,
      %mul3A_914 = arith.mulf %broadcast_in_dim3A_880, %get3A_913 : vector<16xf32>
      %add3A_915 = arith.addf %add3A_856, %mul3A_914 : vector<16xf32>
      %add3A_916 = arith.constant 2 : i32
      %add3A_917 = arith.addi %mul3A_759, %add3A_916 : i32
      %get3A_918 = arith.index_cast %add3A_917 : i32 to index
      %get3A_919 = arith.constant 80 : index
      %get3A_920 = tpu.vector_load %arg11[%get3A_918, %get3A_919] {strides = array<i32>} : memref<512x128xf32, #tpu.memory_space<vmem>>, vector<16xf32>,
      %mul3A_921 = arith.mulf %broadcast_in_dim3A_880, %get3A_920 : vector<16xf32>
      %add3A_922 = arith.addf %add3A_863, %mul3A_921 : vector<16xf32>
      %add3A_923 = arith.constant 2 : i32
      %add3A_924 = arith.addi %mul3A_759, %add3A_923 : i32
      %get3A_925 = arith.index_cast %add3A_924 : i32 to index
      %get3A_926 = arith.constant 96 : index
      %get3A_927 = tpu.vector_load %arg11[%get3A_925, %get3A_926] {strides = array<i32>} : memref<512x128xf32, #tpu.memory_space<vmem>>, vector<16xf32>,
      %mul3A_928 = arith.mulf %broadcast_in_dim3A_880, %get3A_927 : vector<16xf32>
      %add3A_929 = arith.addf %add3A_870, %mul3A_928 : vector<16xf32>
      %add3A_930 = arith.constant 2 : i32
      %add3A_931 = arith.addi %mul3A_759, %add3A_930 : i32
      %get3A_932 = arith.index_cast %add3A_931 : i32 to index
      %get3A_933 = arith.constant 112 : index
      %get3A_934 = tpu.vector_load %arg11[%get3A_932, %get3A_933] {strides = array<i32>} : memref<512x128xf32, #tpu.memory_space<vmem>>, vector<16xf32>,
      %mul3A_935 = arith.mulf %broadcast_in_dim3A_880, %get3A_934 : vector<16xf32>
      %add3A_936 = arith.addf %add3A_877, %mul3A_935 : vector<16xf32>
      %slice3A_937 = vector.extract_strided_slice %get3A_761 {offsets = [3], sizes = [1], strides = [1]} : vector<16xf32> to vector<1xf32>
      %squeeze3A_938 = vector.extract %slice3A_937[0] : f32 from vector<1xf32>
      %broadcast_in_dim3A_939 = vector.broadcast %squeeze3A_938 : f32 to vector<16xf32>
      %add3A_940 = arith.constant 3 : i32
      %add3A_941 = arith.addi %mul3A_759, %add3A_940 : i32
      %get3A_942 = arith.index_cast %add3A_941 : i32 to index
      %get3A_943 = arith.constant 0 : index
      %get3A_944 = tpu.vector_load %arg11[%get3A_942, %get3A_943] {strides = array<i32>} : memref<512x128xf32, #tpu.memory_space<vmem>>, vector<16xf32>,
      %mul3A_945 = arith.mulf %broadcast_in_dim3A_939, %get3A_944 : vector<16xf32>
      %add3A_946 = arith.addf %add3A_887, %mul3A_945 : vector<16xf32>
      %add3A_947 = arith.constant 3 : i32
      %add3A_948 = arith.addi %mul3A_759, %add3A_947 : i32
      %get3A_949 = arith.index_cast %add3A_948 : i32 to index
      %get3A_950 = arith.constant 16 : index
      %get3A_951 = tpu.vector_load %arg11[%get3A_949, %get3A_950] {strides = array<i32>} : memref<512x128xf32, #tpu.memory_space<vmem>>, vector<16xf32>,
      %mul3A_952 = arith.mulf %broadcast_in_dim3A_939, %get3A_951 : vector<16xf32>
      %add3A_953 = arith.addf %add3A_894, %mul3A_952 : vector<16xf32>
      %add3A_954 = arith.constant 3 : i32
      %add3A_955 = arith.addi %mul3A_759, %add3A_954 : i32
      %get3A_956 = arith.index_cast %add3A_955 : i32 to index
      %get3A_957 = arith.constant 32 : index
      %get3A_958 = tpu.vector_load %arg11[%get3A_956, %get3A_957] {strides = array<i32>} : memref<512x128xf32, #tpu.memory_space<vmem>>, vector<16xf32>,
      %mul3A_959 = arith.mulf %broadcast_in_dim3A_939, %get3A_958 : vector<16xf32>
      %add3A_960 = arith.addf %add3A_901, %mul3A_959 : vector<16xf32>
      %add3A_961 = arith.constant 3 : i32
      %add3A_962 = arith.addi %mul3A_759, %add3A_961 : i32
      %get3A_963 = arith.index_cast %add3A_962 : i32 to index
      %get3A_964 = arith.constant 48 : index
      %get3A_965 = tpu.vector_load %arg11[%get3A_963, %get3A_964] {strides = array<i32>} : memref<512x128xf32, #tpu.memory_space<vmem>>, vector<16xf32>,
      %mul3A_966 = arith.mulf %broadcast_in_dim3A_939, %get3A_965 : vector<16xf32>
      %add3A_967 = arith.addf %add3A_908, %mul3A_966 : vector<16xf32>
      %add3A_968 = arith.constant 3 : i32
      %add3A_969 = arith.addi %mul3A_759, %add3A_968 : i32
      %get3A_970 = arith.index_cast %add3A_969 : i32 to index
      %get3A_971 = arith.constant 64 : index
      %get3A_972 = tpu.vector_load %arg11[%get3A_970, %get3A_971] {strides = array<i32>} : memref<512x128xf32, #tpu.memory_space<vmem>>, vector<16xf32>,
      %mul3A_973 = arith.mulf %broadcast_in_dim3A_939, %get3A_972 : vector<16xf32>
      %add3A_974 = arith.addf %add3A_915, %mul3A_973 : vector<16xf32>
      %add3A_975 = arith.constant 3 : i32
      %add3A_976 = arith.addi %mul3A_759, %add3A_975 : i32
      %get3A_977 = arith.index_cast %add3A_976 : i32 to index
      %get3A_978 = arith.constant 80 : index
      %get3A_979 = tpu.vector_load %arg11[%get3A_977, %get3A_978] {strides = array<i32>} : memref<512x128xf32, #tpu.memory_space<vmem>>, vector<16xf32>,
      %mul3A_980 = arith.mulf %broadcast_in_dim3A_939, %get3A_979 : vector<16xf32>
      %add3A_981 = arith.addf %add3A_922, %mul3A_980 : vector<16xf32>
      %add3A_982 = arith.constant 3 : i32
      %add3A_983 = arith.addi %mul3A_759, %add3A_982 : i32
      %get3A_984 = arith.index_cast %add3A_983 : i32 to index
      %get3A_985 = arith.constant 96 : index
      %get3A_986 = tpu.vector_load %arg11[%get3A_984, %get3A_985] {strides = array<i32>} : memref<512x128xf32, #tpu.memory_space<vmem>>, vector<16xf32>,
      %mul3A_987 = arith.mulf %broadcast_in_dim3A_939, %get3A_986 : vector<16xf32>
      %add3A_988 = arith.addf %add3A_929, %mul3A_987 : vector<16xf32>
      %add3A_989 = arith.constant 3 : i32
      %add3A_990 = arith.addi %mul3A_759, %add3A_989 : i32
      %get3A_991 = arith.index_cast %add3A_990 : i32 to index
      %get3A_992 = arith.constant 112 : index
      %get3A_993 = tpu.vector_load %arg11[%get3A_991, %get3A_992] {strides = array<i32>} : memref<512x128xf32, #tpu.memory_space<vmem>>, vector<16xf32>,
      %mul3A_994 = arith.mulf %broadcast_in_dim3A_939, %get3A_993 : vector<16xf32>
      %add3A_995 = arith.addf %add3A_936, %mul3A_994 : vector<16xf32>
      %slice3A_996 = vector.extract_strided_slice %get3A_761 {offsets = [4], sizes = [1], strides = [1]} : vector<16xf32> to vector<1xf32>
      %squeeze3A_997 = vector.extract %slice3A_996[0] : f32 from vector<1xf32>
      %broadcast_in_dim3A_998 = vector.broadcast %squeeze3A_997 : f32 to vector<16xf32>
      %add3A_999 = arith.constant 4 : i32
      %add3A_1000 = arith.addi %mul3A_759, %add3A_999 : i32
      %get3A_1001 = arith.index_cast %add3A_1000 : i32 to index
      %get3A_1002 = arith.constant 0 : index
      %get3A_1003 = tpu.vector_load %arg11[%get3A_1001, %get3A_1002] {strides = array<i32>} : memref<512x128xf32, #tpu.memory_space<vmem>>, vector<16xf32>,
      %mul3A_1004 = arith.mulf %broadcast_in_dim3A_998, %get3A_1003 : vector<16xf32>
      %add3A_1005 = arith.addf %add3A_946, %mul3A_1004 : vector<16xf32>
      %add3A_1006 = arith.constant 4 : i32
      %add3A_1007 = arith.addi %mul3A_759, %add3A_1006 : i32
      %get3A_1008 = arith.index_cast %add3A_1007 : i32 to index
      %get3A_1009 = arith.constant 16 : index
      %get3A_1010 = tpu.vector_load %arg11[%get3A_1008, %get3A_1009] {strides = array<i32>} : memref<512x128xf32, #tpu.memory_space<vmem>>, vector<16xf32>,
      %mul3A_1011 = arith.mulf %broadcast_in_dim3A_998, %get3A_1010 : vector<16xf32>
      %add3A_1012 = arith.addf %add3A_953, %mul3A_1011 : vector<16xf32>
      %add3A_1013 = arith.constant 4 : i32
      %add3A_1014 = arith.addi %mul3A_759, %add3A_1013 : i32
      %get3A_1015 = arith.index_cast %add3A_1014 : i32 to index
      %get3A_1016 = arith.constant 32 : index
      %get3A_1017 = tpu.vector_load %arg11[%get3A_1015, %get3A_1016] {strides = array<i32>} : memref<512x128xf32, #tpu.memory_space<vmem>>, vector<16xf32>,
      %mul3A_1018 = arith.mulf %broadcast_in_dim3A_998, %get3A_1017 : vector<16xf32>
      %add3A_1019 = arith.addf %add3A_960, %mul3A_1018 : vector<16xf32>
      %add3A_1020 = arith.constant 4 : i32
      %add3A_1021 = arith.addi %mul3A_759, %add3A_1020 : i32
      %get3A_1022 = arith.index_cast %add3A_1021 : i32 to index
      %get3A_1023 = arith.constant 48 : index
      %get3A_1024 = tpu.vector_load %arg11[%get3A_1022, %get3A_1023] {strides = array<i32>} : memref<512x128xf32, #tpu.memory_space<vmem>>, vector<16xf32>,
      %mul3A_1025 = arith.mulf %broadcast_in_dim3A_998, %get3A_1024 : vector<16xf32>
      %add3A_1026 = arith.addf %add3A_967, %mul3A_1025 : vector<16xf32>
      %add3A_1027 = arith.constant 4 : i32
      %add3A_1028 = arith.addi %mul3A_759, %add3A_1027 : i32
      %get3A_1029 = arith.index_cast %add3A_1028 : i32 to index
      %get3A_1030 = arith.constant 64 : index
      %get3A_1031 = tpu.vector_load %arg11[%get3A_1029, %get3A_1030] {strides = array<i32>} : memref<512x128xf32, #tpu.memory_space<vmem>>, vector<16xf32>,
      %mul3A_1032 = arith.mulf %broadcast_in_dim3A_998, %get3A_1031 : vector<16xf32>
      %add3A_1033 = arith.addf %add3A_974, %mul3A_1032 : vector<16xf32>
      %add3A_1034 = arith.constant 4 : i32
      %add3A_1035 = arith.addi %mul3A_759, %add3A_1034 : i32
      %get3A_1036 = arith.index_cast %add3A_1035 : i32 to index
      %get3A_1037 = arith.constant 80 : index
      %get3A_1038 = tpu.vector_load %arg11[%get3A_1036, %get3A_1037] {strides = array<i32>} : memref<512x128xf32, #tpu.memory_space<vmem>>, vector<16xf32>,
      %mul3A_1039 = arith.mulf %broadcast_in_dim3A_998, %get3A_1038 : vector<16xf32>
      %add3A_1040 = arith.addf %add3A_981, %mul3A_1039 : vector<16xf32>
      %add3A_1041 = arith.constant 4 : i32
      %add3A_1042 = arith.addi %mul3A_759, %add3A_1041 : i32
      %get3A_1043 = arith.index_cast %add3A_1042 : i32 to index
      %get3A_1044 = arith.constant 96 : index
      %get3A_1045 = tpu.vector_load %arg11[%get3A_1043, %get3A_1044] {strides = array<i32>} : memref<512x128xf32, #tpu.memory_space<vmem>>, vector<16xf32>,
      %mul3A_1046 = arith.mulf %broadcast_in_dim3A_998, %get3A_1045 : vector<16xf32>
      %add3A_1047 = arith.addf %add3A_988, %mul3A_1046 : vector<16xf32>
      %add3A_1048 = arith.constant 4 : i32
      %add3A_1049 = arith.addi %mul3A_759, %add3A_1048 : i32
      %get3A_1050 = arith.index_cast %add3A_1049 : i32 to index
      %get3A_1051 = arith.constant 112 : index
      %get3A_1052 = tpu.vector_load %arg11[%get3A_1050, %get3A_1051] {strides = array<i32>} : memref<512x128xf32, #tpu.memory_space<vmem>>, vector<16xf32>,
      %mul3A_1053 = arith.mulf %broadcast_in_dim3A_998, %get3A_1052 : vector<16xf32>
      %add3A_1054 = arith.addf %add3A_995, %mul3A_1053 : vector<16xf32>
      %slice3A_1055 = vector.extract_strided_slice %get3A_761 {offsets = [5], sizes = [1], strides = [1]} : vector<16xf32> to vector<1xf32>
      %squeeze3A_1056 = vector.extract %slice3A_1055[0] : f32 from vector<1xf32>
      %broadcast_in_dim3A_1057 = vector.broadcast %squeeze3A_1056 : f32 to vector<16xf32>
      %add3A_1058 = arith.constant 5 : i32
      %add3A_1059 = arith.addi %mul3A_759, %add3A_1058 : i32
      %get3A_1060 = arith.index_cast %add3A_1059 : i32 to index
      %get3A_1061 = arith.constant 0 : index
      %get3A_1062 = tpu.vector_load %arg11[%get3A_1060, %get3A_1061] {strides = array<i32>} : memref<512x128xf32, #tpu.memory_space<vmem>>, vector<16xf32>,
      %mul3A_1063 = arith.mulf %broadcast_in_dim3A_1057, %get3A_1062 : vector<16xf32>
      %add3A_1064 = arith.addf %add3A_1005, %mul3A_1063 : vector<16xf32>
      %add3A_1065 = arith.constant 5 : i32
      %add3A_1066 = arith.addi %mul3A_759, %add3A_1065 : i32
      %get3A_1067 = arith.index_cast %add3A_1066 : i32 to index
      %get3A_1068 = arith.constant 16 : index
      %get3A_1069 = tpu.vector_load %arg11[%get3A_1067, %get3A_1068] {strides = array<i32>} : memref<512x128xf32, #tpu.memory_space<vmem>>, vector<16xf32>,
      %mul3A_1070 = arith.mulf %broadcast_in_dim3A_1057, %get3A_1069 : vector<16xf32>
      %add3A_1071 = arith.addf %add3A_1012, %mul3A_1070 : vector<16xf32>
      %add3A_1072 = arith.constant 5 : i32
      %add3A_1073 = arith.addi %mul3A_759, %add3A_1072 : i32
      %get3A_1074 = arith.index_cast %add3A_1073 : i32 to index
      %get3A_1075 = arith.constant 32 : index
      %get3A_1076 = tpu.vector_load %arg11[%get3A_1074, %get3A_1075] {strides = array<i32>} : memref<512x128xf32, #tpu.memory_space<vmem>>, vector<16xf32>,
      %mul3A_1077 = arith.mulf %broadcast_in_dim3A_1057, %get3A_1076 : vector<16xf32>
      %add3A_1078 = arith.addf %add3A_1019, %mul3A_1077 : vector<16xf32>
      %add3A_1079 = arith.constant 5 : i32
      %add3A_1080 = arith.addi %mul3A_759, %add3A_1079 : i32
      %get3A_1081 = arith.index_cast %add3A_1080 : i32 to index
      %get3A_1082 = arith.constant 48 : index
      %get3A_1083 = tpu.vector_load %arg11[%get3A_1081, %get3A_1082] {strides = array<i32>} : memref<512x128xf32, #tpu.memory_space<vmem>>, vector<16xf32>,
      %mul3A_1084 = arith.mulf %broadcast_in_dim3A_1057, %get3A_1083 : vector<16xf32>
      %add3A_1085 = arith.addf %add3A_1026, %mul3A_1084 : vector<16xf32>
      %add3A_1086 = arith.constant 5 : i32
      %add3A_1087 = arith.addi %mul3A_759, %add3A_1086 : i32
      %get3A_1088 = arith.index_cast %add3A_1087 : i32 to index
      %get3A_1089 = arith.constant 64 : index
      %get3A_1090 = tpu.vector_load %arg11[%get3A_1088, %get3A_1089] {strides = array<i32>} : memref<512x128xf32, #tpu.memory_space<vmem>>, vector<16xf32>,
      %mul3A_1091 = arith.mulf %broadcast_in_dim3A_1057, %get3A_1090 : vector<16xf32>
      %add3A_1092 = arith.addf %add3A_1033, %mul3A_1091 : vector<16xf32>
      %add3A_1093 = arith.constant 5 : i32
      %add3A_1094 = arith.addi %mul3A_759, %add3A_1093 : i32
      %get3A_1095 = arith.index_cast %add3A_1094 : i32 to index
      %get3A_1096 = arith.constant 80 : index
      %get3A_1097 = tpu.vector_load %arg11[%get3A_1095, %get3A_1096] {strides = array<i32>} : memref<512x128xf32, #tpu.memory_space<vmem>>, vector<16xf32>,
      %mul3A_1098 = arith.mulf %broadcast_in_dim3A_1057, %get3A_1097 : vector<16xf32>
      %add3A_1099 = arith.addf %add3A_1040, %mul3A_1098 : vector<16xf32>
      %add3A_1100 = arith.constant 5 : i32
      %add3A_1101 = arith.addi %mul3A_759, %add3A_1100 : i32
      %get3A_1102 = arith.index_cast %add3A_1101 : i32 to index
      %get3A_1103 = arith.constant 96 : index
      %get3A_1104 = tpu.vector_load %arg11[%get3A_1102, %get3A_1103] {strides = array<i32>} : memref<512x128xf32, #tpu.memory_space<vmem>>, vector<16xf32>,
      %mul3A_1105 = arith.mulf %broadcast_in_dim3A_1057, %get3A_1104 : vector<16xf32>
      %add3A_1106 = arith.addf %add3A_1047, %mul3A_1105 : vector<16xf32>
      %add3A_1107 = arith.constant 5 : i32
      %add3A_1108 = arith.addi %mul3A_759, %add3A_1107 : i32
      %get3A_1109 = arith.index_cast %add3A_1108 : i32 to index
      %get3A_1110 = arith.constant 112 : index
      %get3A_1111 = tpu.vector_load %arg11[%get3A_1109, %get3A_1110] {strides = array<i32>} : memref<512x128xf32, #tpu.memory_space<vmem>>, vector<16xf32>,
      %mul3A_1112 = arith.mulf %broadcast_in_dim3A_1057, %get3A_1111 : vector<16xf32>
      %add3A_1113 = arith.addf %add3A_1054, %mul3A_1112 : vector<16xf32>
      %slice3A_1114 = vector.extract_strided_slice %get3A_761 {offsets = [6], sizes = [1], strides = [1]} : vector<16xf32> to vector<1xf32>
      %squeeze3A_1115 = vector.extract %slice3A_1114[0] : f32 from vector<1xf32>
      %broadcast_in_dim3A_1116 = vector.broadcast %squeeze3A_1115 : f32 to vector<16xf32>
      %add3A_1117 = arith.constant 6 : i32
      %add3A_1118 = arith.addi %mul3A_759, %add3A_1117 : i32
      %get3A_1119 = arith.index_cast %add3A_1118 : i32 to index
      %get3A_1120 = arith.constant 0 : index
      %get3A_1121 = tpu.vector_load %arg11[%get3A_1119, %get3A_1120] {strides = array<i32>} : memref<512x128xf32, #tpu.memory_space<vmem>>, vector<16xf32>,
      %mul3A_1122 = arith.mulf %broadcast_in_dim3A_1116, %get3A_1121 : vector<16xf32>
      %add3A_1123 = arith.addf %add3A_1064, %mul3A_1122 : vector<16xf32>
      %add3A_1124 = arith.constant 6 : i32
      %add3A_1125 = arith.addi %mul3A_759, %add3A_1124 : i32
      %get3A_1126 = arith.index_cast %add3A_1125 : i32 to index
      %get3A_1127 = arith.constant 16 : index
      %get3A_1128 = tpu.vector_load %arg11[%get3A_1126, %get3A_1127] {strides = array<i32>} : memref<512x128xf32, #tpu.memory_space<vmem>>, vector<16xf32>,
      %mul3A_1129 = arith.mulf %broadcast_in_dim3A_1116, %get3A_1128 : vector<16xf32>
      %add3A_1130 = arith.addf %add3A_1071, %mul3A_1129 : vector<16xf32>
      %add3A_1131 = arith.constant 6 : i32
      %add3A_1132 = arith.addi %mul3A_759, %add3A_1131 : i32
      %get3A_1133 = arith.index_cast %add3A_1132 : i32 to index
      %get3A_1134 = arith.constant 32 : index
      %get3A_1135 = tpu.vector_load %arg11[%get3A_1133, %get3A_1134] {strides = array<i32>} : memref<512x128xf32, #tpu.memory_space<vmem>>, vector<16xf32>,
      %mul3A_1136 = arith.mulf %broadcast_in_dim3A_1116, %get3A_1135 : vector<16xf32>
      %add3A_1137 = arith.addf %add3A_1078, %mul3A_1136 : vector<16xf32>
      %add3A_1138 = arith.constant 6 : i32
      %add3A_1139 = arith.addi %mul3A_759, %add3A_1138 : i32
      %get3A_1140 = arith.index_cast %add3A_1139 : i32 to index
      %get3A_1141 = arith.constant 48 : index
      %get3A_1142 = tpu.vector_load %arg11[%get3A_1140, %get3A_1141] {strides = array<i32>} : memref<512x128xf32, #tpu.memory_space<vmem>>, vector<16xf32>,
      %mul3A_1143 = arith.mulf %broadcast_in_dim3A_1116, %get3A_1142 : vector<16xf32>
      %add3A_1144 = arith.addf %add3A_1085, %mul3A_1143 : vector<16xf32>
      %add3A_1145 = arith.constant 6 : i32
      %add3A_1146 = arith.addi %mul3A_759, %add3A_1145 : i32
      %get3A_1147 = arith.index_cast %add3A_1146 : i32 to index
      %get3A_1148 = arith.constant 64 : index
      %get3A_1149 = tpu.vector_load %arg11[%get3A_1147, %get3A_1148] {strides = array<i32>} : memref<512x128xf32, #tpu.memory_space<vmem>>, vector<16xf32>,
      %mul3A_1150 = arith.mulf %broadcast_in_dim3A_1116, %get3A_1149 : vector<16xf32>
      %add3A_1151 = arith.addf %add3A_1092, %mul3A_1150 : vector<16xf32>
      %add3A_1152 = arith.constant 6 : i32
      %add3A_1153 = arith.addi %mul3A_759, %add3A_1152 : i32
      %get3A_1154 = arith.index_cast %add3A_1153 : i32 to index
      %get3A_1155 = arith.constant 80 : index
      %get3A_1156 = tpu.vector_load %arg11[%get3A_1154, %get3A_1155] {strides = array<i32>} : memref<512x128xf32, #tpu.memory_space<vmem>>, vector<16xf32>,
      %mul3A_1157 = arith.mulf %broadcast_in_dim3A_1116, %get3A_1156 : vector<16xf32>
      %add3A_1158 = arith.addf %add3A_1099, %mul3A_1157 : vector<16xf32>
      %add3A_1159 = arith.constant 6 : i32
      %add3A_1160 = arith.addi %mul3A_759, %add3A_1159 : i32
      %get3A_1161 = arith.index_cast %add3A_1160 : i32 to index
      %get3A_1162 = arith.constant 96 : index
      %get3A_1163 = tpu.vector_load %arg11[%get3A_1161, %get3A_1162] {strides = array<i32>} : memref<512x128xf32, #tpu.memory_space<vmem>>, vector<16xf32>,
      %mul3A_1164 = arith.mulf %broadcast_in_dim3A_1116, %get3A_1163 : vector<16xf32>
      %add3A_1165 = arith.addf %add3A_1106, %mul3A_1164 : vector<16xf32>
      %add3A_1166 = arith.constant 6 : i32
      %add3A_1167 = arith.addi %mul3A_759, %add3A_1166 : i32
      %get3A_1168 = arith.index_cast %add3A_1167 : i32 to index
      %get3A_1169 = arith.constant 112 : index
      %get3A_1170 = tpu.vector_load %arg11[%get3A_1168, %get3A_1169] {strides = array<i32>} : memref<512x128xf32, #tpu.memory_space<vmem>>, vector<16xf32>,
      %mul3A_1171 = arith.mulf %broadcast_in_dim3A_1116, %get3A_1170 : vector<16xf32>
      %add3A_1172 = arith.addf %add3A_1113, %mul3A_1171 : vector<16xf32>
      %slice3A_1173 = vector.extract_strided_slice %get3A_761 {offsets = [7], sizes = [1], strides = [1]} : vector<16xf32> to vector<1xf32>
      %squeeze3A_1174 = vector.extract %slice3A_1173[0] : f32 from vector<1xf32>
      %broadcast_in_dim3A_1175 = vector.broadcast %squeeze3A_1174 : f32 to vector<16xf32>
      %add3A_1176 = arith.constant 7 : i32
      %add3A_1177 = arith.addi %mul3A_759, %add3A_1176 : i32
      %get3A_1178 = arith.index_cast %add3A_1177 : i32 to index
      %get3A_1179 = arith.constant 0 : index
      %get3A_1180 = tpu.vector_load %arg11[%get3A_1178, %get3A_1179] {strides = array<i32>} : memref<512x128xf32, #tpu.memory_space<vmem>>, vector<16xf32>,
      %mul3A_1181 = arith.mulf %broadcast_in_dim3A_1175, %get3A_1180 : vector<16xf32>
      %add3A_1182 = arith.addf %add3A_1123, %mul3A_1181 : vector<16xf32>
      %add3A_1183 = arith.constant 7 : i32
      %add3A_1184 = arith.addi %mul3A_759, %add3A_1183 : i32
      %get3A_1185 = arith.index_cast %add3A_1184 : i32 to index
      %get3A_1186 = arith.constant 16 : index
      %get3A_1187 = tpu.vector_load %arg11[%get3A_1185, %get3A_1186] {strides = array<i32>} : memref<512x128xf32, #tpu.memory_space<vmem>>, vector<16xf32>,
      %mul3A_1188 = arith.mulf %broadcast_in_dim3A_1175, %get3A_1187 : vector<16xf32>
      %add3A_1189 = arith.addf %add3A_1130, %mul3A_1188 : vector<16xf32>
      %add3A_1190 = arith.constant 7 : i32
      %add3A_1191 = arith.addi %mul3A_759, %add3A_1190 : i32
      %get3A_1192 = arith.index_cast %add3A_1191 : i32 to index
      %get3A_1193 = arith.constant 32 : index
      %get3A_1194 = tpu.vector_load %arg11[%get3A_1192, %get3A_1193] {strides = array<i32>} : memref<512x128xf32, #tpu.memory_space<vmem>>, vector<16xf32>,
      %mul3A_1195 = arith.mulf %broadcast_in_dim3A_1175, %get3A_1194 : vector<16xf32>
      %add3A_1196 = arith.addf %add3A_1137, %mul3A_1195 : vector<16xf32>
      %add3A_1197 = arith.constant 7 : i32
      %add3A_1198 = arith.addi %mul3A_759, %add3A_1197 : i32
      %get3A_1199 = arith.index_cast %add3A_1198 : i32 to index
      %get3A_1200 = arith.constant 48 : index
      %get3A_1201 = tpu.vector_load %arg11[%get3A_1199, %get3A_1200] {strides = array<i32>} : memref<512x128xf32, #tpu.memory_space<vmem>>, vector<16xf32>,
      %mul3A_1202 = arith.mulf %broadcast_in_dim3A_1175, %get3A_1201 : vector<16xf32>
      %add3A_1203 = arith.addf %add3A_1144, %mul3A_1202 : vector<16xf32>
      %add3A_1204 = arith.constant 7 : i32
      %add3A_1205 = arith.addi %mul3A_759, %add3A_1204 : i32
      %get3A_1206 = arith.index_cast %add3A_1205 : i32 to index
      %get3A_1207 = arith.constant 64 : index
      %get3A_1208 = tpu.vector_load %arg11[%get3A_1206, %get3A_1207] {strides = array<i32>} : memref<512x128xf32, #tpu.memory_space<vmem>>, vector<16xf32>,
      %mul3A_1209 = arith.mulf %broadcast_in_dim3A_1175, %get3A_1208 : vector<16xf32>
      %add3A_1210 = arith.addf %add3A_1151, %mul3A_1209 : vector<16xf32>
      %add3A_1211 = arith.constant 7 : i32
      %add3A_1212 = arith.addi %mul3A_759, %add3A_1211 : i32
      %get3A_1213 = arith.index_cast %add3A_1212 : i32 to index
      %get3A_1214 = arith.constant 80 : index
      %get3A_1215 = tpu.vector_load %arg11[%get3A_1213, %get3A_1214] {strides = array<i32>} : memref<512x128xf32, #tpu.memory_space<vmem>>, vector<16xf32>,
      %mul3A_1216 = arith.mulf %broadcast_in_dim3A_1175, %get3A_1215 : vector<16xf32>
      %add3A_1217 = arith.addf %add3A_1158, %mul3A_1216 : vector<16xf32>
      %add3A_1218 = arith.constant 7 : i32
      %add3A_1219 = arith.addi %mul3A_759, %add3A_1218 : i32
      %get3A_1220 = arith.index_cast %add3A_1219 : i32 to index
      %get3A_1221 = arith.constant 96 : index
      %get3A_1222 = tpu.vector_load %arg11[%get3A_1220, %get3A_1221] {strides = array<i32>} : memref<512x128xf32, #tpu.memory_space<vmem>>, vector<16xf32>,
      %mul3A_1223 = arith.mulf %broadcast_in_dim3A_1175, %get3A_1222 : vector<16xf32>
      %add3A_1224 = arith.addf %add3A_1165, %mul3A_1223 : vector<16xf32>
      %add3A_1225 = arith.constant 7 : i32
      %add3A_1226 = arith.addi %mul3A_759, %add3A_1225 : i32
      %get3A_1227 = arith.index_cast %add3A_1226 : i32 to index
      %get3A_1228 = arith.constant 112 : index
      %get3A_1229 = tpu.vector_load %arg11[%get3A_1227, %get3A_1228] {strides = array<i32>} : memref<512x128xf32, #tpu.memory_space<vmem>>, vector<16xf32>,
      %mul3A_1230 = arith.mulf %broadcast_in_dim3A_1175, %get3A_1229 : vector<16xf32>
      %add3A_1231 = arith.addf %add3A_1172, %mul3A_1230 : vector<16xf32>
      %slice3A_1232 = vector.extract_strided_slice %get3A_761 {offsets = [8], sizes = [1], strides = [1]} : vector<16xf32> to vector<1xf32>
      %squeeze3A_1233 = vector.extract %slice3A_1232[0] : f32 from vector<1xf32>
      %broadcast_in_dim3A_1234 = vector.broadcast %squeeze3A_1233 : f32 to vector<16xf32>
      %add3A_1235 = arith.constant 8 : i32
      %add3A_1236 = arith.addi %mul3A_759, %add3A_1235 : i32
      %get3A_1237 = arith.index_cast %add3A_1236 : i32 to index
      %get3A_1238 = arith.constant 0 : index
      %get3A_1239 = tpu.vector_load %arg11[%get3A_1237, %get3A_1238] {strides = array<i32>} : memref<512x128xf32, #tpu.memory_space<vmem>>, vector<16xf32>,
      %mul3A_1240 = arith.mulf %broadcast_in_dim3A_1234, %get3A_1239 : vector<16xf32>
      %add3A_1241 = arith.addf %add3A_1182, %mul3A_1240 : vector<16xf32>
      %add3A_1242 = arith.constant 8 : i32
      %add3A_1243 = arith.addi %mul3A_759, %add3A_1242 : i32
      %get3A_1244 = arith.index_cast %add3A_1243 : i32 to index
      %get3A_1245 = arith.constant 16 : index
      %get3A_1246 = tpu.vector_load %arg11[%get3A_1244, %get3A_1245] {strides = array<i32>} : memref<512x128xf32, #tpu.memory_space<vmem>>, vector<16xf32>,
      %mul3A_1247 = arith.mulf %broadcast_in_dim3A_1234, %get3A_1246 : vector<16xf32>
      %add3A_1248 = arith.addf %add3A_1189, %mul3A_1247 : vector<16xf32>
      %add3A_1249 = arith.constant 8 : i32
      %add3A_1250 = arith.addi %mul3A_759, %add3A_1249 : i32
      %get3A_1251 = arith.index_cast %add3A_1250 : i32 to index
      %get3A_1252 = arith.constant 32 : index
      %get3A_1253 = tpu.vector_load %arg11[%get3A_1251, %get3A_1252] {strides = array<i32>} : memref<512x128xf32, #tpu.memory_space<vmem>>, vector<16xf32>,
      %mul3A_1254 = arith.mulf %broadcast_in_dim3A_1234, %get3A_1253 : vector<16xf32>
      %add3A_1255 = arith.addf %add3A_1196, %mul3A_1254 : vector<16xf32>
      %add3A_1256 = arith.constant 8 : i32
      %add3A_1257 = arith.addi %mul3A_759, %add3A_1256 : i32
      %get3A_1258 = arith.index_cast %add3A_1257 : i32 to index
      %get3A_1259 = arith.constant 48 : index
      %get3A_1260 = tpu.vector_load %arg11[%get3A_1258, %get3A_1259] {strides = array<i32>} : memref<512x128xf32, #tpu.memory_space<vmem>>, vector<16xf32>,
      %mul3A_1261 = arith.mulf %broadcast_in_dim3A_1234, %get3A_1260 : vector<16xf32>
      %add3A_1262 = arith.addf %add3A_1203, %mul3A_1261 : vector<16xf32>
      %add3A_1263 = arith.constant 8 : i32
      %add3A_1264 = arith.addi %mul3A_759, %add3A_1263 : i32
      %get3A_1265 = arith.index_cast %add3A_1264 : i32 to index
      %get3A_1266 = arith.constant 64 : index
      %get3A_1267 = tpu.vector_load %arg11[%get3A_1265, %get3A_1266] {strides = array<i32>} : memref<512x128xf32, #tpu.memory_space<vmem>>, vector<16xf32>,
      %mul3A_1268 = arith.mulf %broadcast_in_dim3A_1234, %get3A_1267 : vector<16xf32>
      %add3A_1269 = arith.addf %add3A_1210, %mul3A_1268 : vector<16xf32>
      %add3A_1270 = arith.constant 8 : i32
      %add3A_1271 = arith.addi %mul3A_759, %add3A_1270 : i32
      %get3A_1272 = arith.index_cast %add3A_1271 : i32 to index
      %get3A_1273 = arith.constant 80 : index
      %get3A_1274 = tpu.vector_load %arg11[%get3A_1272, %get3A_1273] {strides = array<i32>} : memref<512x128xf32, #tpu.memory_space<vmem>>, vector<16xf32>,
      %mul3A_1275 = arith.mulf %broadcast_in_dim3A_1234, %get3A_1274 : vector<16xf32>
      %add3A_1276 = arith.addf %add3A_1217, %mul3A_1275 : vector<16xf32>
      %add3A_1277 = arith.constant 8 : i32
      %add3A_1278 = arith.addi %mul3A_759, %add3A_1277 : i32
      %get3A_1279 = arith.index_cast %add3A_1278 : i32 to index
      %get3A_1280 = arith.constant 96 : index
      %get3A_1281 = tpu.vector_load %arg11[%get3A_1279, %get3A_1280] {strides = array<i32>} : memref<512x128xf32, #tpu.memory_space<vmem>>, vector<16xf32>,
      %mul3A_1282 = arith.mulf %broadcast_in_dim3A_1234, %get3A_1281 : vector<16xf32>
      %add3A_1283 = arith.addf %add3A_1224, %mul3A_1282 : vector<16xf32>
      %add3A_1284 = arith.constant 8 : i32
      %add3A_1285 = arith.addi %mul3A_759, %add3A_1284 : i32
      %get3A_1286 = arith.index_cast %add3A_1285 : i32 to index
      %get3A_1287 = arith.constant 112 : index
      %get3A_1288 = tpu.vector_load %arg11[%get3A_1286, %get3A_1287] {strides = array<i32>} : memref<512x128xf32, #tpu.memory_space<vmem>>, vector<16xf32>,
      %mul3A_1289 = arith.mulf %broadcast_in_dim3A_1234, %get3A_1288 : vector<16xf32>
      %add3A_1290 = arith.addf %add3A_1231, %mul3A_1289 : vector<16xf32>
      %slice3A_1291 = vector.extract_strided_slice %get3A_761 {offsets = [9], sizes = [1], strides = [1]} : vector<16xf32> to vector<1xf32>
      %squeeze3A_1292 = vector.extract %slice3A_1291[0] : f32 from vector<1xf32>
      %broadcast_in_dim3A_1293 = vector.broadcast %squeeze3A_1292 : f32 to vector<16xf32>
      %add3A_1294 = arith.constant 9 : i32
      %add3A_1295 = arith.addi %mul3A_759, %add3A_1294 : i32
      %get3A_1296 = arith.index_cast %add3A_1295 : i32 to index
      %get3A_1297 = arith.constant 0 : index
      %get3A_1298 = tpu.vector_load %arg11[%get3A_1296, %get3A_1297] {strides = array<i32>} : memref<512x128xf32, #tpu.memory_space<vmem>>, vector<16xf32>,
      %mul3A_1299 = arith.mulf %broadcast_in_dim3A_1293, %get3A_1298 : vector<16xf32>
      %add3A_1300 = arith.addf %add3A_1241, %mul3A_1299 : vector<16xf32>
      %add3A_1301 = arith.constant 9 : i32
      %add3A_1302 = arith.addi %mul3A_759, %add3A_1301 : i32
      %get3A_1303 = arith.index_cast %add3A_1302 : i32 to index
      %get3A_1304 = arith.constant 16 : index
      %get3A_1305 = tpu.vector_load %arg11[%get3A_1303, %get3A_1304] {strides = array<i32>} : memref<512x128xf32, #tpu.memory_space<vmem>>, vector<16xf32>,
      %mul3A_1306 = arith.mulf %broadcast_in_dim3A_1293, %get3A_1305 : vector<16xf32>
      %add3A_1307 = arith.addf %add3A_1248, %mul3A_1306 : vector<16xf32>
      %add3A_1308 = arith.constant 9 : i32
      %add3A_1309 = arith.addi %mul3A_759, %add3A_1308 : i32
      %get3A_1310 = arith.index_cast %add3A_1309 : i32 to index
      %get3A_1311 = arith.constant 32 : index
      %get3A_1312 = tpu.vector_load %arg11[%get3A_1310, %get3A_1311] {strides = array<i32>} : memref<512x128xf32, #tpu.memory_space<vmem>>, vector<16xf32>,
      %mul3A_1313 = arith.mulf %broadcast_in_dim3A_1293, %get3A_1312 : vector<16xf32>
      %add3A_1314 = arith.addf %add3A_1255, %mul3A_1313 : vector<16xf32>
      %add3A_1315 = arith.constant 9 : i32
      %add3A_1316 = arith.addi %mul3A_759, %add3A_1315 : i32
      %get3A_1317 = arith.index_cast %add3A_1316 : i32 to index
      %get3A_1318 = arith.constant 48 : index
      %get3A_1319 = tpu.vector_load %arg11[%get3A_1317, %get3A_1318] {strides = array<i32>} : memref<512x128xf32, #tpu.memory_space<vmem>>, vector<16xf32>,
      %mul3A_1320 = arith.mulf %broadcast_in_dim3A_1293, %get3A_1319 : vector<16xf32>
      %add3A_1321 = arith.addf %add3A_1262, %mul3A_1320 : vector<16xf32>
      %add3A_1322 = arith.constant 9 : i32
      %add3A_1323 = arith.addi %mul3A_759, %add3A_1322 : i32
      %get3A_1324 = arith.index_cast %add3A_1323 : i32 to index
      %get3A_1325 = arith.constant 64 : index
      %get3A_1326 = tpu.vector_load %arg11[%get3A_1324, %get3A_1325] {strides = array<i32>} : memref<512x128xf32, #tpu.memory_space<vmem>>, vector<16xf32>,
      %mul3A_1327 = arith.mulf %broadcast_in_dim3A_1293, %get3A_1326 : vector<16xf32>
      %add3A_1328 = arith.addf %add3A_1269, %mul3A_1327 : vector<16xf32>
      %add3A_1329 = arith.constant 9 : i32
      %add3A_1330 = arith.addi %mul3A_759, %add3A_1329 : i32
      %get3A_1331 = arith.index_cast %add3A_1330 : i32 to index
      %get3A_1332 = arith.constant 80 : index
      %get3A_1333 = tpu.vector_load %arg11[%get3A_1331, %get3A_1332] {strides = array<i32>} : memref<512x128xf32, #tpu.memory_space<vmem>>, vector<16xf32>,
      %mul3A_1334 = arith.mulf %broadcast_in_dim3A_1293, %get3A_1333 : vector<16xf32>
      %add3A_1335 = arith.addf %add3A_1276, %mul3A_1334 : vector<16xf32>
      %add3A_1336 = arith.constant 9 : i32
      %add3A_1337 = arith.addi %mul3A_759, %add3A_1336 : i32
      %get3A_1338 = arith.index_cast %add3A_1337 : i32 to index
      %get3A_1339 = arith.constant 96 : index
      %get3A_1340 = tpu.vector_load %arg11[%get3A_1338, %get3A_1339] {strides = array<i32>} : memref<512x128xf32, #tpu.memory_space<vmem>>, vector<16xf32>,
      %mul3A_1341 = arith.mulf %broadcast_in_dim3A_1293, %get3A_1340 : vector<16xf32>
      %add3A_1342 = arith.addf %add3A_1283, %mul3A_1341 : vector<16xf32>
      %add3A_1343 = arith.constant 9 : i32
      %add3A_1344 = arith.addi %mul3A_759, %add3A_1343 : i32
      %get3A_1345 = arith.index_cast %add3A_1344 : i32 to index
      %get3A_1346 = arith.constant 112 : index
      %get3A_1347 = tpu.vector_load %arg11[%get3A_1345, %get3A_1346] {strides = array<i32>} : memref<512x128xf32, #tpu.memory_space<vmem>>, vector<16xf32>,
      %mul3A_1348 = arith.mulf %broadcast_in_dim3A_1293, %get3A_1347 : vector<16xf32>
      %add3A_1349 = arith.addf %add3A_1290, %mul3A_1348 : vector<16xf32>
      %slice3A_1350 = vector.extract_strided_slice %get3A_761 {offsets = [10], sizes = [1], strides = [1]} : vector<16xf32> to vector<1xf32>
      %squeeze3A_1351 = vector.extract %slice3A_1350[0] : f32 from vector<1xf32>
      %broadcast_in_dim3A_1352 = vector.broadcast %squeeze3A_1351 : f32 to vector<16xf32>
      %add3A_1353 = arith.constant 10 : i32
      %add3A_1354 = arith.addi %mul3A_759, %add3A_1353 : i32
      %get3A_1355 = arith.index_cast %add3A_1354 : i32 to index
      %get3A_1356 = arith.constant 0 : index
      %get3A_1357 = tpu.vector_load %arg11[%get3A_1355, %get3A_1356] {strides = array<i32>} : memref<512x128xf32, #tpu.memory_space<vmem>>, vector<16xf32>,
      %mul3A_1358 = arith.mulf %broadcast_in_dim3A_1352, %get3A_1357 : vector<16xf32>
      %add3A_1359 = arith.addf %add3A_1300, %mul3A_1358 : vector<16xf32>
      %add3A_1360 = arith.constant 10 : i32
      %add3A_1361 = arith.addi %mul3A_759, %add3A_1360 : i32
      %get3A_1362 = arith.index_cast %add3A_1361 : i32 to index
      %get3A_1363 = arith.constant 16 : index
      %get3A_1364 = tpu.vector_load %arg11[%get3A_1362, %get3A_1363] {strides = array<i32>} : memref<512x128xf32, #tpu.memory_space<vmem>>, vector<16xf32>,
      %mul3A_1365 = arith.mulf %broadcast_in_dim3A_1352, %get3A_1364 : vector<16xf32>
      %add3A_1366 = arith.addf %add3A_1307, %mul3A_1365 : vector<16xf32>
      %add3A_1367 = arith.constant 10 : i32
      %add3A_1368 = arith.addi %mul3A_759, %add3A_1367 : i32
      %get3A_1369 = arith.index_cast %add3A_1368 : i32 to index
      %get3A_1370 = arith.constant 32 : index
      %get3A_1371 = tpu.vector_load %arg11[%get3A_1369, %get3A_1370] {strides = array<i32>} : memref<512x128xf32, #tpu.memory_space<vmem>>, vector<16xf32>,
      %mul3A_1372 = arith.mulf %broadcast_in_dim3A_1352, %get3A_1371 : vector<16xf32>
      %add3A_1373 = arith.addf %add3A_1314, %mul3A_1372 : vector<16xf32>
      %add3A_1374 = arith.constant 10 : i32
      %add3A_1375 = arith.addi %mul3A_759, %add3A_1374 : i32
      %get3A_1376 = arith.index_cast %add3A_1375 : i32 to index
      %get3A_1377 = arith.constant 48 : index
      %get3A_1378 = tpu.vector_load %arg11[%get3A_1376, %get3A_1377] {strides = array<i32>} : memref<512x128xf32, #tpu.memory_space<vmem>>, vector<16xf32>,
      %mul3A_1379 = arith.mulf %broadcast_in_dim3A_1352, %get3A_1378 : vector<16xf32>
      %add3A_1380 = arith.addf %add3A_1321, %mul3A_1379 : vector<16xf32>
      %add3A_1381 = arith.constant 10 : i32
      %add3A_1382 = arith.addi %mul3A_759, %add3A_1381 : i32
      %get3A_1383 = arith.index_cast %add3A_1382 : i32 to index
      %get3A_1384 = arith.constant 64 : index
      %get3A_1385 = tpu.vector_load %arg11[%get3A_1383, %get3A_1384] {strides = array<i32>} : memref<512x128xf32, #tpu.memory_space<vmem>>, vector<16xf32>,
      %mul3A_1386 = arith.mulf %broadcast_in_dim3A_1352, %get3A_1385 : vector<16xf32>
      %add3A_1387 = arith.addf %add3A_1328, %mul3A_1386 : vector<16xf32>
      %add3A_1388 = arith.constant 10 : i32
      %add3A_1389 = arith.addi %mul3A_759, %add3A_1388 : i32
      %get3A_1390 = arith.index_cast %add3A_1389 : i32 to index
      %get3A_1391 = arith.constant 80 : index
      %get3A_1392 = tpu.vector_load %arg11[%get3A_1390, %get3A_1391] {strides = array<i32>} : memref<512x128xf32, #tpu.memory_space<vmem>>, vector<16xf32>,
      %mul3A_1393 = arith.mulf %broadcast_in_dim3A_1352, %get3A_1392 : vector<16xf32>
      %add3A_1394 = arith.addf %add3A_1335, %mul3A_1393 : vector<16xf32>
      %add3A_1395 = arith.constant 10 : i32
      %add3A_1396 = arith.addi %mul3A_759, %add3A_1395 : i32
      %get3A_1397 = arith.index_cast %add3A_1396 : i32 to index
      %get3A_1398 = arith.constant 96 : index
      %get3A_1399 = tpu.vector_load %arg11[%get3A_1397, %get3A_1398] {strides = array<i32>} : memref<512x128xf32, #tpu.memory_space<vmem>>, vector<16xf32>,
      %mul3A_1400 = arith.mulf %broadcast_in_dim3A_1352, %get3A_1399 : vector<16xf32>
      %add3A_1401 = arith.addf %add3A_1342, %mul3A_1400 : vector<16xf32>
      %add3A_1402 = arith.constant 10 : i32
      %add3A_1403 = arith.addi %mul3A_759, %add3A_1402 : i32
      %get3A_1404 = arith.index_cast %add3A_1403 : i32 to index
      %get3A_1405 = arith.constant 112 : index
      %get3A_1406 = tpu.vector_load %arg11[%get3A_1404, %get3A_1405] {strides = array<i32>} : memref<512x128xf32, #tpu.memory_space<vmem>>, vector<16xf32>,
      %mul3A_1407 = arith.mulf %broadcast_in_dim3A_1352, %get3A_1406 : vector<16xf32>
      %add3A_1408 = arith.addf %add3A_1349, %mul3A_1407 : vector<16xf32>
      %slice3A_1409 = vector.extract_strided_slice %get3A_761 {offsets = [11], sizes = [1], strides = [1]} : vector<16xf32> to vector<1xf32>
      %squeeze3A_1410 = vector.extract %slice3A_1409[0] : f32 from vector<1xf32>
      %broadcast_in_dim3A_1411 = vector.broadcast %squeeze3A_1410 : f32 to vector<16xf32>
      %add3A_1412 = arith.constant 11 : i32
      %add3A_1413 = arith.addi %mul3A_759, %add3A_1412 : i32
      %get3A_1414 = arith.index_cast %add3A_1413 : i32 to index
      %get3A_1415 = arith.constant 0 : index
      %get3A_1416 = tpu.vector_load %arg11[%get3A_1414, %get3A_1415] {strides = array<i32>} : memref<512x128xf32, #tpu.memory_space<vmem>>, vector<16xf32>,
      %mul3A_1417 = arith.mulf %broadcast_in_dim3A_1411, %get3A_1416 : vector<16xf32>
      %add3A_1418 = arith.addf %add3A_1359, %mul3A_1417 : vector<16xf32>
      %add3A_1419 = arith.constant 11 : i32
      %add3A_1420 = arith.addi %mul3A_759, %add3A_1419 : i32
      %get3A_1421 = arith.index_cast %add3A_1420 : i32 to index
      %get3A_1422 = arith.constant 16 : index
      %get3A_1423 = tpu.vector_load %arg11[%get3A_1421, %get3A_1422] {strides = array<i32>} : memref<512x128xf32, #tpu.memory_space<vmem>>, vector<16xf32>,
      %mul3A_1424 = arith.mulf %broadcast_in_dim3A_1411, %get3A_1423 : vector<16xf32>
      %add3A_1425 = arith.addf %add3A_1366, %mul3A_1424 : vector<16xf32>
      %add3A_1426 = arith.constant 11 : i32
      %add3A_1427 = arith.addi %mul3A_759, %add3A_1426 : i32
      %get3A_1428 = arith.index_cast %add3A_1427 : i32 to index
      %get3A_1429 = arith.constant 32 : index
      %get3A_1430 = tpu.vector_load %arg11[%get3A_1428, %get3A_1429] {strides = array<i32>} : memref<512x128xf32, #tpu.memory_space<vmem>>, vector<16xf32>,
      %mul3A_1431 = arith.mulf %broadcast_in_dim3A_1411, %get3A_1430 : vector<16xf32>
      %add3A_1432 = arith.addf %add3A_1373, %mul3A_1431 : vector<16xf32>
      %add3A_1433 = arith.constant 11 : i32
      %add3A_1434 = arith.addi %mul3A_759, %add3A_1433 : i32
      %get3A_1435 = arith.index_cast %add3A_1434 : i32 to index
      %get3A_1436 = arith.constant 48 : index
      %get3A_1437 = tpu.vector_load %arg11[%get3A_1435, %get3A_1436] {strides = array<i32>} : memref<512x128xf32, #tpu.memory_space<vmem>>, vector<16xf32>,
      %mul3A_1438 = arith.mulf %broadcast_in_dim3A_1411, %get3A_1437 : vector<16xf32>
      %add3A_1439 = arith.addf %add3A_1380, %mul3A_1438 : vector<16xf32>
      %add3A_1440 = arith.constant 11 : i32
      %add3A_1441 = arith.addi %mul3A_759, %add3A_1440 : i32
      %get3A_1442 = arith.index_cast %add3A_1441 : i32 to index
      %get3A_1443 = arith.constant 64 : index
      %get3A_1444 = tpu.vector_load %arg11[%get3A_1442, %get3A_1443] {strides = array<i32>} : memref<512x128xf32, #tpu.memory_space<vmem>>, vector<16xf32>,
      %mul3A_1445 = arith.mulf %broadcast_in_dim3A_1411, %get3A_1444 : vector<16xf32>
      %add3A_1446 = arith.addf %add3A_1387, %mul3A_1445 : vector<16xf32>
      %add3A_1447 = arith.constant 11 : i32
      %add3A_1448 = arith.addi %mul3A_759, %add3A_1447 : i32
      %get3A_1449 = arith.index_cast %add3A_1448 : i32 to index
      %get3A_1450 = arith.constant 80 : index
      %get3A_1451 = tpu.vector_load %arg11[%get3A_1449, %get3A_1450] {strides = array<i32>} : memref<512x128xf32, #tpu.memory_space<vmem>>, vector<16xf32>,
      %mul3A_1452 = arith.mulf %broadcast_in_dim3A_1411, %get3A_1451 : vector<16xf32>
      %add3A_1453 = arith.addf %add3A_1394, %mul3A_1452 : vector<16xf32>
      %add3A_1454 = arith.constant 11 : i32
      %add3A_1455 = arith.addi %mul3A_759, %add3A_1454 : i32
      %get3A_1456 = arith.index_cast %add3A_1455 : i32 to index
      %get3A_1457 = arith.constant 96 : index
      %get3A_1458 = tpu.vector_load %arg11[%get3A_1456, %get3A_1457] {strides = array<i32>} : memref<512x128xf32, #tpu.memory_space<vmem>>, vector<16xf32>,
      %mul3A_1459 = arith.mulf %broadcast_in_dim3A_1411, %get3A_1458 : vector<16xf32>
      %add3A_1460 = arith.addf %add3A_1401, %mul3A_1459 : vector<16xf32>
      %add3A_1461 = arith.constant 11 : i32
      %add3A_1462 = arith.addi %mul3A_759, %add3A_1461 : i32
      %get3A_1463 = arith.index_cast %add3A_1462 : i32 to index
      %get3A_1464 = arith.constant 112 : index
      %get3A_1465 = tpu.vector_load %arg11[%get3A_1463, %get3A_1464] {strides = array<i32>} : memref<512x128xf32, #tpu.memory_space<vmem>>, vector<16xf32>,
      %mul3A_1466 = arith.mulf %broadcast_in_dim3A_1411, %get3A_1465 : vector<16xf32>
      %add3A_1467 = arith.addf %add3A_1408, %mul3A_1466 : vector<16xf32>
      %slice3A_1468 = vector.extract_strided_slice %get3A_761 {offsets = [12], sizes = [1], strides = [1]} : vector<16xf32> to vector<1xf32>
      %squeeze3A_1469 = vector.extract %slice3A_1468[0] : f32 from vector<1xf32>
      %broadcast_in_dim3A_1470 = vector.broadcast %squeeze3A_1469 : f32 to vector<16xf32>
      %add3A_1471 = arith.constant 12 : i32
      %add3A_1472 = arith.addi %mul3A_759, %add3A_1471 : i32
      %get3A_1473 = arith.index_cast %add3A_1472 : i32 to index
      %get3A_1474 = arith.constant 0 : index
      %get3A_1475 = tpu.vector_load %arg11[%get3A_1473, %get3A_1474] {strides = array<i32>} : memref<512x128xf32, #tpu.memory_space<vmem>>, vector<16xf32>,
      %mul3A_1476 = arith.mulf %broadcast_in_dim3A_1470, %get3A_1475 : vector<16xf32>
      %add3A_1477 = arith.addf %add3A_1418, %mul3A_1476 : vector<16xf32>
      %add3A_1478 = arith.constant 12 : i32
      %add3A_1479 = arith.addi %mul3A_759, %add3A_1478 : i32
      %get3A_1480 = arith.index_cast %add3A_1479 : i32 to index
      %get3A_1481 = arith.constant 16 : index
      %get3A_1482 = tpu.vector_load %arg11[%get3A_1480, %get3A_1481] {strides = array<i32>} : memref<512x128xf32, #tpu.memory_space<vmem>>, vector<16xf32>,
      %mul3A_1483 = arith.mulf %broadcast_in_dim3A_1470, %get3A_1482 : vector<16xf32>
      %add3A_1484 = arith.addf %add3A_1425, %mul3A_1483 : vector<16xf32>
      %add3A_1485 = arith.constant 12 : i32
      %add3A_1486 = arith.addi %mul3A_759, %add3A_1485 : i32
      %get3A_1487 = arith.index_cast %add3A_1486 : i32 to index
      %get3A_1488 = arith.constant 32 : index
      %get3A_1489 = tpu.vector_load %arg11[%get3A_1487, %get3A_1488] {strides = array<i32>} : memref<512x128xf32, #tpu.memory_space<vmem>>, vector<16xf32>,
      %mul3A_1490 = arith.mulf %broadcast_in_dim3A_1470, %get3A_1489 : vector<16xf32>
      %add3A_1491 = arith.addf %add3A_1432, %mul3A_1490 : vector<16xf32>
      %add3A_1492 = arith.constant 12 : i32
      %add3A_1493 = arith.addi %mul3A_759, %add3A_1492 : i32
      %get3A_1494 = arith.index_cast %add3A_1493 : i32 to index
      %get3A_1495 = arith.constant 48 : index
      %get3A_1496 = tpu.vector_load %arg11[%get3A_1494, %get3A_1495] {strides = array<i32>} : memref<512x128xf32, #tpu.memory_space<vmem>>, vector<16xf32>,
      %mul3A_1497 = arith.mulf %broadcast_in_dim3A_1470, %get3A_1496 : vector<16xf32>
      %add3A_1498 = arith.addf %add3A_1439, %mul3A_1497 : vector<16xf32>
      %add3A_1499 = arith.constant 12 : i32
      %add3A_1500 = arith.addi %mul3A_759, %add3A_1499 : i32
      %get3A_1501 = arith.index_cast %add3A_1500 : i32 to index
      %get3A_1502 = arith.constant 64 : index
      %get3A_1503 = tpu.vector_load %arg11[%get3A_1501, %get3A_1502] {strides = array<i32>} : memref<512x128xf32, #tpu.memory_space<vmem>>, vector<16xf32>,
      %mul3A_1504 = arith.mulf %broadcast_in_dim3A_1470, %get3A_1503 : vector<16xf32>
      %add3A_1505 = arith.addf %add3A_1446, %mul3A_1504 : vector<16xf32>
      %add3A_1506 = arith.constant 12 : i32
      %add3A_1507 = arith.addi %mul3A_759, %add3A_1506 : i32
      %get3A_1508 = arith.index_cast %add3A_1507 : i32 to index
      %get3A_1509 = arith.constant 80 : index
      %get3A_1510 = tpu.vector_load %arg11[%get3A_1508, %get3A_1509] {strides = array<i32>} : memref<512x128xf32, #tpu.memory_space<vmem>>, vector<16xf32>,
      %mul3A_1511 = arith.mulf %broadcast_in_dim3A_1470, %get3A_1510 : vector<16xf32>
      %add3A_1512 = arith.addf %add3A_1453, %mul3A_1511 : vector<16xf32>
      %add3A_1513 = arith.constant 12 : i32
      %add3A_1514 = arith.addi %mul3A_759, %add3A_1513 : i32
      %get3A_1515 = arith.index_cast %add3A_1514 : i32 to index
      %get3A_1516 = arith.constant 96 : index
      %get3A_1517 = tpu.vector_load %arg11[%get3A_1515, %get3A_1516] {strides = array<i32>} : memref<512x128xf32, #tpu.memory_space<vmem>>, vector<16xf32>,
      %mul3A_1518 = arith.mulf %broadcast_in_dim3A_1470, %get3A_1517 : vector<16xf32>
      %add3A_1519 = arith.addf %add3A_1460, %mul3A_1518 : vector<16xf32>
      %add3A_1520 = arith.constant 12 : i32
      %add3A_1521 = arith.addi %mul3A_759, %add3A_1520 : i32
      %get3A_1522 = arith.index_cast %add3A_1521 : i32 to index
      %get3A_1523 = arith.constant 112 : index
      %get3A_1524 = tpu.vector_load %arg11[%get3A_1522, %get3A_1523] {strides = array<i32>} : memref<512x128xf32, #tpu.memory_space<vmem>>, vector<16xf32>,
      %mul3A_1525 = arith.mulf %broadcast_in_dim3A_1470, %get3A_1524 : vector<16xf32>
      %add3A_1526 = arith.addf %add3A_1467, %mul3A_1525 : vector<16xf32>
      %slice3A_1527 = vector.extract_strided_slice %get3A_761 {offsets = [13], sizes = [1], strides = [1]} : vector<16xf32> to vector<1xf32>
      %squeeze3A_1528 = vector.extract %slice3A_1527[0] : f32 from vector<1xf32>
      %broadcast_in_dim3A_1529 = vector.broadcast %squeeze3A_1528 : f32 to vector<16xf32>
      %add3A_1530 = arith.constant 13 : i32
      %add3A_1531 = arith.addi %mul3A_759, %add3A_1530 : i32
      %get3A_1532 = arith.index_cast %add3A_1531 : i32 to index
      %get3A_1533 = arith.constant 0 : index
      %get3A_1534 = tpu.vector_load %arg11[%get3A_1532, %get3A_1533] {strides = array<i32>} : memref<512x128xf32, #tpu.memory_space<vmem>>, vector<16xf32>,
      %mul3A_1535 = arith.mulf %broadcast_in_dim3A_1529, %get3A_1534 : vector<16xf32>
      %add3A_1536 = arith.addf %add3A_1477, %mul3A_1535 : vector<16xf32>
      %add3A_1537 = arith.constant 13 : i32
      %add3A_1538 = arith.addi %mul3A_759, %add3A_1537 : i32
      %get3A_1539 = arith.index_cast %add3A_1538 : i32 to index
      %get3A_1540 = arith.constant 16 : index
      %get3A_1541 = tpu.vector_load %arg11[%get3A_1539, %get3A_1540] {strides = array<i32>} : memref<512x128xf32, #tpu.memory_space<vmem>>, vector<16xf32>,
      %mul3A_1542 = arith.mulf %broadcast_in_dim3A_1529, %get3A_1541 : vector<16xf32>
      %add3A_1543 = arith.addf %add3A_1484, %mul3A_1542 : vector<16xf32>
      %add3A_1544 = arith.constant 13 : i32
      %add3A_1545 = arith.addi %mul3A_759, %add3A_1544 : i32
      %get3A_1546 = arith.index_cast %add3A_1545 : i32 to index
      %get3A_1547 = arith.constant 32 : index
      %get3A_1548 = tpu.vector_load %arg11[%get3A_1546, %get3A_1547] {strides = array<i32>} : memref<512x128xf32, #tpu.memory_space<vmem>>, vector<16xf32>,
      %mul3A_1549 = arith.mulf %broadcast_in_dim3A_1529, %get3A_1548 : vector<16xf32>
      %add3A_1550 = arith.addf %add3A_1491, %mul3A_1549 : vector<16xf32>
      %add3A_1551 = arith.constant 13 : i32
      %add3A_1552 = arith.addi %mul3A_759, %add3A_1551 : i32
      %get3A_1553 = arith.index_cast %add3A_1552 : i32 to index
      %get3A_1554 = arith.constant 48 : index
      %get3A_1555 = tpu.vector_load %arg11[%get3A_1553, %get3A_1554] {strides = array<i32>} : memref<512x128xf32, #tpu.memory_space<vmem>>, vector<16xf32>,
      %mul3A_1556 = arith.mulf %broadcast_in_dim3A_1529, %get3A_1555 : vector<16xf32>
      %add3A_1557 = arith.addf %add3A_1498, %mul3A_1556 : vector<16xf32>
      %add3A_1558 = arith.constant 13 : i32
      %add3A_1559 = arith.addi %mul3A_759, %add3A_1558 : i32
      %get3A_1560 = arith.index_cast %add3A_1559 : i32 to index
      %get3A_1561 = arith.constant 64 : index
      %get3A_1562 = tpu.vector_load %arg11[%get3A_1560, %get3A_1561] {strides = array<i32>} : memref<512x128xf32, #tpu.memory_space<vmem>>, vector<16xf32>,
      %mul3A_1563 = arith.mulf %broadcast_in_dim3A_1529, %get3A_1562 : vector<16xf32>
      %add3A_1564 = arith.addf %add3A_1505, %mul3A_1563 : vector<16xf32>
      %add3A_1565 = arith.constant 13 : i32
      %add3A_1566 = arith.addi %mul3A_759, %add3A_1565 : i32
      %get3A_1567 = arith.index_cast %add3A_1566 : i32 to index
      %get3A_1568 = arith.constant 80 : index
      %get3A_1569 = tpu.vector_load %arg11[%get3A_1567, %get3A_1568] {strides = array<i32>} : memref<512x128xf32, #tpu.memory_space<vmem>>, vector<16xf32>,
      %mul3A_1570 = arith.mulf %broadcast_in_dim3A_1529, %get3A_1569 : vector<16xf32>
      %add3A_1571 = arith.addf %add3A_1512, %mul3A_1570 : vector<16xf32>
      %add3A_1572 = arith.constant 13 : i32
      %add3A_1573 = arith.addi %mul3A_759, %add3A_1572 : i32
      %get3A_1574 = arith.index_cast %add3A_1573 : i32 to index
      %get3A_1575 = arith.constant 96 : index
      %get3A_1576 = tpu.vector_load %arg11[%get3A_1574, %get3A_1575] {strides = array<i32>} : memref<512x128xf32, #tpu.memory_space<vmem>>, vector<16xf32>,
      %mul3A_1577 = arith.mulf %broadcast_in_dim3A_1529, %get3A_1576 : vector<16xf32>
      %add3A_1578 = arith.addf %add3A_1519, %mul3A_1577 : vector<16xf32>
      %add3A_1579 = arith.constant 13 : i32
      %add3A_1580 = arith.addi %mul3A_759, %add3A_1579 : i32
      %get3A_1581 = arith.index_cast %add3A_1580 : i32 to index
      %get3A_1582 = arith.constant 112 : index
      %get3A_1583 = tpu.vector_load %arg11[%get3A_1581, %get3A_1582] {strides = array<i32>} : memref<512x128xf32, #tpu.memory_space<vmem>>, vector<16xf32>,
      %mul3A_1584 = arith.mulf %broadcast_in_dim3A_1529, %get3A_1583 : vector<16xf32>
      %add3A_1585 = arith.addf %add3A_1526, %mul3A_1584 : vector<16xf32>
      %slice3A_1586 = vector.extract_strided_slice %get3A_761 {offsets = [14], sizes = [1], strides = [1]} : vector<16xf32> to vector<1xf32>
      %squeeze3A_1587 = vector.extract %slice3A_1586[0] : f32 from vector<1xf32>
      %broadcast_in_dim3A_1588 = vector.broadcast %squeeze3A_1587 : f32 to vector<16xf32>
      %add3A_1589 = arith.constant 14 : i32
      %add3A_1590 = arith.addi %mul3A_759, %add3A_1589 : i32
      %get3A_1591 = arith.index_cast %add3A_1590 : i32 to index
      %get3A_1592 = arith.constant 0 : index
      %get3A_1593 = tpu.vector_load %arg11[%get3A_1591, %get3A_1592] {strides = array<i32>} : memref<512x128xf32, #tpu.memory_space<vmem>>, vector<16xf32>,
      %mul3A_1594 = arith.mulf %broadcast_in_dim3A_1588, %get3A_1593 : vector<16xf32>
      %add3A_1595 = arith.addf %add3A_1536, %mul3A_1594 : vector<16xf32>
      %add3A_1596 = arith.constant 14 : i32
      %add3A_1597 = arith.addi %mul3A_759, %add3A_1596 : i32
      %get3A_1598 = arith.index_cast %add3A_1597 : i32 to index
      %get3A_1599 = arith.constant 16 : index
      %get3A_1600 = tpu.vector_load %arg11[%get3A_1598, %get3A_1599] {strides = array<i32>} : memref<512x128xf32, #tpu.memory_space<vmem>>, vector<16xf32>,
      %mul3A_1601 = arith.mulf %broadcast_in_dim3A_1588, %get3A_1600 : vector<16xf32>
      %add3A_1602 = arith.addf %add3A_1543, %mul3A_1601 : vector<16xf32>
      %add3A_1603 = arith.constant 14 : i32
      %add3A_1604 = arith.addi %mul3A_759, %add3A_1603 : i32
      %get3A_1605 = arith.index_cast %add3A_1604 : i32 to index
      %get3A_1606 = arith.constant 32 : index
      %get3A_1607 = tpu.vector_load %arg11[%get3A_1605, %get3A_1606] {strides = array<i32>} : memref<512x128xf32, #tpu.memory_space<vmem>>, vector<16xf32>,
      %mul3A_1608 = arith.mulf %broadcast_in_dim3A_1588, %get3A_1607 : vector<16xf32>
      %add3A_1609 = arith.addf %add3A_1550, %mul3A_1608 : vector<16xf32>
      %add3A_1610 = arith.constant 14 : i32
      %add3A_1611 = arith.addi %mul3A_759, %add3A_1610 : i32
      %get3A_1612 = arith.index_cast %add3A_1611 : i32 to index
      %get3A_1613 = arith.constant 48 : index
      %get3A_1614 = tpu.vector_load %arg11[%get3A_1612, %get3A_1613] {strides = array<i32>} : memref<512x128xf32, #tpu.memory_space<vmem>>, vector<16xf32>,
      %mul3A_1615 = arith.mulf %broadcast_in_dim3A_1588, %get3A_1614 : vector<16xf32>
      %add3A_1616 = arith.addf %add3A_1557, %mul3A_1615 : vector<16xf32>
      %add3A_1617 = arith.constant 14 : i32
      %add3A_1618 = arith.addi %mul3A_759, %add3A_1617 : i32
      %get3A_1619 = arith.index_cast %add3A_1618 : i32 to index
      %get3A_1620 = arith.constant 64 : index
      %get3A_1621 = tpu.vector_load %arg11[%get3A_1619, %get3A_1620] {strides = array<i32>} : memref<512x128xf32, #tpu.memory_space<vmem>>, vector<16xf32>,
      %mul3A_1622 = arith.mulf %broadcast_in_dim3A_1588, %get3A_1621 : vector<16xf32>
      %add3A_1623 = arith.addf %add3A_1564, %mul3A_1622 : vector<16xf32>
      %add3A_1624 = arith.constant 14 : i32
      %add3A_1625 = arith.addi %mul3A_759, %add3A_1624 : i32
      %get3A_1626 = arith.index_cast %add3A_1625 : i32 to index
      %get3A_1627 = arith.constant 80 : index
      %get3A_1628 = tpu.vector_load %arg11[%get3A_1626, %get3A_1627] {strides = array<i32>} : memref<512x128xf32, #tpu.memory_space<vmem>>, vector<16xf32>,
      %mul3A_1629 = arith.mulf %broadcast_in_dim3A_1588, %get3A_1628 : vector<16xf32>
      %add3A_1630 = arith.addf %add3A_1571, %mul3A_1629 : vector<16xf32>
      %add3A_1631 = arith.constant 14 : i32
      %add3A_1632 = arith.addi %mul3A_759, %add3A_1631 : i32
      %get3A_1633 = arith.index_cast %add3A_1632 : i32 to index
      %get3A_1634 = arith.constant 96 : index
      %get3A_1635 = tpu.vector_load %arg11[%get3A_1633, %get3A_1634] {strides = array<i32>} : memref<512x128xf32, #tpu.memory_space<vmem>>, vector<16xf32>,
      %mul3A_1636 = arith.mulf %broadcast_in_dim3A_1588, %get3A_1635 : vector<16xf32>
      %add3A_1637 = arith.addf %add3A_1578, %mul3A_1636 : vector<16xf32>
      %add3A_1638 = arith.constant 14 : i32
      %add3A_1639 = arith.addi %mul3A_759, %add3A_1638 : i32
      %get3A_1640 = arith.index_cast %add3A_1639 : i32 to index
      %get3A_1641 = arith.constant 112 : index
      %get3A_1642 = tpu.vector_load %arg11[%get3A_1640, %get3A_1641] {strides = array<i32>} : memref<512x128xf32, #tpu.memory_space<vmem>>, vector<16xf32>,
      %mul3A_1643 = arith.mulf %broadcast_in_dim3A_1588, %get3A_1642 : vector<16xf32>
      %add3A_1644 = arith.addf %add3A_1585, %mul3A_1643 : vector<16xf32>
      %slice3A_1645 = vector.extract_strided_slice %get3A_761 {offsets = [15], sizes = [1], strides = [1]} : vector<16xf32> to vector<1xf32>
      %squeeze3A_1646 = vector.extract %slice3A_1645[0] : f32 from vector<1xf32>
      %broadcast_in_dim3A_1647 = vector.broadcast %squeeze3A_1646 : f32 to vector<16xf32>
      %add3A_1648 = arith.constant 15 : i32
      %add3A_1649 = arith.addi %mul3A_759, %add3A_1648 : i32
      %get3A_1650 = arith.index_cast %add3A_1649 : i32 to index
      %get3A_1651 = arith.constant 0 : index
      %get3A_1652 = tpu.vector_load %arg11[%get3A_1650, %get3A_1651] {strides = array<i32>} : memref<512x128xf32, #tpu.memory_space<vmem>>, vector<16xf32>,
      %mul3A_1653 = arith.mulf %broadcast_in_dim3A_1647, %get3A_1652 : vector<16xf32>
      %add3A_1654 = arith.addf %add3A_1595, %mul3A_1653 : vector<16xf32>
      %add3A_1655 = arith.constant 15 : i32
      %add3A_1656 = arith.addi %mul3A_759, %add3A_1655 : i32
      %get3A_1657 = arith.index_cast %add3A_1656 : i32 to index
      %get3A_1658 = arith.constant 16 : index
      %get3A_1659 = tpu.vector_load %arg11[%get3A_1657, %get3A_1658] {strides = array<i32>} : memref<512x128xf32, #tpu.memory_space<vmem>>, vector<16xf32>,
      %mul3A_1660 = arith.mulf %broadcast_in_dim3A_1647, %get3A_1659 : vector<16xf32>
      %add3A_1661 = arith.addf %add3A_1602, %mul3A_1660 : vector<16xf32>
      %add3A_1662 = arith.constant 15 : i32
      %add3A_1663 = arith.addi %mul3A_759, %add3A_1662 : i32
      %get3A_1664 = arith.index_cast %add3A_1663 : i32 to index
      %get3A_1665 = arith.constant 32 : index
      %get3A_1666 = tpu.vector_load %arg11[%get3A_1664, %get3A_1665] {strides = array<i32>} : memref<512x128xf32, #tpu.memory_space<vmem>>, vector<16xf32>,
      %mul3A_1667 = arith.mulf %broadcast_in_dim3A_1647, %get3A_1666 : vector<16xf32>
      %add3A_1668 = arith.addf %add3A_1609, %mul3A_1667 : vector<16xf32>
      %add3A_1669 = arith.constant 15 : i32
      %add3A_1670 = arith.addi %mul3A_759, %add3A_1669 : i32
      %get3A_1671 = arith.index_cast %add3A_1670 : i32 to index
      %get3A_1672 = arith.constant 48 : index
      %get3A_1673 = tpu.vector_load %arg11[%get3A_1671, %get3A_1672] {strides = array<i32>} : memref<512x128xf32, #tpu.memory_space<vmem>>, vector<16xf32>,
      %mul3A_1674 = arith.mulf %broadcast_in_dim3A_1647, %get3A_1673 : vector<16xf32>
      %add3A_1675 = arith.addf %add3A_1616, %mul3A_1674 : vector<16xf32>
      %add3A_1676 = arith.constant 15 : i32
      %add3A_1677 = arith.addi %mul3A_759, %add3A_1676 : i32
      %get3A_1678 = arith.index_cast %add3A_1677 : i32 to index
      %get3A_1679 = arith.constant 64 : index
      %get3A_1680 = tpu.vector_load %arg11[%get3A_1678, %get3A_1679] {strides = array<i32>} : memref<512x128xf32, #tpu.memory_space<vmem>>, vector<16xf32>,
      %mul3A_1681 = arith.mulf %broadcast_in_dim3A_1647, %get3A_1680 : vector<16xf32>
      %add3A_1682 = arith.addf %add3A_1623, %mul3A_1681 : vector<16xf32>
      %add3A_1683 = arith.constant 15 : i32
      %add3A_1684 = arith.addi %mul3A_759, %add3A_1683 : i32
      %get3A_1685 = arith.index_cast %add3A_1684 : i32 to index
      %get3A_1686 = arith.constant 80 : index
      %get3A_1687 = tpu.vector_load %arg11[%get3A_1685, %get3A_1686] {strides = array<i32>} : memref<512x128xf32, #tpu.memory_space<vmem>>, vector<16xf32>,
      %mul3A_1688 = arith.mulf %broadcast_in_dim3A_1647, %get3A_1687 : vector<16xf32>
      %add3A_1689 = arith.addf %add3A_1630, %mul3A_1688 : vector<16xf32>
      %add3A_1690 = arith.constant 15 : i32
      %add3A_1691 = arith.addi %mul3A_759, %add3A_1690 : i32
      %get3A_1692 = arith.index_cast %add3A_1691 : i32 to index
      %get3A_1693 = arith.constant 96 : index
      %get3A_1694 = tpu.vector_load %arg11[%get3A_1692, %get3A_1693] {strides = array<i32>} : memref<512x128xf32, #tpu.memory_space<vmem>>, vector<16xf32>,
      %mul3A_1695 = arith.mulf %broadcast_in_dim3A_1647, %get3A_1694 : vector<16xf32>
      %add3A_1696 = arith.addf %add3A_1637, %mul3A_1695 : vector<16xf32>
      %add3A_1697 = arith.constant 15 : i32
      %add3A_1698 = arith.addi %mul3A_759, %add3A_1697 : i32
      %get3A_1699 = arith.index_cast %add3A_1698 : i32 to index
      %get3A_1700 = arith.constant 112 : index
      %get3A_1701 = tpu.vector_load %arg11[%get3A_1699, %get3A_1700] {strides = array<i32>} : memref<512x128xf32, #tpu.memory_space<vmem>>, vector<16xf32>,
      %mul3A_1702 = arith.mulf %broadcast_in_dim3A_1647, %get3A_1701 : vector<16xf32>
      %add3A_1703 = arith.addf %add3A_1644, %mul3A_1702 : vector<16xf32>
      scf.yield %add3A_1654, %add3A_1661, %add3A_1668, %add3A_1675, %add3A_1682, %add3A_1689, %add3A_1696, %add3A_1703 : vector<16xf32>, vector<16xf32>, vector<16xf32>, vector<16xf32>, vector<16xf32>, vector<16xf32>, vector<16xf32>, vector<16xf32>
    }
    %scan3A_45 = arith.constant 32 : i32
    %swap3A = arith.constant 0 : index
    %swap3A_46 = tpu.vector_load %arg13[%swap3A] {strides = array<i32>} : memref<128xf32, #tpu.memory_space<vmem>>, vector<16xf32>,
    tpu.vector_store %arg13[%swap3A], %scan3A_44#0 {strides = array<i32>} : memref<128xf32, #tpu.memory_space<vmem>>, vector<16xf32>,
    %swap3A_47 = arith.constant 16 : index
    %swap3A_48 = tpu.vector_load %arg13[%swap3A_47] {strides = array<i32>} : memref<128xf32, #tpu.memory_space<vmem>>, vector<16xf32>,
    tpu.vector_store %arg13[%swap3A_47], %scan3A_44#1 {strides = array<i32>} : memref<128xf32, #tpu.memory_space<vmem>>, vector<16xf32>,
    %swap3A_49 = arith.constant 32 : index
    %swap3A_50 = tpu.vector_load %arg13[%swap3A_49] {strides = array<i32>} : memref<128xf32, #tpu.memory_space<vmem>>, vector<16xf32>,
    tpu.vector_store %arg13[%swap3A_49], %scan3A_44#2 {strides = array<i32>} : memref<128xf32, #tpu.memory_space<vmem>>, vector<16xf32>,
    %swap3A_51 = arith.constant 48 : index
    %swap3A_52 = tpu.vector_load %arg13[%swap3A_51] {strides = array<i32>} : memref<128xf32, #tpu.memory_space<vmem>>, vector<16xf32>,
    tpu.vector_store %arg13[%swap3A_51], %scan3A_44#3 {strides = array<i32>} : memref<128xf32, #tpu.memory_space<vmem>>, vector<16xf32>,
    %swap3A_53 = arith.constant 64 : index
    %swap3A_54 = tpu.vector_load %arg13[%swap3A_53] {strides = array<i32>} : memref<128xf32, #tpu.memory_space<vmem>>, vector<16xf32>,
    tpu.vector_store %arg13[%swap3A_53], %scan3A_44#4 {strides = array<i32>} : memref<128xf32, #tpu.memory_space<vmem>>, vector<16xf32>,
    %swap3A_55 = arith.constant 80 : index
    %swap3A_56 = tpu.vector_load %arg13[%swap3A_55] {strides = array<i32>} : memref<128xf32, #tpu.memory_space<vmem>>, vector<16xf32>,
    tpu.vector_store %arg13[%swap3A_55], %scan3A_44#5 {strides = array<i32>} : memref<128xf32, #tpu.memory_space<vmem>>, vector<16xf32>,
    %swap3A_57 = arith.constant 96 : index
    %swap3A_58 = tpu.vector_load %arg13[%swap3A_57] {strides = array<i32>} : memref<128xf32, #tpu.memory_space<vmem>>, vector<16xf32>,
    tpu.vector_store %arg13[%swap3A_57], %scan3A_44#6 {strides = array<i32>} : memref<128xf32, #tpu.memory_space<vmem>>, vector<16xf32>,
    %swap3A_59 = arith.constant 112 : index
    %swap3A_60 = tpu.vector_load %arg13[%swap3A_59] {strides = array<i32>} : memref<128xf32, #tpu.memory_space<vmem>>, vector<16xf32>,
    tpu.vector_store %arg13[%swap3A_59], %scan3A_44#7 {strides = array<i32>} : memref<128xf32, #tpu.memory_space<vmem>>, vector<16xf32>,
    "tpu.region"() ({
      %run_scoped3A = tpu.sem_alloc : memref<!tpu.dma_semaphore, #tpu.memory_space<semaphore_mem>>
      %dma_start3A = arith.constant 0 : i32
      %dma_start3A_749 = tpu.memref_slice %arg17[%arg1, %dma_start3A] : memref<16x128xf32, #tpu.memory_space<vmem_shared>> -> memref<1x128xf32, #tpu.memory_space<vmem_shared>>
      %dma_start3A_750 = tpu.memref_squeeze %dma_start3A_749 : memref<1x128xf32, #tpu.memory_space<vmem_shared>> -> memref<128xf32, #tpu.memory_space<vmem_shared>>
      %dma_start3A_751 = arith.constant 0 : i32
      %dma_start3A_752 = tpu.memref_slice %arg17[%arg1, %dma_start3A_751] : memref<16x128xf32, #tpu.memory_space<vmem_shared>> -> memref<1x128xf32, #tpu.memory_space<vmem_shared>>
      %dma_start3A_753 = tpu.memref_squeeze %dma_start3A_752 : memref<1x128xf32, #tpu.memory_space<vmem_shared>> -> memref<128xf32, #tpu.memory_space<vmem_shared>>
      tpu.enqueue_dma source(%arg13 : memref<128xf32, #tpu.memory_space<vmem>>) target(%dma_start3A_753 : memref<128xf32, #tpu.memory_space<vmem_shared>>) target_semaphore(%run_scoped3A : memref<!tpu.dma_semaphore, #tpu.memory_space<semaphore_mem>>)
      %dma_wait3A = arith.constant 0 : i32
      %dma_wait3A_754 = tpu.memref_slice %arg17[%arg1, %dma_wait3A] : memref<16x128xf32, #tpu.memory_space<vmem_shared>> -> memref<1x128xf32, #tpu.memory_space<vmem_shared>>
      %dma_wait3A_755 = tpu.memref_squeeze %dma_wait3A_754 : memref<1x128xf32, #tpu.memory_space<vmem_shared>> -> memref<128xf32, #tpu.memory_space<vmem_shared>>
      %dma_wait3A_756 = arith.constant 0 : i32
      %dma_wait3A_757 = tpu.memref_slice %arg17[%arg1, %dma_wait3A_756] : memref<16x128xf32, #tpu.memory_space<vmem_shared>> -> memref<1x128xf32, #tpu.memory_space<vmem_shared>>
      %dma_wait3A_758 = tpu.memref_squeeze %dma_wait3A_757 : memref<1x128xf32, #tpu.memory_space<vmem_shared>> -> memref<128xf32, #tpu.memory_space<vmem_shared>>
      tpu.wait_dma2 semaphore(%run_scoped3A : memref<!tpu.dma_semaphore, #tpu.memory_space<semaphore_mem>>) src(%arg13 : memref<128xf32, #tpu.memory_space<vmem>>) dst(%dma_wait3A_758 : memref<128xf32, #tpu.memory_space<vmem_shared>>)
      tpu.yield
    }) : () -> ()
    %barrier3A_61 = arith.constant 0 : index
    tpu.barrier barrier_id(%barrier3A_61)
    "tpu.region"() ({
      %run_scoped3A = tpu.sem_alloc : memref<!tpu.dma_semaphore, #tpu.memory_space<semaphore_mem>>
      tpu.enqueue_dma source(%arg17 : memref<16x128xf32, #tpu.memory_space<vmem_shared>>) target(%arg14 : memref<16x128xf32, #tpu.memory_space<vmem>>) target_semaphore(%run_scoped3A : memref<!tpu.dma_semaphore, #tpu.memory_space<semaphore_mem>>)
      tpu.wait_dma2 semaphore(%run_scoped3A : memref<!tpu.dma_semaphore, #tpu.memory_space<semaphore_mem>>) src(%arg17 : memref<16x128xf32, #tpu.memory_space<vmem_shared>>) dst(%arg14 : memref<16x128xf32, #tpu.memory_space<vmem>>)
      tpu.yield
    }) : () -> ()
    %get3A = arith.constant 0 : i32
    %get3A_62 = arith.index_cast %get3A : i32 to index
    %get3A_63 = arith.constant 0 : index
    %get3A_64 = tpu.vector_load %arg14[%get3A_62, %get3A_63] {strides = array<i32>} : memref<16x128xf32, #tpu.memory_space<vmem>>, vector<16xf32>,
    %add3A_65 = arith.addf %broadcast_in_dim3A_1, %get3A_64 : vector<16xf32>
    %get3A_66 = arith.constant 1 : i32
    %get3A_67 = arith.index_cast %get3A_66 : i32 to index
    %get3A_68 = arith.constant 0 : index
    %get3A_69 = tpu.vector_load %arg14[%get3A_67, %get3A_68] {strides = array<i32>} : memref<16x128xf32, #tpu.memory_space<vmem>>, vector<16xf32>,
    %add3A_70 = arith.addf %add3A_65, %get3A_69 : vector<16xf32>
    %get3A_71 = arith.constant 2 : i32
    %get3A_72 = arith.index_cast %get3A_71 : i32 to index
    %get3A_73 = arith.constant 0 : index
    %get3A_74 = tpu.vector_load %arg14[%get3A_72, %get3A_73] {strides = array<i32>} : memref<16x128xf32, #tpu.memory_space<vmem>>, vector<16xf32>,
    %add3A_75 = arith.addf %add3A_70, %get3A_74 : vector<16xf32>
    %get3A_76 = arith.constant 3 : i32
    %get3A_77 = arith.index_cast %get3A_76 : i32 to index
    %get3A_78 = arith.constant 0 : index
    %get3A_79 = tpu.vector_load %arg14[%get3A_77, %get3A_78] {strides = array<i32>} : memref<16x128xf32, #tpu.memory_space<vmem>>, vector<16xf32>,
    %add3A_80 = arith.addf %add3A_75, %get3A_79 : vector<16xf32>
    %get3A_81 = arith.constant 4 : i32
    %get3A_82 = arith.index_cast %get3A_81 : i32 to index
    %get3A_83 = arith.constant 0 : index
    %get3A_84 = tpu.vector_load %arg14[%get3A_82, %get3A_83] {strides = array<i32>} : memref<16x128xf32, #tpu.memory_space<vmem>>, vector<16xf32>,
    %add3A_85 = arith.addf %add3A_80, %get3A_84 : vector<16xf32>
    %get3A_86 = arith.constant 5 : i32
    %get3A_87 = arith.index_cast %get3A_86 : i32 to index
    %get3A_88 = arith.constant 0 : index
    %get3A_89 = tpu.vector_load %arg14[%get3A_87, %get3A_88] {strides = array<i32>} : memref<16x128xf32, #tpu.memory_space<vmem>>, vector<16xf32>,
    %add3A_90 = arith.addf %add3A_85, %get3A_89 : vector<16xf32>
    %get3A_91 = arith.constant 6 : i32
    %get3A_92 = arith.index_cast %get3A_91 : i32 to index
    %get3A_93 = arith.constant 0 : index
    %get3A_94 = tpu.vector_load %arg14[%get3A_92, %get3A_93] {strides = array<i32>} : memref<16x128xf32, #tpu.memory_space<vmem>>, vector<16xf32>,
    %add3A_95 = arith.addf %add3A_90, %get3A_94 : vector<16xf32>
    %get3A_96 = arith.constant 7 : i32
    %get3A_97 = arith.index_cast %get3A_96 : i32 to index
    %get3A_98 = arith.constant 0 : index
    %get3A_99 = tpu.vector_load %arg14[%get3A_97, %get3A_98] {strides = array<i32>} : memref<16x128xf32, #tpu.memory_space<vmem>>, vector<16xf32>,
    %add3A_100 = arith.addf %add3A_95, %get3A_99 : vector<16xf32>
    %get3A_101 = arith.constant 8 : i32
    %get3A_102 = arith.index_cast %get3A_101 : i32 to index
    %get3A_103 = arith.constant 0 : index
    %get3A_104 = tpu.vector_load %arg14[%get3A_102, %get3A_103] {strides = array<i32>} : memref<16x128xf32, #tpu.memory_space<vmem>>, vector<16xf32>,
    %add3A_105 = arith.addf %add3A_100, %get3A_104 : vector<16xf32>
    %get3A_106 = arith.constant 9 : i32
    %get3A_107 = arith.index_cast %get3A_106 : i32 to index
    %get3A_108 = arith.constant 0 : index
    %get3A_109 = tpu.vector_load %arg14[%get3A_107, %get3A_108] {strides = array<i32>} : memref<16x128xf32, #tpu.memory_space<vmem>>, vector<16xf32>,
    %add3A_110 = arith.addf %add3A_105, %get3A_109 : vector<16xf32>
    %get3A_111 = arith.constant 10 : i32
    %get3A_112 = arith.index_cast %get3A_111 : i32 to index
    %get3A_113 = arith.constant 0 : index
    %get3A_114 = tpu.vector_load %arg14[%get3A_112, %get3A_113] {strides = array<i32>} : memref<16x128xf32, #tpu.memory_space<vmem>>, vector<16xf32>,
    %add3A_115 = arith.addf %add3A_110, %get3A_114 : vector<16xf32>
    %get3A_116 = arith.constant 11 : i32
    %get3A_117 = arith.index_cast %get3A_116 : i32 to index
    %get3A_118 = arith.constant 0 : index
    %get3A_119 = tpu.vector_load %arg14[%get3A_117, %get3A_118] {strides = array<i32>} : memref<16x128xf32, #tpu.memory_space<vmem>>, vector<16xf32>,
    %add3A_120 = arith.addf %add3A_115, %get3A_119 : vector<16xf32>
    %get3A_121 = arith.constant 12 : i32
    %get3A_122 = arith.index_cast %get3A_121 : i32 to index
    %get3A_123 = arith.constant 0 : index
    %get3A_124 = tpu.vector_load %arg14[%get3A_122, %get3A_123] {strides = array<i32>} : memref<16x128xf32, #tpu.memory_space<vmem>>, vector<16xf32>,
    %add3A_125 = arith.addf %add3A_120, %get3A_124 : vector<16xf32>
    %get3A_126 = arith.constant 13 : i32
    %get3A_127 = arith.index_cast %get3A_126 : i32 to index
    %get3A_128 = arith.constant 0 : index
    %get3A_129 = tpu.vector_load %arg14[%get3A_127, %get3A_128] {strides = array<i32>} : memref<16x128xf32, #tpu.memory_space<vmem>>, vector<16xf32>,
    %add3A_130 = arith.addf %add3A_125, %get3A_129 : vector<16xf32>
    %get3A_131 = arith.constant 14 : i32
    %get3A_132 = arith.index_cast %get3A_131 : i32 to index
    %get3A_133 = arith.constant 0 : index
    %get3A_134 = tpu.vector_load %arg14[%get3A_132, %get3A_133] {strides = array<i32>} : memref<16x128xf32, #tpu.memory_space<vmem>>, vector<16xf32>,
    %add3A_135 = arith.addf %add3A_130, %get3A_134 : vector<16xf32>
    %get3A_136 = arith.constant 15 : i32
    %get3A_137 = arith.index_cast %get3A_136 : i32 to index
    %get3A_138 = arith.constant 0 : index
    %get3A_139 = tpu.vector_load %arg14[%get3A_137, %get3A_138] {strides = array<i32>} : memref<16x128xf32, #tpu.memory_space<vmem>>, vector<16xf32>,
    %add3A_140 = arith.addf %add3A_135, %get3A_139 : vector<16xf32>
    %swap3A_141 = arith.constant 0 : index
    %swap3A_142 = tpu.vector_load %arg13[%swap3A_141] {strides = array<i32>} : memref<128xf32, #tpu.memory_space<vmem>>, vector<16xf32>,
    tpu.vector_store %arg13[%swap3A_141], %add3A_140 {strides = array<i32>} : memref<128xf32, #tpu.memory_space<vmem>>, vector<16xf32>,
    %get3A_143 = arith.constant 0 : i32
    %get3A_144 = arith.index_cast %get3A_143 : i32 to index
    %get3A_145 = arith.constant 16 : index
    %get3A_146 = tpu.vector_load %arg14[%get3A_144, %get3A_145] {strides = array<i32>} : memref<16x128xf32, #tpu.memory_space<vmem>>, vector<16xf32>,
    %add3A_147 = arith.addf %broadcast_in_dim3A_1, %get3A_146 : vector<16xf32>
    %get3A_148 = arith.constant 1 : i32
    %get3A_149 = arith.index_cast %get3A_148 : i32 to index
    %get3A_150 = arith.constant 16 : index
    %get3A_151 = tpu.vector_load %arg14[%get3A_149, %get3A_150] {strides = array<i32>} : memref<16x128xf32, #tpu.memory_space<vmem>>, vector<16xf32>,
    %add3A_152 = arith.addf %add3A_147, %get3A_151 : vector<16xf32>
    %get3A_153 = arith.constant 2 : i32
    %get3A_154 = arith.index_cast %get3A_153 : i32 to index
    %get3A_155 = arith.constant 16 : index
    %get3A_156 = tpu.vector_load %arg14[%get3A_154, %get3A_155] {strides = array<i32>} : memref<16x128xf32, #tpu.memory_space<vmem>>, vector<16xf32>,
    %add3A_157 = arith.addf %add3A_152, %get3A_156 : vector<16xf32>
    %get3A_158 = arith.constant 3 : i32
    %get3A_159 = arith.index_cast %get3A_158 : i32 to index
    %get3A_160 = arith.constant 16 : index
    %get3A_161 = tpu.vector_load %arg14[%get3A_159, %get3A_160] {strides = array<i32>} : memref<16x128xf32, #tpu.memory_space<vmem>>, vector<16xf32>,
    %add3A_162 = arith.addf %add3A_157, %get3A_161 : vector<16xf32>
    %get3A_163 = arith.constant 4 : i32
    %get3A_164 = arith.index_cast %get3A_163 : i32 to index
    %get3A_165 = arith.constant 16 : index
    %get3A_166 = tpu.vector_load %arg14[%get3A_164, %get3A_165] {strides = array<i32>} : memref<16x128xf32, #tpu.memory_space<vmem>>, vector<16xf32>,
    %add3A_167 = arith.addf %add3A_162, %get3A_166 : vector<16xf32>
    %get3A_168 = arith.constant 5 : i32
    %get3A_169 = arith.index_cast %get3A_168 : i32 to index
    %get3A_170 = arith.constant 16 : index
    %get3A_171 = tpu.vector_load %arg14[%get3A_169, %get3A_170] {strides = array<i32>} : memref<16x128xf32, #tpu.memory_space<vmem>>, vector<16xf32>,
    %add3A_172 = arith.addf %add3A_167, %get3A_171 : vector<16xf32>
    %get3A_173 = arith.constant 6 : i32
    %get3A_174 = arith.index_cast %get3A_173 : i32 to index
    %get3A_175 = arith.constant 16 : index
    %get3A_176 = tpu.vector_load %arg14[%get3A_174, %get3A_175] {strides = array<i32>} : memref<16x128xf32, #tpu.memory_space<vmem>>, vector<16xf32>,
    %add3A_177 = arith.addf %add3A_172, %get3A_176 : vector<16xf32>
    %get3A_178 = arith.constant 7 : i32
    %get3A_179 = arith.index_cast %get3A_178 : i32 to index
    %get3A_180 = arith.constant 16 : index
    %get3A_181 = tpu.vector_load %arg14[%get3A_179, %get3A_180] {strides = array<i32>} : memref<16x128xf32, #tpu.memory_space<vmem>>, vector<16xf32>,
    %add3A_182 = arith.addf %add3A_177, %get3A_181 : vector<16xf32>
    %get3A_183 = arith.constant 8 : i32
    %get3A_184 = arith.index_cast %get3A_183 : i32 to index
    %get3A_185 = arith.constant 16 : index
    %get3A_186 = tpu.vector_load %arg14[%get3A_184, %get3A_185] {strides = array<i32>} : memref<16x128xf32, #tpu.memory_space<vmem>>, vector<16xf32>,
    %add3A_187 = arith.addf %add3A_182, %get3A_186 : vector<16xf32>
    %get3A_188 = arith.constant 9 : i32
    %get3A_189 = arith.index_cast %get3A_188 : i32 to index
    %get3A_190 = arith.constant 16 : index
    %get3A_191 = tpu.vector_load %arg14[%get3A_189, %get3A_190] {strides = array<i32>} : memref<16x128xf32, #tpu.memory_space<vmem>>, vector<16xf32>,
    %add3A_192 = arith.addf %add3A_187, %get3A_191 : vector<16xf32>
    %get3A_193 = arith.constant 10 : i32
    %get3A_194 = arith.index_cast %get3A_193 : i32 to index
    %get3A_195 = arith.constant 16 : index
    %get3A_196 = tpu.vector_load %arg14[%get3A_194, %get3A_195] {strides = array<i32>} : memref<16x128xf32, #tpu.memory_space<vmem>>, vector<16xf32>,
    %add3A_197 = arith.addf %add3A_192, %get3A_196 : vector<16xf32>
    %get3A_198 = arith.constant 11 : i32
    %get3A_199 = arith.index_cast %get3A_198 : i32 to index
    %get3A_200 = arith.constant 16 : index
    %get3A_201 = tpu.vector_load %arg14[%get3A_199, %get3A_200] {strides = array<i32>} : memref<16x128xf32, #tpu.memory_space<vmem>>, vector<16xf32>,
    %add3A_202 = arith.addf %add3A_197, %get3A_201 : vector<16xf32>
    %get3A_203 = arith.constant 12 : i32
    %get3A_204 = arith.index_cast %get3A_203 : i32 to index
    %get3A_205 = arith.constant 16 : index
    %get3A_206 = tpu.vector_load %arg14[%get3A_204, %get3A_205] {strides = array<i32>} : memref<16x128xf32, #tpu.memory_space<vmem>>, vector<16xf32>,
    %add3A_207 = arith.addf %add3A_202, %get3A_206 : vector<16xf32>
    %get3A_208 = arith.constant 13 : i32
    %get3A_209 = arith.index_cast %get3A_208 : i32 to index
    %get3A_210 = arith.constant 16 : index
    %get3A_211 = tpu.vector_load %arg14[%get3A_209, %get3A_210] {strides = array<i32>} : memref<16x128xf32, #tpu.memory_space<vmem>>, vector<16xf32>,
    %add3A_212 = arith.addf %add3A_207, %get3A_211 : vector<16xf32>
    %get3A_213 = arith.constant 14 : i32
    %get3A_214 = arith.index_cast %get3A_213 : i32 to index
    %get3A_215 = arith.constant 16 : index
    %get3A_216 = tpu.vector_load %arg14[%get3A_214, %get3A_215] {strides = array<i32>} : memref<16x128xf32, #tpu.memory_space<vmem>>, vector<16xf32>,
    %add3A_217 = arith.addf %add3A_212, %get3A_216 : vector<16xf32>
    %get3A_218 = arith.constant 15 : i32
    %get3A_219 = arith.index_cast %get3A_218 : i32 to index
    %get3A_220 = arith.constant 16 : index
    %get3A_221 = tpu.vector_load %arg14[%get3A_219, %get3A_220] {strides = array<i32>} : memref<16x128xf32, #tpu.memory_space<vmem>>, vector<16xf32>,
    %add3A_222 = arith.addf %add3A_217, %get3A_221 : vector<16xf32>
    %swap3A_223 = arith.constant 16 : index
    %swap3A_224 = tpu.vector_load %arg13[%swap3A_223] {strides = array<i32>} : memref<128xf32, #tpu.memory_space<vmem>>, vector<16xf32>,
    tpu.vector_store %arg13[%swap3A_223], %add3A_222 {strides = array<i32>} : memref<128xf32, #tpu.memory_space<vmem>>, vector<16xf32>,
    %get3A_225 = arith.constant 0 : i32
    %get3A_226 = arith.index_cast %get3A_225 : i32 to index
    %get3A_227 = arith.constant 32 : index
    %get3A_228 = tpu.vector_load %arg14[%get3A_226, %get3A_227] {strides = array<i32>} : memref<16x128xf32, #tpu.memory_space<vmem>>, vector<16xf32>,
    %add3A_229 = arith.addf %broadcast_in_dim3A_1, %get3A_228 : vector<16xf32>
    %get3A_230 = arith.constant 1 : i32
    %get3A_231 = arith.index_cast %get3A_230 : i32 to index
    %get3A_232 = arith.constant 32 : index
    %get3A_233 = tpu.vector_load %arg14[%get3A_231, %get3A_232] {strides = array<i32>} : memref<16x128xf32, #tpu.memory_space<vmem>>, vector<16xf32>,
    %add3A_234 = arith.addf %add3A_229, %get3A_233 : vector<16xf32>
    %get3A_235 = arith.constant 2 : i32
    %get3A_236 = arith.index_cast %get3A_235 : i32 to index
    %get3A_237 = arith.constant 32 : index
    %get3A_238 = tpu.vector_load %arg14[%get3A_236, %get3A_237] {strides = array<i32>} : memref<16x128xf32, #tpu.memory_space<vmem>>, vector<16xf32>,
    %add3A_239 = arith.addf %add3A_234, %get3A_238 : vector<16xf32>
    %get3A_240 = arith.constant 3 : i32
    %get3A_241 = arith.index_cast %get3A_240 : i32 to index
    %get3A_242 = arith.constant 32 : index
    %get3A_243 = tpu.vector_load %arg14[%get3A_241, %get3A_242] {strides = array<i32>} : memref<16x128xf32, #tpu.memory_space<vmem>>, vector<16xf32>,
    %add3A_244 = arith.addf %add3A_239, %get3A_243 : vector<16xf32>
    %get3A_245 = arith.constant 4 : i32
    %get3A_246 = arith.index_cast %get3A_245 : i32 to index
    %get3A_247 = arith.constant 32 : index
    %get3A_248 = tpu.vector_load %arg14[%get3A_246, %get3A_247] {strides = array<i32>} : memref<16x128xf32, #tpu.memory_space<vmem>>, vector<16xf32>,
    %add3A_249 = arith.addf %add3A_244, %get3A_248 : vector<16xf32>
    %get3A_250 = arith.constant 5 : i32
    %get3A_251 = arith.index_cast %get3A_250 : i32 to index
    %get3A_252 = arith.constant 32 : index
    %get3A_253 = tpu.vector_load %arg14[%get3A_251, %get3A_252] {strides = array<i32>} : memref<16x128xf32, #tpu.memory_space<vmem>>, vector<16xf32>,
    %add3A_254 = arith.addf %add3A_249, %get3A_253 : vector<16xf32>
    %get3A_255 = arith.constant 6 : i32
    %get3A_256 = arith.index_cast %get3A_255 : i32 to index
    %get3A_257 = arith.constant 32 : index
    %get3A_258 = tpu.vector_load %arg14[%get3A_256, %get3A_257] {strides = array<i32>} : memref<16x128xf32, #tpu.memory_space<vmem>>, vector<16xf32>,
    %add3A_259 = arith.addf %add3A_254, %get3A_258 : vector<16xf32>
    %get3A_260 = arith.constant 7 : i32
    %get3A_261 = arith.index_cast %get3A_260 : i32 to index
    %get3A_262 = arith.constant 32 : index
    %get3A_263 = tpu.vector_load %arg14[%get3A_261, %get3A_262] {strides = array<i32>} : memref<16x128xf32, #tpu.memory_space<vmem>>, vector<16xf32>,
    %add3A_264 = arith.addf %add3A_259, %get3A_263 : vector<16xf32>
    %get3A_265 = arith.constant 8 : i32
    %get3A_266 = arith.index_cast %get3A_265 : i32 to index
    %get3A_267 = arith.constant 32 : index
    %get3A_268 = tpu.vector_load %arg14[%get3A_266, %get3A_267] {strides = array<i32>} : memref<16x128xf32, #tpu.memory_space<vmem>>, vector<16xf32>,
    %add3A_269 = arith.addf %add3A_264, %get3A_268 : vector<16xf32>
    %get3A_270 = arith.constant 9 : i32
    %get3A_271 = arith.index_cast %get3A_270 : i32 to index
    %get3A_272 = arith.constant 32 : index
    %get3A_273 = tpu.vector_load %arg14[%get3A_271, %get3A_272] {strides = array<i32>} : memref<16x128xf32, #tpu.memory_space<vmem>>, vector<16xf32>,
    %add3A_274 = arith.addf %add3A_269, %get3A_273 : vector<16xf32>
    %get3A_275 = arith.constant 10 : i32
    %get3A_276 = arith.index_cast %get3A_275 : i32 to index
    %get3A_277 = arith.constant 32 : index
    %get3A_278 = tpu.vector_load %arg14[%get3A_276, %get3A_277] {strides = array<i32>} : memref<16x128xf32, #tpu.memory_space<vmem>>, vector<16xf32>,
    %add3A_279 = arith.addf %add3A_274, %get3A_278 : vector<16xf32>
    %get3A_280 = arith.constant 11 : i32
    %get3A_281 = arith.index_cast %get3A_280 : i32 to index
    %get3A_282 = arith.constant 32 : index
    %get3A_283 = tpu.vector_load %arg14[%get3A_281, %get3A_282] {strides = array<i32>} : memref<16x128xf32, #tpu.memory_space<vmem>>, vector<16xf32>,
    %add3A_284 = arith.addf %add3A_279, %get3A_283 : vector<16xf32>
    %get3A_285 = arith.constant 12 : i32
    %get3A_286 = arith.index_cast %get3A_285 : i32 to index
    %get3A_287 = arith.constant 32 : index
    %get3A_288 = tpu.vector_load %arg14[%get3A_286, %get3A_287] {strides = array<i32>} : memref<16x128xf32, #tpu.memory_space<vmem>>, vector<16xf32>,
    %add3A_289 = arith.addf %add3A_284, %get3A_288 : vector<16xf32>
    %get3A_290 = arith.constant 13 : i32
    %get3A_291 = arith.index_cast %get3A_290 : i32 to index
    %get3A_292 = arith.constant 32 : index
    %get3A_293 = tpu.vector_load %arg14[%get3A_291, %get3A_292] {strides = array<i32>} : memref<16x128xf32, #tpu.memory_space<vmem>>, vector<16xf32>,
    %add3A_294 = arith.addf %add3A_289, %get3A_293 : vector<16xf32>
    %get3A_295 = arith.constant 14 : i32
    %get3A_296 = arith.index_cast %get3A_295 : i32 to index
    %get3A_297 = arith.constant 32 : index
    %get3A_298 = tpu.vector_load %arg14[%get3A_296, %get3A_297] {strides = array<i32>} : memref<16x128xf32, #tpu.memory_space<vmem>>, vector<16xf32>,
    %add3A_299 = arith.addf %add3A_294, %get3A_298 : vector<16xf32>
    %get3A_300 = arith.constant 15 : i32
    %get3A_301 = arith.index_cast %get3A_300 : i32 to index
    %get3A_302 = arith.constant 32 : index
    %get3A_303 = tpu.vector_load %arg14[%get3A_301, %get3A_302] {strides = array<i32>} : memref<16x128xf32, #tpu.memory_space<vmem>>, vector<16xf32>,
    %add3A_304 = arith.addf %add3A_299, %get3A_303 : vector<16xf32>
    %swap3A_305 = arith.constant 32 : index
    %swap3A_306 = tpu.vector_load %arg13[%swap3A_305] {strides = array<i32>} : memref<128xf32, #tpu.memory_space<vmem>>, vector<16xf32>,
    tpu.vector_store %arg13[%swap3A_305], %add3A_304 {strides = array<i32>} : memref<128xf32, #tpu.memory_space<vmem>>, vector<16xf32>,
    %get3A_307 = arith.constant 0 : i32
    %get3A_308 = arith.index_cast %get3A_307 : i32 to index
    %get3A_309 = arith.constant 48 : index
    %get3A_310 = tpu.vector_load %arg14[%get3A_308, %get3A_309] {strides = array<i32>} : memref<16x128xf32, #tpu.memory_space<vmem>>, vector<16xf32>,
    %add3A_311 = arith.addf %broadcast_in_dim3A_1, %get3A_310 : vector<16xf32>
    %get3A_312 = arith.constant 1 : i32
    %get3A_313 = arith.index_cast %get3A_312 : i32 to index
    %get3A_314 = arith.constant 48 : index
    %get3A_315 = tpu.vector_load %arg14[%get3A_313, %get3A_314] {strides = array<i32>} : memref<16x128xf32, #tpu.memory_space<vmem>>, vector<16xf32>,
    %add3A_316 = arith.addf %add3A_311, %get3A_315 : vector<16xf32>
    %get3A_317 = arith.constant 2 : i32
    %get3A_318 = arith.index_cast %get3A_317 : i32 to index
    %get3A_319 = arith.constant 48 : index
    %get3A_320 = tpu.vector_load %arg14[%get3A_318, %get3A_319] {strides = array<i32>} : memref<16x128xf32, #tpu.memory_space<vmem>>, vector<16xf32>,
    %add3A_321 = arith.addf %add3A_316, %get3A_320 : vector<16xf32>
    %get3A_322 = arith.constant 3 : i32
    %get3A_323 = arith.index_cast %get3A_322 : i32 to index
    %get3A_324 = arith.constant 48 : index
    %get3A_325 = tpu.vector_load %arg14[%get3A_323, %get3A_324] {strides = array<i32>} : memref<16x128xf32, #tpu.memory_space<vmem>>, vector<16xf32>,
    %add3A_326 = arith.addf %add3A_321, %get3A_325 : vector<16xf32>
    %get3A_327 = arith.constant 4 : i32
    %get3A_328 = arith.index_cast %get3A_327 : i32 to index
    %get3A_329 = arith.constant 48 : index
    %get3A_330 = tpu.vector_load %arg14[%get3A_328, %get3A_329] {strides = array<i32>} : memref<16x128xf32, #tpu.memory_space<vmem>>, vector<16xf32>,
    %add3A_331 = arith.addf %add3A_326, %get3A_330 : vector<16xf32>
    %get3A_332 = arith.constant 5 : i32
    %get3A_333 = arith.index_cast %get3A_332 : i32 to index
    %get3A_334 = arith.constant 48 : index
    %get3A_335 = tpu.vector_load %arg14[%get3A_333, %get3A_334] {strides = array<i32>} : memref<16x128xf32, #tpu.memory_space<vmem>>, vector<16xf32>,
    %add3A_336 = arith.addf %add3A_331, %get3A_335 : vector<16xf32>
    %get3A_337 = arith.constant 6 : i32
    %get3A_338 = arith.index_cast %get3A_337 : i32 to index
    %get3A_339 = arith.constant 48 : index
    %get3A_340 = tpu.vector_load %arg14[%get3A_338, %get3A_339] {strides = array<i32>} : memref<16x128xf32, #tpu.memory_space<vmem>>, vector<16xf32>,
    %add3A_341 = arith.addf %add3A_336, %get3A_340 : vector<16xf32>
    %get3A_342 = arith.constant 7 : i32
    %get3A_343 = arith.index_cast %get3A_342 : i32 to index
    %get3A_344 = arith.constant 48 : index
    %get3A_345 = tpu.vector_load %arg14[%get3A_343, %get3A_344] {strides = array<i32>} : memref<16x128xf32, #tpu.memory_space<vmem>>, vector<16xf32>,
    %add3A_346 = arith.addf %add3A_341, %get3A_345 : vector<16xf32>
    %get3A_347 = arith.constant 8 : i32
    %get3A_348 = arith.index_cast %get3A_347 : i32 to index
    %get3A_349 = arith.constant 48 : index
    %get3A_350 = tpu.vector_load %arg14[%get3A_348, %get3A_349] {strides = array<i32>} : memref<16x128xf32, #tpu.memory_space<vmem>>, vector<16xf32>,
    %add3A_351 = arith.addf %add3A_346, %get3A_350 : vector<16xf32>
    %get3A_352 = arith.constant 9 : i32
    %get3A_353 = arith.index_cast %get3A_352 : i32 to index
    %get3A_354 = arith.constant 48 : index
    %get3A_355 = tpu.vector_load %arg14[%get3A_353, %get3A_354] {strides = array<i32>} : memref<16x128xf32, #tpu.memory_space<vmem>>, vector<16xf32>,
    %add3A_356 = arith.addf %add3A_351, %get3A_355 : vector<16xf32>
    %get3A_357 = arith.constant 10 : i32
    %get3A_358 = arith.index_cast %get3A_357 : i32 to index
    %get3A_359 = arith.constant 48 : index
    %get3A_360 = tpu.vector_load %arg14[%get3A_358, %get3A_359] {strides = array<i32>} : memref<16x128xf32, #tpu.memory_space<vmem>>, vector<16xf32>,
    %add3A_361 = arith.addf %add3A_356, %get3A_360 : vector<16xf32>
    %get3A_362 = arith.constant 11 : i32
    %get3A_363 = arith.index_cast %get3A_362 : i32 to index
    %get3A_364 = arith.constant 48 : index
    %get3A_365 = tpu.vector_load %arg14[%get3A_363, %get3A_364] {strides = array<i32>} : memref<16x128xf32, #tpu.memory_space<vmem>>, vector<16xf32>,
    %add3A_366 = arith.addf %add3A_361, %get3A_365 : vector<16xf32>
    %get3A_367 = arith.constant 12 : i32
    %get3A_368 = arith.index_cast %get3A_367 : i32 to index
    %get3A_369 = arith.constant 48 : index
    %get3A_370 = tpu.vector_load %arg14[%get3A_368, %get3A_369] {strides = array<i32>} : memref<16x128xf32, #tpu.memory_space<vmem>>, vector<16xf32>,
    %add3A_371 = arith.addf %add3A_366, %get3A_370 : vector<16xf32>
    %get3A_372 = arith.constant 13 : i32
    %get3A_373 = arith.index_cast %get3A_372 : i32 to index
    %get3A_374 = arith.constant 48 : index
    %get3A_375 = tpu.vector_load %arg14[%get3A_373, %get3A_374] {strides = array<i32>} : memref<16x128xf32, #tpu.memory_space<vmem>>, vector<16xf32>,
    %add3A_376 = arith.addf %add3A_371, %get3A_375 : vector<16xf32>
    %get3A_377 = arith.constant 14 : i32
    %get3A_378 = arith.index_cast %get3A_377 : i32 to index
    %get3A_379 = arith.constant 48 : index
    %get3A_380 = tpu.vector_load %arg14[%get3A_378, %get3A_379] {strides = array<i32>} : memref<16x128xf32, #tpu.memory_space<vmem>>, vector<16xf32>,
    %add3A_381 = arith.addf %add3A_376, %get3A_380 : vector<16xf32>
    %get3A_382 = arith.constant 15 : i32
    %get3A_383 = arith.index_cast %get3A_382 : i32 to index
    %get3A_384 = arith.constant 48 : index
    %get3A_385 = tpu.vector_load %arg14[%get3A_383, %get3A_384] {strides = array<i32>} : memref<16x128xf32, #tpu.memory_space<vmem>>, vector<16xf32>,
    %add3A_386 = arith.addf %add3A_381, %get3A_385 : vector<16xf32>
    %swap3A_387 = arith.constant 48 : index
    %swap3A_388 = tpu.vector_load %arg13[%swap3A_387] {strides = array<i32>} : memref<128xf32, #tpu.memory_space<vmem>>, vector<16xf32>,
    tpu.vector_store %arg13[%swap3A_387], %add3A_386 {strides = array<i32>} : memref<128xf32, #tpu.memory_space<vmem>>, vector<16xf32>,
    %get3A_389 = arith.constant 0 : i32
    %get3A_390 = arith.index_cast %get3A_389 : i32 to index
    %get3A_391 = arith.constant 64 : index
    %get3A_392 = tpu.vector_load %arg14[%get3A_390, %get3A_391] {strides = array<i32>} : memref<16x128xf32, #tpu.memory_space<vmem>>, vector<16xf32>,
    %add3A_393 = arith.addf %broadcast_in_dim3A_1, %get3A_392 : vector<16xf32>
    %get3A_394 = arith.constant 1 : i32
    %get3A_395 = arith.index_cast %get3A_394 : i32 to index
    %get3A_396 = arith.constant 64 : index
    %get3A_397 = tpu.vector_load %arg14[%get3A_395, %get3A_396] {strides = array<i32>} : memref<16x128xf32, #tpu.memory_space<vmem>>, vector<16xf32>,
    %add3A_398 = arith.addf %add3A_393, %get3A_397 : vector<16xf32>
    %get3A_399 = arith.constant 2 : i32
    %get3A_400 = arith.index_cast %get3A_399 : i32 to index
    %get3A_401 = arith.constant 64 : index
    %get3A_402 = tpu.vector_load %arg14[%get3A_400, %get3A_401] {strides = array<i32>} : memref<16x128xf32, #tpu.memory_space<vmem>>, vector<16xf32>,
    %add3A_403 = arith.addf %add3A_398, %get3A_402 : vector<16xf32>
    %get3A_404 = arith.constant 3 : i32
    %get3A_405 = arith.index_cast %get3A_404 : i32 to index
    %get3A_406 = arith.constant 64 : index
    %get3A_407 = tpu.vector_load %arg14[%get3A_405, %get3A_406] {strides = array<i32>} : memref<16x128xf32, #tpu.memory_space<vmem>>, vector<16xf32>,
    %add3A_408 = arith.addf %add3A_403, %get3A_407 : vector<16xf32>
    %get3A_409 = arith.constant 4 : i32
    %get3A_410 = arith.index_cast %get3A_409 : i32 to index
    %get3A_411 = arith.constant 64 : index
    %get3A_412 = tpu.vector_load %arg14[%get3A_410, %get3A_411] {strides = array<i32>} : memref<16x128xf32, #tpu.memory_space<vmem>>, vector<16xf32>,
    %add3A_413 = arith.addf %add3A_408, %get3A_412 : vector<16xf32>
    %get3A_414 = arith.constant 5 : i32
    %get3A_415 = arith.index_cast %get3A_414 : i32 to index
    %get3A_416 = arith.constant 64 : index
    %get3A_417 = tpu.vector_load %arg14[%get3A_415, %get3A_416] {strides = array<i32>} : memref<16x128xf32, #tpu.memory_space<vmem>>, vector<16xf32>,
    %add3A_418 = arith.addf %add3A_413, %get3A_417 : vector<16xf32>
    %get3A_419 = arith.constant 6 : i32
    %get3A_420 = arith.index_cast %get3A_419 : i32 to index
    %get3A_421 = arith.constant 64 : index
    %get3A_422 = tpu.vector_load %arg14[%get3A_420, %get3A_421] {strides = array<i32>} : memref<16x128xf32, #tpu.memory_space<vmem>>, vector<16xf32>,
    %add3A_423 = arith.addf %add3A_418, %get3A_422 : vector<16xf32>
    %get3A_424 = arith.constant 7 : i32
    %get3A_425 = arith.index_cast %get3A_424 : i32 to index
    %get3A_426 = arith.constant 64 : index
    %get3A_427 = tpu.vector_load %arg14[%get3A_425, %get3A_426] {strides = array<i32>} : memref<16x128xf32, #tpu.memory_space<vmem>>, vector<16xf32>,
    %add3A_428 = arith.addf %add3A_423, %get3A_427 : vector<16xf32>
    %get3A_429 = arith.constant 8 : i32
    %get3A_430 = arith.index_cast %get3A_429 : i32 to index
    %get3A_431 = arith.constant 64 : index
    %get3A_432 = tpu.vector_load %arg14[%get3A_430, %get3A_431] {strides = array<i32>} : memref<16x128xf32, #tpu.memory_space<vmem>>, vector<16xf32>,
    %add3A_433 = arith.addf %add3A_428, %get3A_432 : vector<16xf32>
    %get3A_434 = arith.constant 9 : i32
    %get3A_435 = arith.index_cast %get3A_434 : i32 to index
    %get3A_436 = arith.constant 64 : index
    %get3A_437 = tpu.vector_load %arg14[%get3A_435, %get3A_436] {strides = array<i32>} : memref<16x128xf32, #tpu.memory_space<vmem>>, vector<16xf32>,
    %add3A_438 = arith.addf %add3A_433, %get3A_437 : vector<16xf32>
    %get3A_439 = arith.constant 10 : i32
    %get3A_440 = arith.index_cast %get3A_439 : i32 to index
    %get3A_441 = arith.constant 64 : index
    %get3A_442 = tpu.vector_load %arg14[%get3A_440, %get3A_441] {strides = array<i32>} : memref<16x128xf32, #tpu.memory_space<vmem>>, vector<16xf32>,
    %add3A_443 = arith.addf %add3A_438, %get3A_442 : vector<16xf32>
    %get3A_444 = arith.constant 11 : i32
    %get3A_445 = arith.index_cast %get3A_444 : i32 to index
    %get3A_446 = arith.constant 64 : index
    %get3A_447 = tpu.vector_load %arg14[%get3A_445, %get3A_446] {strides = array<i32>} : memref<16x128xf32, #tpu.memory_space<vmem>>, vector<16xf32>,
    %add3A_448 = arith.addf %add3A_443, %get3A_447 : vector<16xf32>
    %get3A_449 = arith.constant 12 : i32
    %get3A_450 = arith.index_cast %get3A_449 : i32 to index
    %get3A_451 = arith.constant 64 : index
    %get3A_452 = tpu.vector_load %arg14[%get3A_450, %get3A_451] {strides = array<i32>} : memref<16x128xf32, #tpu.memory_space<vmem>>, vector<16xf32>,
    %add3A_453 = arith.addf %add3A_448, %get3A_452 : vector<16xf32>
    %get3A_454 = arith.constant 13 : i32
    %get3A_455 = arith.index_cast %get3A_454 : i32 to index
    %get3A_456 = arith.constant 64 : index
    %get3A_457 = tpu.vector_load %arg14[%get3A_455, %get3A_456] {strides = array<i32>} : memref<16x128xf32, #tpu.memory_space<vmem>>, vector<16xf32>,
    %add3A_458 = arith.addf %add3A_453, %get3A_457 : vector<16xf32>
    %get3A_459 = arith.constant 14 : i32
    %get3A_460 = arith.index_cast %get3A_459 : i32 to index
    %get3A_461 = arith.constant 64 : index
    %get3A_462 = tpu.vector_load %arg14[%get3A_460, %get3A_461] {strides = array<i32>} : memref<16x128xf32, #tpu.memory_space<vmem>>, vector<16xf32>,
    %add3A_463 = arith.addf %add3A_458, %get3A_462 : vector<16xf32>
    %get3A_464 = arith.constant 15 : i32
    %get3A_465 = arith.index_cast %get3A_464 : i32 to index
    %get3A_466 = arith.constant 64 : index
    %get3A_467 = tpu.vector_load %arg14[%get3A_465, %get3A_466] {strides = array<i32>} : memref<16x128xf32, #tpu.memory_space<vmem>>, vector<16xf32>,
    %add3A_468 = arith.addf %add3A_463, %get3A_467 : vector<16xf32>
    %swap3A_469 = arith.constant 64 : index
    %swap3A_470 = tpu.vector_load %arg13[%swap3A_469] {strides = array<i32>} : memref<128xf32, #tpu.memory_space<vmem>>, vector<16xf32>,
    tpu.vector_store %arg13[%swap3A_469], %add3A_468 {strides = array<i32>} : memref<128xf32, #tpu.memory_space<vmem>>, vector<16xf32>,
    %get3A_471 = arith.constant 0 : i32
    %get3A_472 = arith.index_cast %get3A_471 : i32 to index
    %get3A_473 = arith.constant 80 : index
    %get3A_474 = tpu.vector_load %arg14[%get3A_472, %get3A_473] {strides = array<i32>} : memref<16x128xf32, #tpu.memory_space<vmem>>, vector<16xf32>,
    %add3A_475 = arith.addf %broadcast_in_dim3A_1, %get3A_474 : vector<16xf32>
    %get3A_476 = arith.constant 1 : i32
    %get3A_477 = arith.index_cast %get3A_476 : i32 to index
    %get3A_478 = arith.constant 80 : index
    %get3A_479 = tpu.vector_load %arg14[%get3A_477, %get3A_478] {strides = array<i32>} : memref<16x128xf32, #tpu.memory_space<vmem>>, vector<16xf32>,
    %add3A_480 = arith.addf %add3A_475, %get3A_479 : vector<16xf32>
    %get3A_481 = arith.constant 2 : i32
    %get3A_482 = arith.index_cast %get3A_481 : i32 to index
    %get3A_483 = arith.constant 80 : index
    %get3A_484 = tpu.vector_load %arg14[%get3A_482, %get3A_483] {strides = array<i32>} : memref<16x128xf32, #tpu.memory_space<vmem>>, vector<16xf32>,
    %add3A_485 = arith.addf %add3A_480, %get3A_484 : vector<16xf32>
    %get3A_486 = arith.constant 3 : i32
    %get3A_487 = arith.index_cast %get3A_486 : i32 to index
    %get3A_488 = arith.constant 80 : index
    %get3A_489 = tpu.vector_load %arg14[%get3A_487, %get3A_488] {strides = array<i32>} : memref<16x128xf32, #tpu.memory_space<vmem>>, vector<16xf32>,
    %add3A_490 = arith.addf %add3A_485, %get3A_489 : vector<16xf32>
    %get3A_491 = arith.constant 4 : i32
    %get3A_492 = arith.index_cast %get3A_491 : i32 to index
    %get3A_493 = arith.constant 80 : index
    %get3A_494 = tpu.vector_load %arg14[%get3A_492, %get3A_493] {strides = array<i32>} : memref<16x128xf32, #tpu.memory_space<vmem>>, vector<16xf32>,
    %add3A_495 = arith.addf %add3A_490, %get3A_494 : vector<16xf32>
    %get3A_496 = arith.constant 5 : i32
    %get3A_497 = arith.index_cast %get3A_496 : i32 to index
    %get3A_498 = arith.constant 80 : index
    %get3A_499 = tpu.vector_load %arg14[%get3A_497, %get3A_498] {strides = array<i32>} : memref<16x128xf32, #tpu.memory_space<vmem>>, vector<16xf32>,
    %add3A_500 = arith.addf %add3A_495, %get3A_499 : vector<16xf32>
    %get3A_501 = arith.constant 6 : i32
    %get3A_502 = arith.index_cast %get3A_501 : i32 to index
    %get3A_503 = arith.constant 80 : index
    %get3A_504 = tpu.vector_load %arg14[%get3A_502, %get3A_503] {strides = array<i32>} : memref<16x128xf32, #tpu.memory_space<vmem>>, vector<16xf32>,
    %add3A_505 = arith.addf %add3A_500, %get3A_504 : vector<16xf32>
    %get3A_506 = arith.constant 7 : i32
    %get3A_507 = arith.index_cast %get3A_506 : i32 to index
    %get3A_508 = arith.constant 80 : index
    %get3A_509 = tpu.vector_load %arg14[%get3A_507, %get3A_508] {strides = array<i32>} : memref<16x128xf32, #tpu.memory_space<vmem>>, vector<16xf32>,
    %add3A_510 = arith.addf %add3A_505, %get3A_509 : vector<16xf32>
    %get3A_511 = arith.constant 8 : i32
    %get3A_512 = arith.index_cast %get3A_511 : i32 to index
    %get3A_513 = arith.constant 80 : index
    %get3A_514 = tpu.vector_load %arg14[%get3A_512, %get3A_513] {strides = array<i32>} : memref<16x128xf32, #tpu.memory_space<vmem>>, vector<16xf32>,
    %add3A_515 = arith.addf %add3A_510, %get3A_514 : vector<16xf32>
    %get3A_516 = arith.constant 9 : i32
    %get3A_517 = arith.index_cast %get3A_516 : i32 to index
    %get3A_518 = arith.constant 80 : index
    %get3A_519 = tpu.vector_load %arg14[%get3A_517, %get3A_518] {strides = array<i32>} : memref<16x128xf32, #tpu.memory_space<vmem>>, vector<16xf32>,
    %add3A_520 = arith.addf %add3A_515, %get3A_519 : vector<16xf32>
    %get3A_521 = arith.constant 10 : i32
    %get3A_522 = arith.index_cast %get3A_521 : i32 to index
    %get3A_523 = arith.constant 80 : index
    %get3A_524 = tpu.vector_load %arg14[%get3A_522, %get3A_523] {strides = array<i32>} : memref<16x128xf32, #tpu.memory_space<vmem>>, vector<16xf32>,
    %add3A_525 = arith.addf %add3A_520, %get3A_524 : vector<16xf32>
    %get3A_526 = arith.constant 11 : i32
    %get3A_527 = arith.index_cast %get3A_526 : i32 to index
    %get3A_528 = arith.constant 80 : index
    %get3A_529 = tpu.vector_load %arg14[%get3A_527, %get3A_528] {strides = array<i32>} : memref<16x128xf32, #tpu.memory_space<vmem>>, vector<16xf32>,
    %add3A_530 = arith.addf %add3A_525, %get3A_529 : vector<16xf32>
    %get3A_531 = arith.constant 12 : i32
    %get3A_532 = arith.index_cast %get3A_531 : i32 to index
    %get3A_533 = arith.constant 80 : index
    %get3A_534 = tpu.vector_load %arg14[%get3A_532, %get3A_533] {strides = array<i32>} : memref<16x128xf32, #tpu.memory_space<vmem>>, vector<16xf32>,
    %add3A_535 = arith.addf %add3A_530, %get3A_534 : vector<16xf32>
    %get3A_536 = arith.constant 13 : i32
    %get3A_537 = arith.index_cast %get3A_536 : i32 to index
    %get3A_538 = arith.constant 80 : index
    %get3A_539 = tpu.vector_load %arg14[%get3A_537, %get3A_538] {strides = array<i32>} : memref<16x128xf32, #tpu.memory_space<vmem>>, vector<16xf32>,
    %add3A_540 = arith.addf %add3A_535, %get3A_539 : vector<16xf32>
    %get3A_541 = arith.constant 14 : i32
    %get3A_542 = arith.index_cast %get3A_541 : i32 to index
    %get3A_543 = arith.constant 80 : index
    %get3A_544 = tpu.vector_load %arg14[%get3A_542, %get3A_543] {strides = array<i32>} : memref<16x128xf32, #tpu.memory_space<vmem>>, vector<16xf32>,
    %add3A_545 = arith.addf %add3A_540, %get3A_544 : vector<16xf32>
    %get3A_546 = arith.constant 15 : i32
    %get3A_547 = arith.index_cast %get3A_546 : i32 to index
    %get3A_548 = arith.constant 80 : index
    %get3A_549 = tpu.vector_load %arg14[%get3A_547, %get3A_548] {strides = array<i32>} : memref<16x128xf32, #tpu.memory_space<vmem>>, vector<16xf32>,
    %add3A_550 = arith.addf %add3A_545, %get3A_549 : vector<16xf32>
    %swap3A_551 = arith.constant 80 : index
    %swap3A_552 = tpu.vector_load %arg13[%swap3A_551] {strides = array<i32>} : memref<128xf32, #tpu.memory_space<vmem>>, vector<16xf32>,
    tpu.vector_store %arg13[%swap3A_551], %add3A_550 {strides = array<i32>} : memref<128xf32, #tpu.memory_space<vmem>>, vector<16xf32>,
    %get3A_553 = arith.constant 0 : i32
    %get3A_554 = arith.index_cast %get3A_553 : i32 to index
    %get3A_555 = arith.constant 96 : index
    %get3A_556 = tpu.vector_load %arg14[%get3A_554, %get3A_555] {strides = array<i32>} : memref<16x128xf32, #tpu.memory_space<vmem>>, vector<16xf32>,
    %add3A_557 = arith.addf %broadcast_in_dim3A_1, %get3A_556 : vector<16xf32>
    %get3A_558 = arith.constant 1 : i32
    %get3A_559 = arith.index_cast %get3A_558 : i32 to index
    %get3A_560 = arith.constant 96 : index
    %get3A_561 = tpu.vector_load %arg14[%get3A_559, %get3A_560] {strides = array<i32>} : memref<16x128xf32, #tpu.memory_space<vmem>>, vector<16xf32>,
    %add3A_562 = arith.addf %add3A_557, %get3A_561 : vector<16xf32>
    %get3A_563 = arith.constant 2 : i32
    %get3A_564 = arith.index_cast %get3A_563 : i32 to index
    %get3A_565 = arith.constant 96 : index
    %get3A_566 = tpu.vector_load %arg14[%get3A_564, %get3A_565] {strides = array<i32>} : memref<16x128xf32, #tpu.memory_space<vmem>>, vector<16xf32>,
    %add3A_567 = arith.addf %add3A_562, %get3A_566 : vector<16xf32>
    %get3A_568 = arith.constant 3 : i32
    %get3A_569 = arith.index_cast %get3A_568 : i32 to index
    %get3A_570 = arith.constant 96 : index
    %get3A_571 = tpu.vector_load %arg14[%get3A_569, %get3A_570] {strides = array<i32>} : memref<16x128xf32, #tpu.memory_space<vmem>>, vector<16xf32>,
    %add3A_572 = arith.addf %add3A_567, %get3A_571 : vector<16xf32>
    %get3A_573 = arith.constant 4 : i32
    %get3A_574 = arith.index_cast %get3A_573 : i32 to index
    %get3A_575 = arith.constant 96 : index
    %get3A_576 = tpu.vector_load %arg14[%get3A_574, %get3A_575] {strides = array<i32>} : memref<16x128xf32, #tpu.memory_space<vmem>>, vector<16xf32>,
    %add3A_577 = arith.addf %add3A_572, %get3A_576 : vector<16xf32>
    %get3A_578 = arith.constant 5 : i32
    %get3A_579 = arith.index_cast %get3A_578 : i32 to index
    %get3A_580 = arith.constant 96 : index
    %get3A_581 = tpu.vector_load %arg14[%get3A_579, %get3A_580] {strides = array<i32>} : memref<16x128xf32, #tpu.memory_space<vmem>>, vector<16xf32>,
    %add3A_582 = arith.addf %add3A_577, %get3A_581 : vector<16xf32>
    %get3A_583 = arith.constant 6 : i32
    %get3A_584 = arith.index_cast %get3A_583 : i32 to index
    %get3A_585 = arith.constant 96 : index
    %get3A_586 = tpu.vector_load %arg14[%get3A_584, %get3A_585] {strides = array<i32>} : memref<16x128xf32, #tpu.memory_space<vmem>>, vector<16xf32>,
    %add3A_587 = arith.addf %add3A_582, %get3A_586 : vector<16xf32>
    %get3A_588 = arith.constant 7 : i32
    %get3A_589 = arith.index_cast %get3A_588 : i32 to index
    %get3A_590 = arith.constant 96 : index
    %get3A_591 = tpu.vector_load %arg14[%get3A_589, %get3A_590] {strides = array<i32>} : memref<16x128xf32, #tpu.memory_space<vmem>>, vector<16xf32>,
    %add3A_592 = arith.addf %add3A_587, %get3A_591 : vector<16xf32>
    %get3A_593 = arith.constant 8 : i32
    %get3A_594 = arith.index_cast %get3A_593 : i32 to index
    %get3A_595 = arith.constant 96 : index
    %get3A_596 = tpu.vector_load %arg14[%get3A_594, %get3A_595] {strides = array<i32>} : memref<16x128xf32, #tpu.memory_space<vmem>>, vector<16xf32>,
    %add3A_597 = arith.addf %add3A_592, %get3A_596 : vector<16xf32>
    %get3A_598 = arith.constant 9 : i32
    %get3A_599 = arith.index_cast %get3A_598 : i32 to index
    %get3A_600 = arith.constant 96 : index
    %get3A_601 = tpu.vector_load %arg14[%get3A_599, %get3A_600] {strides = array<i32>} : memref<16x128xf32, #tpu.memory_space<vmem>>, vector<16xf32>,
    %add3A_602 = arith.addf %add3A_597, %get3A_601 : vector<16xf32>
    %get3A_603 = arith.constant 10 : i32
    %get3A_604 = arith.index_cast %get3A_603 : i32 to index
    %get3A_605 = arith.constant 96 : index
    %get3A_606 = tpu.vector_load %arg14[%get3A_604, %get3A_605] {strides = array<i32>} : memref<16x128xf32, #tpu.memory_space<vmem>>, vector<16xf32>,
    %add3A_607 = arith.addf %add3A_602, %get3A_606 : vector<16xf32>
    %get3A_608 = arith.constant 11 : i32
    %get3A_609 = arith.index_cast %get3A_608 : i32 to index
    %get3A_610 = arith.constant 96 : index
    %get3A_611 = tpu.vector_load %arg14[%get3A_609, %get3A_610] {strides = array<i32>} : memref<16x128xf32, #tpu.memory_space<vmem>>, vector<16xf32>,
    %add3A_612 = arith.addf %add3A_607, %get3A_611 : vector<16xf32>
    %get3A_613 = arith.constant 12 : i32
    %get3A_614 = arith.index_cast %get3A_613 : i32 to index
    %get3A_615 = arith.constant 96 : index
    %get3A_616 = tpu.vector_load %arg14[%get3A_614, %get3A_615] {strides = array<i32>} : memref<16x128xf32, #tpu.memory_space<vmem>>, vector<16xf32>,
    %add3A_617 = arith.addf %add3A_612, %get3A_616 : vector<16xf32>
    %get3A_618 = arith.constant 13 : i32
    %get3A_619 = arith.index_cast %get3A_618 : i32 to index
    %get3A_620 = arith.constant 96 : index
    %get3A_621 = tpu.vector_load %arg14[%get3A_619, %get3A_620] {strides = array<i32>} : memref<16x128xf32, #tpu.memory_space<vmem>>, vector<16xf32>,
    %add3A_622 = arith.addf %add3A_617, %get3A_621 : vector<16xf32>
    %get3A_623 = arith.constant 14 : i32
    %get3A_624 = arith.index_cast %get3A_623 : i32 to index
    %get3A_625 = arith.constant 96 : index
    %get3A_626 = tpu.vector_load %arg14[%get3A_624, %get3A_625] {strides = array<i32>} : memref<16x128xf32, #tpu.memory_space<vmem>>, vector<16xf32>,
    %add3A_627 = arith.addf %add3A_622, %get3A_626 : vector<16xf32>
    %get3A_628 = arith.constant 15 : i32
    %get3A_629 = arith.index_cast %get3A_628 : i32 to index
    %get3A_630 = arith.constant 96 : index
    %get3A_631 = tpu.vector_load %arg14[%get3A_629, %get3A_630] {strides = array<i32>} : memref<16x128xf32, #tpu.memory_space<vmem>>, vector<16xf32>,
    %add3A_632 = arith.addf %add3A_627, %get3A_631 : vector<16xf32>
    %swap3A_633 = arith.constant 96 : index
    %swap3A_634 = tpu.vector_load %arg13[%swap3A_633] {strides = array<i32>} : memref<128xf32, #tpu.memory_space<vmem>>, vector<16xf32>,
    tpu.vector_store %arg13[%swap3A_633], %add3A_632 {strides = array<i32>} : memref<128xf32, #tpu.memory_space<vmem>>, vector<16xf32>,
    %get3A_635 = arith.constant 0 : i32
    %get3A_636 = arith.index_cast %get3A_635 : i32 to index
    %get3A_637 = arith.constant 112 : index
    %get3A_638 = tpu.vector_load %arg14[%get3A_636, %get3A_637] {strides = array<i32>} : memref<16x128xf32, #tpu.memory_space<vmem>>, vector<16xf32>,
    %add3A_639 = arith.addf %broadcast_in_dim3A_1, %get3A_638 : vector<16xf32>
    %get3A_640 = arith.constant 1 : i32
    %get3A_641 = arith.index_cast %get3A_640 : i32 to index
    %get3A_642 = arith.constant 112 : index
    %get3A_643 = tpu.vector_load %arg14[%get3A_641, %get3A_642] {strides = array<i32>} : memref<16x128xf32, #tpu.memory_space<vmem>>, vector<16xf32>,
    %add3A_644 = arith.addf %add3A_639, %get3A_643 : vector<16xf32>
    %get3A_645 = arith.constant 2 : i32
    %get3A_646 = arith.index_cast %get3A_645 : i32 to index
    %get3A_647 = arith.constant 112 : index
    %get3A_648 = tpu.vector_load %arg14[%get3A_646, %get3A_647] {strides = array<i32>} : memref<16x128xf32, #tpu.memory_space<vmem>>, vector<16xf32>,
    %add3A_649 = arith.addf %add3A_644, %get3A_648 : vector<16xf32>
    %get3A_650 = arith.constant 3 : i32
    %get3A_651 = arith.index_cast %get3A_650 : i32 to index
    %get3A_652 = arith.constant 112 : index
    %get3A_653 = tpu.vector_load %arg14[%get3A_651, %get3A_652] {strides = array<i32>} : memref<16x128xf32, #tpu.memory_space<vmem>>, vector<16xf32>,
    %add3A_654 = arith.addf %add3A_649, %get3A_653 : vector<16xf32>
    %get3A_655 = arith.constant 4 : i32
    %get3A_656 = arith.index_cast %get3A_655 : i32 to index
    %get3A_657 = arith.constant 112 : index
    %get3A_658 = tpu.vector_load %arg14[%get3A_656, %get3A_657] {strides = array<i32>} : memref<16x128xf32, #tpu.memory_space<vmem>>, vector<16xf32>,
    %add3A_659 = arith.addf %add3A_654, %get3A_658 : vector<16xf32>
    %get3A_660 = arith.constant 5 : i32
    %get3A_661 = arith.index_cast %get3A_660 : i32 to index
    %get3A_662 = arith.constant 112 : index
    %get3A_663 = tpu.vector_load %arg14[%get3A_661, %get3A_662] {strides = array<i32>} : memref<16x128xf32, #tpu.memory_space<vmem>>, vector<16xf32>,
    %add3A_664 = arith.addf %add3A_659, %get3A_663 : vector<16xf32>
    %get3A_665 = arith.constant 6 : i32
    %get3A_666 = arith.index_cast %get3A_665 : i32 to index
    %get3A_667 = arith.constant 112 : index
    %get3A_668 = tpu.vector_load %arg14[%get3A_666, %get3A_667] {strides = array<i32>} : memref<16x128xf32, #tpu.memory_space<vmem>>, vector<16xf32>,
    %add3A_669 = arith.addf %add3A_664, %get3A_668 : vector<16xf32>
    %get3A_670 = arith.constant 7 : i32
    %get3A_671 = arith.index_cast %get3A_670 : i32 to index
    %get3A_672 = arith.constant 112 : index
    %get3A_673 = tpu.vector_load %arg14[%get3A_671, %get3A_672] {strides = array<i32>} : memref<16x128xf32, #tpu.memory_space<vmem>>, vector<16xf32>,
    %add3A_674 = arith.addf %add3A_669, %get3A_673 : vector<16xf32>
    %get3A_675 = arith.constant 8 : i32
    %get3A_676 = arith.index_cast %get3A_675 : i32 to index
    %get3A_677 = arith.constant 112 : index
    %get3A_678 = tpu.vector_load %arg14[%get3A_676, %get3A_677] {strides = array<i32>} : memref<16x128xf32, #tpu.memory_space<vmem>>, vector<16xf32>,
    %add3A_679 = arith.addf %add3A_674, %get3A_678 : vector<16xf32>
    %get3A_680 = arith.constant 9 : i32
    %get3A_681 = arith.index_cast %get3A_680 : i32 to index
    %get3A_682 = arith.constant 112 : index
    %get3A_683 = tpu.vector_load %arg14[%get3A_681, %get3A_682] {strides = array<i32>} : memref<16x128xf32, #tpu.memory_space<vmem>>, vector<16xf32>,
    %add3A_684 = arith.addf %add3A_679, %get3A_683 : vector<16xf32>
    %get3A_685 = arith.constant 10 : i32
    %get3A_686 = arith.index_cast %get3A_685 : i32 to index
    %get3A_687 = arith.constant 112 : index
    %get3A_688 = tpu.vector_load %arg14[%get3A_686, %get3A_687] {strides = array<i32>} : memref<16x128xf32, #tpu.memory_space<vmem>>, vector<16xf32>,
    %add3A_689 = arith.addf %add3A_684, %get3A_688 : vector<16xf32>
    %get3A_690 = arith.constant 11 : i32
    %get3A_691 = arith.index_cast %get3A_690 : i32 to index
    %get3A_692 = arith.constant 112 : index
    %get3A_693 = tpu.vector_load %arg14[%get3A_691, %get3A_692] {strides = array<i32>} : memref<16x128xf32, #tpu.memory_space<vmem>>, vector<16xf32>,
    %add3A_694 = arith.addf %add3A_689, %get3A_693 : vector<16xf32>
    %get3A_695 = arith.constant 12 : i32
    %get3A_696 = arith.index_cast %get3A_695 : i32 to index
    %get3A_697 = arith.constant 112 : index
    %get3A_698 = tpu.vector_load %arg14[%get3A_696, %get3A_697] {strides = array<i32>} : memref<16x128xf32, #tpu.memory_space<vmem>>, vector<16xf32>,
    %add3A_699 = arith.addf %add3A_694, %get3A_698 : vector<16xf32>
    %get3A_700 = arith.constant 13 : i32
    %get3A_701 = arith.index_cast %get3A_700 : i32 to index
    %get3A_702 = arith.constant 112 : index
    %get3A_703 = tpu.vector_load %arg14[%get3A_701, %get3A_702] {strides = array<i32>} : memref<16x128xf32, #tpu.memory_space<vmem>>, vector<16xf32>,
    %add3A_704 = arith.addf %add3A_699, %get3A_703 : vector<16xf32>
    %get3A_705 = arith.constant 14 : i32
    %get3A_706 = arith.index_cast %get3A_705 : i32 to index
    %get3A_707 = arith.constant 112 : index
    %get3A_708 = tpu.vector_load %arg14[%get3A_706, %get3A_707] {strides = array<i32>} : memref<16x128xf32, #tpu.memory_space<vmem>>, vector<16xf32>,
    %add3A_709 = arith.addf %add3A_704, %get3A_708 : vector<16xf32>
    %get3A_710 = arith.constant 15 : i32
    %get3A_711 = arith.index_cast %get3A_710 : i32 to index
    %get3A_712 = arith.constant 112 : index
    %get3A_713 = tpu.vector_load %arg14[%get3A_711, %get3A_712] {strides = array<i32>} : memref<16x128xf32, #tpu.memory_space<vmem>>, vector<16xf32>,
    %add3A_714 = arith.addf %add3A_709, %get3A_713 : vector<16xf32>
    %swap3A_715 = arith.constant 112 : index
    %swap3A_716 = tpu.vector_load %arg13[%swap3A_715] {strides = array<i32>} : memref<128xf32, #tpu.memory_space<vmem>>, vector<16xf32>,
    tpu.vector_store %arg13[%swap3A_715], %add3A_714 {strides = array<i32>} : memref<128xf32, #tpu.memory_space<vmem>>, vector<16xf32>,
    %mul3A_717 = arith.constant 320 : i32
    %mul3A_718 = arith.muli %add3A, %mul3A_717 : i32
    %lt3A = arith.constant 31 : i32
    %lt3A_719 = arith.cmpi slt, %add3A, %lt3A : i32
    %convert_element_type3A = arith.extui %lt3A_719 : i1 to i32
    %cond3A = arith.constant 0 : i32
    %cond3A_720 = arith.cmpi ne, %convert_element_type3A, %cond3A : i32
    scf.if %cond3A_720 {
      "tpu.region"() ({
        %run_scoped3A = tpu.sem_alloc : memref<!tpu.dma_semaphore, #tpu.memory_space<semaphore_mem>>
        %dma_start3A = arith.constant 0 : i32
        %dma_start3A_749 = arith.constant 0 : i32
        %dma_start3A_750 = tpu.memref_slice %arg11[%dma_start3A, %dma_start3A_749] : memref<512x128xf32, #tpu.memory_space<vmem>> -> memref<320x128xf32, #tpu.memory_space<vmem>>
        %dma_start3A_751 = arith.constant 0 : i32
        %dma_start3A_752 = tpu.memref_slice %arg2[%mul3A_718, %dma_start3A_751] : memref<10000x128xf32, #tpu.memory_space<hbm>> -> memref<320x128xf32, #tpu.memory_space<hbm>>
        %dma_start3A_753 = arith.constant 0 : i32
        %dma_start3A_754 = arith.constant 0 : i32
        %dma_start3A_755 = tpu.memref_slice %arg11[%dma_start3A_753, %dma_start3A_754] : memref<512x128xf32, #tpu.memory_space<vmem>> -> memref<320x128xf32, #tpu.memory_space<vmem>>
        %dma_start3A_756 = arith.constant 0 : i32
        %dma_start3A_757 = tpu.memref_slice %arg2[%mul3A_718, %dma_start3A_756] : memref<10000x128xf32, #tpu.memory_space<hbm>> -> memref<320x128xf32, #tpu.memory_space<hbm>>
        tpu.enqueue_dma source(%dma_start3A_757 : memref<320x128xf32, #tpu.memory_space<hbm>>) target(%dma_start3A_755 : memref<320x128xf32, #tpu.memory_space<vmem>>) target_semaphore(%run_scoped3A : memref<!tpu.dma_semaphore, #tpu.memory_space<semaphore_mem>>)
        %dma_wait3A = arith.constant 0 : i32
        %dma_wait3A_758 = arith.constant 0 : i32
        %dma_wait3A_759 = tpu.memref_slice %arg11[%dma_wait3A, %dma_wait3A_758] : memref<512x128xf32, #tpu.memory_space<vmem>> -> memref<320x128xf32, #tpu.memory_space<vmem>>
        %dma_wait3A_760 = arith.constant 0 : i32
        %dma_wait3A_761 = tpu.memref_slice %arg2[%mul3A_718, %dma_wait3A_760] : memref<10000x128xf32, #tpu.memory_space<hbm>> -> memref<320x128xf32, #tpu.memory_space<hbm>>
        %dma_wait3A_762 = arith.constant 0 : i32
        %dma_wait3A_763 = arith.constant 0 : i32
        %dma_wait3A_764 = tpu.memref_slice %arg11[%dma_wait3A_762, %dma_wait3A_763] : memref<512x128xf32, #tpu.memory_space<vmem>> -> memref<320x128xf32, #tpu.memory_space<vmem>>
        %dma_wait3A_765 = arith.constant 0 : i32
        %dma_wait3A_766 = tpu.memref_slice %arg2[%mul3A_718, %dma_wait3A_765] : memref<10000x128xf32, #tpu.memory_space<hbm>> -> memref<320x128xf32, #tpu.memory_space<hbm>>
        tpu.wait_dma2 semaphore(%run_scoped3A : memref<!tpu.dma_semaphore, #tpu.memory_space<semaphore_mem>>) src(%dma_wait3A_766 : memref<320x128xf32, #tpu.memory_space<hbm>>) dst(%dma_wait3A_764 : memref<320x128xf32, #tpu.memory_space<vmem>>)
        tpu.yield
      }) : () -> ()
    } else {
    }
    %eq3A = arith.constant 31 : i32
    %eq3A_721 = arith.cmpi eq, %add3A, %eq3A : i32
    %convert_element_type3A_722 = arith.extui %eq3A_721 : i1 to i32
    %cond3A_723 = arith.constant 0 : i32
    %cond3A_724 = arith.cmpi ne, %convert_element_type3A_722, %cond3A_723 : i32
    scf.if %cond3A_724 {
      "tpu.region"() ({
        %run_scoped3A = tpu.sem_alloc : memref<!tpu.dma_semaphore, #tpu.memory_space<semaphore_mem>>
        %dma_start3A = arith.constant 0 : i32
        %dma_start3A_749 = arith.constant 0 : i32
        %dma_start3A_750 = tpu.memref_slice %arg11[%dma_start3A, %dma_start3A_749] : memref<512x128xf32, #tpu.memory_space<vmem>> -> memref<80x128xf32, #tpu.memory_space<vmem>>
        %dma_start3A_751 = arith.constant 9920 : i32
        %dma_start3A_752 = arith.constant 0 : i32
        %dma_start3A_753 = tpu.memref_slice %arg2[%dma_start3A_751, %dma_start3A_752] : memref<10000x128xf32, #tpu.memory_space<hbm>> -> memref<80x128xf32, #tpu.memory_space<hbm>>
        %dma_start3A_754 = arith.constant 0 : i32
        %dma_start3A_755 = arith.constant 0 : i32
        %dma_start3A_756 = tpu.memref_slice %arg11[%dma_start3A_754, %dma_start3A_755] : memref<512x128xf32, #tpu.memory_space<vmem>> -> memref<80x128xf32, #tpu.memory_space<vmem>>
        %dma_start3A_757 = arith.constant 9920 : i32
        %dma_start3A_758 = arith.constant 0 : i32
        %dma_start3A_759 = tpu.memref_slice %arg2[%dma_start3A_757, %dma_start3A_758] : memref<10000x128xf32, #tpu.memory_space<hbm>> -> memref<80x128xf32, #tpu.memory_space<hbm>>
        tpu.enqueue_dma source(%dma_start3A_759 : memref<80x128xf32, #tpu.memory_space<hbm>>) target(%dma_start3A_756 : memref<80x128xf32, #tpu.memory_space<vmem>>) target_semaphore(%run_scoped3A : memref<!tpu.dma_semaphore, #tpu.memory_space<semaphore_mem>>)
        %dma_wait3A = arith.constant 0 : i32
        %dma_wait3A_760 = arith.constant 0 : i32
        %dma_wait3A_761 = tpu.memref_slice %arg11[%dma_wait3A, %dma_wait3A_760] : memref<512x128xf32, #tpu.memory_space<vmem>> -> memref<80x128xf32, #tpu.memory_space<vmem>>
        %dma_wait3A_762 = arith.constant 9920 : i32
        %dma_wait3A_763 = arith.constant 0 : i32
        %dma_wait3A_764 = tpu.memref_slice %arg2[%dma_wait3A_762, %dma_wait3A_763] : memref<10000x128xf32, #tpu.memory_space<hbm>> -> memref<80x128xf32, #tpu.memory_space<hbm>>
        %dma_wait3A_765 = arith.constant 0 : i32
        %dma_wait3A_766 = arith.constant 0 : i32
        %dma_wait3A_767 = tpu.memref_slice %arg11[%dma_wait3A_765, %dma_wait3A_766] : memref<512x128xf32, #tpu.memory_space<vmem>> -> memref<80x128xf32, #tpu.memory_space<vmem>>
        %dma_wait3A_768 = arith.constant 9920 : i32
        %dma_wait3A_769 = arith.constant 0 : i32
        %dma_wait3A_770 = tpu.memref_slice %arg2[%dma_wait3A_768, %dma_wait3A_769] : memref<10000x128xf32, #tpu.memory_space<hbm>> -> memref<80x128xf32, #tpu.memory_space<hbm>>
        tpu.wait_dma2 semaphore(%run_scoped3A : memref<!tpu.dma_semaphore, #tpu.memory_space<semaphore_mem>>) src(%dma_wait3A_770 : memref<80x128xf32, #tpu.memory_space<hbm>>) dst(%dma_wait3A_767 : memref<80x128xf32, #tpu.memory_space<vmem>>)
        tpu.yield
      }) : () -> ()
    } else {
    }
    %eq3A_725 = arith.constant 31 : i32
    %eq3A_726 = arith.cmpi eq, %add3A, %eq3A_725 : i32
    %jit3A = arith.constant 5 : i32
    %jit3A_727 = arith.constant 20 : i32
    %select_n3A = arith.select %eq3A_726, %jit3A, %jit3A_727 : i32
    %while3A = arith.constant 0 : i32
    %while3A_728 = arith.constant 0 : i32
    %while3A_729 = arith.subi %select_n3A, %while3A : i32
    %while3A_730 = arith.addi %while3A, %while3A_729 : i32
    %while3A_731 = arith.constant 1 : i32
    %while3A_732 = arith.divsi %while3A_729, %while3A_731 : i32
    %while3A_733 = arith.muli %while3A_732, %while3A_731 : i32
    %while3A_734 = arith.addi %while3A, %while3A_733 : i32
    %while3A_735 = arith.constant 1 : i32
    %while3A_736 = scf.for %while3A_749 = %while3A to %while3A_734 step %while3A_735 iter_args(%while3A_750 = %while3A_728) -> (i32)  : i32 {
      %mul3A_751 = arith.constant 16 : i32
      %mul3A_752 = arith.muli %while3A_749, %mul3A_751 : i32
      %add3A_753 = vector.broadcast %mul3A_752 : i32 to vector<16xi32>
      %add3A_754 = arith.addi %add3A_753, %iota3A : vector<16xi32>
      %scan3A_755 = arith.constant 0 : i32
      %scan3A_756 = arith.constant 8 : i32
      %scan3A_757 = arith.addi %scan3A_755, %scan3A_756 : i32
      %scan3A_758 = arith.constant 1 : i32
      %scan3A_759:2 = scf.for %scan3A_801 = %scan3A_755 to %scan3A_757 step %scan3A_758 iter_args(%scan3A_802 = %broadcast_in_dim3A_1, %scan3A_803 = %broadcast_in_dim3A_1) -> (vector<16xf32>, vector<16xf32>)  : i32 {
        %mul3A_804 = arith.constant 16 : i32
        %mul3A_805 = arith.muli %scan3A_801, %mul3A_804 : i32
        %get3A_806 = arith.index_cast %mul3A_805 : i32 to index
        %get3A_807 = tpu.vector_load %arg13[%get3A_806] {strides = array<i32>} : memref<128xf32, #tpu.memory_space<vmem>>, vector<16xf32>,
        %mul3A_808 = arith.constant 16 : i32
        %mul3A_809 = arith.muli %scan3A_801, %mul3A_808 : i32
        %add3A_810 = arith.constant 0 : i32
        %add3A_811 = arith.addi %mul3A_809, %add3A_810 : i32
        %broadcast_in_dim3A_812 = vector.broadcast %add3A_811 : i32 to vector<16xi32>
        %gather3A = tpu.vector_load_idx %arg11[%add3A_754, %broadcast_in_dim3A_812] : memref<512x128xf32, #tpu.memory_space<vmem>>[vector<16xi32>, vector<16xi32>], vector<16xf32>,
        %slice3A = vector.extract_strided_slice %get3A_807 {offsets = [0], sizes = [1], strides = [1]} : vector<16xf32> to vector<1xf32>
        %squeeze3A = vector.extract %slice3A[0] : f32 from vector<1xf32>
        %broadcast_in_dim3A_813 = vector.broadcast %squeeze3A : f32 to vector<16xf32>
        %mul3A_814 = arith.mulf %gather3A, %broadcast_in_dim3A_813 : vector<16xf32>
        %add3A_815 = arith.addf %scan3A_802, %mul3A_814 : vector<16xf32>
        %mul3A_816 = arith.mulf %gather3A, %gather3A : vector<16xf32>
        %add3A_817 = arith.addf %scan3A_803, %mul3A_816 : vector<16xf32>
        %mul3A_818 = arith.constant 16 : i32
        %mul3A_819 = arith.muli %scan3A_801, %mul3A_818 : i32
        %add3A_820 = arith.constant 1 : i32
        %add3A_821 = arith.addi %mul3A_819, %add3A_820 : i32
        %broadcast_in_dim3A_822 = vector.broadcast %add3A_821 : i32 to vector<16xi32>
        %gather3A_823 = tpu.vector_load_idx %arg11[%add3A_754, %broadcast_in_dim3A_822] : memref<512x128xf32, #tpu.memory_space<vmem>>[vector<16xi32>, vector<16xi32>], vector<16xf32>,
        %slice3A_824 = vector.extract_strided_slice %get3A_807 {offsets = [1], sizes = [1], strides = [1]} : vector<16xf32> to vector<1xf32>
        %squeeze3A_825 = vector.extract %slice3A_824[0] : f32 from vector<1xf32>
        %broadcast_in_dim3A_826 = vector.broadcast %squeeze3A_825 : f32 to vector<16xf32>
        %mul3A_827 = arith.mulf %gather3A_823, %broadcast_in_dim3A_826 : vector<16xf32>
        %add3A_828 = arith.addf %add3A_815, %mul3A_827 : vector<16xf32>
        %mul3A_829 = arith.mulf %gather3A_823, %gather3A_823 : vector<16xf32>
        %add3A_830 = arith.addf %add3A_817, %mul3A_829 : vector<16xf32>
        %mul3A_831 = arith.constant 16 : i32
        %mul3A_832 = arith.muli %scan3A_801, %mul3A_831 : i32
        %add3A_833 = arith.constant 2 : i32
        %add3A_834 = arith.addi %mul3A_832, %add3A_833 : i32
        %broadcast_in_dim3A_835 = vector.broadcast %add3A_834 : i32 to vector<16xi32>
        %gather3A_836 = tpu.vector_load_idx %arg11[%add3A_754, %broadcast_in_dim3A_835] : memref<512x128xf32, #tpu.memory_space<vmem>>[vector<16xi32>, vector<16xi32>], vector<16xf32>,
        %slice3A_837 = vector.extract_strided_slice %get3A_807 {offsets = [2], sizes = [1], strides = [1]} : vector<16xf32> to vector<1xf32>
        %squeeze3A_838 = vector.extract %slice3A_837[0] : f32 from vector<1xf32>
        %broadcast_in_dim3A_839 = vector.broadcast %squeeze3A_838 : f32 to vector<16xf32>
        %mul3A_840 = arith.mulf %gather3A_836, %broadcast_in_dim3A_839 : vector<16xf32>
        %add3A_841 = arith.addf %add3A_828, %mul3A_840 : vector<16xf32>
        %mul3A_842 = arith.mulf %gather3A_836, %gather3A_836 : vector<16xf32>
        %add3A_843 = arith.addf %add3A_830, %mul3A_842 : vector<16xf32>
        %mul3A_844 = arith.constant 16 : i32
        %mul3A_845 = arith.muli %scan3A_801, %mul3A_844 : i32
        %add3A_846 = arith.constant 3 : i32
        %add3A_847 = arith.addi %mul3A_845, %add3A_846 : i32
        %broadcast_in_dim3A_848 = vector.broadcast %add3A_847 : i32 to vector<16xi32>
        %gather3A_849 = tpu.vector_load_idx %arg11[%add3A_754, %broadcast_in_dim3A_848] : memref<512x128xf32, #tpu.memory_space<vmem>>[vector<16xi32>, vector<16xi32>], vector<16xf32>,
        %slice3A_850 = vector.extract_strided_slice %get3A_807 {offsets = [3], sizes = [1], strides = [1]} : vector<16xf32> to vector<1xf32>
        %squeeze3A_851 = vector.extract %slice3A_850[0] : f32 from vector<1xf32>
        %broadcast_in_dim3A_852 = vector.broadcast %squeeze3A_851 : f32 to vector<16xf32>
        %mul3A_853 = arith.mulf %gather3A_849, %broadcast_in_dim3A_852 : vector<16xf32>
        %add3A_854 = arith.addf %add3A_841, %mul3A_853 : vector<16xf32>
        %mul3A_855 = arith.mulf %gather3A_849, %gather3A_849 : vector<16xf32>
        %add3A_856 = arith.addf %add3A_843, %mul3A_855 : vector<16xf32>
        %mul3A_857 = arith.constant 16 : i32
        %mul3A_858 = arith.muli %scan3A_801, %mul3A_857 : i32
        %add3A_859 = arith.constant 4 : i32
        %add3A_860 = arith.addi %mul3A_858, %add3A_859 : i32
        %broadcast_in_dim3A_861 = vector.broadcast %add3A_860 : i32 to vector<16xi32>
        %gather3A_862 = tpu.vector_load_idx %arg11[%add3A_754, %broadcast_in_dim3A_861] : memref<512x128xf32, #tpu.memory_space<vmem>>[vector<16xi32>, vector<16xi32>], vector<16xf32>,
        %slice3A_863 = vector.extract_strided_slice %get3A_807 {offsets = [4], sizes = [1], strides = [1]} : vector<16xf32> to vector<1xf32>
        %squeeze3A_864 = vector.extract %slice3A_863[0] : f32 from vector<1xf32>
        %broadcast_in_dim3A_865 = vector.broadcast %squeeze3A_864 : f32 to vector<16xf32>
        %mul3A_866 = arith.mulf %gather3A_862, %broadcast_in_dim3A_865 : vector<16xf32>
        %add3A_867 = arith.addf %add3A_854, %mul3A_866 : vector<16xf32>
        %mul3A_868 = arith.mulf %gather3A_862, %gather3A_862 : vector<16xf32>
        %add3A_869 = arith.addf %add3A_856, %mul3A_868 : vector<16xf32>
        %mul3A_870 = arith.constant 16 : i32
        %mul3A_871 = arith.muli %scan3A_801, %mul3A_870 : i32
        %add3A_872 = arith.constant 5 : i32
        %add3A_873 = arith.addi %mul3A_871, %add3A_872 : i32
        %broadcast_in_dim3A_874 = vector.broadcast %add3A_873 : i32 to vector<16xi32>
        %gather3A_875 = tpu.vector_load_idx %arg11[%add3A_754, %broadcast_in_dim3A_874] : memref<512x128xf32, #tpu.memory_space<vmem>>[vector<16xi32>, vector<16xi32>], vector<16xf32>,
        %slice3A_876 = vector.extract_strided_slice %get3A_807 {offsets = [5], sizes = [1], strides = [1]} : vector<16xf32> to vector<1xf32>
        %squeeze3A_877 = vector.extract %slice3A_876[0] : f32 from vector<1xf32>
        %broadcast_in_dim3A_878 = vector.broadcast %squeeze3A_877 : f32 to vector<16xf32>
        %mul3A_879 = arith.mulf %gather3A_875, %broadcast_in_dim3A_878 : vector<16xf32>
        %add3A_880 = arith.addf %add3A_867, %mul3A_879 : vector<16xf32>
        %mul3A_881 = arith.mulf %gather3A_875, %gather3A_875 : vector<16xf32>
        %add3A_882 = arith.addf %add3A_869, %mul3A_881 : vector<16xf32>
        %mul3A_883 = arith.constant 16 : i32
        %mul3A_884 = arith.muli %scan3A_801, %mul3A_883 : i32
        %add3A_885 = arith.constant 6 : i32
        %add3A_886 = arith.addi %mul3A_884, %add3A_885 : i32
        %broadcast_in_dim3A_887 = vector.broadcast %add3A_886 : i32 to vector<16xi32>
        %gather3A_888 = tpu.vector_load_idx %arg11[%add3A_754, %broadcast_in_dim3A_887] : memref<512x128xf32, #tpu.memory_space<vmem>>[vector<16xi32>, vector<16xi32>], vector<16xf32>,
        %slice3A_889 = vector.extract_strided_slice %get3A_807 {offsets = [6], sizes = [1], strides = [1]} : vector<16xf32> to vector<1xf32>
        %squeeze3A_890 = vector.extract %slice3A_889[0] : f32 from vector<1xf32>
        %broadcast_in_dim3A_891 = vector.broadcast %squeeze3A_890 : f32 to vector<16xf32>
        %mul3A_892 = arith.mulf %gather3A_888, %broadcast_in_dim3A_891 : vector<16xf32>
        %add3A_893 = arith.addf %add3A_880, %mul3A_892 : vector<16xf32>
        %mul3A_894 = arith.mulf %gather3A_888, %gather3A_888 : vector<16xf32>
        %add3A_895 = arith.addf %add3A_882, %mul3A_894 : vector<16xf32>
        %mul3A_896 = arith.constant 16 : i32
        %mul3A_897 = arith.muli %scan3A_801, %mul3A_896 : i32
        %add3A_898 = arith.constant 7 : i32
        %add3A_899 = arith.addi %mul3A_897, %add3A_898 : i32
        %broadcast_in_dim3A_900 = vector.broadcast %add3A_899 : i32 to vector<16xi32>
        %gather3A_901 = tpu.vector_load_idx %arg11[%add3A_754, %broadcast_in_dim3A_900] : memref<512x128xf32, #tpu.memory_space<vmem>>[vector<16xi32>, vector<16xi32>], vector<16xf32>,
        %slice3A_902 = vector.extract_strided_slice %get3A_807 {offsets = [7], sizes = [1], strides = [1]} : vector<16xf32> to vector<1xf32>
        %squeeze3A_903 = vector.extract %slice3A_902[0] : f32 from vector<1xf32>
        %broadcast_in_dim3A_904 = vector.broadcast %squeeze3A_903 : f32 to vector<16xf32>
        %mul3A_905 = arith.mulf %gather3A_901, %broadcast_in_dim3A_904 : vector<16xf32>
        %add3A_906 = arith.addf %add3A_893, %mul3A_905 : vector<16xf32>
        %mul3A_907 = arith.mulf %gather3A_901, %gather3A_901 : vector<16xf32>
        %add3A_908 = arith.addf %add3A_895, %mul3A_907 : vector<16xf32>
        %mul3A_909 = arith.constant 16 : i32
        %mul3A_910 = arith.muli %scan3A_801, %mul3A_909 : i32
        %add3A_911 = arith.constant 8 : i32
        %add3A_912 = arith.addi %mul3A_910, %add3A_911 : i32
        %broadcast_in_dim3A_913 = vector.broadcast %add3A_912 : i32 to vector<16xi32>
        %gather3A_914 = tpu.vector_load_idx %arg11[%add3A_754, %broadcast_in_dim3A_913] : memref<512x128xf32, #tpu.memory_space<vmem>>[vector<16xi32>, vector<16xi32>], vector<16xf32>,
        %slice3A_915 = vector.extract_strided_slice %get3A_807 {offsets = [8], sizes = [1], strides = [1]} : vector<16xf32> to vector<1xf32>
        %squeeze3A_916 = vector.extract %slice3A_915[0] : f32 from vector<1xf32>
        %broadcast_in_dim3A_917 = vector.broadcast %squeeze3A_916 : f32 to vector<16xf32>
        %mul3A_918 = arith.mulf %gather3A_914, %broadcast_in_dim3A_917 : vector<16xf32>
        %add3A_919 = arith.addf %add3A_906, %mul3A_918 : vector<16xf32>
        %mul3A_920 = arith.mulf %gather3A_914, %gather3A_914 : vector<16xf32>
        %add3A_921 = arith.addf %add3A_908, %mul3A_920 : vector<16xf32>
        %mul3A_922 = arith.constant 16 : i32
        %mul3A_923 = arith.muli %scan3A_801, %mul3A_922 : i32
        %add3A_924 = arith.constant 9 : i32
        %add3A_925 = arith.addi %mul3A_923, %add3A_924 : i32
        %broadcast_in_dim3A_926 = vector.broadcast %add3A_925 : i32 to vector<16xi32>
        %gather3A_927 = tpu.vector_load_idx %arg11[%add3A_754, %broadcast_in_dim3A_926] : memref<512x128xf32, #tpu.memory_space<vmem>>[vector<16xi32>, vector<16xi32>], vector<16xf32>,
        %slice3A_928 = vector.extract_strided_slice %get3A_807 {offsets = [9], sizes = [1], strides = [1]} : vector<16xf32> to vector<1xf32>
        %squeeze3A_929 = vector.extract %slice3A_928[0] : f32 from vector<1xf32>
        %broadcast_in_dim3A_930 = vector.broadcast %squeeze3A_929 : f32 to vector<16xf32>
        %mul3A_931 = arith.mulf %gather3A_927, %broadcast_in_dim3A_930 : vector<16xf32>
        %add3A_932 = arith.addf %add3A_919, %mul3A_931 : vector<16xf32>
        %mul3A_933 = arith.mulf %gather3A_927, %gather3A_927 : vector<16xf32>
        %add3A_934 = arith.addf %add3A_921, %mul3A_933 : vector<16xf32>
        %mul3A_935 = arith.constant 16 : i32
        %mul3A_936 = arith.muli %scan3A_801, %mul3A_935 : i32
        %add3A_937 = arith.constant 10 : i32
        %add3A_938 = arith.addi %mul3A_936, %add3A_937 : i32
        %broadcast_in_dim3A_939 = vector.broadcast %add3A_938 : i32 to vector<16xi32>
        %gather3A_940 = tpu.vector_load_idx %arg11[%add3A_754, %broadcast_in_dim3A_939] : memref<512x128xf32, #tpu.memory_space<vmem>>[vector<16xi32>, vector<16xi32>], vector<16xf32>,
        %slice3A_941 = vector.extract_strided_slice %get3A_807 {offsets = [10], sizes = [1], strides = [1]} : vector<16xf32> to vector<1xf32>
        %squeeze3A_942 = vector.extract %slice3A_941[0] : f32 from vector<1xf32>
        %broadcast_in_dim3A_943 = vector.broadcast %squeeze3A_942 : f32 to vector<16xf32>
        %mul3A_944 = arith.mulf %gather3A_940, %broadcast_in_dim3A_943 : vector<16xf32>
        %add3A_945 = arith.addf %add3A_932, %mul3A_944 : vector<16xf32>
        %mul3A_946 = arith.mulf %gather3A_940, %gather3A_940 : vector<16xf32>
        %add3A_947 = arith.addf %add3A_934, %mul3A_946 : vector<16xf32>
        %mul3A_948 = arith.constant 16 : i32
        %mul3A_949 = arith.muli %scan3A_801, %mul3A_948 : i32
        %add3A_950 = arith.constant 11 : i32
        %add3A_951 = arith.addi %mul3A_949, %add3A_950 : i32
        %broadcast_in_dim3A_952 = vector.broadcast %add3A_951 : i32 to vector<16xi32>
        %gather3A_953 = tpu.vector_load_idx %arg11[%add3A_754, %broadcast_in_dim3A_952] : memref<512x128xf32, #tpu.memory_space<vmem>>[vector<16xi32>, vector<16xi32>], vector<16xf32>,
        %slice3A_954 = vector.extract_strided_slice %get3A_807 {offsets = [11], sizes = [1], strides = [1]} : vector<16xf32> to vector<1xf32>
        %squeeze3A_955 = vector.extract %slice3A_954[0] : f32 from vector<1xf32>
        %broadcast_in_dim3A_956 = vector.broadcast %squeeze3A_955 : f32 to vector<16xf32>
        %mul3A_957 = arith.mulf %gather3A_953, %broadcast_in_dim3A_956 : vector<16xf32>
        %add3A_958 = arith.addf %add3A_945, %mul3A_957 : vector<16xf32>
        %mul3A_959 = arith.mulf %gather3A_953, %gather3A_953 : vector<16xf32>
        %add3A_960 = arith.addf %add3A_947, %mul3A_959 : vector<16xf32>
        %mul3A_961 = arith.constant 16 : i32
        %mul3A_962 = arith.muli %scan3A_801, %mul3A_961 : i32
        %add3A_963 = arith.constant 12 : i32
        %add3A_964 = arith.addi %mul3A_962, %add3A_963 : i32
        %broadcast_in_dim3A_965 = vector.broadcast %add3A_964 : i32 to vector<16xi32>
        %gather3A_966 = tpu.vector_load_idx %arg11[%add3A_754, %broadcast_in_dim3A_965] : memref<512x128xf32, #tpu.memory_space<vmem>>[vector<16xi32>, vector<16xi32>], vector<16xf32>,
        %slice3A_967 = vector.extract_strided_slice %get3A_807 {offsets = [12], sizes = [1], strides = [1]} : vector<16xf32> to vector<1xf32>
        %squeeze3A_968 = vector.extract %slice3A_967[0] : f32 from vector<1xf32>
        %broadcast_in_dim3A_969 = vector.broadcast %squeeze3A_968 : f32 to vector<16xf32>
        %mul3A_970 = arith.mulf %gather3A_966, %broadcast_in_dim3A_969 : vector<16xf32>
        %add3A_971 = arith.addf %add3A_958, %mul3A_970 : vector<16xf32>
        %mul3A_972 = arith.mulf %gather3A_966, %gather3A_966 : vector<16xf32>
        %add3A_973 = arith.addf %add3A_960, %mul3A_972 : vector<16xf32>
        %mul3A_974 = arith.constant 16 : i32
        %mul3A_975 = arith.muli %scan3A_801, %mul3A_974 : i32
        %add3A_976 = arith.constant 13 : i32
        %add3A_977 = arith.addi %mul3A_975, %add3A_976 : i32
        %broadcast_in_dim3A_978 = vector.broadcast %add3A_977 : i32 to vector<16xi32>
        %gather3A_979 = tpu.vector_load_idx %arg11[%add3A_754, %broadcast_in_dim3A_978] : memref<512x128xf32, #tpu.memory_space<vmem>>[vector<16xi32>, vector<16xi32>], vector<16xf32>,
        %slice3A_980 = vector.extract_strided_slice %get3A_807 {offsets = [13], sizes = [1], strides = [1]} : vector<16xf32> to vector<1xf32>
        %squeeze3A_981 = vector.extract %slice3A_980[0] : f32 from vector<1xf32>
        %broadcast_in_dim3A_982 = vector.broadcast %squeeze3A_981 : f32 to vector<16xf32>
        %mul3A_983 = arith.mulf %gather3A_979, %broadcast_in_dim3A_982 : vector<16xf32>
        %add3A_984 = arith.addf %add3A_971, %mul3A_983 : vector<16xf32>
        %mul3A_985 = arith.mulf %gather3A_979, %gather3A_979 : vector<16xf32>
        %add3A_986 = arith.addf %add3A_973, %mul3A_985 : vector<16xf32>
        %mul3A_987 = arith.constant 16 : i32
        %mul3A_988 = arith.muli %scan3A_801, %mul3A_987 : i32
        %add3A_989 = arith.constant 14 : i32
        %add3A_990 = arith.addi %mul3A_988, %add3A_989 : i32
        %broadcast_in_dim3A_991 = vector.broadcast %add3A_990 : i32 to vector<16xi32>
        %gather3A_992 = tpu.vector_load_idx %arg11[%add3A_754, %broadcast_in_dim3A_991] : memref<512x128xf32, #tpu.memory_space<vmem>>[vector<16xi32>, vector<16xi32>], vector<16xf32>,
        %slice3A_993 = vector.extract_strided_slice %get3A_807 {offsets = [14], sizes = [1], strides = [1]} : vector<16xf32> to vector<1xf32>
        %squeeze3A_994 = vector.extract %slice3A_993[0] : f32 from vector<1xf32>
        %broadcast_in_dim3A_995 = vector.broadcast %squeeze3A_994 : f32 to vector<16xf32>
        %mul3A_996 = arith.mulf %gather3A_992, %broadcast_in_dim3A_995 : vector<16xf32>
        %add3A_997 = arith.addf %add3A_984, %mul3A_996 : vector<16xf32>
        %mul3A_998 = arith.mulf %gather3A_992, %gather3A_992 : vector<16xf32>
        %add3A_999 = arith.addf %add3A_986, %mul3A_998 : vector<16xf32>
        %mul3A_1000 = arith.constant 16 : i32
        %mul3A_1001 = arith.muli %scan3A_801, %mul3A_1000 : i32
        %add3A_1002 = arith.constant 15 : i32
        %add3A_1003 = arith.addi %mul3A_1001, %add3A_1002 : i32
        %broadcast_in_dim3A_1004 = vector.broadcast %add3A_1003 : i32 to vector<16xi32>
        %gather3A_1005 = tpu.vector_load_idx %arg11[%add3A_754, %broadcast_in_dim3A_1004] : memref<512x128xf32, #tpu.memory_space<vmem>>[vector<16xi32>, vector<16xi32>], vector<16xf32>,
        %slice3A_1006 = vector.extract_strided_slice %get3A_807 {offsets = [15], sizes = [1], strides = [1]} : vector<16xf32> to vector<1xf32>
        %squeeze3A_1007 = vector.extract %slice3A_1006[0] : f32 from vector<1xf32>
        %broadcast_in_dim3A_1008 = vector.broadcast %squeeze3A_1007 : f32 to vector<16xf32>
        %mul3A_1009 = arith.mulf %gather3A_1005, %broadcast_in_dim3A_1008 : vector<16xf32>
        %add3A_1010 = arith.addf %add3A_997, %mul3A_1009 : vector<16xf32>
        %mul3A_1011 = arith.mulf %gather3A_1005, %gather3A_1005 : vector<16xf32>
        %add3A_1012 = arith.addf %add3A_999, %mul3A_1011 : vector<16xf32>
        scf.yield %add3A_1010, %add3A_1012 : vector<16xf32>, vector<16xf32>
      }
      %scan3A_760 = arith.constant 8 : i32
      %max3A = arith.constant 1.000000e-30 : f32
      %max3A_761 = vector.broadcast %max3A : f32 to vector<16xf32>
      %max3A_762 = arith.maximumf %scan3A_759#1, %max3A_761 : vector<16xf32>
      %bitcast3A = vector.bitcast %max3A_762 : vector<16xf32> to vector<16xi32>
      %shift_right_arithmetic3A = arith.constant 1 : i32
      %shift_right_arithmetic3A_763 = vector.broadcast %shift_right_arithmetic3A : i32 to vector<16xi32>
      %shift_right_arithmetic3A_764 = arith.shrsi %bitcast3A, %shift_right_arithmetic3A_763 : vector<16xi32>
      %sub3A = arith.constant 1597463007 : i32
      %sub3A_765 = vector.broadcast %sub3A : i32 to vector<16xi32>
      %sub3A_766 = arith.subi %sub3A_765, %shift_right_arithmetic3A_764 : vector<16xi32>
      %bitcast3A_767 = vector.bitcast %sub3A_766 : vector<16xi32> to vector<16xf32>
      %mul3A_768 = arith.constant 5.000000e-01 : f32
      %mul3A_769 = vector.broadcast %mul3A_768 : f32 to vector<16xf32>
      %mul3A_770 = arith.mulf %mul3A_769, %max3A_762 : vector<16xf32>
      %mul3A_771 = arith.mulf %mul3A_770, %bitcast3A_767 : vector<16xf32>
      %mul3A_772 = arith.mulf %mul3A_771, %bitcast3A_767 : vector<16xf32>
      %sub3A_773 = arith.constant 1.500000e+00 : f32
      %sub3A_774 = vector.broadcast %sub3A_773 : f32 to vector<16xf32>
      %sub3A_775 = arith.subf %sub3A_774, %mul3A_772 : vector<16xf32>
      %mul3A_776 = arith.mulf %bitcast3A_767, %sub3A_775 : vector<16xf32>
      %mul3A_777 = arith.constant 5.000000e-01 : f32
      %mul3A_778 = vector.broadcast %mul3A_777 : f32 to vector<16xf32>
      %mul3A_779 = arith.mulf %mul3A_778, %max3A_762 : vector<16xf32>
      %mul3A_780 = arith.mulf %mul3A_779, %mul3A_776 : vector<16xf32>
      %mul3A_781 = arith.mulf %mul3A_780, %mul3A_776 : vector<16xf32>
      %sub3A_782 = arith.constant 1.500000e+00 : f32
      %sub3A_783 = vector.broadcast %sub3A_782 : f32 to vector<16xf32>
      %sub3A_784 = arith.subf %sub3A_783, %mul3A_781 : vector<16xf32>
      %mul3A_785 = arith.mulf %mul3A_776, %sub3A_784 : vector<16xf32>
      %mul3A_786 = arith.constant 5.000000e-01 : f32
      %mul3A_787 = vector.broadcast %mul3A_786 : f32 to vector<16xf32>
      %mul3A_788 = arith.mulf %mul3A_787, %max3A_762 : vector<16xf32>
      %mul3A_789 = arith.mulf %mul3A_788, %mul3A_785 : vector<16xf32>
      %mul3A_790 = arith.mulf %mul3A_789, %mul3A_785 : vector<16xf32>
      %sub3A_791 = arith.constant 1.500000e+00 : f32
      %sub3A_792 = vector.broadcast %sub3A_791 : f32 to vector<16xf32>
      %sub3A_793 = arith.subf %sub3A_792, %mul3A_790 : vector<16xf32>
      %mul3A_794 = arith.mulf %mul3A_785, %sub3A_793 : vector<16xf32>
      %mul3A_795 = arith.mulf %scan3A_759#0, %mul3A_794 : vector<16xf32>
      %neg3A = arith.constant 0.000000e+00 : f32
      %neg3A_796 = vector.broadcast %neg3A : f32 to vector<16xf32>
      %neg3A_797 = arith.subf %neg3A_796, %mul3A_795 : vector<16xf32>
      %swap3A_798 = arith.index_cast %mul3A_752 : i32 to index
      %swap3A_799 = tpu.vector_load %arg15[%swap3A_798] {strides = array<i32>} : memref<320xf32, #tpu.memory_space<vmem>>, vector<16xf32>,
      tpu.vector_store %arg15[%swap3A_798], %neg3A_797 {strides = array<i32>} : memref<320xf32, #tpu.memory_space<vmem>>, vector<16xf32>,
      %while3A_800 = arith.constant 0 : i32
      scf.yield %while3A_800 : i32
    }
    %while3A_737 = arith.constant 1 : i32
    %while3A_738 = scf.for %while3A_749 = %while3A_734 to %while3A_730 step %while3A_737 iter_args(%while3A_750 = %while3A_736) -> (i32)  : i32 {
      %mul3A_751 = arith.constant 16 : i32
      %mul3A_752 = arith.muli %while3A_749, %mul3A_751 : i32
      %add3A_753 = vector.broadcast %mul3A_752 : i32 to vector<16xi32>
      %add3A_754 = arith.addi %add3A_753, %iota3A : vector<16xi32>
      %scan3A_755 = arith.constant 0 : i32
      %scan3A_756 = arith.constant 8 : i32
      %scan3A_757 = arith.addi %scan3A_755, %scan3A_756 : i32
      %scan3A_758 = arith.constant 1 : i32
      %scan3A_759:2 = scf.for %scan3A_801 = %scan3A_755 to %scan3A_757 step %scan3A_758 iter_args(%scan3A_802 = %broadcast_in_dim3A_1, %scan3A_803 = %broadcast_in_dim3A_1) -> (vector<16xf32>, vector<16xf32>)  : i32 {
        %mul3A_804 = arith.constant 16 : i32
        %mul3A_805 = arith.muli %scan3A_801, %mul3A_804 : i32
        %get3A_806 = arith.index_cast %mul3A_805 : i32 to index
        %get3A_807 = tpu.vector_load %arg13[%get3A_806] {strides = array<i32>} : memref<128xf32, #tpu.memory_space<vmem>>, vector<16xf32>,
        %mul3A_808 = arith.constant 16 : i32
        %mul3A_809 = arith.muli %scan3A_801, %mul3A_808 : i32
        %add3A_810 = arith.constant 0 : i32
        %add3A_811 = arith.addi %mul3A_809, %add3A_810 : i32
        %broadcast_in_dim3A_812 = vector.broadcast %add3A_811 : i32 to vector<16xi32>
        %gather3A = tpu.vector_load_idx %arg11[%add3A_754, %broadcast_in_dim3A_812] : memref<512x128xf32, #tpu.memory_space<vmem>>[vector<16xi32>, vector<16xi32>], vector<16xf32>,
        %slice3A = vector.extract_strided_slice %get3A_807 {offsets = [0], sizes = [1], strides = [1]} : vector<16xf32> to vector<1xf32>
        %squeeze3A = vector.extract %slice3A[0] : f32 from vector<1xf32>
        %broadcast_in_dim3A_813 = vector.broadcast %squeeze3A : f32 to vector<16xf32>
        %mul3A_814 = arith.mulf %gather3A, %broadcast_in_dim3A_813 : vector<16xf32>
        %add3A_815 = arith.addf %scan3A_802, %mul3A_814 : vector<16xf32>
        %mul3A_816 = arith.mulf %gather3A, %gather3A : vector<16xf32>
        %add3A_817 = arith.addf %scan3A_803, %mul3A_816 : vector<16xf32>
        %mul3A_818 = arith.constant 16 : i32
        %mul3A_819 = arith.muli %scan3A_801, %mul3A_818 : i32
        %add3A_820 = arith.constant 1 : i32
        %add3A_821 = arith.addi %mul3A_819, %add3A_820 : i32
        %broadcast_in_dim3A_822 = vector.broadcast %add3A_821 : i32 to vector<16xi32>
        %gather3A_823 = tpu.vector_load_idx %arg11[%add3A_754, %broadcast_in_dim3A_822] : memref<512x128xf32, #tpu.memory_space<vmem>>[vector<16xi32>, vector<16xi32>], vector<16xf32>,
        %slice3A_824 = vector.extract_strided_slice %get3A_807 {offsets = [1], sizes = [1], strides = [1]} : vector<16xf32> to vector<1xf32>
        %squeeze3A_825 = vector.extract %slice3A_824[0] : f32 from vector<1xf32>
        %broadcast_in_dim3A_826 = vector.broadcast %squeeze3A_825 : f32 to vector<16xf32>
        %mul3A_827 = arith.mulf %gather3A_823, %broadcast_in_dim3A_826 : vector<16xf32>
        %add3A_828 = arith.addf %add3A_815, %mul3A_827 : vector<16xf32>
        %mul3A_829 = arith.mulf %gather3A_823, %gather3A_823 : vector<16xf32>
        %add3A_830 = arith.addf %add3A_817, %mul3A_829 : vector<16xf32>
        %mul3A_831 = arith.constant 16 : i32
        %mul3A_832 = arith.muli %scan3A_801, %mul3A_831 : i32
        %add3A_833 = arith.constant 2 : i32
        %add3A_834 = arith.addi %mul3A_832, %add3A_833 : i32
        %broadcast_in_dim3A_835 = vector.broadcast %add3A_834 : i32 to vector<16xi32>
        %gather3A_836 = tpu.vector_load_idx %arg11[%add3A_754, %broadcast_in_dim3A_835] : memref<512x128xf32, #tpu.memory_space<vmem>>[vector<16xi32>, vector<16xi32>], vector<16xf32>,
        %slice3A_837 = vector.extract_strided_slice %get3A_807 {offsets = [2], sizes = [1], strides = [1]} : vector<16xf32> to vector<1xf32>
        %squeeze3A_838 = vector.extract %slice3A_837[0] : f32 from vector<1xf32>
        %broadcast_in_dim3A_839 = vector.broadcast %squeeze3A_838 : f32 to vector<16xf32>
        %mul3A_840 = arith.mulf %gather3A_836, %broadcast_in_dim3A_839 : vector<16xf32>
        %add3A_841 = arith.addf %add3A_828, %mul3A_840 : vector<16xf32>
        %mul3A_842 = arith.mulf %gather3A_836, %gather3A_836 : vector<16xf32>
        %add3A_843 = arith.addf %add3A_830, %mul3A_842 : vector<16xf32>
        %mul3A_844 = arith.constant 16 : i32
        %mul3A_845 = arith.muli %scan3A_801, %mul3A_844 : i32
        %add3A_846 = arith.constant 3 : i32
        %add3A_847 = arith.addi %mul3A_845, %add3A_846 : i32
        %broadcast_in_dim3A_848 = vector.broadcast %add3A_847 : i32 to vector<16xi32>
        %gather3A_849 = tpu.vector_load_idx %arg11[%add3A_754, %broadcast_in_dim3A_848] : memref<512x128xf32, #tpu.memory_space<vmem>>[vector<16xi32>, vector<16xi32>], vector<16xf32>,
        %slice3A_850 = vector.extract_strided_slice %get3A_807 {offsets = [3], sizes = [1], strides = [1]} : vector<16xf32> to vector<1xf32>
        %squeeze3A_851 = vector.extract %slice3A_850[0] : f32 from vector<1xf32>
        %broadcast_in_dim3A_852 = vector.broadcast %squeeze3A_851 : f32 to vector<16xf32>
        %mul3A_853 = arith.mulf %gather3A_849, %broadcast_in_dim3A_852 : vector<16xf32>
        %add3A_854 = arith.addf %add3A_841, %mul3A_853 : vector<16xf32>
        %mul3A_855 = arith.mulf %gather3A_849, %gather3A_849 : vector<16xf32>
        %add3A_856 = arith.addf %add3A_843, %mul3A_855 : vector<16xf32>
        %mul3A_857 = arith.constant 16 : i32
        %mul3A_858 = arith.muli %scan3A_801, %mul3A_857 : i32
        %add3A_859 = arith.constant 4 : i32
        %add3A_860 = arith.addi %mul3A_858, %add3A_859 : i32
        %broadcast_in_dim3A_861 = vector.broadcast %add3A_860 : i32 to vector<16xi32>
        %gather3A_862 = tpu.vector_load_idx %arg11[%add3A_754, %broadcast_in_dim3A_861] : memref<512x128xf32, #tpu.memory_space<vmem>>[vector<16xi32>, vector<16xi32>], vector<16xf32>,
        %slice3A_863 = vector.extract_strided_slice %get3A_807 {offsets = [4], sizes = [1], strides = [1]} : vector<16xf32> to vector<1xf32>
        %squeeze3A_864 = vector.extract %slice3A_863[0] : f32 from vector<1xf32>
        %broadcast_in_dim3A_865 = vector.broadcast %squeeze3A_864 : f32 to vector<16xf32>
        %mul3A_866 = arith.mulf %gather3A_862, %broadcast_in_dim3A_865 : vector<16xf32>
        %add3A_867 = arith.addf %add3A_854, %mul3A_866 : vector<16xf32>
        %mul3A_868 = arith.mulf %gather3A_862, %gather3A_862 : vector<16xf32>
        %add3A_869 = arith.addf %add3A_856, %mul3A_868 : vector<16xf32>
        %mul3A_870 = arith.constant 16 : i32
        %mul3A_871 = arith.muli %scan3A_801, %mul3A_870 : i32
        %add3A_872 = arith.constant 5 : i32
        %add3A_873 = arith.addi %mul3A_871, %add3A_872 : i32
        %broadcast_in_dim3A_874 = vector.broadcast %add3A_873 : i32 to vector<16xi32>
        %gather3A_875 = tpu.vector_load_idx %arg11[%add3A_754, %broadcast_in_dim3A_874] : memref<512x128xf32, #tpu.memory_space<vmem>>[vector<16xi32>, vector<16xi32>], vector<16xf32>,
        %slice3A_876 = vector.extract_strided_slice %get3A_807 {offsets = [5], sizes = [1], strides = [1]} : vector<16xf32> to vector<1xf32>
        %squeeze3A_877 = vector.extract %slice3A_876[0] : f32 from vector<1xf32>
        %broadcast_in_dim3A_878 = vector.broadcast %squeeze3A_877 : f32 to vector<16xf32>
        %mul3A_879 = arith.mulf %gather3A_875, %broadcast_in_dim3A_878 : vector<16xf32>
        %add3A_880 = arith.addf %add3A_867, %mul3A_879 : vector<16xf32>
        %mul3A_881 = arith.mulf %gather3A_875, %gather3A_875 : vector<16xf32>
        %add3A_882 = arith.addf %add3A_869, %mul3A_881 : vector<16xf32>
        %mul3A_883 = arith.constant 16 : i32
        %mul3A_884 = arith.muli %scan3A_801, %mul3A_883 : i32
        %add3A_885 = arith.constant 6 : i32
        %add3A_886 = arith.addi %mul3A_884, %add3A_885 : i32
        %broadcast_in_dim3A_887 = vector.broadcast %add3A_886 : i32 to vector<16xi32>
        %gather3A_888 = tpu.vector_load_idx %arg11[%add3A_754, %broadcast_in_dim3A_887] : memref<512x128xf32, #tpu.memory_space<vmem>>[vector<16xi32>, vector<16xi32>], vector<16xf32>,
        %slice3A_889 = vector.extract_strided_slice %get3A_807 {offsets = [6], sizes = [1], strides = [1]} : vector<16xf32> to vector<1xf32>
        %squeeze3A_890 = vector.extract %slice3A_889[0] : f32 from vector<1xf32>
        %broadcast_in_dim3A_891 = vector.broadcast %squeeze3A_890 : f32 to vector<16xf32>
        %mul3A_892 = arith.mulf %gather3A_888, %broadcast_in_dim3A_891 : vector<16xf32>
        %add3A_893 = arith.addf %add3A_880, %mul3A_892 : vector<16xf32>
        %mul3A_894 = arith.mulf %gather3A_888, %gather3A_888 : vector<16xf32>
        %add3A_895 = arith.addf %add3A_882, %mul3A_894 : vector<16xf32>
        %mul3A_896 = arith.constant 16 : i32
        %mul3A_897 = arith.muli %scan3A_801, %mul3A_896 : i32
        %add3A_898 = arith.constant 7 : i32
        %add3A_899 = arith.addi %mul3A_897, %add3A_898 : i32
        %broadcast_in_dim3A_900 = vector.broadcast %add3A_899 : i32 to vector<16xi32>
        %gather3A_901 = tpu.vector_load_idx %arg11[%add3A_754, %broadcast_in_dim3A_900] : memref<512x128xf32, #tpu.memory_space<vmem>>[vector<16xi32>, vector<16xi32>], vector<16xf32>,
        %slice3A_902 = vector.extract_strided_slice %get3A_807 {offsets = [7], sizes = [1], strides = [1]} : vector<16xf32> to vector<1xf32>
        %squeeze3A_903 = vector.extract %slice3A_902[0] : f32 from vector<1xf32>
        %broadcast_in_dim3A_904 = vector.broadcast %squeeze3A_903 : f32 to vector<16xf32>
        %mul3A_905 = arith.mulf %gather3A_901, %broadcast_in_dim3A_904 : vector<16xf32>
        %add3A_906 = arith.addf %add3A_893, %mul3A_905 : vector<16xf32>
        %mul3A_907 = arith.mulf %gather3A_901, %gather3A_901 : vector<16xf32>
        %add3A_908 = arith.addf %add3A_895, %mul3A_907 : vector<16xf32>
        %mul3A_909 = arith.constant 16 : i32
        %mul3A_910 = arith.muli %scan3A_801, %mul3A_909 : i32
        %add3A_911 = arith.constant 8 : i32
        %add3A_912 = arith.addi %mul3A_910, %add3A_911 : i32
        %broadcast_in_dim3A_913 = vector.broadcast %add3A_912 : i32 to vector<16xi32>
        %gather3A_914 = tpu.vector_load_idx %arg11[%add3A_754, %broadcast_in_dim3A_913] : memref<512x128xf32, #tpu.memory_space<vmem>>[vector<16xi32>, vector<16xi32>], vector<16xf32>,
        %slice3A_915 = vector.extract_strided_slice %get3A_807 {offsets = [8], sizes = [1], strides = [1]} : vector<16xf32> to vector<1xf32>
        %squeeze3A_916 = vector.extract %slice3A_915[0] : f32 from vector<1xf32>
        %broadcast_in_dim3A_917 = vector.broadcast %squeeze3A_916 : f32 to vector<16xf32>
        %mul3A_918 = arith.mulf %gather3A_914, %broadcast_in_dim3A_917 : vector<16xf32>
        %add3A_919 = arith.addf %add3A_906, %mul3A_918 : vector<16xf32>
        %mul3A_920 = arith.mulf %gather3A_914, %gather3A_914 : vector<16xf32>
        %add3A_921 = arith.addf %add3A_908, %mul3A_920 : vector<16xf32>
        %mul3A_922 = arith.constant 16 : i32
        %mul3A_923 = arith.muli %scan3A_801, %mul3A_922 : i32
        %add3A_924 = arith.constant 9 : i32
        %add3A_925 = arith.addi %mul3A_923, %add3A_924 : i32
        %broadcast_in_dim3A_926 = vector.broadcast %add3A_925 : i32 to vector<16xi32>
        %gather3A_927 = tpu.vector_load_idx %arg11[%add3A_754, %broadcast_in_dim3A_926] : memref<512x128xf32, #tpu.memory_space<vmem>>[vector<16xi32>, vector<16xi32>], vector<16xf32>,
        %slice3A_928 = vector.extract_strided_slice %get3A_807 {offsets = [9], sizes = [1], strides = [1]} : vector<16xf32> to vector<1xf32>
        %squeeze3A_929 = vector.extract %slice3A_928[0] : f32 from vector<1xf32>
        %broadcast_in_dim3A_930 = vector.broadcast %squeeze3A_929 : f32 to vector<16xf32>
        %mul3A_931 = arith.mulf %gather3A_927, %broadcast_in_dim3A_930 : vector<16xf32>
        %add3A_932 = arith.addf %add3A_919, %mul3A_931 : vector<16xf32>
        %mul3A_933 = arith.mulf %gather3A_927, %gather3A_927 : vector<16xf32>
        %add3A_934 = arith.addf %add3A_921, %mul3A_933 : vector<16xf32>
        %mul3A_935 = arith.constant 16 : i32
        %mul3A_936 = arith.muli %scan3A_801, %mul3A_935 : i32
        %add3A_937 = arith.constant 10 : i32
        %add3A_938 = arith.addi %mul3A_936, %add3A_937 : i32
        %broadcast_in_dim3A_939 = vector.broadcast %add3A_938 : i32 to vector<16xi32>
        %gather3A_940 = tpu.vector_load_idx %arg11[%add3A_754, %broadcast_in_dim3A_939] : memref<512x128xf32, #tpu.memory_space<vmem>>[vector<16xi32>, vector<16xi32>], vector<16xf32>,
        %slice3A_941 = vector.extract_strided_slice %get3A_807 {offsets = [10], sizes = [1], strides = [1]} : vector<16xf32> to vector<1xf32>
        %squeeze3A_942 = vector.extract %slice3A_941[0] : f32 from vector<1xf32>
        %broadcast_in_dim3A_943 = vector.broadcast %squeeze3A_942 : f32 to vector<16xf32>
        %mul3A_944 = arith.mulf %gather3A_940, %broadcast_in_dim3A_943 : vector<16xf32>
        %add3A_945 = arith.addf %add3A_932, %mul3A_944 : vector<16xf32>
        %mul3A_946 = arith.mulf %gather3A_940, %gather3A_940 : vector<16xf32>
        %add3A_947 = arith.addf %add3A_934, %mul3A_946 : vector<16xf32>
        %mul3A_948 = arith.constant 16 : i32
        %mul3A_949 = arith.muli %scan3A_801, %mul3A_948 : i32
        %add3A_950 = arith.constant 11 : i32
        %add3A_951 = arith.addi %mul3A_949, %add3A_950 : i32
        %broadcast_in_dim3A_952 = vector.broadcast %add3A_951 : i32 to vector<16xi32>
        %gather3A_953 = tpu.vector_load_idx %arg11[%add3A_754, %broadcast_in_dim3A_952] : memref<512x128xf32, #tpu.memory_space<vmem>>[vector<16xi32>, vector<16xi32>], vector<16xf32>,
        %slice3A_954 = vector.extract_strided_slice %get3A_807 {offsets = [11], sizes = [1], strides = [1]} : vector<16xf32> to vector<1xf32>
        %squeeze3A_955 = vector.extract %slice3A_954[0] : f32 from vector<1xf32>
        %broadcast_in_dim3A_956 = vector.broadcast %squeeze3A_955 : f32 to vector<16xf32>
        %mul3A_957 = arith.mulf %gather3A_953, %broadcast_in_dim3A_956 : vector<16xf32>
        %add3A_958 = arith.addf %add3A_945, %mul3A_957 : vector<16xf32>
        %mul3A_959 = arith.mulf %gather3A_953, %gather3A_953 : vector<16xf32>
        %add3A_960 = arith.addf %add3A_947, %mul3A_959 : vector<16xf32>
        %mul3A_961 = arith.constant 16 : i32
        %mul3A_962 = arith.muli %scan3A_801, %mul3A_961 : i32
        %add3A_963 = arith.constant 12 : i32
        %add3A_964 = arith.addi %mul3A_962, %add3A_963 : i32
        %broadcast_in_dim3A_965 = vector.broadcast %add3A_964 : i32 to vector<16xi32>
        %gather3A_966 = tpu.vector_load_idx %arg11[%add3A_754, %broadcast_in_dim3A_965] : memref<512x128xf32, #tpu.memory_space<vmem>>[vector<16xi32>, vector<16xi32>], vector<16xf32>,
        %slice3A_967 = vector.extract_strided_slice %get3A_807 {offsets = [12], sizes = [1], strides = [1]} : vector<16xf32> to vector<1xf32>
        %squeeze3A_968 = vector.extract %slice3A_967[0] : f32 from vector<1xf32>
        %broadcast_in_dim3A_969 = vector.broadcast %squeeze3A_968 : f32 to vector<16xf32>
        %mul3A_970 = arith.mulf %gather3A_966, %broadcast_in_dim3A_969 : vector<16xf32>
        %add3A_971 = arith.addf %add3A_958, %mul3A_970 : vector<16xf32>
        %mul3A_972 = arith.mulf %gather3A_966, %gather3A_966 : vector<16xf32>
        %add3A_973 = arith.addf %add3A_960, %mul3A_972 : vector<16xf32>
        %mul3A_974 = arith.constant 16 : i32
        %mul3A_975 = arith.muli %scan3A_801, %mul3A_974 : i32
        %add3A_976 = arith.constant 13 : i32
        %add3A_977 = arith.addi %mul3A_975, %add3A_976 : i32
        %broadcast_in_dim3A_978 = vector.broadcast %add3A_977 : i32 to vector<16xi32>
        %gather3A_979 = tpu.vector_load_idx %arg11[%add3A_754, %broadcast_in_dim3A_978] : memref<512x128xf32, #tpu.memory_space<vmem>>[vector<16xi32>, vector<16xi32>], vector<16xf32>,
        %slice3A_980 = vector.extract_strided_slice %get3A_807 {offsets = [13], sizes = [1], strides = [1]} : vector<16xf32> to vector<1xf32>
        %squeeze3A_981 = vector.extract %slice3A_980[0] : f32 from vector<1xf32>
        %broadcast_in_dim3A_982 = vector.broadcast %squeeze3A_981 : f32 to vector<16xf32>
        %mul3A_983 = arith.mulf %gather3A_979, %broadcast_in_dim3A_982 : vector<16xf32>
        %add3A_984 = arith.addf %add3A_971, %mul3A_983 : vector<16xf32>
        %mul3A_985 = arith.mulf %gather3A_979, %gather3A_979 : vector<16xf32>
        %add3A_986 = arith.addf %add3A_973, %mul3A_985 : vector<16xf32>
        %mul3A_987 = arith.constant 16 : i32
        %mul3A_988 = arith.muli %scan3A_801, %mul3A_987 : i32
        %add3A_989 = arith.constant 14 : i32
        %add3A_990 = arith.addi %mul3A_988, %add3A_989 : i32
        %broadcast_in_dim3A_991 = vector.broadcast %add3A_990 : i32 to vector<16xi32>
        %gather3A_992 = tpu.vector_load_idx %arg11[%add3A_754, %broadcast_in_dim3A_991] : memref<512x128xf32, #tpu.memory_space<vmem>>[vector<16xi32>, vector<16xi32>], vector<16xf32>,
        %slice3A_993 = vector.extract_strided_slice %get3A_807 {offsets = [14], sizes = [1], strides = [1]} : vector<16xf32> to vector<1xf32>
        %squeeze3A_994 = vector.extract %slice3A_993[0] : f32 from vector<1xf32>
        %broadcast_in_dim3A_995 = vector.broadcast %squeeze3A_994 : f32 to vector<16xf32>
        %mul3A_996 = arith.mulf %gather3A_992, %broadcast_in_dim3A_995 : vector<16xf32>
        %add3A_997 = arith.addf %add3A_984, %mul3A_996 : vector<16xf32>
        %mul3A_998 = arith.mulf %gather3A_992, %gather3A_992 : vector<16xf32>
        %add3A_999 = arith.addf %add3A_986, %mul3A_998 : vector<16xf32>
        %mul3A_1000 = arith.constant 16 : i32
        %mul3A_1001 = arith.muli %scan3A_801, %mul3A_1000 : i32
        %add3A_1002 = arith.constant 15 : i32
        %add3A_1003 = arith.addi %mul3A_1001, %add3A_1002 : i32
        %broadcast_in_dim3A_1004 = vector.broadcast %add3A_1003 : i32 to vector<16xi32>
        %gather3A_1005 = tpu.vector_load_idx %arg11[%add3A_754, %broadcast_in_dim3A_1004] : memref<512x128xf32, #tpu.memory_space<vmem>>[vector<16xi32>, vector<16xi32>], vector<16xf32>,
        %slice3A_1006 = vector.extract_strided_slice %get3A_807 {offsets = [15], sizes = [1], strides = [1]} : vector<16xf32> to vector<1xf32>
        %squeeze3A_1007 = vector.extract %slice3A_1006[0] : f32 from vector<1xf32>
        %broadcast_in_dim3A_1008 = vector.broadcast %squeeze3A_1007 : f32 to vector<16xf32>
        %mul3A_1009 = arith.mulf %gather3A_1005, %broadcast_in_dim3A_1008 : vector<16xf32>
        %add3A_1010 = arith.addf %add3A_997, %mul3A_1009 : vector<16xf32>
        %mul3A_1011 = arith.mulf %gather3A_1005, %gather3A_1005 : vector<16xf32>
        %add3A_1012 = arith.addf %add3A_999, %mul3A_1011 : vector<16xf32>
        scf.yield %add3A_1010, %add3A_1012 : vector<16xf32>, vector<16xf32>
      }
      %scan3A_760 = arith.constant 8 : i32
      %max3A = arith.constant 1.000000e-30 : f32
      %max3A_761 = vector.broadcast %max3A : f32 to vector<16xf32>
      %max3A_762 = arith.maximumf %scan3A_759#1, %max3A_761 : vector<16xf32>
      %bitcast3A = vector.bitcast %max3A_762 : vector<16xf32> to vector<16xi32>
      %shift_right_arithmetic3A = arith.constant 1 : i32
      %shift_right_arithmetic3A_763 = vector.broadcast %shift_right_arithmetic3A : i32 to vector<16xi32>
      %shift_right_arithmetic3A_764 = arith.shrsi %bitcast3A, %shift_right_arithmetic3A_763 : vector<16xi32>
      %sub3A = arith.constant 1597463007 : i32
      %sub3A_765 = vector.broadcast %sub3A : i32 to vector<16xi32>
      %sub3A_766 = arith.subi %sub3A_765, %shift_right_arithmetic3A_764 : vector<16xi32>
      %bitcast3A_767 = vector.bitcast %sub3A_766 : vector<16xi32> to vector<16xf32>
      %mul3A_768 = arith.constant 5.000000e-01 : f32
      %mul3A_769 = vector.broadcast %mul3A_768 : f32 to vector<16xf32>
      %mul3A_770 = arith.mulf %mul3A_769, %max3A_762 : vector<16xf32>
      %mul3A_771 = arith.mulf %mul3A_770, %bitcast3A_767 : vector<16xf32>
      %mul3A_772 = arith.mulf %mul3A_771, %bitcast3A_767 : vector<16xf32>
      %sub3A_773 = arith.constant 1.500000e+00 : f32
      %sub3A_774 = vector.broadcast %sub3A_773 : f32 to vector<16xf32>
      %sub3A_775 = arith.subf %sub3A_774, %mul3A_772 : vector<16xf32>
      %mul3A_776 = arith.mulf %bitcast3A_767, %sub3A_775 : vector<16xf32>
      %mul3A_777 = arith.constant 5.000000e-01 : f32
      %mul3A_778 = vector.broadcast %mul3A_777 : f32 to vector<16xf32>
      %mul3A_779 = arith.mulf %mul3A_778, %max3A_762 : vector<16xf32>
      %mul3A_780 = arith.mulf %mul3A_779, %mul3A_776 : vector<16xf32>
      %mul3A_781 = arith.mulf %mul3A_780, %mul3A_776 : vector<16xf32>
      %sub3A_782 = arith.constant 1.500000e+00 : f32
      %sub3A_783 = vector.broadcast %sub3A_782 : f32 to vector<16xf32>
      %sub3A_784 = arith.subf %sub3A_783, %mul3A_781 : vector<16xf32>
      %mul3A_785 = arith.mulf %mul3A_776, %sub3A_784 : vector<16xf32>
      %mul3A_786 = arith.constant 5.000000e-01 : f32
      %mul3A_787 = vector.broadcast %mul3A_786 : f32 to vector<16xf32>
      %mul3A_788 = arith.mulf %mul3A_787, %max3A_762 : vector<16xf32>
      %mul3A_789 = arith.mulf %mul3A_788, %mul3A_785 : vector<16xf32>
      %mul3A_790 = arith.mulf %mul3A_789, %mul3A_785 : vector<16xf32>
      %sub3A_791 = arith.constant 1.500000e+00 : f32
      %sub3A_792 = vector.broadcast %sub3A_791 : f32 to vector<16xf32>
      %sub3A_793 = arith.subf %sub3A_792, %mul3A_790 : vector<16xf32>
      %mul3A_794 = arith.mulf %mul3A_785, %sub3A_793 : vector<16xf32>
      %mul3A_795 = arith.mulf %scan3A_759#0, %mul3A_794 : vector<16xf32>
      %neg3A = arith.constant 0.000000e+00 : f32
      %neg3A_796 = vector.broadcast %neg3A : f32 to vector<16xf32>
      %neg3A_797 = arith.subf %neg3A_796, %mul3A_795 : vector<16xf32>
      %swap3A_798 = arith.index_cast %mul3A_752 : i32 to index
      %swap3A_799 = tpu.vector_load %arg15[%swap3A_798] {strides = array<i32>} : memref<320xf32, #tpu.memory_space<vmem>>, vector<16xf32>,
      tpu.vector_store %arg15[%swap3A_798], %neg3A_797 {strides = array<i32>} : memref<320xf32, #tpu.memory_space<vmem>>, vector<16xf32>,
      %while3A_800 = arith.constant 0 : i32
      scf.yield %while3A_800 : i32
    }
    %lt3A_739 = arith.constant 31 : i32
    %lt3A_740 = arith.cmpi slt, %add3A, %lt3A_739 : i32
    %convert_element_type3A_741 = arith.extui %lt3A_740 : i1 to i32
    %cond3A_742 = arith.constant 0 : i32
    %cond3A_743 = arith.cmpi ne, %convert_element_type3A_741, %cond3A_742 : i32
    scf.if %cond3A_743 {
      "tpu.region"() ({
        %run_scoped3A = tpu.sem_alloc : memref<!tpu.dma_semaphore, #tpu.memory_space<semaphore_mem>>
        %dma_start3A = tpu.memref_slice %arg5[%mul3A_718] : memref<10000xf32, #tpu.memory_space<hbm>> -> memref<320xf32, #tpu.memory_space<hbm>>
        %dma_start3A_749 = tpu.memref_slice %arg5[%mul3A_718] : memref<10000xf32, #tpu.memory_space<hbm>> -> memref<320xf32, #tpu.memory_space<hbm>>
        tpu.enqueue_dma source(%arg15 : memref<320xf32, #tpu.memory_space<vmem>>) target(%dma_start3A_749 : memref<320xf32, #tpu.memory_space<hbm>>) target_semaphore(%run_scoped3A : memref<!tpu.dma_semaphore, #tpu.memory_space<semaphore_mem>>)
        %dma_wait3A = tpu.memref_slice %arg5[%mul3A_718] : memref<10000xf32, #tpu.memory_space<hbm>> -> memref<320xf32, #tpu.memory_space<hbm>>
        %dma_wait3A_750 = tpu.memref_slice %arg5[%mul3A_718] : memref<10000xf32, #tpu.memory_space<hbm>> -> memref<320xf32, #tpu.memory_space<hbm>>
        tpu.wait_dma2 semaphore(%run_scoped3A : memref<!tpu.dma_semaphore, #tpu.memory_space<semaphore_mem>>) src(%arg15 : memref<320xf32, #tpu.memory_space<vmem>>) dst(%dma_wait3A_750 : memref<320xf32, #tpu.memory_space<hbm>>)
        tpu.yield
      }) : () -> ()
    } else {
    }
    %eq3A_744 = arith.constant 31 : i32
    %eq3A_745 = arith.cmpi eq, %add3A, %eq3A_744 : i32
    %convert_element_type3A_746 = arith.extui %eq3A_745 : i1 to i32
    %cond3A_747 = arith.constant 0 : i32
    %cond3A_748 = arith.cmpi ne, %convert_element_type3A_746, %cond3A_747 : i32
    scf.if %cond3A_748 {
      "tpu.region"() ({
        %run_scoped3A = tpu.sem_alloc : memref<!tpu.dma_semaphore, #tpu.memory_space<semaphore_mem>>
        %dma_start3A = arith.constant 0 : i32
        %dma_start3A_749 = tpu.memref_slice %arg15[%dma_start3A] : memref<320xf32, #tpu.memory_space<vmem>> -> memref<80xf32, #tpu.memory_space<vmem>>
        %dma_start3A_750 = arith.constant 9920 : i32
        %dma_start3A_751 = tpu.memref_slice %arg5[%dma_start3A_750] : memref<10000xf32, #tpu.memory_space<hbm>> -> memref<80xf32, #tpu.memory_space<hbm>>
        %dma_start3A_752 = arith.constant 9920 : i32
        %dma_start3A_753 = tpu.memref_slice %arg5[%dma_start3A_752] : memref<10000xf32, #tpu.memory_space<hbm>> -> memref<80xf32, #tpu.memory_space<hbm>>
        %dma_start3A_754 = arith.constant 0 : i32
        %dma_start3A_755 = tpu.memref_slice %arg15[%dma_start3A_754] : memref<320xf32, #tpu.memory_space<vmem>> -> memref<80xf32, #tpu.memory_space<vmem>>
        tpu.enqueue_dma source(%dma_start3A_755 : memref<80xf32, #tpu.memory_space<vmem>>) target(%dma_start3A_753 : memref<80xf32, #tpu.memory_space<hbm>>) target_semaphore(%run_scoped3A : memref<!tpu.dma_semaphore, #tpu.memory_space<semaphore_mem>>)
        %dma_wait3A = arith.constant 0 : i32
        %dma_wait3A_756 = tpu.memref_slice %arg15[%dma_wait3A] : memref<320xf32, #tpu.memory_space<vmem>> -> memref<80xf32, #tpu.memory_space<vmem>>
        %dma_wait3A_757 = arith.constant 9920 : i32
        %dma_wait3A_758 = tpu.memref_slice %arg5[%dma_wait3A_757] : memref<10000xf32, #tpu.memory_space<hbm>> -> memref<80xf32, #tpu.memory_space<hbm>>
        %dma_wait3A_759 = arith.constant 9920 : i32
        %dma_wait3A_760 = tpu.memref_slice %arg5[%dma_wait3A_759] : memref<10000xf32, #tpu.memory_space<hbm>> -> memref<80xf32, #tpu.memory_space<hbm>>
        %dma_wait3A_761 = arith.constant 0 : i32
        %dma_wait3A_762 = tpu.memref_slice %arg15[%dma_wait3A_761] : memref<320xf32, #tpu.memory_space<vmem>> -> memref<80xf32, #tpu.memory_space<vmem>>
        tpu.wait_dma2 semaphore(%run_scoped3A : memref<!tpu.dma_semaphore, #tpu.memory_space<semaphore_mem>>) src(%dma_wait3A_762 : memref<80xf32, #tpu.memory_space<vmem>>) dst(%dma_wait3A_760 : memref<80xf32, #tpu.memory_space<hbm>>)
        tpu.yield
      }) : () -> ()
    } else {
    }
    return
  }
}

</mosaic_0001>

<sc_bundles>
// kernel: kernel.3.cloned.1.call-start
scs
__scs_entry_jumppad:
0x0: {  	(pc) =	sbr.rel $0x88, $3  }
0x1: {  	(tag) =	ssettag $0x0;
	lr =	simm.s32 $0x1  }
0x2: {  	[smem:$0x3F9E] =	sst lr;
	_ =	strace $0xD0000000  }
0x3: {  	_ = 	snop  }
0x4: {  	_ = 	snop  }
0x5: {  	_ = 	snop  }
0x6: {  	_ = 	snop  }
0x7: {  	_ = 	snop  }
__scs_overlays_trampoline_lowered:
0x8: {  	[smem:$0x3FAD] =	sst s0  }
0x9: {  	[smem:$0x3FAE] =	sst s1  }
0xa: {  	[smem:$0x3FAF] =	sst s2  }
0xb: {  	[smem:$0x3FB0] =	sst s3  }
0xc: {  	[smem:$0x3FB1] =	sst s4  }
0xd: {  	[smem:$0x3FB2] =	sst s5  }
0xe: {  	[smem:$0x3FB3] =	sst s6  }
0xf: {  	[smem:$0x3FB4] =	sst s7  }
0x10: {  	[smem:$0x3FB5] =	sst s8  }
0x11: {  	[smem:$0x3FB6] =	sst s9;
	s0 =	simm.s32 @!p0 $0x0  }
0x12: {  	s1 =	sld [smem:$0x3F9C];
	s0 =	simm.s32 @p0 $0x1  }
0x13: {  	[smem:$0x3FB7] =	sst s0;
	s0 =	simm.s32 @!p1 $0x0  }
0x14: {  	s2 =	sld [smem:$0x3F9B];
	s0 =	simm.s32 @p1 $0x1  }
0x15: {  	[smem:$0x3FB8] =	sst s0;
	s0 =	simm.s32 @!p2 $0x0  }
0x16: {  	s3 =	sld [smem:$0x3FDB];
	s0 =	simm.s32 @p2 $0x1  }
0x17: {  	s4 =	simm.s32 $0x1BF5;
	[smem:$0x3FBA] =	sst s0  }
0x18: {  	s0 =	sld [smem:$0x3F9D];
	_ =	swait.ge [sflag:s4], $0x0  }
0x19: {  	s7 =	sld [smem:$0x3F9E]  }
0x1a: {  	s8 =	sadd.s32 $0xFFFFE003, lr  }
0x1b: {  	s9 =	sadd.s32 $0xFFFFFEF7, lr;
	s5 =	simm.s32 $0xFFFFFFFF;
	p2 =	slt.u32 s8, $0xFFFFF086  }
0x1c: {  	p1 =	slt.u32 s9, $0xF7A;
	s5 =	simm.s32 @!p2 $0x0  }
0x1d: {  	s5 =	simm.s32 @p1 $0x1;
	p0 =	seq.s32 s7, s2  }
0x1e: {  	s7 =	smul.u32 @!p0 $0xF7A, s2;
	p2 =	seq.s32 @!p0 s5, $0x0  }
0x1f: {  	s9 =	smul.u32 $0xF7A, s1;
	s8 =	simm.s32 @!p0 $0x1BF5;
	p2 =	por !p2, p0  }
0x20: {  	[sflag:s8] =	ssyncset.s32 @!p0 $0xFFFFF086;
	s6 =	sadd.s32 @!p0 s3, s7;
	s7 =	simm.s32 @!p0 $0x108  }
0x21: {  	s3 =	sadd.s32 s3, s9;
	s6 =	sadd.s32 @!p0 $0x88, s6;
	s7 =	simm.s32 @p2 $0x1082  }
0x22: {  	[simem:s7], [sflag:s8] =	dma.local @!p0 [hbm:s6], $0xF7A  }
0x23: {  	s9 =	sor.u32 $0xD0000000, s2;
	s6 =	simm.s32 $0x108;
	_ =	swait.ge @!p0 [sflag:s8], $0x0  }
0x24: {  	s3 =	sadd.s32 $0x88, s3;
	s6 =	simm.s32 @!p1 $0x1082;
	[sflag:s4] =	ssyncset.s32 $0xFFFFF086  }
0x25: {  	[simem:s6], [sflag:s4] =	dma.local [hbm:s3], $0xF7A  }
0x26: {  	[smem:$0x3F9E] =	sst s1;
	(tag) =	ssettag s2;
	_ =	strace s9  }
0x27: {  	s1 =	sld [smem:$0x3FAE]  }
0x28: {  	s2 =	sld [smem:$0x3FAF]  }
0x29: {  	s4 =	sld [smem:$0x3FB1]  }
0x2a: {  	p0 =	seq.s32 s5, $0x0;
	s5 =	sld [smem:$0x3FB2]  }
0x2b: {  	s6 =	sld [smem:$0x3FB3]  }
0x2c: {  	s7 =	sld [smem:$0x3FB4]  }
0x2d: {  	s3 =	simm.s32 $0x108;
	s8 =	sld [smem:$0x3FB5]  }
0x2e: {  	s3 =	simm.s32 @!p0 $0x1082;
	s9 =	sld [smem:$0x3FB6]  }
0x2f: {  	lr =	sadd.s32 s0, s3;
	s0 =	sld [smem:$0x3FAD]  }
0x30: {  	s3 =	sld [smem:$0x3FB0]  }
0x31: {  	[smem:$0x3FB9] =	sst s10  }
0x32: {  	s10 =	sld [smem:$0x3FB7];
	_ =	sdelay $0x3  }
0x33: {  	p0 =	seq.s32 s10, $0x1;
	s10 =	sld [smem:$0x3FB9];
	_ =	sdelay $0x3  }
0x34: {  	[smem:$0x3FB9] =	sst s10  }
0x35: {  	s10 =	sld [smem:$0x3FB8];
	_ =	sdelay $0x3  }
0x36: {  	p1 =	seq.s32 s10, $0x1;
	s10 =	sld [smem:$0x3FB9];
	_ =	sdelay $0x3  }
0x37: {  	[smem:$0x3FB9] =	sst s10  }
0x38: {  	s10 =	sld [smem:$0x3FBA]  }
0x39: {  	_ = 	snop;
	(pc) =	sbr.ind lr, $3  }
0x3a: {  	_ = 	snop  }
0x3b: {  	_ = 	snop  }
0x3c: {  	p2 =	seq.s32 s10, $0x1;
	s10 =	sld [smem:$0x3FB9]  }
0x3d: {  	_ =	shalt  }
0x3e: {  	_ =	shalt  }
0x3f: {  	_ =	shalt  }
0x40: {  	_ =	shalt  }
0x41: {  	_ =	shalt  }
0x42: {  	_ =	shalt  }
0x43: {  	_ =	shalt  }
0x44: {  	_ =	shalt  }
0x45: {  	_ =	shalt  }
0x46: {  	_ =	shalt  }
0x47: {  	_ =	shalt  }
0x48: {  	_ =	shalt  }
0x49: {  	_ =	shalt  }
0x4a: {  	_ =	shalt  }
0x4b: {  	_ =	shalt  }
0x4c: {  	_ =	shalt  }
0x4d: {  	_ =	shalt  }
0x4e: {  	_ =	shalt  }
0x4f: {  	_ =	shalt  }
0x50: {  	_ =	shalt  }
0x51: {  	_ =	shalt  }
0x52: {  	_ =	shalt  }
0x53: {  	_ =	shalt  }
0x54: {  	_ =	shalt  }
0x55: {  	_ =	shalt  }
0x56: {  	_ =	shalt  }
0x57: {  	_ =	shalt  }
0x58: {  	_ =	shalt  }
0x59: {  	_ =	shalt  }
0x5a: {  	_ =	shalt  }
0x5b: {  	_ =	shalt  }
0x5c: {  	_ =	shalt  }
0x5d: {  	_ =	shalt  }
0x5e: {  	_ =	shalt  }
0x5f: {  	_ =	shalt  }
0x60: {  	_ =	shalt  }
0x61: {  	_ =	shalt  }
0x62: {  	_ =	shalt  }
0x63: {  	_ =	shalt  }
0x64: {  	_ =	shalt  }
0x65: {  	_ =	shalt  }
0x66: {  	_ =	shalt  }
0x67: {  	_ =	shalt  }
0x68: {  	_ =	shalt  }
0x69: {  	_ =	shalt  }
0x6a: {  	_ =	shalt  }
0x6b: {  	_ =	shalt  }
0x6c: {  	_ =	shalt  }
0x6d: {  	_ =	shalt  }
0x6e: {  	_ =	shalt  }
0x6f: {  	_ =	shalt  }
0x70: {  	_ =	shalt  }
0x71: {  	_ =	shalt  }
0x72: {  	_ =	shalt  }
0x73: {  	_ =	shalt  }
0x74: {  	_ =	shalt  }
0x75: {  	_ =	shalt  }
0x76: {  	_ =	shalt  }
0x77: {  	_ =	shalt  }
0x78: {  	_ =	shalt  }
0x79: {  	_ =	shalt  }
0x7a: {  	_ =	shalt  }
0x7b: {  	_ =	shalt  }
0x7c: {  	_ =	shalt  }
0x7d: {  	_ =	shalt  }
0x7e: {  	_ =	shalt  }
0x7f: {  	_ =	shalt  }
0x80: {  	_ =	shalt  }
0x81: {  	_ =	shalt  }
0x82: {  	_ =	shalt  }
0x83: {  	_ =	shalt  }
0x84: {  	_ =	shalt  }
0x85: {  	_ =	shalt  }
0x86: {  	_ =	shalt  }
0x87: {  	_ =	shalt  }
.Lfunc_end0:
.L_simem_size_0:
called_computation_lowered:
.L_overlay_start_0:
0x88: {  	s2 =	sld [smem:$0x3FD9]  }
0x89: {  	s3 =	sld [smem:$0x3FFE];
	_ =	sdelay $0x1  }
0x8a: {  	s1 =	srdreg.scid  }
0x8b: {  	s0 =	sand.u32 $0x1, s1  }
0x8c: {  	s18 =	sshll.u32 s0, $0xA;
	s2 =	sadd.s32 s3, s2  }
0x8d: {  	s2 =	sadd.s32 s2, s18  }
0x8e: {  	[smem:$0x3FC5] =	sst s2  }
0x8f: {  	_ = 	snop  }
0x90: {  	s2 =	sld [smem:$0x3FC9]  }
0x91: {  	s19 =	sld [smem:$0x3FC8]  }
0x92: {  	s4 =	sld [smem:$0x3FC7]  }
0x93: {  	s5 =	sld [smem:$0x3FD0];
	(tm) =	ssettm $0x1  }
0x94: {  	s6 =	sld [smem:$0x3FFB];
	_ =	sdelay $0x3  }
0x95: {  	_ =	strace s6  }
0x96: {  	s6 =	sld [smem:$0x3FFC];
	_ =	sdelay $0x3  }
0x97: {  	_ =	strace s6  }
0x98: {  	s6 =	sld [smem:$0x3FFD];
	_ =	sdelay $0x3  }
0x99: {  	_ =	strace s6  }
0x9a: {  	_ =	strace $0x8FFFFFFF  }
0x9b: {  	s20 =	sld [smem:$0x3FDB];
	_ =	sdelay $0x1  }
0x9c: {  	s7 =	simm.s32 $_scs_section_size  }
0x9d: {  	s8 =	simm.s32 $_size__tile_overlayer_lowered;
	s9 =	simm.s32 $_tile_overlayer_lowered  }
0x9e: {  	s23 =	simm.s32 $0x1BFF;
	s22 =	sshll.u32 s9, $0x1;
	s6 =	sadd.s32 s7, s20  }
0x9f: {  	s10 =	simm.s32 $0x0;
	s21 =	sshll.u32 s8, $0x1;
	s8 =	sadd.s32 s22, s6  }
0xa0: {  	[timem:s10], [sflag:s23] =	dma.local [hbm:s8], s21  }
0xa1: {  	_ =	swait.ge [sflag:s23], s21  }
0xa2: {  	s7 =	ssub.s32 $0x0, s21;
	[sflag:s23] =	ssyncset.done $0x0  }
0xa3: {  	[sflag:s23] =	ssyncadd.s32 s7;
	_ =	sdelay $0x1  }
0xa4: {  	s24 =	simm.s32 $0x1B8B  }
0xa5: {  	_ =	swait.ge [sflag:s24], $0x1  }
0xa6: {  	[sflag:s24] =	ssyncset.done $0x0  }
0xa7: {  	s25 =	simm.s32 $0x1B8E;
	[sflag:s24] =	ssyncadd.s32 $0xFFFFFFFF  }
0xa8: {  	s26 =	simm.s32 $execute0_lowered;
	[smem:$0x3FD2] =	sst s25  }
0xa9: {  	s7 =	sshll.u32 s26, $0x1;
	_ =	strace $0x80000046;
	[dreg:$0x1] =	wrdreg $0xFFFFFFFF  }
0xaa: {  	s28 =	simm.s32 $_size_execute0_lowered;
	s6 =	sadd.s32 s6, s7;
	[dreg:$0x0] =	wrdreg $0x0  }
0xab: {  	s7 =	sshll.u32 s28, $0x1;
	[dreg:$0x2] =	wrdreg s6  }
0xac: {  	[dreg:$0x3] =	wrdreg s7  }
0xad: {  	[dreg:$0x4] =	wrdreg $0xC0  }
0xae: {  	_ =	task [dreg:s10], $0x5FFFF  }
0xaf: {  	[dreg:$0x1] =	wrdreg $0xFFFFFFFF  }
0xb0: {  	[dreg:$0x0] =	wrdreg $0x60  }
0xb1: {  	[dreg:$0x2] =	wrdreg s2  }
0xb2: {  	[dreg:$0x3] =	wrdreg s19  }
0xb3: {  	[dreg:$0x4] =	wrdreg s4  }
0xb4: {  	[dreg:$0x5] =	wrdreg s5  }
0xb5: {  	[dreg:$0x6] =	wrdreg $0x154000  }
0xb6: {  	[dreg:$0x7] =	wrdreg $0x152000  }
0xb7: {  	[dreg:$0x8] =	wrdreg $0x9  }
0xb8: {  	_ =	task.clear_ibuf [dreg:s10], $0x9FFFF;
	_ =	strace $0x90000046  }
0xb9: {  	s29 =	simm.s32 $0x9;
	_ =	strace $0x80000048  }
0xba: {  	_ =	swait.ge [sflag:s29], $0x1  }
0xbb: {  	[sflag:s29] =	ssyncadd.s32 $0xFFFFFFFF  }
0xbc: {  	_ =	strace $0x90000048  }
0xbd: {  	_ =	sfence  }
0xbe: {  	s30 =	sld [smem:$0x0];
	_ =	sdelay $0x2  }
0xbf: {  	s31 =	sshll.u32 s1, $0xD;
	s1 =	sshrl.u32 s1, $0x2  }
0xc0: {  	s3 =	sand.u32 $0x4000, s31;
	s1 =	sadd.s32 s1, s30  }
0xc1: {  	s0 =	sor.u32 s3, s0;
	s1 =	sshll.u32 s1, $0x11  }
0xc2: {  	s0 =	sor.u32 s1, s0  }
0xc3: {  	s0 =	sadd.s32 $0x8F2B, s0  }
0xc4: {  	[sflag:s0] =	ssyncadd.remote.s32 $0x1  }
0xc5: {  	_ =	sfence.sel $0xFFFF  }
0xc6: {  	[dreg:$0x0] =	wrdreg $0xFFFFFFFF;
	(pc) =	sbr.abs _section_cstart, $3  }
0xc7: {  	[dreg:$0x1] =	wrdreg $0xFFFFFFFF  }
0xc8: {  	_ =	task.clear_ibuf [dreg:s10], $0x2FFFF;
	_ =	strace $0x9FFFFFFF  }
0xc9: {  	(tm) =	ssettm $0x7FFFFFFF  }
tec
execute0_lowered:
.L_overlay_start_1:
0x0: {  	(tag) =	ssettag $0x1  }
0x1: {  	s0 =	rddreg [dreg:$0x0]  }
0x2: {  	s1 =	rddreg [dreg:$0x1]  }
0x3: {  	s4 =	rddreg [dreg:$0x3]  }
0x4: {  	s2 =	rddreg [dreg:$0x4]  }
0x5: {  	s5 =	srdreg.scid;
	s3 =	rddreg [dreg:$0x5]  }
0x6: {  	s10 =	stileid.u32;
	s15 =	simm.s32 $0x1;
	s16 =	simm.s32 $0x2000  }
0x7: {  	s17 =	simm.s32 $0x2200;
	s21 =	simm.s32 $0x4600;
	s22 =	simm.s32 $0x4400  }
0x8: {  	s23 =	simm.s32 $0x14800;
	s24 =	simm.s32 $0x14880;
	s25 =	simm.s32 $0x0  }
0x9: {  	s7 =	sand.u32 $0x1, s5;
	s5 =	simm.s32 $0x0;
	s9 =	sshll.u32 s10, $0x7  }
0xa: {  	s29 =	sshll.u32 s10, $0xD;
	s11 =	sadd.s32 $0x26C00, s0;
	s13 =	sadd.s32 $0x4D8, s4  }
0xb: {  	s6 =	ssub.s32 $0x2, s7;
	[smem:$0x7FF] =	sst s5;
	s7 =	sshll.u32 s7, $0x4  }
0xc: {  	v6 =	vlaneseq.u32;
	s28 =	sand.u32 $0x380, s9;
	s8 =	sshrl.u32 s6, $0x1;
	s18 =	sor.u32 s10, s7  }
0xd: {  	v7 =	vadd.s32 $0xFFFFFFFF, v6;
	_ =	strace $0x80000047;
	s14 =	ssub.s32 s6, s8;
	s30 =	smul.u32 $0x1400, s18  }
0xe: {  	v0 =	vmul.u32 $0xFFFFFFFF, v6;
	v8 =	vadd.s32 $0x1, v6;
	v25 =	vmul.u32 $0x80, v6;
	[tilespmem:$0x1FFC0] =	vst v7;
	s6 =	sshll.u32 s10, $0x9;
	s12 =	smul.u32 $0x28, s18;
	p0 =	seq.s32 s18, $0x1F  }
0xf: {  	[tilespmem:$0x1FFD0] =	vst v8;
	s26 =	sand.u32 $0x1000, s6;
	s31 =	sshrl.u32 s6, $0x2;
	s14 =	smax.u32 s14, $0x1  }
0x10: {  	v9 =	vadd.s32 $0x1FFF, v0;
	[tilespmem:$0x1FFF0] =	vst v25;
	s8 =	sadd.s32 s26, s3;
	s9 =	sadd.s32 s31, s2;
	s10 =	sadd.s32 s0, s30  }
0x11: {  	v3 =	vimm.s32 $0x0;
	[tilespmem:$0x1FFE0] =	vst v9;
	s12 =	sadd.s32 s4, s12;
	s7 =	sadd.s32 s28, s8;
	s8 =	sadd.s32 s1, s29  }
.LBB2_1:
0x12: {  	s0 =	rddreg [dreg:$0x2]  }
0x13: {  	[tilespmem:s5], [sflag:$0x1] =	stream.linear.gather [hbm4b:s0+s5], $0x2000, $0x38;
	[tilespmem:$0x15480] =	vst v63  }
0x14: {  	_ =	swait.ge [sflag:s15], $0x2000  }
0x15: {  	[sflag:s15] =	ssyncset.done $0x0  }
0x16: {  	s1 =	simm.s32 $0x0;
	s0 =	simm.s32 $0x40;
	[sflag:s15] =	ssyncadd.s32 $0xFFFFE000  }
.LBB2_2:
0x17: {  	p1 =	sne.s32 s0, $0x7C0;
	[tilespmem:s1+$0x2000] =	vst v3;
	s4 =	smov.u32 s0;
	s0 =	sadd.s32 $0x40, s0  }
.Ltmp0:
0x18: {  	[tilespmem:s1+$0x2200] =	vst v3;
	(pc) =	sbr.rel @p1 .LBB2_2-.Ltmp0, $2  }
0x19: {  	_ =	sdelay $0x2  }
0x1a: {  	s1 =	sshra.s32 s4, $0x2  }
0x1b: {  	s26 =	sadd.s32 $0x0, s6  }
0x1c: {  	v0 =	vadd.s32 s26, v7  }
0x1d: {  	vm0 =	vgt.s32 v0, $0x0  }
0x1e: {  	v1 =	vnsel vm0, $0x0, v0;
	v0 =	vadd.s32 s26, v8  }
0x1f: {  	vm0 =	vlt.s32 v0, $0x1FFF  }
0x20: {  	v2 =	vnsel vm0, $0x1FFF, v0  }
0x21: {  	[tilespmem:s1+$0x2000] =	vst v3;
	s0 =	simm.s32 $0x0  }
0x22: {  	[tilespmem:s1+$0x2200] =	vst v3;
	s31 =	sand.u32 $0x1F80, s26;
	s4 =	sand.u32 $0x70, s0  }
0x23: {  	s1 =	sor.u32 s4, s31;
	v3 =	vld.idx.msk [tilespmem:v1+s0+$0x0], $0xffff  }
0x24: {  	v1 =	vld [tilespmem:s1+$0x0]  }
0x25: {  	v2 =	vld.idx.msk [tilespmem:v2+s0+$0x0], $0xffff;
	_ =	sdelay $0x2  }
0x26: {  	v4 =	vmov s26  }
0x27: {  	vm1 =	veq.s32 v4, v6;
	vm0 =	vne.s32 v1, v3  }
0x28: {  	s29 =	sadd.s32 $0x10, s6;
	vm2 =	veq.s32 v4, v9;
	vm0 =	vmor vm1, vm0;
	vm1 =	vne.s32 v1, v2  }
0x29: {  	v2 =	vadd.s32 s29, v8;
	vm1 =	vmor vm2, vm1  }
0x2a: {  	s28 =	simm.s32 $0x10;
	s4 =	simm.s32 $0x20;
	v3 =	vadd.s32 s29, v7;
	vm2 =	vlt.s32 v2, $0x1FFF  }
.LBB2_4:
0x2b: {  	p1 =	sne.s32 s4, $0x1F0;
	vm3 =	vgt.s32 v3, $0x0;
	v4 =	vnsel vm2, $0x1FFF, v2  }
0x2c: {  	v3 =	vnsel vm3, $0x0, v3  }
0x2d: {  	v5 =	vor.u32 s26, v6;
	s26 =	smov.u32 s29  }
0x2e: {  	[tilespmem:v1+s16+$0x0] =	vst.idx.msk vm0, v5  }
0x2f: {  	[tilespmem:v1+s17+$0x0] =	vst.idx.msk vm1, v0;
	v0 =	vmov v2  }
0x30: {  	s18 =	sand.u32 $0x70, s28;
	s28 =	smov.u32 s4;
	s1 =	sand.u32 $0x1F80, s26;
	v2 =	vld.idx.msk [tilespmem:v4+s0+$0x0], $0xffff  }
0x31: {  	s1 =	sor.u32 s18, s1;
	v3 =	vld.idx.msk [tilespmem:v3+s0+$0x0], $0xffff  }
0x32: {  	v1 =	vld [tilespmem:s1+$0x0];
	_ =	sdelay $0x3  }
.Ltmp1:
0x33: {  	v4 =	vmov s26;
	(pc) =	sbr.rel @p1 .LBB2_4-.Ltmp1, $4  }
0x34: {  	vm1 =	veq.s32 v4, v6;
	vm0 =	vne.s32 v1, v3  }
0x35: {  	s29 =	sadd.s32 s4, s6;
	vm2 =	veq.s32 v4, v9;
	vm0 =	vmor vm1, vm0;
	vm1 =	vne.s32 v1, v2  }
0x36: {  	v2 =	vadd.s32 s29, v8;
	vm1 =	vmor vm2, vm1  }
0x37: {  	s4 =	sadd.s32 $0x10, s4;
	v3 =	vadd.s32 s29, v7;
	vm2 =	vlt.s32 v2, $0x1FFF  }
0x38: {  	_ =	sdelay $0x1  }
0x39: {  	vm3 =	vgt.s32 v3, $0x0  }
0x3a: {  	v3 =	vnsel vm3, $0x0, v3  }
0x3b: {  	v4 =	vnsel vm2, $0x1FFF, v2;
	v5 =	vor.u32 s26, v6  }
0x3c: {  	s1 =	sand.u32 $0x1F80, s29;
	s4 =	sand.u32 $0x70, s28;
	[tilespmem:v1+s16+$0x0] =	vst.idx.msk vm0, v5  }
0x3d: {  	s1 =	sor.u32 s4, s1;
	[tilespmem:v1+s17+$0x0] =	vst.idx.msk vm1, v0  }
0x3e: {  	v1 =	vld [tilespmem:s1+$0x0]  }
0x3f: {  	v0 =	vld.idx.msk [tilespmem:v3+s0+$0x0], $0xffff  }
0x40: {  	v3 =	vld.idx.msk [tilespmem:v4+s0+$0x0], $0xffff;
	_ =	sdelay $0x2  }
0x41: {  	v63 =	vmov s29  }
0x42: {  	vm13 =	veq.s32 v63, v6;
	vm12 =	vne.s32 v1, v0  }
0x43: {  	vm15 =	veq.s32 v63, v9;
	vm14 =	vne.s32 v1, v3;
	vm0 =	vmor vm13, vm12  }
0x44: {  	vm1 =	vmor vm15, vm14;
	_ =	sdelay $0x3  }
0x45: {  	v0 =	vor.u32 s29, v6  }
0x46: {  	[tilespmem:v1+s16+$0x0] =	vst.idx.msk vm0, v0  }
0x47: {  	s0 =	simm.s32 $0x0;
	[tilespmem:v1+s17+$0x0] =	vst.idx.msk vm1, v2  }
0x48: {  	v0 =	vld [tilespmem:s0+$0x2200]  }
0x49: {  	v1 =	vld [tilespmem:s0+$0x2000];
	_ =	sdelay $0x1  }
0x4a: {  	s1 =	simm.s32 $0x40  }
.LBB2_6:
0x4b: {  	p1 =	sne.s32 s1, $0x7C0  }
.Ltmp2:
0x4c: {  	s4 =	sshra.s32 s1, $0x2;
	(pc) =	sbr.rel @p1 .LBB2_6-.Ltmp2, $3  }
0x4d: {  	s1 =	sadd.s32 $0x40, s1;
	v2 =	vsub.s32 v0, v1;
	v0 =	vld [tilespmem:s4+$0x2200]  }
0x4e: {  	v1 =	vld [tilespmem:s4+$0x2000];
	v2 =	vcvt.s32.f32 v2;
	_ =	sdelay $0x1  }
0x4f: {  	[tilespmem:s0+$0x4400] =	vst v2;
	s0 =	smov.u32 s4  }
0x50: {  	_ =	sdelay $0x1  }
0x51: {  	v0 =	vsub.s32 v0, v1  }
0x52: {  	v0 =	vcvt.s32.f32 v0;
	_ =	sdelay $0x1  }
0x53: {  	s1 =	simm.s32 $0x80;
	s4 =	simm.s32 $0x400;
	[tilespmem:s0+$0x4400] =	vst v0;
	s0 =	simm.s32 $0x4400  }
0x54: {  	[spmem:s7] =	stream.strided.scatter [tilespmem:s0], [sflag:$0x1], $0x200, s4, s1, $0x38;
	[tilespmem:$0x15480] =	vst v63  }
0x55: {  	_ =	swait.ge [sflag:s15], $0x200  }
0x56: {  	[sflag:s15] =	ssyncset.done $0x0  }
0x57: {  	[sflag:s15] =	ssyncadd.s32 $0xFFFFFE00  }
0x58: {  	s26 =	simm.s32 $0x2400;
	[bflag:$0x0] =	sbarrier.arrive $0xFFFF  }
0x59: {  	[tilespmem:s26], [sflag:$0x1] =	stream.linear.gather [spmem:s3], $0x2000, $0x38;
	[tilespmem:$0x15480] =	vst v63  }
0x5a: {  	s29 =	simm.s32 $0x0;
	_ =	swait.ge [sflag:s15], $0x2000  }
0x5b: {  	s30 =	sand.u32 $0x70, s29;
	s1 =	sand.u32 $0xC00, s29;
	[sflag:s15] =	ssyncset.done $0x0  }
0x5c: {  	s1 =	sor.u32 s30, s1;
	[sflag:s15] =	ssyncadd.s32 $0xFFFFE000  }
0x5d: {  	v0 =	vld [tilespmem:s1+$0x2400];
	_ =	sdelay $0x1  }
0x5e: {  	v1 =	vld [tilespmem:s1+$0x2480];
	_ =	sdelay $0x1  }
0x5f: {  	v2 =	vld [tilespmem:s1+$0x2500]  }
0x60: {  	v0 =	vadd.f32 $0.0e+00, v0  }
0x61: {  	v3 =	vld [tilespmem:s1+$0x2580]  }
0x62: {  	v0 =	vadd.f32 v1, v0  }
0x63: {  	v1 =	vld [tilespmem:s1+$0x2600]  }
0x64: {  	v0 =	vadd.f32 v2, v0  }
0x65: {  	v2 =	vld [tilespmem:s1+$0x2680]  }
0x66: {  	v0 =	vadd.f32 v3, v0  }
0x67: {  	v3 =	vld [tilespmem:s1+$0x2700]  }
0x68: {  	v0 =	vadd.f32 v1, v0  }
0x69: {  	v1 =	vld [tilespmem:s1+$0x2780]  }
0x6a: {  	v0 =	vadd.f32 v2, v0  }
0x6b: {  	v2 =	vld [tilespmem:s1+$0x3400]  }
0x6c: {  	v0 =	vadd.f32 v3, v0  }
0x6d: {  	v3 =	vld [tilespmem:s1+$0x3480]  }
0x6e: {  	v0 =	vadd.f32 v1, v0  }
0x6f: {  	v1 =	vld [tilespmem:s1+$0x3500]  }
0x70: {  	v0 =	vadd.f32 v2, v0  }
0x71: {  	v2 =	vld [tilespmem:s1+$0x3580]  }
0x72: {  	v0 =	vadd.f32 v3, v0  }
0x73: {  	v3 =	vld [tilespmem:s1+$0x3600]  }
0x74: {  	v0 =	vadd.f32 v1, v0  }
0x75: {  	v1 =	vld [tilespmem:s1+$0x3680]  }
0x76: {  	v0 =	vadd.f32 v2, v0  }
0x77: {  	v2 =	vld [tilespmem:s1+$0x3700]  }
0x78: {  	v0 =	vadd.f32 v3, v0  }
0x79: {  	v3 =	vld [tilespmem:s1+$0x3780]  }
0x7a: {  	v0 =	vadd.f32 v1, v0;
	_ =	sdelay $0x1  }
0x7b: {  	v0 =	vadd.f32 v2, v0;
	_ =	sdelay $0x1  }
0x7c: {  	v0 =	vadd.f32 v3, v0;
	_ =	sdelay $0x1  }
0x7d: {  	v0 =	vmax.f32 v0, $1.000000000e+00  }
0x7e: {  	v0 =	vmul.f32 $5.120000000e+02, v0;
	_ =	sdelay $0x1  }
0x7f: {  	(erf) = vrcp.f32 v0;
	_ =	sdelay $0x7  }
0x80: {  	s31 =	simm.s32 $0x10;
	s26 =	simm.s32 $0x80  }
0x81: {  	s28 =	simm.s32 $0x20;
	s4 =	sand.u32 $0xC00, s26;
	s1 =	sand.u32 $0x70, s31;
	v0 =	vpop (erf)  }
.LBB2_8:
0x82: {  	p1 =	sne.s32 s28, $0x1F0;
	s1 =	sor.u32 s1, s4;
	[tilespmem:s0+$0x0] =	vst v0  }
0x83: {  	v0 =	vld [tilespmem:s1+$0x2400];
	_ =	sdelay $0x1  }
0x84: {  	v1 =	vld [tilespmem:s1+$0x2480];
	_ =	sdelay $0x1  }
0x85: {  	v2 =	vld [tilespmem:s1+$0x2500]  }
0x86: {  	v0 =	vadd.f32 $0.0e+00, v0  }
0x87: {  	v3 =	vld [tilespmem:s1+$0x2580]  }
0x88: {  	v0 =	vadd.f32 v1, v0  }
0x89: {  	v1 =	vld [tilespmem:s1+$0x2600]  }
0x8a: {  	v0 =	vadd.f32 v2, v0  }
0x8b: {  	v2 =	vld [tilespmem:s1+$0x2680]  }
0x8c: {  	v0 =	vadd.f32 v3, v0  }
0x8d: {  	v3 =	vld [tilespmem:s1+$0x2700]  }
0x8e: {  	v0 =	vadd.f32 v1, v0  }
0x8f: {  	v1 =	vld [tilespmem:s1+$0x2780]  }
0x90: {  	v0 =	vadd.f32 v2, v0  }
0x91: {  	v2 =	vld [tilespmem:s1+$0x3400]  }
0x92: {  	v0 =	vadd.f32 v3, v0  }
0x93: {  	v3 =	vld [tilespmem:s1+$0x3480]  }
0x94: {  	v0 =	vadd.f32 v1, v0  }
0x95: {  	v1 =	vld [tilespmem:s1+$0x3500]  }
0x96: {  	v0 =	vadd.f32 v2, v0  }
0x97: {  	v2 =	vld [tilespmem:s1+$0x3580]  }
0x98: {  	v0 =	vadd.f32 v3, v0  }
0x99: {  	v3 =	vld [tilespmem:s1+$0x3600]  }
0x9a: {  	v0 =	vadd.f32 v1, v0  }
0x9b: {  	v1 =	vld [tilespmem:s1+$0x3680]  }
0x9c: {  	v0 =	vadd.f32 v2, v0  }
0x9d: {  	v2 =	vld [tilespmem:s1+$0x3700]  }
0x9e: {  	v0 =	vadd.f32 v3, v0  }
0x9f: {  	v3 =	vld [tilespmem:s1+$0x3780]  }
0xa0: {  	v0 =	vadd.f32 v1, v0;
	_ =	sdelay $0x1  }
0xa1: {  	v0 =	vadd.f32 v2, v0;
	_ =	sdelay $0x1  }
0xa2: {  	v0 =	vadd.f32 v3, v0;
	_ =	sdelay $0x1  }
0xa3: {  	v0 =	vmax.f32 v0, $1.000000000e+00  }
0xa4: {  	v0 =	vmul.f32 $5.120000000e+02, v0;
	_ =	sdelay $0x1  }
0xa5: {  	(erf) = vrcp.f32 v0;
	_ =	sdelay $0x4  }
.Ltmp3:
0xa6: {  	(pc) =	sbr.rel @p1 .LBB2_8-.Ltmp3, $3  }
0xa7: {  	_ =	sdelay $0x1  }
0xa8: {  	s26 =	sadd.s32 $0x80, s26;
	s0 =	sadd.s32 $0x10, s0  }
0xa9: {  	s4 =	sand.u32 $0xC00, s26;
	s1 =	sand.u32 $0x70, s28;
	s28 =	sadd.s32 $0x10, s28;
	v0 =	vpop (erf)  }
0xaa: {  	s1 =	sor.u32 s1, s4;
	[tilespmem:s0+$0x0] =	vst v0  }
0xab: {  	v0 =	vld [tilespmem:s1+$0x2400];
	_ =	sdelay $0x1  }
0xac: {  	v1 =	vld [tilespmem:s1+$0x2480];
	_ =	sdelay $0x1  }
0xad: {  	v2 =	vld [tilespmem:s1+$0x2500]  }
0xae: {  	v0 =	vadd.f32 $0.0e+00, v0  }
0xaf: {  	v3 =	vld [tilespmem:s1+$0x2580]  }
0xb0: {  	v0 =	vadd.f32 v1, v0  }
0xb1: {  	v52 =	vld [tilespmem:s1+$0x2600]  }
0xb2: {  	v0 =	vadd.f32 v2, v0  }
0xb3: {  	v53 =	vld [tilespmem:s1+$0x2680]  }
0xb4: {  	v0 =	vadd.f32 v3, v0  }
0xb5: {  	v54 =	vld [tilespmem:s1+$0x2700]  }
0xb6: {  	v0 =	vadd.f32 v52, v0  }
0xb7: {  	v55 =	vld [tilespmem:s1+$0x2780]  }
0xb8: {  	v0 =	vadd.f32 v53, v0  }
0xb9: {  	v56 =	vld [tilespmem:s1+$0x3400]  }
0xba: {  	v0 =	vadd.f32 v54, v0  }
0xbb: {  	v57 =	vld [tilespmem:s1+$0x3480]  }
0xbc: {  	v0 =	vadd.f32 v55, v0  }
0xbd: {  	v58 =	vld [tilespmem:s1+$0x3500]  }
0xbe: {  	v0 =	vadd.f32 v56, v0  }
0xbf: {  	v59 =	vld [tilespmem:s1+$0x3580]  }
0xc0: {  	v0 =	vadd.f32 v57, v0  }
0xc1: {  	v60 =	vld [tilespmem:s1+$0x3600]  }
0xc2: {  	v0 =	vadd.f32 v58, v0  }
0xc3: {  	v61 =	vld [tilespmem:s1+$0x3680]  }
0xc4: {  	v0 =	vadd.f32 v59, v0  }
0xc5: {  	v62 =	vld [tilespmem:s1+$0x3700]  }
0xc6: {  	v0 =	vadd.f32 v60, v0  }
0xc7: {  	v63 =	vld [tilespmem:s1+$0x3780]  }
0xc8: {  	v0 =	vadd.f32 v61, v0;
	_ =	sdelay $0x1  }
0xc9: {  	v0 =	vadd.f32 v62, v0;
	_ =	sdelay $0x1  }
0xca: {  	v0 =	vadd.f32 v63, v0;
	_ =	sdelay $0x1  }
0xcb: {  	v0 =	vmax.f32 v0, $1.000000000e+00  }
0xcc: {  	v0 =	vmul.f32 $5.120000000e+02, v0;
	_ =	sdelay $0x1  }
0xcd: {  	(erf) = vrcp.f32 v0;
	_ =	sdelay $0x8  }
0xce: {  	s31 =	sadd.s32 $0x10, s0;
	v0 =	vpop (erf)  }
0xcf: {  	s26 =	simm.s32 $0x0;
	[tilespmem:s31+$0x0] =	vst v0  }
0xd0: {  	[tilespmem:s21], [sflag:$0x1] =	stream.linear.gather [hbm4b:s8+s26], $0x10000, $0x38;
	[tilespmem:$0x15480] =	vst v63  }
0xd1: {  	_ =	swait.ge [sflag:s15], $0x10000  }
0xd2: {  	[sflag:s15] =	ssyncset.done $0x0  }
0xd3: {  	[sflag:s15] =	ssyncadd.s32 $0xFFFF0000  }
.LBB2_10:
0xd4: {  	s0 =	simm.s32 $0x0;
	s28 =	sshll.u32 s26, $0x4  }
0xd5: {  	v0 =	vmov s0;
	v1 =	vmov s28  }
0xd6: {  	s4 =	simm.s32 $0x1;
	v0 =	vand.u32 $0x78, v0;
	v1 =	vshll.u32 v1, $0x7  }
0xd7: {  	s18 =	simm.s32 $0x2;
	v2 =	vbroadcast v0, $0x0;
	v0 =	vor.u32 v25, v1;
	v1 =	vmov s4  }
0xd8: {  	v3 =	vmov s18;
	v1 =	vand.u32 $0x79, v1  }
0xd9: {  	s19 =	simm.s32 $0x3;
	v3 =	vand.u32 $0x7A, v3;
	v2 =	vor.u32 v0, v2;
	v1 =	vbroadcast v1, $0x0  }
0xda: {  	v4 =	vmov s19;
	v3 =	vbroadcast v3, $0x0  }
0xdb: {  	s20 =	simm.s32 $0x4;
	v4 =	vand.u32 $0x7B, v4;
	v1 =	vor.u32 v0, v1  }
0xdc: {  	v4 =	vbroadcast v4, $0x0;
	v7 =	vor.u32 v0, v3;
	v3 =	vmov s20  }
0xdd: {  	s30 =	simm.s32 $0x5;
	v3 =	vand.u32 $0x7C, v3  }
0xde: {  	v9 =	vor.u32 v0, v4;
	v4 =	vmov s30;
	v5 =	vbroadcast v3, $0x0;
	v2 =	vld.idx.msk [tilespmem:v2+s21+$0x0], $0xffff  }
0xdf: {  	s31 =	simm.s32 $0x6;
	v3 =	vand.u32 $0x7D, v4  }
0xe0: {  	v8 =	vmov s31;
	v4 =	vbroadcast v3, $0x0;
	v5 =	vor.u32 v0, v5;
	v3 =	vld.idx.msk [tilespmem:v1+s21+$0x0], $0xffff  }
0xe1: {  	s1 =	simm.s32 $0x7;
	v1 =	vld.idx.msk [tilespmem:v7+s21+$0x0], $0xffff;
	v7 =	vand.u32 $0x7E, v8  }
0xe2: {  	v10 =	vmov s1;
	v4 =	vor.u32 v0, v4;
	v7 =	vbroadcast v7, $0x0  }
0xe3: {  	v6 =	vimm.f32 $0.0e+00;
	s29 =	simm.s32 $0x17;
	s0 =	simm.s32 $0xF;
	s1 =	simm.s32 $0x8;
	v8 =	vmul.f32 v2, v2;
	v2 =	vld.idx.msk [tilespmem:v9+s21+$0x0], $0xffff;
	v9 =	vand.u32 $0x7F, v10  }
.LBB2_11:
0xe4: {  	p1 =	sne.s32 s29, $0x7F;
	v10 =	vmov s1;
	v7 =	vor.u32 v0, v7;
	v9 =	vbroadcast v9, $0x0  }
0xe5: {  	s1 =	sadd.s32 $0xFFFFFFFA, s0;
	v3 =	vmul.f32 v3, v3;
	v10 =	vand.u32 $0x78, v10;
	v6 =	vadd.f32 v8, v6;
	v5 =	vld.idx.msk [tilespmem:v5+s21+$0x0], $0xffff  }
0xe6: {  	v8 =	vbroadcast v10, $0x0;
	v10 =	vmov s1;
	v9 =	vor.u32 v0, v9  }
0xe7: {  	s1 =	sadd.s32 $0xFFFFFFFB, s0;
	v1 =	vmul.f32 v1, v1;
	v10 =	vand.u32 $0x79, v10;
	v3 =	vadd.f32 v3, v6;
	v4 =	vld.idx.msk [tilespmem:v4+s21+$0x0], $0xffff  }
0xe8: {  	v6 =	vor.u32 v0, v8;
	v8 =	vbroadcast v10, $0x0;
	v10 =	vmov s1  }
0xe9: {  	s1 =	sadd.s32 $0xFFFFFFFC, s0;
	v2 =	vmul.f32 v2, v2;
	v10 =	vand.u32 $0x7A, v10;
	v1 =	vadd.f32 v1, v3;
	v7 =	vld.idx.msk [tilespmem:v7+s21+$0x0], $0xffff  }
0xea: {  	v3 =	vor.u32 v0, v8;
	v8 =	vbroadcast v10, $0x0;
	v10 =	vmov s1  }
0xeb: {  	s1 =	sadd.s32 $0xFFFFFFFD, s0;
	v10 =	vand.u32 $0x7B, v10;
	v1 =	vadd.f32 v2, v1;
	v2 =	vmul.f32 v5, v5;
	v9 =	vld.idx.msk [tilespmem:v9+s21+$0x0], $0xffff  }
0xec: {  	v8 =	vor.u32 v0, v8;
	v5 =	vbroadcast v10, $0x0;
	v10 =	vmov s1  }
0xed: {  	s1 =	sadd.s32 $0xFFFFFFFE, s0;
	v6 =	vld.idx.msk [tilespmem:v6+s21+$0x0], $0xffff;
	v10 =	vand.u32 $0x7C, v10;
	v1 =	vadd.f32 v2, v1;
	v2 =	vmul.f32 v4, v4  }
0xee: {  	v11 =	vor.u32 v0, v5;
	v4 =	vbroadcast v10, $0x0;
	v5 =	vmov s1  }
.Ltmp4:
0xef: {  	s1 =	sadd.s32 $0xFFFFFFFF, s0;
	v7 =	vmul.f32 v7, v7;
	v3 =	vld.idx.msk [tilespmem:v3+s21+$0x0], $0xffff;
	v10 =	vand.u32 $0x7D, v5;
	v2 =	vadd.f32 v2, v1;
	(pc) =	sbr.rel @p1 .LBB2_11-.Ltmp4, $4  }
0xf0: {  	v5 =	vor.u32 v0, v4;
	v4 =	vbroadcast v10, $0x0;
	v10 =	vmov s1  }
0xf1: {  	v12 =	vmul.f32 v9, v9;
	v1 =	vld.idx.msk [tilespmem:v8+s21+$0x0], $0xffff;
	v8 =	vand.u32 $0x7E, v10;
	v10 =	vadd.f32 v7, v2  }
0xf2: {  	v9 =	vmov s0;
	s0 =	smov.u32 s29;
	v4 =	vor.u32 v0, v4;
	v7 =	vbroadcast v8, $0x0  }
0xf3: {  	s29 =	sadd.s32 $0x8, s29;
	s1 =	sadd.s32 $0xFFFFFFF9, s0;
	v9 =	vand.u32 $0x7F, v9;
	v8 =	vmul.f32 v6, v6;
	v2 =	vld.idx.msk [tilespmem:v11+s21+$0x0], $0xffff;
	v6 =	vadd.f32 v12, v10  }
0xf4: {  	_ = 	snop  }
0xf5: {  	v10 =	vmov s1  }
0xf6: {  	v7 =	vor.u32 v0, v7;
	v9 =	vbroadcast v9, $0x0;
	s31 =	sadd.s32 $0xFFFFFFFA, s0;
	v3 =	vmul.f32 v3, v3  }
0xf7: {  	s4 =	sadd.s32 $0xFFFFFFFB, s0;
	v10 =	vand.u32 $0x78, v10;
	v6 =	vadd.f32 v8, v6;
	v19 =	vmov s31  }
0xf8: {  	v5 =	vld.idx.msk [tilespmem:v5+s21+$0x0], $0xffff;
	v22 =	vmov s4;
	v18 =	vbroadcast v10, $0x0;
	v9 =	vor.u32 v0, v9  }
0xf9: {  	s18 =	sadd.s32 $0xFFFFFFFC, s0;
	v10 =	vand.u32 $0x79, v19;
	v1 =	vmul.f32 v1, v1;
	v3 =	vadd.f32 v3, v6  }
0xfa: {  	v4 =	vld.idx.msk [tilespmem:v4+s21+$0x0], $0xffff;
	v30 =	vmov s18;
	v21 =	vbroadcast v10, $0x0;
	v10 =	vand.u32 $0x7A, v22  }
0xfb: {  	s19 =	sadd.s32 $0xFFFFFFFD, s0;
	v20 =	vor.u32 v0, v18;
	v2 =	vmul.f32 v2, v2;
	v1 =	vadd.f32 v1, v3  }
0xfc: {  	v34 =	vmov s19;
	v29 =	vbroadcast v10, $0x0;
	v10 =	vand.u32 $0x7B, v30;
	v23 =	vld.idx.msk [tilespmem:v7+s21+$0x0], $0xffff  }
0xfd: {  	s20 =	sadd.s32 $0xFFFFFFFE, s0;
	v28 =	vor.u32 v0, v21;
	v31 =	vmul.f32 v5, v5;
	v1 =	vadd.f32 v2, v1  }
0xfe: {  	v39 =	vmov s20;
	v33 =	vbroadcast v10, $0x0;
	v10 =	vand.u32 $0x7C, v34;
	v32 =	vld.idx.msk [tilespmem:v9+s21+$0x0], $0xffff  }
0xff: {  	s29 =	sadd.s32 $0xFFFFFFFF, s0;
	v35 =	vmul.f32 v4, v4;
	v8 =	vor.u32 v0, v29;
	v1 =	vadd.f32 v31, v1  }
0x100: {  	v44 =	vmov s29;
	v38 =	vbroadcast v10, $0x0;
	v10 =	vand.u32 $0x7D, v39;
	v36 =	vld.idx.msk [tilespmem:v20+s21+$0x0], $0xffff  }
0x101: {  	v37 =	vor.u32 v0, v33;
	v40 =	vmul.f32 v23, v23;
	v1 =	vadd.f32 v35, v1  }
0x102: {  	v49 =	vmov s0;
	v43 =	vbroadcast v10, $0x0;
	v10 =	vand.u32 $0x7E, v44;
	v41 =	vld.idx.msk [tilespmem:v28+s21+$0x0], $0xffff  }
0x103: {  	v42 =	vor.u32 v0, v38;
	v45 =	vmul.f32 v32, v32;
	v1 =	vadd.f32 v40, v1  }
0x104: {  	v51 =	vand.u32 $0x7F, v49;
	v48 =	vbroadcast v10, $0x0;
	v46 =	vld.idx.msk [tilespmem:v8+s21+$0x0], $0xffff  }
0x105: {  	v47 =	vor.u32 v0, v43;
	v4 =	vmul.f32 v36, v36;
	v1 =	vadd.f32 v45, v1  }
0x106: {  	v6 =	vbroadcast v51, $0x0;
	v50 =	vld.idx.msk [tilespmem:v37+s21+$0x0], $0xffff  }
0x107: {  	v9 =	vor.u32 v0, v48;
	v3 =	vmul.f32 v41, v41;
	v1 =	vadd.f32 v4, v1  }
0x108: {  	v52 =	vld.idx.msk [tilespmem:v42+s21+$0x0], $0xffff  }
0x109: {  	v53 =	vor.u32 v0, v6;
	v54 =	vmul.f32 v46, v46;
	v1 =	vadd.f32 v3, v1  }
0x10a: {  	v55 =	vld.idx.msk [tilespmem:v47+s21+$0x0], $0xffff  }
0x10b: {  	v2 =	vmul.f32 v50, v50;
	v1 =	vadd.f32 v54, v1  }
0x10c: {  	v56 =	vld.idx.msk [tilespmem:v9+s21+$0x0], $0xffff  }
0x10d: {  	v57 =	vmul.f32 v52, v52;
	v1 =	vadd.f32 v2, v1  }
0x10e: {  	v0 =	vld.idx.msk [tilespmem:v53+s21+$0x0], $0xffff  }
0x10f: {  	v58 =	vmul.f32 v55, v55;
	v1 =	vadd.f32 v57, v1;
	_ =	sdelay $0x1  }
0x110: {  	v59 =	vmul.f32 v56, v56;
	v1 =	vadd.f32 v58, v1;
	_ =	sdelay $0x1  }
0x111: {  	v0 =	vmul.f32 v0, v0;
	v1 =	vadd.f32 v59, v1;
	_ =	sdelay $0x1  }
0x112: {  	v0 =	vadd.f32 v0, v1;
	_ =	sdelay $0x1  }
0x113: {  	v0 =	vmax.f32 v0, $1.000000000e-30  }
0x114: {  	v60 =	vshra.s32 v0, $0x1;
	v0 =	vmul.f32 $5.000000000e-01, v0  }
0x115: {  	v1 =	vsub.s32 $0x5F3759DF, v60  }
0x116: {  	v61 =	vmul.f32 v1, v0;
	_ =	sdelay $0x1  }
0x117: {  	v2 =	vmul.f32 v1, v61;
	_ =	sdelay $0x1  }
0x118: {  	v2 =	vsub.f32 $1.500000000e+00, v2;
	_ =	sdelay $0x1  }
0x119: {  	v1 =	vmul.f32 v1, v2;
	_ =	sdelay $0x1  }
0x11a: {  	s30 =	sand.u32 $0x180, s28;
	v2 =	vmul.f32 v1, v0  }
0x11b: {  	s31 =	sand.u32 $0x70, s28;
	s0 =	sadd.s32 s30, s6  }
0x11c: {  	s0 =	sadd.s32 s31, s0;
	v2 =	vmul.f32 v2, v1  }
0x11d: {  	v62 =	vld [tilespmem:s0+$0x0]  }
0x11e: {  	v2 =	vsub.f32 $1.500000000e+00, v2;
	_ =	sdelay $0x1  }
0x11f: {  	v1 =	vmul.f32 v2, v1;
	_ =	sdelay $0x1  }
0x120: {  	v0 =	vmul.f32 v1, v0;
	_ =	sdelay $0x1  }
0x121: {  	v0 =	vmul.f32 v0, v1  }
0x122: {  	v63 =	vld.idx.msk [tilespmem:v62+s22+$0x0], $0xffff  }
0x123: {  	s26 =	sadd.s32 $0x1, s26;
	v0 =	vsub.f32 $1.500000000e+00, v0  }
0x124: {  	p1 =	sne.s32 s26, $0x20  }
.Ltmp5:
0x125: {  	v0 =	vmul.f32 v0, v1;
	(pc) =	sbr.rel @p1 .LBB2_10-.Ltmp5, $3  }
0x126: {  	_ = 	snop  }
0x127: {  	v0 =	vmul.f32 v63, v0;
	_ =	sdelay $0x1  }
0x128: {  	[tilespmem:s28+$0x14600] =	vst v0  }
0x129: {  	s26 =	simm.s32 $0x4A00  }
0x12a: {  	v34 =	vld [tilespmem:s26+$0x380]  }
0x12b: {  	v35 =	vld [tilespmem:s26+$0x390]  }
0x12c: {  	v36 =	vld [tilespmem:s26+$0x3A0]  }
0x12d: {  	v37 =	vld [tilespmem:s26+$0x3B0]  }
0x12e: {  	v44 =	vld [tilespmem:s26+$0x3C0]  }
0x12f: {  	v45 =	vld [tilespmem:s26+$0x3D0]  }
0x130: {  	v46 =	vld [tilespmem:s26+$0x300]  }
0x131: {  	v47 =	vld [tilespmem:s26+$0x310]  }
0x132: {  	v52 =	vld [tilespmem:s26+$0x320]  }
0x133: {  	v53 =	vld [tilespmem:s26+$0x330]  }
0x134: {  	v54 =	vld [tilespmem:s26+$0x340]  }
0x135: {  	v55 =	vld [tilespmem:s26+$0x350]  }
0x136: {  	v22 =	vld [tilespmem:s26+$0x280]  }
0x137: {  	v51 =	vld [tilespmem:s26+$0x290]  }
0x138: {  	v50 =	vld [tilespmem:s26+$0x2A0]  }
0x139: {  	v49 =	vld [tilespmem:s26+$0x2B0]  }
0x13a: {  	v48 =	vld [tilespmem:s26+$0x2C0]  }
0x13b: {  	v21 =	vld [tilespmem:s26+$0x2D0]  }
0x13c: {  	v20 =	vld [tilespmem:s26+$0x200]  }
0x13d: {  	v17 =	vld [tilespmem:s26+$0x210]  }
0x13e: {  	v42 =	vld [tilespmem:s26+$0x220]  }
0x13f: {  	v41 =	vld [tilespmem:s26+$0x230]  }
0x140: {  	v25 =	vld [tilespmem:s26+$0x240]  }
0x141: {  	v26 =	vld [tilespmem:s26+$0x250]  }
0x142: {  	v38 =	vld [tilespmem:s26+$0x180]  }
0x143: {  	s0 =	simm.s32 $0x0;
	v32 =	vld [tilespmem:s26+$0x190]  }
0x144: {  	v28 =	vld [tilespmem:s0+$0x14600]  }
0x145: {  	v31 =	vld [tilespmem:s26+$0x1A0]  }
0x146: {  	v16 =	vld [tilespmem:s26+$0x1B0]  }
0x147: {  	v13 =	vld [tilespmem:s26+$0x1C0]  }
0x148: {  	v12 =	vld [tilespmem:s26+$0x1D0]  }
0x149: {  	v4 =	vld [tilespmem:s26+$0x100]  }
0x14a: {  	v0 =	vld [tilespmem:s26+$0x120]  }
0x14b: {  	v19 =	vld [tilespmem:s26+$0xFFFFFD00]  }
0x14c: {  	v23 =	vld [tilespmem:s26+$0xFFFFFC80]  }
0x14d: {  	v18 =	vld [tilespmem:s26+$0xFFFFFC00]  }
0x14e: {  	v24 =	vld [tilespmem:s26+$0xFFFFFC10]  }
0x14f: {  	[tilespmem:$0x1FF60] =	vst v0;
	v0 =	vld [tilespmem:s26+$0x130];
	v6 =	vbroadcast v28, $0xF  }
0x150: {  	v56 =	vld [tilespmem:s26+$0xFFFFFC90];
	v7 =	vbroadcast v28, $0xE;
	v9 =	vbroadcast v28, $0xC  }
0x151: {  	v57 =	vld [tilespmem:s26+$0xFFFFFC20];
	v8 =	vbroadcast v28, $0xD;
	v3 =	vmul.f32 v34, v6  }
0x152: {  	v58 =	vld [tilespmem:s26+$0xFFFFFC30];
	v11 =	vbroadcast v28, $0xA;
	v10 =	vbroadcast v28, $0xB  }
0x153: {  	v59 =	vld [tilespmem:s26+$0xFFFFFCA0];
	v30 =	vbroadcast v28, $0x0;
	v15 =	vbroadcast v28, $0x8;
	[tilespmem:$0x1FEA0] =	vst v3  }
0x154: {  	v14 =	vbroadcast v28, $0x9;
	v3 =	vmul.f32 v35, v6;
	[tilespmem:$0x1FF70] =	vst v0;
	v0 =	vld [tilespmem:s26+$0x140]  }
0x155: {  	v61 =	vld [tilespmem:s26+$0xFFFFFCB0];
	v29 =	vbroadcast v28, $0x1;
	v27 =	vbroadcast v28, $0x2  }
0x156: {  	v62 =	vld [tilespmem:s26+$0xFFFFFD10];
	v60 =	vmul.f32 v18, v30;
	[tilespmem:$0x1FEB0] =	vst v3;
	v3 =	vmul.f32 v37, v6  }
0x157: {  	v1 =	vimm.f32 $0.0e+00;
	v2 =	vld [tilespmem:s26+$0xFFFFFD20];
	v24 =	vmul.f32 v24, v30;
	v23 =	vmul.f32 v23, v29  }
0x158: {  	v63 =	vmul.f32 v19, v27;
	v19 =	vmul.f32 v58, v30;
	v58 =	vld [tilespmem:s26+$0xFFFFFD30];
	v60 =	vadd.f32 v60, v1;
	[tilespmem:$0x1FED0] =	vst v3  }
0x159: {  	v56 =	vmul.f32 v56, v29;
	v24 =	vadd.f32 v24, v1;
	v3 =	vmul.f32 v44, v6;
	[tilespmem:$0x1FF80] =	vst v0;
	v0 =	vld [tilespmem:s26+$0x150]  }
0x15a: {  	v5 =	vld [tilespmem:s26+$0x110];
	v18 =	vbroadcast v28, $0x6;
	v57 =	vmul.f32 v57, v30;
	v60 =	vadd.f32 v23, v60  }
0x15b: {  	v40 =	vld [tilespmem:s26+$0x80];
	v56 =	vadd.f32 v56, v24;
	v23 =	vmul.f32 v59, v29;
	[tilespmem:$0x1FEE0] =	vst v3;
	v3 =	vmul.f32 v45, v6  }
0x15c: {  	v34 =	vld [tilespmem:s26+$0xFFFFFDB0];
	v24 =	vadd.f32 v57, v1;
	v57 =	vadd.f32 v19, v1;
	v59 =	vmul.f32 v61, v29  }
0x15d: {  	v2 =	vmul.f32 v2, v27;
	v61 =	vld [tilespmem:s26+$0xFFFFFD80];
	v58 =	vmul.f32 v58, v27;
	[tilespmem:$0x1FEF0] =	vst v3  }
0x15e: {  	v57 =	vadd.f32 v59, v57;
	v59 =	vmul.f32 v62, v27;
	v62 =	vld [tilespmem:s26+$0xFFFFFDA0];
	[tilespmem:$0x1FF90] =	vst v0;
	v0 =	vimm.f32 $0.0e+00  }
0x15f: {  	v19 =	vbroadcast v28, $0x7;
	v1 =	vld [tilespmem:s26+$0xFFFFFD90];
	v3 =	vmul.f32 v54, v7;
	[tilespmem:$0x1FE90] =	vst v0;
	v0 =	vadd.f32 v23, v24  }
0x160: {  	v44 =	vld [tilespmem:s26+$0xFFFFFE90];
	v57 =	vadd.f32 v58, v57;
	v24 =	vbroadcast v28, $0x4;
	v23 =	vbroadcast v28, $0x5  }
0x161: {  	v58 =	vld [tilespmem:s26+$0xFFFFFE20];
	v28 =	vbroadcast v28, $0x3;
	v0 =	vadd.f32 v2, v0;
	v2 =	vmul.f32 v36, v6  }
0x162: {  	v56 =	vadd.f32 v59, v56;
	v59 =	vld [tilespmem:s26+$0xFFFFFE00];
	v54 =	vmul.f32 v38, v10;
	[tilespmem:$0x1FF00] =	vst v3;
	v3 =	vmul.f32 v55, v7  }
0x163: {  	v60 =	vadd.f32 v63, v60;
	v37 =	vmul.f32 v62, v28;
	v62 =	vld [tilespmem:s26+$0xFFFFFEA0];
	[tilespmem:$0x1FEC0] =	vst v2;
	v2 =	vmul.f32 v61, v28  }
0x164: {  	v55 =	vmul.f32 v20, v9;
	[tilespmem:$0x1FF10] =	vst v3;
	v3 =	vmul.f32 v48, v8;
	v61 =	vld [tilespmem:s26+$0xFFFFFE10]  }
0x165: {  	v1 =	vmul.f32 v1, v28;
	v63 =	vmul.f32 v34, v28;
	v2 =	vadd.f32 v2, v60;
	v60 =	vld [tilespmem:s26+$0xFFFFFE30]  }
0x166: {  	v34 =	vmul.f32 v46, v7;
	v45 =	vmul.f32 v58, v24;
	v58 =	vld [tilespmem:s26+$0xFFFFFEB0]  }
0x167: {  	v35 =	vmul.f32 v59, v24;
	v36 =	vmul.f32 v53, v7;
	v59 =	vld [tilespmem:s26+$0xFFFFFF20]  }
0x168: {  	[tilespmem:$0x1FF20] =	vst v3;
	v3 =	vmul.f32 v21, v8;
	v1 =	vadd.f32 v1, v56;
	v56 =	vld [tilespmem:s26+$0xFFFFFE80];
	v0 =	vadd.f32 v37, v0  }
0x169: {  	v2 =	vadd.f32 v35, v2;
	v35 =	vmul.f32 v52, v7;
	v52 =	vld [tilespmem:s26+$0xFFFFFF30];
	v61 =	vmul.f32 v61, v24  }
0x16a: {  	v57 =	vadd.f32 v63, v57;
	v37 =	vmul.f32 v47, v7;
	v46 =	vmul.f32 v60, v24;
	v60 =	vld [tilespmem:s26+$0xFFFFFF00]  }
0x16b: {  	v63 =	vmul.f32 v44, v23;
	v44 =	vmul.f32 v22, v8;
	v1 =	vadd.f32 v61, v1;
	v61 =	vld [tilespmem:s26+$0xFFFFFF10]  }
0x16c: {  	v0 =	vadd.f32 v45, v0;
	v53 =	vadd.f32 v46, v57;
	v57 =	vmul.f32 v58, v23;
	v58 =	vld [tilespmem:s26+$0xFFFFFF80]  }
0x16d: {  	v22 =	vmul.f32 v62, v23;
	v47 =	vmul.f32 v56, v23;
	v1 =	vadd.f32 v63, v1;
	v63 =	vld [tilespmem:s26+$0xFFFFFF90]  }
0x16e: {  	v39 =	vld [tilespmem:s26+$0x90];
	[tilespmem:$0x1FF30] =	vst v3;
	v3 =	vmul.f32 v25, v9;
	v45 =	vmul.f32 v51, v8  }
0x16f: {  	v48 =	vld [tilespmem:s26+$0xFFFFFFB0];
	v0 =	vadd.f32 v22, v0;
	v2 =	vadd.f32 v47, v2;
	v22 =	vmul.f32 v60, v18  }
0x170: {  	v33 =	vld [tilespmem:s26+$0xA0];
	v21 =	vmul.f32 v52, v18;
	v51 =	vadd.f32 v57, v53;
	v56 =	vmul.f32 v61, v18  }
0x171: {  	v2 =	vadd.f32 v22, v2;
	v22 =	vmul.f32 v59, v18;
	v20 =	vmul.f32 v58, v19;
	v58 =	vld [tilespmem:s26+$0x30]  }
0x172: {  	v43 =	vld [tilespmem:s26+$0xB0];
	v1 =	vadd.f32 v56, v1;
	v59 =	vmul.f32 v17, v9;
	v17 =	vmul.f32 v63, v19  }
0x173: {  	v38 =	vmul.f32 v16, v10;
	v16 =	vld [tilespmem:s26+$0xFFFFFED0];
	[tilespmem:$0x1FF40] =	vst v3;
	v3 =	vmul.f32 v26, v9  }
0x174: {  	v25 =	vld [tilespmem:s26+$0xFFFFFFC0];
	v21 =	vadd.f32 v21, v51;
	v1 =	vadd.f32 v17, v1;
	v17 =	vmul.f32 v48, v19  }
0x175: {  	[tilespmem:$0x1FF50] =	vst v3;
	v3 =	vld [tilespmem:$0x1FF60];
	v47 =	vmul.f32 v49, v8  }
0x176: {  	v49 =	vld [tilespmem:s26+$0x0];
	v52 =	vmul.f32 v31, v10;
	v17 =	vadd.f32 v17, v21;
	v58 =	vmul.f32 v58, v15  }
0x177: {  	v31 =	vmul.f32 v40, v14;
	v40 =	vmul.f32 v12, v10;
	v53 =	vld [tilespmem:s26+$0xFFFFFFA0]  }
0x178: {  	v12 =	vmul.f32 v43, v14;
	v0 =	vadd.f32 v22, v0;
	v22 =	vld [tilespmem:s26+$0x10];
	v17 =	vadd.f32 v58, v17  }
0x179: {  	v57 =	vld [tilespmem:s26+$0x20]  }
0x17a: {  	v12 =	vadd.f32 v12, v17;
	v17 =	vmul.f32 v3, v11;
	v3 =	vld [tilespmem:$0x1FF70]  }
0x17b: {  	v26 =	vld [tilespmem:s26+$0xFFFFFEC0];
	v62 =	vmul.f32 v39, v14;
	v39 =	vmul.f32 v13, v10  }
0x17c: {  	v13 =	vmul.f32 v33, v14;
	v33 =	vld [tilespmem:s26+$0xFFFFFE40];
	v2 =	vadd.f32 v20, v2;
	v20 =	vmul.f32 v53, v19  }
0x17d: {  	v51 =	vld [tilespmem:s26+$0xFFFFFFD0];
	v21 =	vmul.f32 v22, v15  }
0x17e: {  	v63 =	vld [tilespmem:s26+$0xC0];
	v57 =	vmul.f32 v57, v15;
	v0 =	vadd.f32 v20, v0;
	v20 =	vmul.f32 v49, v15  }
0x17f: {  	v1 =	vadd.f32 v21, v1;
	v21 =	vmul.f32 v32, v10;
	v32 =	vmul.f32 v3, v11;
	v3 =	vld [tilespmem:$0x1FF80]  }
0x180: {  	v48 =	vld [tilespmem:s26+$0xD0]  }
0x181: {  	v53 =	vld [tilespmem:s26+$0xFFFFFF40];
	v2 =	vadd.f32 v20, v2;
	v0 =	vadd.f32 v57, v0  }
0x182: {  	v4 =	vmul.f32 v4, v11;
	v5 =	vmul.f32 v5, v11;
	v49 =	vld [tilespmem:s26+$0x40]  }
0x183: {  	v46 =	vmul.f32 v50, v8;
	v2 =	vadd.f32 v31, v2;
	v0 =	vadd.f32 v13, v0;
	v13 =	vld [tilespmem:s26+$0xFFFFFDD0]  }
0x184: {  	v60 =	vmul.f32 v42, v9;
	v1 =	vadd.f32 v62, v1;
	v43 =	vmul.f32 v3, v11;
	v3 =	vld [tilespmem:$0x1FF90]  }
0x185: {  	v61 =	vmul.f32 v41, v9;
	v41 =	vimm.f32 $0.0e+00;
	v2 =	vadd.f32 v4, v2;
	v4 =	vld [tilespmem:s26+$0xFFFFFE50]  }
0x186: {  	v50 =	vld [tilespmem:s26+$0x50];
	v56 =	vmul.f32 v63, v14;
	v63 =	vmul.f32 v51, v19;
	v1 =	vadd.f32 v5, v1  }
0x187: {  	v57 =	vimm.f32 $0.0e+00;
	v48 =	vmul.f32 v48, v14;
	v22 =	vld [tilespmem:s26+$0xFFFFFDC0];
	v62 =	vmul.f32 v25, v19  }
0x188: {  	v20 =	vld [tilespmem:s26+$0xFFFFFF50];
	v5 =	vmul.f32 v53, v18;
	v51 =	vadd.f32 v21, v1;
	v12 =	vadd.f32 v32, v12  }
0x189: {  	v21 =	vld [tilespmem:s26+$0xFFFFFCC0];
	v42 =	vmul.f32 v3, v11;
	v3 =	vadd.f32 v17, v0;
	v0 =	vmul.f32 v49, v15  }
0x18a: {  	v53 =	vmul.f32 v4, v24;
	v4 =	vadd.f32 v38, v12;
	v12 =	vmul.f32 v13, v28;
	v13 =	vld [tilespmem:s26+$0xFFFFFC40]  }
0x18b: {  	v1 =	vmul.f32 v26, v23;
	v17 =	vld [tilespmem:s26+$0xFFFFFD50];
	v49 =	vimm.f32 $0.0e+00;
	[tilespmem:$0x1FFA0] =	vst v0;
	v0 =	vmul.f32 v50, v15  }
0x18c: {  	v50 =	vadd.f32 v54, v2;
	v2 =	vmul.f32 v16, v23;
	v16 =	vmul.f32 v22, v28;
	v22 =	vld [tilespmem:s26+$0xFFFFFCD0]  }
0x18d: {  	s28 =	simm.s32 $0x40;
	v3 =	vadd.f32 v52, v3;
	v52 =	vmul.f32 v33, v24;
	[tilespmem:$0x1FFB0] =	vst v0;
	v0 =	vmul.f32 v20, v18;
	v20 =	vld [tilespmem:s26+$0xFFFFFD40]  }
.LBB2_14:
0x18e: {  	v50 =	vadd.f32 v55, v50  }
0x18f: {  	v26 =	vld [tilespmem:$0x1FEA0]  }
0x190: {  	v50 =	vadd.f32 v44, v50;
	_ =	sdelay $0x1  }
0x191: {  	v44 =	vadd.f32 v34, v50;
	_ =	sdelay $0x1  }
0x192: {  	v26 =	vadd.f32 v26, v44  }
0x193: {  	v51 =	vadd.f32 v59, v51  }
0x194: {  	[tilespmem:$0x1FD70] =	vst v26;
	v26 =	vld [tilespmem:$0x1FEB0]  }
0x195: {  	v51 =	vadd.f32 v45, v51;
	_ =	sdelay $0x1  }
0x196: {  	v38 =	vadd.f32 v37, v51;
	_ =	sdelay $0x1  }
0x197: {  	v26 =	vadd.f32 v26, v38  }
0x198: {  	v3 =	vadd.f32 v60, v3  }
0x199: {  	[tilespmem:$0x1FD80] =	vst v26;
	v26 =	vld [tilespmem:$0x1FEC0]  }
0x19a: {  	v3 =	vadd.f32 v46, v3;
	_ =	sdelay $0x1  }
0x19b: {  	v3 =	vadd.f32 v35, v3;
	_ =	sdelay $0x1  }
0x19c: {  	v3 =	vadd.f32 v26, v3  }
0x19d: {  	v4 =	vadd.f32 v61, v4  }
0x19e: {  	[tilespmem:$0x1FD90] =	vst v3;
	v3 =	vld [tilespmem:$0x1FED0]  }
0x19f: {  	v4 =	vadd.f32 v47, v4;
	_ =	sdelay $0x1  }
0x1a0: {  	v25 =	vld [tilespmem:s26+$0xFFFFFC50];
	v4 =	vadd.f32 v36, v4  }
0x1a1: {  	v58 =	vld [tilespmem:s26+$0xFFFFFC60]  }
0x1a2: {  	v33 =	vld [tilespmem:s26+$0xFFFFFC70];
	v3 =	vadd.f32 v3, v4  }
0x1a3: {  	v54 =	vld [tilespmem:s26+$0xFFFFFCE0]  }
0x1a4: {  	[tilespmem:$0x1FDA0] =	vst v3;
	v3 =	vld [tilespmem:$0x1FE90]  }
0x1a5: {  	v55 =	vld [tilespmem:s26+$0xFFFFFCF0];
	v20 =	vmul.f32 v20, v27  }
0x1a6: {  	v17 =	vmul.f32 v17, v27;
	v60 =	vmul.f32 v58, v30;
	v50 =	vld [tilespmem:s26+$0xFFFFFD60]  }
0x1a7: {  	v61 =	vld [tilespmem:s26+$0xFFFFFD70];
	v13 =	vmul.f32 v13, v30;
	v25 =	vmul.f32 v25, v30  }
0x1a8: {  	v47 =	vld [tilespmem:s26+$0xFFFFFDE0];
	v21 =	vmul.f32 v21, v29;
	v30 =	vmul.f32 v33, v30;
	v49 =	vadd.f32 v60, v49  }
0x1a9: {  	v22 =	vmul.f32 v22, v29;
	v4 =	vadd.f32 v25, v57;
	v25 =	vld [tilespmem:s26+$0xFFFFFDF0];
	v3 =	vadd.f32 v13, v3  }
0x1aa: {  	v51 =	vld [tilespmem:s26+$0xFFFFFE60];
	v30 =	vadd.f32 v30, v41;
	v13 =	vmul.f32 v54, v29;
	v29 =	vmul.f32 v55, v29  }
0x1ab: {  	v4 =	vadd.f32 v22, v4;
	v22 =	vld [tilespmem:s26+$0xFFFFFE70];
	v3 =	vadd.f32 v21, v3;
	v21 =	vmul.f32 v50, v27  }
0x1ac: {  	v13 =	vadd.f32 v13, v49;
	v29 =	vadd.f32 v29, v30;
	v27 =	vmul.f32 v61, v27;
	v30 =	vld [tilespmem:s26+$0xFFFFFEE0]  }
0x1ad: {  	v4 =	vadd.f32 v17, v4;
	v17 =	vmul.f32 v47, v28;
	v3 =	vadd.f32 v20, v3;
	v20 =	vld [tilespmem:s26+$0xFFFFFEF0]  }
0x1ae: {  	v25 =	vmul.f32 v25, v28;
	v13 =	vadd.f32 v21, v13;
	v21 =	vadd.f32 v27, v29;
	v27 =	vld [tilespmem:s26+$0xFFFFFF60]  }
0x1af: {  	v4 =	vadd.f32 v12, v4;
	v12 =	vmul.f32 v51, v24;
	v3 =	vadd.f32 v16, v3;
	v16 =	vld [tilespmem:s26+$0xFFFFFF70]  }
0x1b0: {  	v13 =	vadd.f32 v17, v13;
	v17 =	vadd.f32 v25, v21;
	v21 =	vmul.f32 v22, v24;
	v22 =	vld [tilespmem:s26+$0xFFFFFFE0]  }
0x1b1: {  	v4 =	vadd.f32 v53, v4;
	v25 =	vld [tilespmem:s26+$0xFFFFFFF0];
	v24 =	vmul.f32 v30, v23;
	v3 =	vadd.f32 v52, v3  }
0x1b2: {  	v12 =	vadd.f32 v12, v13;
	v13 =	vadd.f32 v21, v17;
	v17 =	vmul.f32 v20, v23  }
0x1b3: {  	v2 =	vadd.f32 v2, v4;
	v1 =	vadd.f32 v1, v3;
	v3 =	vmul.f32 v27, v18  }
0x1b4: {  	v12 =	vadd.f32 v24, v12;
	v13 =	vadd.f32 v17, v13;
	v16 =	vmul.f32 v16, v18  }
0x1b5: {  	v0 =	vadd.f32 v0, v2;
	v2 =	vmul.f32 v22, v19  }
0x1b6: {  	v3 =	vadd.f32 v3, v12;
	v12 =	vadd.f32 v16, v13;
	v13 =	vmul.f32 v25, v19;
	_ =	sdelay $0x1  }
0x1b7: {  	v2 =	vadd.f32 v2, v3;
	v3 =	vadd.f32 v13, v12;
	v13 =	vld [tilespmem:$0x1FFA0]  }
0x1b8: {  	v1 =	vadd.f32 v5, v1  }
0x1b9: {  	v4 =	vld [tilespmem:s26+$0x70]  }
0x1ba: {  	v20 =	vld [tilespmem:s26+$0x60];
	v1 =	vadd.f32 v62, v1  }
0x1bb: {  	v17 =	vld [tilespmem:s26+$0xE0]  }
0x1bc: {  	v1 =	vadd.f32 v13, v1;
	v13 =	vld [tilespmem:$0x1FFB0]  }
0x1bd: {  	v5 =	vld [tilespmem:s26+$0xF0]  }
0x1be: {  	v16 =	vld [tilespmem:s26+$0x160]  }
0x1bf: {  	v0 =	vadd.f32 v63, v0;
	v19 =	vld [tilespmem:s26+$0x170];
	v18 =	vmul.f32 v20, v15  }
0x1c0: {  	v4 =	vmul.f32 v4, v15;
	v12 =	vld [tilespmem:s26+$0x1E0]  }
0x1c1: {  	v2 =	vadd.f32 v18, v2;
	v0 =	vadd.f32 v13, v0;
	v13 =	vmul.f32 v17, v14  }
0x1c2: {  	v15 =	vld [tilespmem:s26+$0x1F0];
	v3 =	vadd.f32 v4, v3;
	v4 =	vmul.f32 v5, v14  }
0x1c3: {  	v14 =	vmul.f32 v16, v11;
	v2 =	vadd.f32 v13, v2  }
0x1c4: {  	v3 =	vadd.f32 v4, v3;
	v16 =	vld [tilespmem:s26+$0x270]  }
0x1c5: {  	v4 =	vmul.f32 v19, v11;
	v12 =	vmul.f32 v12, v10;
	v11 =	vld [tilespmem:s26+$0x2E0];
	v2 =	vadd.f32 v14, v2  }
0x1c6: {  	v1 =	vadd.f32 v56, v1;
	v13 =	vld [tilespmem:s26+$0x2F0]  }
0x1c7: {  	v3 =	vadd.f32 v4, v3;
	v4 =	vmul.f32 v15, v10;
	v2 =	vadd.f32 v12, v2;
	v12 =	vld [tilespmem:$0x1FF40]  }
0x1c8: {  	s0 =	sshra.s32 s28, $0x2;
	v1 =	vadd.f32 v43, v1  }
0x1c9: {  	v29 =	vld [tilespmem:s0+$0x14600];
	v3 =	vadd.f32 v4, v3;
	v4 =	vmul.f32 v16, v9  }
0x1ca: {  	v5 =	vld [tilespmem:s26+$0x260];
	v1 =	vadd.f32 v39, v1;
	v0 =	vadd.f32 v48, v0  }
0x1cb: {  	v11 =	vmul.f32 v11, v8;
	v3 =	vadd.f32 v4, v3;
	v4 =	vmul.f32 v13, v8;
	v8 =	vld [tilespmem:$0x1FF20]  }
0x1cc: {  	v1 =	vadd.f32 v12, v1;
	v12 =	vld [tilespmem:$0x1FF50]  }
0x1cd: {  	v10 =	vld [tilespmem:s26+$0x360];
	v0 =	vadd.f32 v42, v0  }
0x1ce: {  	v14 =	vld [tilespmem:s26+$0x370]  }
0x1cf: {  	v5 =	vmul.f32 v5, v9;
	v9 =	vld [tilespmem:s26+$0x3E0];
	v0 =	vadd.f32 v40, v0  }
0x1d0: {  	v1 =	vadd.f32 v8, v1;
	v8 =	vld [tilespmem:$0x1FF30]  }
0x1d1: {  	v0 =	vadd.f32 v12, v0;
	v12 =	vld [tilespmem:s26+$0x3F0];
	s26 =	sadd.s32 $0x800, s26  }
0x1d2: {  	v16 =	vld [tilespmem:s26+$0x380]  }
0x1d3: {  	v2 =	vadd.f32 v5, v2;
	v5 =	vld [tilespmem:s26+$0x390]  }
0x1d4: {  	v13 =	vld [tilespmem:s26+$0x3A0]  }
0x1d5: {  	v17 =	vld [tilespmem:s26+$0x3B0]  }
0x1d6: {  	v20 =	vld [tilespmem:s26+$0x3C0]  }
0x1d7: {  	v21 =	vld [tilespmem:s26+$0x350]  }
0x1d8: {  	v22 =	vld [tilespmem:s26+$0x280]  }
0x1d9: {  	v25 =	vld [tilespmem:s26+$0x290]  }
0x1da: {  	v26 =	vld [tilespmem:s26+$0x2A0]  }
0x1db: {  	v31 =	vld [tilespmem:s26+$0x2B0]  }
0x1dc: {  	v32 =	vld [tilespmem:s26+$0x2C0]  }
0x1dd: {  	v33 =	vld [tilespmem:s26+$0x2D0]  }
0x1de: {  	v3 =	vadd.f32 v4, v3;
	v38 =	vld [tilespmem:s26+$0x200]  }
0x1df: {  	v4 =	vmul.f32 v14, v7;
	v0 =	vadd.f32 v8, v0;
	v8 =	vmul.f32 v10, v7;
	v7 =	vld [tilespmem:$0x1FF00]  }
0x1e0: {  	v39 =	vld [tilespmem:s26+$0x210]  }
0x1e1: {  	v40 =	vld [tilespmem:s26+$0x220]  }
0x1e2: {  	v48 =	vld [tilespmem:s26+$0x230]  }
0x1e3: {  	v49 =	vld [tilespmem:s26+$0x240]  }
0x1e4: {  	v1 =	vadd.f32 v7, v1;
	v7 =	vld [tilespmem:$0x1FF10]  }
0x1e5: {  	v50 =	vld [tilespmem:s26+$0x250]  }
0x1e6: {  	v51 =	vld [tilespmem:s26+$0x180]  }
0x1e7: {  	v52 =	vld [tilespmem:s26+$0x190]  }
0x1e8: {  	v3 =	vadd.f32 v4, v3;
	v53 =	vld [tilespmem:s26+$0x1A0]  }
0x1e9: {  	v4 =	vmul.f32 v12, v6;
	v0 =	vadd.f32 v7, v0;
	v7 =	vmul.f32 v9, v6;
	v6 =	vld [tilespmem:$0x1FEE0]  }
0x1ea: {  	v62 =	vld [tilespmem:s26+$0x1B0]  }
0x1eb: {  	v63 =	vld [tilespmem:s26+$0x1C0]  }
0x1ec: {  	v34 =	vld [tilespmem:s26+$0x1D0]  }
0x1ed: {  	v35 =	vld [tilespmem:s26+$0x100]  }
0x1ee: {  	v36 =	vld [tilespmem:s26+$0x110];
	v1 =	vadd.f32 v6, v1  }
0x1ef: {  	v37 =	vld [tilespmem:s26+$0x120]  }
0x1f0: {  	[tilespmem:$0x1FE90] =	vst v1;
	v1 =	vld [tilespmem:$0x1FEF0]  }
0x1f1: {  	v41 =	vld [tilespmem:s26+$0x130]  }
0x1f2: {  	v2 =	vadd.f32 v11, v2;
	v42 =	vld [tilespmem:s26+$0x140]  }
0x1f3: {  	v43 =	vld [tilespmem:s26+$0x150]  }
0x1f4: {  	v44 =	vld [tilespmem:s26+$0x80];
	v2 =	vadd.f32 v8, v2  }
0x1f5: {  	v45 =	vld [tilespmem:s26+$0x90];
	v8 =	vbroadcast v29, $0xD;
	v0 =	vadd.f32 v1, v0  }
0x1f6: {  	v46 =	vld [tilespmem:s26+$0xA0];
	v1 =	vadd.f32 v7, v2  }
0x1f7: {  	v58 =	vmul.f32 v26, v8;
	v26 =	vld [tilespmem:s26+$0x40];
	[tilespmem:$0x1FDC0] =	vst v0  }
0x1f8: {  	v0 =	vld [tilespmem:s26+$0x300];
	[tilespmem:$0x1FDB0] =	vst v1;
	v1 =	vadd.f32 v4, v3  }
0x1f9: {  	v2 =	vld [tilespmem:s26+$0x320]  }
0x1fa: {  	v11 =	vbroadcast v29, $0xA;
	[tilespmem:$0x1FDE0] =	vst v1;
	v1 =	vld [tilespmem:s26+$0x310]  }
0x1fb: {  	v15 =	vbroadcast v29, $0x8;
	v7 =	vbroadcast v29, $0xE;
	v4 =	vld [tilespmem:s26+$0x340]  }
0x1fc: {  	v47 =	vld [tilespmem:s26+$0xD0];
	v57 =	vmul.f32 v42, v11;
	v9 =	vbroadcast v29, $0xC  }
0x1fd: {  	v54 =	vld [tilespmem:s26+$0xFFFFFC10];
	v26 =	vmul.f32 v26, v15;
	v0 =	vmul.f32 v0, v7  }
0x1fe: {  	v12 =	vld [tilespmem:s26+$0x3D0];
	v55 =	vmul.f32 v38, v9;
	v59 =	vmul.f32 v39, v9  }
0x1ff: {  	v42 =	vld [tilespmem:s26+$0xFFFFFCB0];
	v6 =	vbroadcast v29, $0xF;
	[tilespmem:$0x1FE10] =	vst v0;
	v0 =	vmul.f32 v1, v7  }
0x200: {  	v38 =	vld [tilespmem:s26+$0xFFFFFF00];
	v1 =	vmul.f32 v2, v7;
	v2 =	vmul.f32 v4, v7  }
0x201: {  	[tilespmem:$0x1FFA0] =	vst v26;
	v60 =	vmul.f32 v40, v9;
	v39 =	vld [tilespmem:s26+$0xFFFFFF10];
	v13 =	vmul.f32 v13, v6  }
0x202: {  	v61 =	vmul.f32 v48, v9;
	v48 =	vld [tilespmem:s26+$0xFFFFFC20];
	[tilespmem:$0x1FF00] =	vst v2;
	v2 =	vmul.f32 v21, v7  }
0x203: {  	v40 =	vld [tilespmem:s26+$0xFFFFFD30];
	v5 =	vmul.f32 v5, v6;
	[tilespmem:$0x1FEC0] =	vst v13;
	v13 =	vmul.f32 v17, v6  }
0x204: {  	v17 =	vmul.f32 v31, v8;
	v31 =	vld [tilespmem:s26+$0x50];
	[tilespmem:$0x1FF10] =	vst v2;
	v2 =	vmul.f32 v22, v8  }
0x205: {  	v23 =	vbroadcast v29, $0x5;
	v16 =	vmul.f32 v16, v6;
	[tilespmem:$0x1FEB0] =	vst v5;
	v5 =	vld [tilespmem:s26+$0xB0]  }
0x206: {  	v19 =	vbroadcast v29, $0x7;
	v3 =	vld [tilespmem:s26+$0x330];
	[tilespmem:$0x1FDD0] =	vst v2;
	v2 =	vmul.f32 v32, v8  }
0x207: {  	v10 =	vbroadcast v29, $0xB;
	v12 =	vmul.f32 v12, v6;
	[tilespmem:$0x1FEA0] =	vst v16;
	v32 =	vld [tilespmem:s26+$0xFFFFFF80]  }
0x208: {  	v14 =	vbroadcast v29, $0x9;
	[tilespmem:$0x1FF20] =	vst v2;
	v2 =	vmul.f32 v33, v8;
	v33 =	vld [tilespmem:s26+$0xFFFFFF90]  }
0x209: {  	[tilespmem:$0x1FEF0] =	vst v12;
	v12 =	vmul.f32 v63, v10;
	v63 =	vld [tilespmem:s26+$0xFFFFFE90];
	v26 =	vmul.f32 v31, v15  }
0x20a: {  	v16 =	vmul.f32 v20, v6;
	v20 =	vmul.f32 v45, v14;
	v45 =	vld [tilespmem:s26+$0xFFFFFC80];
	[tilespmem:$0x1FED0] =	vst v13  }
0x20b: {  	v28 =	vbroadcast v29, $0x3;
	v30 =	vbroadcast v29, $0x0;
	[tilespmem:$0x1FFB0] =	vst v26;
	v26 =	vld [tilespmem:s26+$0xFFFFFC00]  }
0x20c: {  	v13 =	vld [tilespmem:s26+$0xC0];
	[tilespmem:$0x1FE40] =	vst v1;
	v1 =	vmul.f32 v3, v7;
	v31 =	vmul.f32 v32, v19  }
0x20d: {  	[tilespmem:$0x1FEE0] =	vst v16;
	v32 =	vmul.f32 v33, v19;
	v33 =	vmul.f32 v54, v30;
	v54 =	vld [tilespmem:$0x1FD70]  }
0x20e: {  	v24 =	vbroadcast v29, $0x4;
	v16 =	vld [tilespmem:s26+$0x30];
	[tilespmem:$0x1FF30] =	vst v2;
	v2 =	vmul.f32 v49, v9  }
0x20f: {  	v27 =	vbroadcast v29, $0x2;
	v18 =	vbroadcast v29, $0x6;
	[tilespmem:$0x1FE00] =	vst v1;
	v1 =	vld [tilespmem:s26+$0x10]  }
0x210: {  	v26 =	vmul.f32 v26, v30;
	v21 =	vld [tilespmem:s26+$0x20];
	[tilespmem:$0x1FF40] =	vst v2;
	v2 =	vmul.f32 v50, v9  }
0x211: {  	v38 =	vmul.f32 v38, v18;
	v56 =	vmul.f32 v13, v14;
	v13 =	vld [tilespmem:s26+$0xFFFFFD10]  }
0x212: {  	v4 =	vmul.f32 v25, v8;
	[tilespmem:$0x1FF50] =	vst v2;
	v2 =	vmul.f32 v51, v10;
	v26 =	vadd.f32 v26, v54;
	v54 =	vld [tilespmem:$0x1FD80]  }
0x213: {  	v25 =	vmul.f32 v44, v14;
	v44 =	vld [tilespmem:s26+$0xFFFFFD90];
	v3 =	vmul.f32 v43, v11  }
0x214: {  	v43 =	vld [tilespmem:s26+$0xFFFFFD20];
	v22 =	vmul.f32 v1, v15;
	[tilespmem:$0x1FE50] =	vst v2;
	v2 =	vmul.f32 v52, v10  }
0x215: {  	v1 =	vmul.f32 v21, v15;
	v21 =	vmul.f32 v16, v15;
	v16 =	vld [tilespmem:s26+$0xFFFFFC90]  }
0x216: {  	v39 =	vmul.f32 v39, v18;
	v49 =	vld [tilespmem:s26+$0xFFFFFC30];
	[tilespmem:$0x1FE60] =	vst v2;
	v2 =	vmul.f32 v53, v10  }
0x217: {  	v29 =	vbroadcast v29, $0x1;
	v50 =	vmul.f32 v34, v10;
	v33 =	vadd.f32 v33, v54;
	v54 =	vld [tilespmem:$0x1FD90]  }
0x218: {  	v34 =	vmul.f32 v5, v14;
	v5 =	vld [tilespmem:s26+$0xFFFFFD00];
	[tilespmem:$0x1FE70] =	vst v2;
	v2 =	vmul.f32 v62, v10  }
0x219: {  	v51 =	vmul.f32 v36, v11;
	v52 =	vmul.f32 v46, v14;
	v62 =	vld [tilespmem:s26+$0xFFFFFE80]  }
0x21a: {  	v36 =	vld [tilespmem:s26+$0xFFFFFE10];
	v46 =	vmul.f32 v48, v30;
	[tilespmem:$0x1FE80] =	vst v2;
	v2 =	vmul.f32 v37, v11  }
0x21b: {  	v45 =	vmul.f32 v45, v29;
	v42 =	vmul.f32 v42, v29;
	v37 =	vld [tilespmem:s26+$0xFFFFFCA0]  }
0x21c: {  	v13 =	vmul.f32 v13, v27;
	[tilespmem:$0x1FE20] =	vst v2;
	v2 =	vmul.f32 v41, v11;
	v46 =	vadd.f32 v46, v54;
	v54 =	vld [tilespmem:$0x1FDA0]  }
0x21d: {  	v16 =	vmul.f32 v16, v29;
	v48 =	vld [tilespmem:s26+$0xFFFFFDA0];
	v53 =	vmul.f32 v35, v11  }
0x21e: {  	v35 =	vld [tilespmem:s26+$0xFFFFFE00];
	[tilespmem:$0x1FE30] =	vst v2;
	v2 =	vmul.f32 v47, v14;
	v47 =	vmul.f32 v62, v23  }
0x21f: {  	v41 =	vld [tilespmem:s26+$0xFFFFFD80];
	v62 =	vmul.f32 v63, v23;
	v63 =	vmul.f32 v49, v30  }
0x220: {  	v5 =	vmul.f32 v5, v27;
	v26 =	vadd.f32 v45, v26;
	v49 =	vld [tilespmem:s26+$0xFFFFFDB0];
	v37 =	vmul.f32 v37, v29  }
0x221: {  	v16 =	vadd.f32 v16, v33;
	v33 =	vmul.f32 v43, v27;
	v43 =	vld [tilespmem:s26+$0xFFFFFE30];
	v63 =	vadd.f32 v63, v54  }
0x222: {  	v40 =	vmul.f32 v40, v27;
	v5 =	vadd.f32 v5, v26;
	v37 =	vadd.f32 v37, v46;
	v54 =	vld [tilespmem:s26+$0xFFFFFE20]  }
0x223: {  	v44 =	vmul.f32 v44, v28;
	v26 =	vld [tilespmem:s26+$0xFFFFFEB0];
	v13 =	vadd.f32 v13, v16;
	v42 =	vadd.f32 v42, v63  }
0x224: {  	v45 =	vld [tilespmem:s26+$0xFFFFFEA0];
	v16 =	vmul.f32 v48, v28;
	v41 =	vmul.f32 v41, v28;
	v33 =	vadd.f32 v33, v37  }
0x225: {  	v13 =	vadd.f32 v44, v13;
	v46 =	vmovc v58;
	v58 =	vmul.f32 v49, v28;
	v63 =	vadd.f32 v40, v42;
	v42 =	vld [tilespmem:s26+$0xFFFFFF20]  }
0x226: {  	v35 =	vmul.f32 v35, v24;
	v44 =	vld [tilespmem:s26+$0xFFFFFF30];
	v5 =	vadd.f32 v41, v5;
	v16 =	vadd.f32 v16, v33  }
0x227: {  	v40 =	vld [tilespmem:s26+$0xFFFFFFA0];
	v41 =	vmul.f32 v54, v24;
	v33 =	vadd.f32 v58, v63;
	v63 =	vmul.f32 v43, v24  }
0x228: {  	v36 =	vmul.f32 v36, v24;
	v26 =	vmul.f32 v26, v23;
	v5 =	vadd.f32 v35, v5;
	v58 =	vld [tilespmem:s26+$0xFFFFFFB0]  }
0x229: {  	v54 =	vmul.f32 v45, v23;
	v16 =	vadd.f32 v41, v16;
	v33 =	vadd.f32 v63, v33  }
0x22a: {  	[tilespmem:$0x1FDF0] =	vst v0;
	v0 =	vld [tilespmem:s26+$0x0];
	v13 =	vadd.f32 v36, v13;
	v5 =	vadd.f32 v47, v5;
	v63 =	vmul.f32 v42, v18  }
0x22b: {  	v42 =	vld [tilespmem:s26+$0xFFFFFFD0];
	v16 =	vadd.f32 v54, v16;
	v54 =	vmul.f32 v44, v18;
	v26 =	vadd.f32 v26, v33  }
0x22c: {  	v48 =	vmovc v2;
	v13 =	vadd.f32 v62, v13;
	v5 =	vadd.f32 v38, v5;
	v2 =	vmul.f32 v40, v19  }
0x22d: {  	v16 =	vadd.f32 v63, v16;
	v58 =	vmul.f32 v58, v19;
	v26 =	vadd.f32 v54, v26  }
0x22e: {  	v13 =	vadd.f32 v39, v13;
	v31 =	vadd.f32 v31, v5;
	v40 =	vld [tilespmem:s26+$0xFFFFFEC0]  }
0x22f: {  	v0 =	vmul.f32 v0, v15;
	v16 =	vadd.f32 v2, v16;
	v26 =	vadd.f32 v58, v26;
	v58 =	vld [tilespmem:s26+$0xFFFFFE50]  }
0x230: {  	v13 =	vadd.f32 v32, v13;
	v63 =	vmul.f32 v42, v19;
	v42 =	vmov v3;
	v3 =	vld [tilespmem:$0x1FE20]  }
0x231: {  	v36 =	vld [tilespmem:s26+$0xFFFFFED0];
	v31 =	vadd.f32 v0, v31;
	v16 =	vadd.f32 v1, v16  }
0x232: {  	v49 =	vld [tilespmem:$0x1FDB0];
	v13 =	vadd.f32 v22, v13  }
0x233: {  	v37 =	vld [tilespmem:s26+$0xFFFFFFC0];
	v22 =	vadd.f32 v25, v31;
	v16 =	vadd.f32 v52, v16  }
0x234: {  	v35 =	vld [tilespmem:s26+$0xFFFFFF40];
	v1 =	vmul.f32 v40, v23  }
0x235: {  	v40 =	vmovc v50;
	v50 =	vadd.f32 v53, v22;
	v53 =	vmul.f32 v58, v24;
	v58 =	vadd.f32 v3, v16;
	v3 =	vld [tilespmem:$0x1FE30]  }
0x236: {  	v47 =	vmov v17;
	v17 =	vld [tilespmem:s26+$0xFFFFFD50];
	v21 =	vadd.f32 v21, v26  }
0x237: {  	v38 =	vld [tilespmem:s26+$0xFFFFFF50]  }
0x238: {  	v62 =	vmul.f32 v37, v19;
	v37 =	vld [tilespmem:$0x1FDF0];
	v31 =	vadd.f32 v34, v21  }
0x239: {  	v45 =	vmov v4;
	v4 =	vld [tilespmem:$0x1FE80]  }
0x23a: {  	v31 =	vadd.f32 v3, v31;
	v3 =	vld [tilespmem:$0x1FE50]  }
0x23b: {  	v43 =	vmov v57;
	v57 =	vld [tilespmem:$0x1FDC0]  }
0x23c: {  	v5 =	vmul.f32 v35, v18;
	v35 =	vld [tilespmem:s26+$0xFFFFFDC0]  }
0x23d: {  	v41 =	vld [tilespmem:$0x1FDE0]  }
0x23e: {  	v13 =	vadd.f32 v20, v13;
	v20 =	vld [tilespmem:s26+$0xFFFFFD40]  }
0x23f: {  	v50 =	vadd.f32 v3, v50;
	v3 =	vld [tilespmem:$0x1FE60]  }
0x240: {  	v44 =	vld [tilespmem:$0x1FDD0]  }
0x241: {  	v54 =	vld [tilespmem:s26+$0xFFFFFE40]  }
0x242: {  	v13 =	vadd.f32 v51, v13;
	v2 =	vmul.f32 v36, v23;
	v36 =	vld [tilespmem:$0x1FE00]  }
0x243: {  	v26 =	vld [tilespmem:s26+$0xFFFFFDD0]  }
0x244: {  	p1 =	sne.s32 s28, $0x7C0;
	v51 =	vadd.f32 v3, v13;
	v3 =	vld [tilespmem:$0x1FE70]  }
.Ltmp6:
0x245: {  	v22 =	vld [tilespmem:s26+$0xFFFFFCD0];
	(pc) =	sbr.rel @p1 .LBB2_14-.Ltmp6, $4  }
0x246: {  	v34 =	vld [tilespmem:$0x1FE10]  }
0x247: {  	v0 =	vmul.f32 v38, v18;
	v21 =	vld [tilespmem:s26+$0xFFFFFCC0]  }
0x248: {  	v52 =	vmul.f32 v54, v24;
	v16 =	vmul.f32 v35, v28;
	v35 =	vld [tilespmem:$0x1FE40]  }
0x249: {  	s28 =	sadd.s32 $0x40, s28;
	v39 =	vmovc v12;
	v12 =	vmul.f32 v26, v28;
	v4 =	vadd.f32 v4, v31;
	v13 =	vld [tilespmem:s26+$0xFFFFFC40];
	v3 =	vadd.f32 v3, v58  }
0x24a: {  	v31 =	vld [tilespmem:s26+$0xFFFFFC50]  }
0x24b: {  	v32 =	vld [tilespmem:s26+$0xFFFFFC60]  }
0x24c: {  	v33 =	vld [tilespmem:s26+$0xFFFFFC70]  }
0x24d: {  	v25 =	vadd.f32 v55, v50;
	v50 =	vld [tilespmem:$0x1FEB0]  }
0x24e: {  	v26 =	vadd.f32 v59, v51;
	v51 =	vld [tilespmem:s26+$0xFFFFFD70]  }
0x24f: {  	v38 =	vld [tilespmem:$0x1FEC0]  }
0x250: {  	v54 =	vld [tilespmem:$0x1FE90]  }
0x251: {  	v58 =	vld [tilespmem:s26+$0xFFFFFDE0]  }
0x252: {  	v59 =	vld [tilespmem:$0x1FED0]  }
0x253: {  	v3 =	vadd.f32 v60, v3;
	v60 =	vld [tilespmem:s26+$0xFFFFFDF0]  }
0x254: {  	v25 =	vadd.f32 v44, v25;
	v44 =	vld [tilespmem:s26+$0xFFFFFCE0]  }
0x255: {  	v4 =	vadd.f32 v61, v4;
	v26 =	vadd.f32 v45, v26;
	v45 =	vld [tilespmem:s26+$0xFFFFFCF0]  }
0x256: {  	v3 =	vadd.f32 v46, v3;
	v46 =	vld [tilespmem:$0x1FEA0]  }
0x257: {  	v4 =	vadd.f32 v47, v4;
	v47 =	vld [tilespmem:s26+$0xFFFFFD60]  }
0x258: {  	v55 =	vmul.f32 v33, v30;
	v33 =	vld [tilespmem:s26+$0x60]  }
0x259: {  	v13 =	vmul.f32 v13, v30;
	v3 =	vadd.f32 v35, v3;
	v35 =	vld [tilespmem:s26+$0x70]  }
0x25a: {  	v31 =	vmul.f32 v31, v30;
	v32 =	vmul.f32 v32, v30;
	v30 =	vld [tilespmem:s26+$0x3F0]  }
0x25b: {  	v25 =	vadd.f32 v34, v25;
	v26 =	vadd.f32 v37, v26;
	v34 =	vmul.f32 v44, v29;
	v44 =	vld [tilespmem:s26+$0xFFFFFE60]  }
0x25c: {  	v4 =	vadd.f32 v36, v4;
	v32 =	vadd.f32 v32, v49;
	v49 =	vmul.f32 v51, v27;
	v51 =	vld [tilespmem:s26+$0xFFFFFEF0]  }
0x25d: {  	v31 =	vadd.f32 v31, v57;
	v57 =	vld [tilespmem:s26+$0xFFFFFF60]  }
0x25e: {  	v22 =	vmul.f32 v22, v29;
	v26 =	vadd.f32 v50, v26;
	v4 =	vadd.f32 v59, v4;
	v59 =	vld [tilespmem:s26+$0xFFFFFF70]  }
0x25f: {  	v21 =	vmul.f32 v21, v29;
	v13 =	vadd.f32 v13, v54;
	v3 =	vadd.f32 v38, v3;
	v38 =	vld [tilespmem:s26+$0xE0]  }
0x260: {  	v50 =	vmul.f32 v58, v28;
	v61 =	vadd.f32 v55, v41;
	v55 =	vmul.f32 v60, v28;
	v28 =	vld [tilespmem:s26+$0x3E0]  }
0x261: {  	v20 =	vmul.f32 v20, v27;
	v41 =	vmul.f32 v45, v29;
	v29 =	vld [tilespmem:$0x1FF50];
	v13 =	vadd.f32 v21, v13  }
0x262: {  	v17 =	vmul.f32 v17, v27;
	v25 =	vadd.f32 v46, v25;
	v46 =	vld [tilespmem:s26+$0xFFFFFE70];
	v22 =	vadd.f32 v22, v31  }
0x263: {  	v45 =	vmul.f32 v47, v27;
	v27 =	vld [tilespmem:s26+$0xFFFFFEE0];
	v32 =	vadd.f32 v34, v32;
	v13 =	vadd.f32 v20, v13  }
0x264: {  	v21 =	vld [tilespmem:s26+$0x370];
	v47 =	vadd.f32 v41, v61;
	v17 =	vadd.f32 v17, v22  }
0x265: {  	v61 =	vld [tilespmem:s26+$0xFFFFFFF0];
	v31 =	vadd.f32 v45, v32;
	v13 =	vadd.f32 v16, v13  }
0x266: {  	v20 =	vld [tilespmem:s26+$0x360];
	v54 =	vadd.f32 v49, v47;
	v47 =	vmul.f32 v33, v15;
	v12 =	vadd.f32 v12, v17  }
0x267: {  	v49 =	vld [tilespmem:s26+$0x170];
	v58 =	vmul.f32 v44, v24;
	v22 =	vadd.f32 v50, v31;
	v13 =	vadd.f32 v52, v13  }
0x268: {  	v16 =	vadd.f32 v55, v54;
	v60 =	vmul.f32 v46, v24;
	v24 =	vld [tilespmem:s26+$0xFFFFFFE0];
	v12 =	vadd.f32 v53, v12  }
0x269: {  	v33 =	vld [tilespmem:$0x1FF30];
	v27 =	vmul.f32 v27, v23;
	v17 =	vadd.f32 v58, v22;
	v1 =	vadd.f32 v1, v13  }
0x26a: {  	v32 =	vmul.f32 v51, v23;
	v50 =	vld [tilespmem:$0x1FFA0];
	v31 =	vadd.f32 v60, v16;
	v2 =	vadd.f32 v2, v12  }
0x26b: {  	v34 =	vmul.f32 v57, v18;
	v53 =	vld [tilespmem:$0x1FFB0];
	v17 =	vadd.f32 v27, v17;
	v1 =	vadd.f32 v5, v1  }
0x26c: {  	v37 =	vmul.f32 v59, v18;
	v44 =	vld [tilespmem:s26+$0xF0];
	v36 =	vadd.f32 v32, v31;
	v0 =	vadd.f32 v0, v2  }
0x26d: {  	v59 =	vld [tilespmem:s26+$0x270];
	v41 =	vmul.f32 v24, v19;
	v12 =	vadd.f32 v34, v17;
	v1 =	vadd.f32 v62, v1  }
0x26e: {  	v46 =	vld [tilespmem:s26+$0x160];
	v45 =	vmul.f32 v61, v19;
	v5 =	vadd.f32 v37, v36;
	v0 =	vadd.f32 v63, v0  }
0x26f: {  	v55 =	vld [tilespmem:s26+$0x1F0];
	v2 =	vadd.f32 v41, v12;
	v1 =	vadd.f32 v50, v1  }
0x270: {  	v51 =	vmul.f32 v35, v15;
	v52 =	vld [tilespmem:s26+$0x1E0];
	v5 =	vadd.f32 v45, v5;
	v0 =	vadd.f32 v53, v0  }
0x271: {  	v54 =	vmul.f32 v38, v14;
	v58 =	vld [tilespmem:s26+$0x260];
	v2 =	vadd.f32 v47, v2;
	v1 =	vadd.f32 v56, v1  }
0x272: {  	v22 =	vld [tilespmem:$0x1FF40];
	v57 =	vmul.f32 v44, v14;
	v5 =	vadd.f32 v51, v5;
	v0 =	vadd.f32 v48, v0  }
0x273: {  	v61 =	vld [tilespmem:s26+$0x2E0];
	v17 =	vmul.f32 v46, v11;
	v2 =	vadd.f32 v54, v2;
	v1 =	vadd.f32 v43, v1  }
0x274: {  	v60 =	vmul.f32 v49, v11;
	v31 =	vld [tilespmem:$0x1FF20];
	v5 =	vadd.f32 v57, v5;
	v0 =	vadd.f32 v42, v0  }
0x275: {  	v13 =	vmul.f32 v52, v10;
	v62 =	vld [tilespmem:s26+$0x2F0];
	v2 =	vadd.f32 v17, v2;
	v1 =	vadd.f32 v39, v1  }
0x276: {  	v35 =	vld [tilespmem:$0x1FF00];
	v63 =	vmul.f32 v55, v10;
	v5 =	vadd.f32 v60, v5;
	v0 =	vadd.f32 v40, v0  }
0x277: {  	v37 =	vld [tilespmem:$0x1FF10];
	v14 =	vmul.f32 v58, v9;
	v2 =	vadd.f32 v13, v2;
	v1 =	vadd.f32 v22, v1  }
0x278: {  	v23 =	vmul.f32 v59, v9;
	v39 =	vld [tilespmem:$0x1FEE0];
	v5 =	vadd.f32 v63, v5;
	v0 =	vadd.f32 v29, v0  }
0x279: {  	v12 =	vmul.f32 v61, v8;
	v42 =	vld [tilespmem:$0x1FEF0];
	v2 =	vadd.f32 v14, v2;
	v1 =	vadd.f32 v31, v1  }
0x27a: {  	v32 =	vmul.f32 v62, v8;
	v5 =	vadd.f32 v23, v5;
	v0 =	vadd.f32 v33, v0  }
0x27b: {  	v34 =	vmul.f32 v20, v7;
	[tilespmem:$0x14800] =	vst v25;
	v2 =	vadd.f32 v12, v2;
	v1 =	vadd.f32 v35, v1  }
0x27c: {  	v36 =	vmul.f32 v21, v7;
	[tilespmem:$0x14810] =	vst v26;
	v5 =	vadd.f32 v32, v5;
	v0 =	vadd.f32 v37, v0  }
0x27d: {  	v38 =	vmul.f32 v28, v6;
	[tilespmem:$0x14820] =	vst v3;
	v2 =	vadd.f32 v34, v2;
	v1 =	vadd.f32 v39, v1  }
0x27e: {  	[tilespmem:$0x14830] =	vst v4;
	v41 =	vmul.f32 v30, v6;
	v40 =	vadd.f32 v36, v5;
	v0 =	vadd.f32 v42, v0  }
0x27f: {  	v2 =	vadd.f32 v38, v2;
	[tilespmem:$0x14840] =	vst v1  }
0x280: {  	v43 =	vadd.f32 v41, v40;
	[tilespmem:$0x14850] =	vst v0  }
0x281: {  	[tilespmem:$0x14860] =	vst v2  }
0x282: {  	[tilespmem:$0x14870] =	vst v43  }
0x283: {  	[spmem:s9] =	stream.linear.scatter [tilespmem:s23], [sflag:$0x1], $0x80, $0x38;
	[tilespmem:$0x15480] =	vst v63  }
0x284: {  	_ =	swait.ge [sflag:s15], $0x80  }
0x285: {  	[sflag:s15] =	ssyncset.done $0x0  }
0x286: {  	[sflag:s15] =	ssyncadd.s32 $0xFFFFFF80  }
0x287: {  	[bflag:$0x0] =	sbarrier.arrive $0xFFFF  }
0x288: {  	[tilespmem:s24], [sflag:$0x1] =	stream.linear.gather [spmem:s2], $0x800, $0x38;
	[tilespmem:$0x15480] =	vst v63  }
0x289: {  	_ =	swait.ge [sflag:s15], $0x800  }
0x28a: {  	[sflag:s15] =	ssyncset.done $0x0  }
0x28b: {  	[sflag:s15] =	ssyncadd.s32 $0xFFFFF800  }
0x28c: {  	v0 =	vld [tilespmem:$0x14880]  }
0x28d: {  	v1 =	vld [tilespmem:$0x14900]  }
0x28e: {  	v2 =	vld [tilespmem:$0x14980]  }
0x28f: {  	v4 =	vld [tilespmem:$0x14A00]  }
0x290: {  	v5 =	vld [tilespmem:$0x14A80]  }
0x291: {  	v10 =	vld [tilespmem:$0x14B00]  }
0x292: {  	v11 =	vld [tilespmem:$0x14B80]  }
0x293: {  	v12 =	vld [tilespmem:$0x14C00]  }
0x294: {  	v13 =	vld [tilespmem:$0x14C80]  }
0x295: {  	v14 =	vld [tilespmem:$0x14D00]  }
0x296: {  	v16 =	vld [tilespmem:$0x14D80]  }
0x297: {  	v30 =	vld [tilespmem:$0x14E00]  }
0x298: {  	v44 =	vld [tilespmem:$0x14E80]  }
0x299: {  	v45 =	vld [tilespmem:$0x14F00]  }
0x29a: {  	v46 =	vld [tilespmem:$0x14F80]  }
0x29b: {  	v47 =	vld [tilespmem:$0x15000]  }
0x29c: {  	v7 =	vld [tilespmem:$0x14890]  }
0x29d: {  	v9 =	vld [tilespmem:$0x14910]  }
0x29e: {  	v18 =	vld [tilespmem:$0x14990]  }
0x29f: {  	v19 =	vld [tilespmem:$0x14A10]  }
0x2a0: {  	v20 =	vld [tilespmem:$0x14A90]  }
0x2a1: {  	v21 =	vld [tilespmem:$0x14B10]  }
0x2a2: {  	v22 =	vld [tilespmem:$0x14B90]  }
0x2a3: {  	v23 =	vld [tilespmem:$0x14C10]  }
0x2a4: {  	v24 =	vld [tilespmem:$0x14C90]  }
0x2a5: {  	v25 =	vld [tilespmem:$0x14D10]  }
0x2a6: {  	v26 =	vld [tilespmem:$0x14D90]  }
0x2a7: {  	v27 =	vld [tilespmem:$0x14E10]  }
0x2a8: {  	v28 =	vld [tilespmem:$0x14E90]  }
0x2a9: {  	v29 =	vld [tilespmem:$0x14F10]  }
0x2aa: {  	v31 =	vld [tilespmem:$0x14F90]  }
0x2ab: {  	v48 =	vld [tilespmem:$0x15010]  }
0x2ac: {  	v32 =	vld [tilespmem:$0x148A0]  }
0x2ad: {  	v33 =	vld [tilespmem:$0x14920]  }
0x2ae: {  	v34 =	vld [tilespmem:$0x149A0]  }
0x2af: {  	v35 =	vld [tilespmem:$0x14A20]  }
0x2b0: {  	v36 =	vld [tilespmem:$0x14AA0]  }
0x2b1: {  	v37 =	vld [tilespmem:$0x14B20]  }
0x2b2: {  	v38 =	vld [tilespmem:$0x14BA0]  }
0x2b3: {  	v39 =	vld [tilespmem:$0x14C20]  }
0x2b4: {  	v40 =	vld [tilespmem:$0x14CA0]  }
0x2b5: {  	v41 =	vld [tilespmem:$0x14D20]  }
0x2b6: {  	v42 =	vld [tilespmem:$0x14DA0]  }
0x2b7: {  	v43 =	vld [tilespmem:$0x14E20]  }
0x2b8: {  	v49 =	vld [tilespmem:$0x14930]  }
0x2b9: {  	v50 =	vld [tilespmem:$0x149B0]  }
0x2ba: {  	v51 =	vld [tilespmem:$0x14A30]  }
0x2bb: {  	v52 =	vld [tilespmem:$0x14AB0]  }
0x2bc: {  	v53 =	vld [tilespmem:$0x14B30]  }
0x2bd: {  	v54 =	vld [tilespmem:$0x14BB0]  }
0x2be: {  	v55 =	vld [tilespmem:$0x14C30]  }
0x2bf: {  	v56 =	vld [tilespmem:$0x14CB0]  }
0x2c0: {  	v57 =	vld [tilespmem:$0x14D30]  }
0x2c1: {  	v58 =	vld [tilespmem:$0x14DB0]  }
0x2c2: {  	v59 =	vld [tilespmem:$0x14E30]  }
0x2c3: {  	v60 =	vld [tilespmem:$0x14EB0]  }
0x2c4: {  	v61 =	vld [tilespmem:$0x14F30]  }
0x2c5: {  	v62 =	vld [tilespmem:$0x14FB0]  }
0x2c6: {  	v63 =	vld [tilespmem:$0x15030]  }
0x2c7: {  	v3 =	vld [tilespmem:$0x148C0]  }
0x2c8: {  	v6 =	vld [tilespmem:$0x14940]  }
0x2c9: {  	v8 =	vld [tilespmem:$0x149C0]  }
0x2ca: {  	v15 =	vld [tilespmem:$0x14A40]  }
0x2cb: {  	v17 =	vld [tilespmem:$0x14AC0]  }
0x2cc: {  	[tilespmem:$0x1FD20] =	vst v44;
	v44 =	vld [tilespmem:$0x14EA0]  }
0x2cd: {  	[tilespmem:$0x1FD30] =	vst v45;
	v45 =	vld [tilespmem:$0x14F20]  }
0x2ce: {  	[tilespmem:$0x1FD40] =	vst v46;
	v46 =	vld [tilespmem:$0x14FA0];
	v0 =	vadd.f32 $0.0e+00, v0  }
0x2cf: {  	[tilespmem:$0x1FD50] =	vst v47;
	v47 =	vld [tilespmem:$0x15020];
	v7 =	vadd.f32 $0.0e+00, v7  }
0x2d0: {  	[tilespmem:$0x1FD60] =	vst v48;
	v48 =	vld [tilespmem:$0x148B0];
	v0 =	vadd.f32 v1, v0;
	v1 =	vadd.f32 $0.0e+00, v32  }
0x2d1: {  	v32 =	vld [tilespmem:$0x14B40];
	v7 =	vadd.f32 v9, v7  }
0x2d2: {  	v1 =	vadd.f32 v33, v1;
	v33 =	vld [tilespmem:$0x14C40]  }
0x2d3: {  	v0 =	vadd.f32 v2, v0;
	v2 =	vadd.f32 v18, v7;
	v18 =	vld [tilespmem:$0x14CC0]  }
0x2d4: {  	v7 =	vld [tilespmem:$0x14DC0]  }
0x2d5: {  	v3 =	vadd.f32 $0.0e+00, v3;
	v9 =	vadd.f32 $0.0e+00, v48;
	v48 =	vld [tilespmem:$0x14BC0]  }
0x2d6: {  	v0 =	vadd.f32 v4, v0;
	v4 =	vld [tilespmem:$0x14EC0]  }
0x2d7: {  	v3 =	vadd.f32 v6, v3;
	v1 =	vadd.f32 v34, v1;
	v34 =	vld [tilespmem:$0x14F50]  }
0x2d8: {  	v2 =	vadd.f32 v19, v2;
	v49 =	vadd.f32 v49, v9;
	v9 =	vld [tilespmem:$0x14D40]  }
0x2d9: {  	v0 =	vadd.f32 v5, v0;
	v1 =	vadd.f32 v35, v1;
	v5 =	vld [tilespmem:$0x14E40]  }
0x2da: {  	v19 =	vadd.f32 v20, v2;
	v2 =	vld [tilespmem:$0x14F40];
	v49 =	vadd.f32 v50, v49  }
0x2db: {  	v3 =	vadd.f32 v8, v3;
	v35 =	vld [tilespmem:$0x15050];
	v0 =	vadd.f32 v10, v0  }
0x2dc: {  	v50 =	vadd.f32 v51, v49;
	v51 =	vadd.f32 v36, v1;
	v1 =	vld [tilespmem:$0x14FC0]  }
0x2dd: {  	v3 =	vadd.f32 v15, v3;
	v19 =	vadd.f32 v21, v19;
	v49 =	vld [tilespmem:$0x148F0]  }
0x2de: {  	v11 =	vadd.f32 v11, v0;
	v0 =	vld [tilespmem:$0x15040]  }
0x2df: {  	v3 =	vadd.f32 v17, v3;
	v19 =	vadd.f32 v22, v19;
	v22 =	vld [tilespmem:$0x149D0]  }
0x2e0: {  	v20 =	vadd.f32 v52, v50;
	v50 =	vld [tilespmem:$0x1FD60]  }
0x2e1: {  	v3 =	vadd.f32 v32, v3;
	v10 =	vadd.f32 v37, v51;
	v51 =	vld [tilespmem:$0x14960]  }
0x2e2: {  	v52 =	vld [tilespmem:$0x14970]  }
0x2e3: {  	v3 =	vadd.f32 v48, v3;
	v37 =	vld [tilespmem:$0x14C60]  }
0x2e4: {  	v11 =	vadd.f32 v12, v11;
	v12 =	vld [tilespmem:$0x14950];
	v19 =	vadd.f32 v23, v19  }
0x2e5: {  	v23 =	vld [tilespmem:$0x14AD0];
	v3 =	vadd.f32 v33, v3;
	v20 =	vadd.f32 v53, v20  }
0x2e6: {  	v53 =	vld [tilespmem:$0x148D0];
	v10 =	vadd.f32 v38, v10;
	v11 =	vadd.f32 v13, v11  }
0x2e7: {  	v38 =	vld [tilespmem:$0x14C70];
	v19 =	vadd.f32 v24, v19;
	v36 =	vadd.f32 $0.0e+00, v49  }
0x2e8: {  	v13 =	vld [tilespmem:$0x14A50];
	v3 =	vadd.f32 v18, v3;
	v10 =	vadd.f32 v39, v10  }
0x2e9: {  	v24 =	vld [tilespmem:$0x14BD0];
	v20 =	vadd.f32 v54, v20;
	v11 =	vadd.f32 v14, v11  }
0x2ea: {  	v49 =	vld [tilespmem:$0x14EF0];
	v19 =	vadd.f32 v25, v19;
	v10 =	vadd.f32 v40, v10  }
0x2eb: {  	v39 =	vld [tilespmem:$0x14CE0];
	v3 =	vadd.f32 v9, v3;
	v20 =	vadd.f32 v55, v20  }
0x2ec: {  	v14 =	vld [tilespmem:$0x14B50];
	v11 =	vadd.f32 v16, v11;
	v10 =	vadd.f32 v41, v10  }
0x2ed: {  	v25 =	vld [tilespmem:$0x14CD0];
	v19 =	vadd.f32 v26, v19;
	v20 =	vadd.f32 v56, v20  }
0x2ee: {  	v55 =	vld [tilespmem:$0x149F0];
	v21 =	vadd.f32 $0.0e+00, v53;
	v10 =	vadd.f32 v42, v10  }
0x2ef: {  	v40 =	vld [tilespmem:$0x14CF0];
	v3 =	vadd.f32 v7, v3;
	v20 =	vadd.f32 v57, v20  }
0x2f0: {  	v16 =	vld [tilespmem:$0x14C50];
	v11 =	vadd.f32 v30, v11;
	v10 =	vadd.f32 v43, v10  }
0x2f1: {  	v41 =	vld [tilespmem:$0x1FD20];
	v19 =	vadd.f32 v27, v19;
	v20 =	vadd.f32 v58, v20  }
0x2f2: {  	v12 =	vadd.f32 v12, v21;
	v10 =	vadd.f32 v44, v10;
	v44 =	vld [tilespmem:$0x148E0]  }
0x2f3: {  	v26 =	vld [tilespmem:$0x14D50];
	v3 =	vadd.f32 v5, v3;
	v20 =	vadd.f32 v59, v20  }
0x2f4: {  	v53 =	vld [tilespmem:$0x149E0];
	v19 =	vadd.f32 v28, v19;
	v12 =	vadd.f32 v22, v12  }
0x2f5: {  	v56 =	vld [tilespmem:$0x14A60];
	v3 =	vadd.f32 v4, v3;
	v20 =	vadd.f32 v60, v20  }
0x2f6: {  	v42 =	vld [tilespmem:$0x1FD30];
	v58 =	vadd.f32 v52, v36;
	v11 =	vadd.f32 v41, v11  }
0x2f7: {  	v57 =	vld [tilespmem:$0x14A70];
	v20 =	vadd.f32 v61, v20;
	v54 =	vadd.f32 $0.0e+00, v44  }
0x2f8: {  	v27 =	vld [tilespmem:$0x14DD0];
	v19 =	vadd.f32 v29, v19;
	v12 =	vadd.f32 v13, v12  }
0x2f9: {  	v60 =	vld [tilespmem:$0x14AF0];
	v20 =	vadd.f32 v62, v20;
	v6 =	vadd.f32 v51, v54  }
0x2fa: {  	v2 =	vadd.f32 v2, v3;
	v59 =	vld [tilespmem:$0x14AE0];
	v61 =	vadd.f32 v55, v58  }
0x2fb: {  	v20 =	vadd.f32 v63, v20;
	v63 =	vld [tilespmem:$0x14B70];
	v6 =	vadd.f32 v53, v6  }
0x2fc: {  	v11 =	vadd.f32 v42, v11;
	v62 =	vld [tilespmem:$0x14B60];
	v8 =	vadd.f32 v57, v61  }
0x2fd: {  	v36 =	vld [tilespmem:$0x14BF0];
	v12 =	vadd.f32 v23, v12;
	v6 =	vadd.f32 v56, v6  }
0x2fe: {  	v19 =	vadd.f32 v31, v19;
	v31 =	vld [tilespmem:$0x14BE0];
	v8 =	vadd.f32 v60, v8  }
0x2ff: {  	v43 =	vld [tilespmem:$0x1FD40];
	v12 =	vadd.f32 v14, v12;
	v6 =	vadd.f32 v59, v6  }
0x300: {  	v30 =	vld [tilespmem:$0x14E50];
	v1 =	vadd.f32 v1, v2;
	v8 =	vadd.f32 v63, v8  }
0x301: {  	v28 =	vld [tilespmem:$0x14ED0];
	v12 =	vadd.f32 v24, v12;
	v6 =	vadd.f32 v62, v6  }
0x302: {  	v42 =	vld [tilespmem:$0x14D70];
	v10 =	vadd.f32 v45, v10;
	v8 =	vadd.f32 v36, v8  }
0x303: {  	v45 =	vld [tilespmem:$0x1FD50];
	v12 =	vadd.f32 v16, v12;
	v6 =	vadd.f32 v31, v6  }
0x304: {  	v41 =	vld [tilespmem:$0x14D60];
	v11 =	vadd.f32 v43, v11;
	v8 =	vadd.f32 v38, v8  }
0x305: {  	v44 =	vld [tilespmem:$0x14DF0];
	v12 =	vadd.f32 v25, v12;
	v6 =	vadd.f32 v37, v6  }
0x306: {  	v43 =	vld [tilespmem:$0x14DE0];
	v10 =	vadd.f32 v46, v10;
	v8 =	vadd.f32 v40, v8  }
0x307: {  	v46 =	vld [tilespmem:$0x14E70];
	v12 =	vadd.f32 v26, v12;
	v6 =	vadd.f32 v39, v6  }
0x308: {  	v11 =	vadd.f32 v45, v11;
	v45 =	vld [tilespmem:$0x14E60];
	v8 =	vadd.f32 v42, v8  }
0x309: {  	v52 =	vld [tilespmem:$0x14F70];
	v12 =	vadd.f32 v27, v12;
	v6 =	vadd.f32 v41, v6  }
0x30a: {  	v10 =	vadd.f32 v47, v10;
	v47 =	vld [tilespmem:$0x14EE0];
	v8 =	vadd.f32 v44, v8  }
0x30b: {  	v29 =	vld [tilespmem:$0x14FD0];
	v12 =	vadd.f32 v30, v12;
	v48 =	vadd.f32 v43, v6  }
0x30c: {  	v19 =	vadd.f32 v50, v19;
	v50 =	vld [tilespmem:$0x14F60];
	v7 =	vadd.f32 v46, v8  }
0x30d: {  	v55 =	vld [tilespmem:$0x14FF0];
	v12 =	vadd.f32 v28, v12;
	v51 =	vadd.f32 v45, v48  }
0x30e: {  	v0 =	vadd.f32 v0, v1;
	v53 =	vld [tilespmem:$0x14FE0];
	v6 =	vadd.f32 v49, v7  }
0x30f: {  	v58 =	vld [tilespmem:$0x15070];
	v12 =	vadd.f32 v34, v12;
	v54 =	vadd.f32 v47, v51  }
0x310: {  	[tilespmem:$0x14810] =	vst v19;
	v56 =	vld [tilespmem:$0x15060];
	v5 =	vadd.f32 v52, v6  }
0x311: {  	[tilespmem:$0x14840] =	vst v0;
	v59 =	vadd.f32 v29, v12;
	v57 =	vadd.f32 v50, v54  }
0x312: {  	[tilespmem:$0x14820] =	vst v10;
	v4 =	vadd.f32 v55, v5  }
0x313: {  	[tilespmem:$0x14800] =	vst v11;
	v61 =	vadd.f32 v35, v59;
	v60 =	vadd.f32 v53, v57  }
0x314: {  	[tilespmem:$0x14830] =	vst v20;
	v63 =	vadd.f32 v58, v4  }
0x315: {  	[tilespmem:$0x14850] =	vst v61;
	v62 =	vadd.f32 v56, v60  }
0x316: {  	[tilespmem:$0x14870] =	vst v63  }
0x317: {  	s0 =	simm.s32 @p0 $0x0;
	s1 =	simm.s32 @p0 $0x4600;
	[tilespmem:$0x14860] =	vst v62  }
0x318: {  	[tilespmem:s1], [sflag:$0x1] =	stream.linear.gather @p0 [hbm4b:s11+s0], $0x2800, $0x38;
	[tilespmem:$0x15480] =	vst v63  }
0x319: {  	s0 =	simm.s32 @p0 $0x1  }
0x31a: {  	_ =	swait.ge @p0 [sflag:s0], $0x2800  }
0x31b: {  	[sflag:s0] =	ssyncset.done @p0 $0x0  }
0x31c: {  	s1 =	simm.s32 @!p0 $0x4600;
	[sflag:s0] =	ssyncadd.s32 @p0 $0xFFFFD800;
	s0 =	simm.s32 @!p0 $0x0  }
0x31d: {  	[tilespmem:s1], [sflag:$0x1] =	stream.linear.gather @!p0 [hbm4b:s10+s0], $0xA000, $0x38;
	[tilespmem:$0x15480] =	vst v63  }
0x31e: {  	s0 =	simm.s32 @!p0 $0x1  }
0x31f: {  	_ =	swait.ge @!p0 [sflag:s0], $0xA000  }
0x320: {  	s26 =	simm.s32 @!p0 $0x14;
	[sflag:s0] =	ssyncset.done @!p0 $0x0  }
0x321: {  	s28 =	simm.s32 $0x0;
	s26 =	simm.s32 @p0 $0x5;
	v25 =	vld [tilespmem:$0x1FFF0];
	[sflag:s0] =	ssyncadd.s32 @!p0 $0xFFFF6000  }
.LBB2_16:
0x322: {  	s29 =	sshll.u32 s28, $0x4;
	s19 =	simm.s32 $0xE;
	v1 =	vimm.f32 $0.0e+00;
	s20 =	simm.s32 $0xD  }
0x323: {  	s1 =	simm.s32 $0xC;
	s4 =	simm.s32 $0xB;
	s18 =	simm.s32 $0xA;
	v0 =	vmov s29;
	v2 =	vmov s19;
	v3 =	vmov s20  }
0x324: {  	s31 =	simm.s32 $0x1F;
	v4 =	vmov s1;
	v5 =	vmov s4;
	s1 =	simm.s32 $0x9;
	v8 =	vmov s18  }
0x325: {  	s4 =	simm.s32 $0x6;
	s19 =	simm.s32 $0x7;
	s20 =	simm.s32 $0x8;
	v20 =	vmov s31;
	v0 =	vshll.u32 v0, $0x7;
	v7 =	vmov s1  }
0x326: {  	s18 =	simm.s32 $0x5;
	v9 =	vmov s4;
	v10 =	vmov s19;
	v11 =	vmov s20  }
0x327: {  	v12 =	vmov s18;
	v3 =	vand.u32 $0x7D, v3;
	v2 =	vand.u32 $0x7E, v2  }
0x328: {  	s4 =	simm.s32 $0x4;
	s19 =	simm.s32 $0x0;
	s20 =	simm.s32 $0x3;
	v4 =	vand.u32 $0x7C, v4;
	v5 =	vand.u32 $0x7B, v5;
	v8 =	vand.u32 $0x7A, v8  }
0x329: {  	s18 =	simm.s32 $0x1;
	v13 =	vmov s19;
	v14 =	vmov s20;
	v15 =	vmov s4  }
0x32a: {  	v16 =	vmov s18;
	v7 =	vand.u32 $0x79, v7;
	v13 =	vand.u32 $0x70, v13  }
0x32b: {  	s19 =	simm.s32 $0x2;
	v11 =	vand.u32 $0x78, v11;
	v16 =	vand.u32 $0x71, v16;
	v13 =	vbroadcast v13, $0x0  }
0x32c: {  	v6 =	vor.u32 v25, v0;
	v17 =	vmov s19;
	v16 =	vbroadcast v16, $0x0  }
0x32d: {  	v10 =	vand.u32 $0x77, v10;
	v17 =	vand.u32 $0x72, v17;
	v13 =	vor.u32 v6, v13  }
0x32e: {  	v2 =	vbroadcast v2, $0x0;
	v17 =	vbroadcast v17, $0x0;
	v16 =	vor.u32 v6, v16  }
0x32f: {  	s30 =	simm.s32 $0x14800;
	v3 =	vbroadcast v3, $0x0;
	v12 =	vand.u32 $0x75, v12;
	v14 =	vand.u32 $0x73, v14  }
0x330: {  	v18 =	vld [tilespmem:s30+$0x0];
	v5 =	vbroadcast v5, $0x0;
	v14 =	vbroadcast v14, $0x0;
	v17 =	vor.u32 v6, v17  }
0x331: {  	v4 =	vbroadcast v4, $0x0;
	v8 =	vbroadcast v8, $0x0;
	v15 =	vand.u32 $0x74, v15  }
0x332: {  	s0 =	simm.s32 $0xF;
	v9 =	vand.u32 $0x76, v9;
	v15 =	vbroadcast v15, $0x0;
	v14 =	vor.u32 v6, v14;
	v13 =	vld.idx.msk [tilespmem:v13+s21+$0x0], $0xffff  }
0x333: {  	v0 =	vmov s0;
	v12 =	vbroadcast v12, $0x0;
	v11 =	vbroadcast v11, $0x0;
	v16 =	vld.idx.msk [tilespmem:v16+s21+$0x0], $0xffff  }
0x334: {  	v7 =	vbroadcast v7, $0x0;
	v9 =	vbroadcast v9, $0x0;
	v15 =	vor.u32 v6, v15  }
0x335: {  	v10 =	vbroadcast v10, $0x0;
	v0 =	vand.u32 $0x7F, v0;
	v19 =	vbroadcast v18, $0x0;
	v17 =	vld.idx.msk [tilespmem:v17+s21+$0x0], $0xffff  }
0x336: {  	v0 =	vbroadcast v0, $0x0;
	v12 =	vor.u32 v6, v12;
	v21 =	vbroadcast v18, $0x1  }
0x337: {  	v8 =	vor.u32 v6, v8;
	v14 =	vld.idx.msk [tilespmem:v14+s21+$0x0], $0xffff;
	v19 =	vmul.f32 v19, v13;
	v13 =	vmul.f32 v13, v13  }
0x338: {  	v9 =	vor.u32 v6, v9;
	v23 =	vbroadcast v18, $0x2;
	v22 =	vmul.f32 v16, v16  }
0x339: {  	v15 =	vld.idx.msk [tilespmem:v15+s21+$0x0], $0xffff;
	v19 =	vadd.f32 v19, v1;
	v1 =	vadd.f32 v13, v1;
	v13 =	vmul.f32 v16, v21  }
0x33a: {  	v10 =	vor.u32 v6, v10;
	v57 =	vbroadcast v18, $0x3;
	v56 =	vmul.f32 v17, v17  }
0x33b: {  	v12 =	vld.idx.msk [tilespmem:v12+s21+$0x0], $0xffff;
	v17 =	vmul.f32 v17, v23;
	v13 =	vadd.f32 v13, v19;
	v1 =	vadd.f32 v22, v1  }
0x33c: {  	v11 =	vor.u32 v6, v11;
	v59 =	vbroadcast v18, $0x4;
	v58 =	vmul.f32 v14, v14  }
0x33d: {  	v9 =	vld.idx.msk [tilespmem:v9+s21+$0x0], $0xffff;
	v14 =	vmul.f32 v14, v57;
	v13 =	vadd.f32 v17, v13;
	v1 =	vadd.f32 v56, v1  }
0x33e: {  	v7 =	vor.u32 v6, v7;
	v61 =	vbroadcast v18, $0x5;
	v60 =	vmul.f32 v15, v15  }
0x33f: {  	v10 =	vld.idx.msk [tilespmem:v10+s21+$0x0], $0xffff;
	v13 =	vadd.f32 v14, v13;
	v1 =	vadd.f32 v58, v1;
	v14 =	vmul.f32 v15, v59  }
0x340: {  	v5 =	vor.u32 v6, v5;
	v62 =	vbroadcast v18, $0x6;
	v15 =	vmul.f32 v12, v12  }
0x341: {  	v11 =	vld.idx.msk [tilespmem:v11+s21+$0x0], $0xffff;
	v12 =	vmul.f32 v12, v61;
	v13 =	vadd.f32 v14, v13;
	v1 =	vadd.f32 v60, v1  }
0x342: {  	v4 =	vor.u32 v6, v4;
	v63 =	vbroadcast v18, $0x7;
	v14 =	vmul.f32 v9, v9  }
0x343: {  	v7 =	vld.idx.msk [tilespmem:v7+s21+$0x0], $0xffff;
	v9 =	vmul.f32 v9, v62;
	v12 =	vadd.f32 v12, v13;
	v1 =	vadd.f32 v15, v1  }
0x344: {  	v3 =	vor.u32 v6, v3;
	v13 =	vmul.f32 v10, v10;
	v15 =	vbroadcast v18, $0x8  }
0x345: {  	v8 =	vld.idx.msk [tilespmem:v8+s21+$0x0], $0xffff;
	v10 =	vmul.f32 v10, v63;
	v9 =	vadd.f32 v9, v12;
	v1 =	vadd.f32 v14, v1  }
0x346: {  	v2 =	vor.u32 v6, v2;
	v12 =	vmul.f32 v11, v11;
	v14 =	vbroadcast v18, $0x9  }
0x347: {  	v5 =	vld.idx.msk [tilespmem:v5+s21+$0x0], $0xffff;
	v9 =	vadd.f32 v10, v9;
	v1 =	vadd.f32 v13, v1;
	v10 =	vmul.f32 v11, v15  }
0x348: {  	v11 =	vmul.f32 v7, v7;
	v13 =	vbroadcast v18, $0xA;
	v15 =	vor.u32 v6, v0  }
0x349: {  	v4 =	vld.idx.msk [tilespmem:v4+s21+$0x0], $0xffff;
	v7 =	vmul.f32 v7, v14;
	v9 =	vadd.f32 v10, v9;
	v1 =	vadd.f32 v12, v1  }
0x34a: {  	v0 =	vand.u32 $0x7F, v20;
	v10 =	vmul.f32 v8, v8;
	v12 =	vbroadcast v18, $0xB  }
0x34b: {  	s20 =	simm.s32 $0x1E;
	v14 =	vld.idx.msk [tilespmem:v3+s21+$0x0], $0xffff;
	v8 =	vmul.f32 v8, v13;
	v3 =	vadd.f32 v7, v9;
	v7 =	vadd.f32 v11, v1  }
0x34c: {  	v1 =	vmov s20;
	v9 =	vmul.f32 v5, v5;
	v11 =	vbroadcast v18, $0xC  }
0x34d: {  	s1 =	simm.s32 $0x1D;
	v2 =	vld.idx.msk [tilespmem:v2+s21+$0x0], $0xffff;
	v5 =	vmul.f32 v5, v12;
	v8 =	vadd.f32 v8, v3;
	v7 =	vadd.f32 v10, v7  }
0x34e: {  	v12 =	vbroadcast v18, $0xD;
	v3 =	vmov s1;
	v10 =	vmul.f32 v4, v4  }
0x34f: {  	s4 =	simm.s32 $0x1C;
	v13 =	vld.idx.msk [tilespmem:v15+s21+$0x0], $0xffff;
	v5 =	vadd.f32 v5, v8;
	v7 =	vadd.f32 v9, v7;
	v8 =	vmul.f32 v4, v11  }
0x350: {  	v4 =	vmov s4;
	v9 =	vmul.f32 v14, v14;
	v11 =	vbroadcast v18, $0xE  }
0x351: {  	s18 =	simm.s32 $0x1B;
	v5 =	vadd.f32 v8, v5;
	v8 =	vadd.f32 v10, v7;
	v10 =	vmul.f32 v14, v12  }
0x352: {  	v7 =	vmov s18;
	v12 =	vmul.f32 v2, v2;
	v14 =	vbroadcast v18, $0xF  }
0x353: {  	s19 =	simm.s32 $0x19;
	v2 =	vmul.f32 v2, v11;
	s18 =	simm.s32 $0x17;
	v10 =	vadd.f32 v10, v5;
	v8 =	vadd.f32 v9, v8  }
0x354: {  	v15 =	vmul.f32 v13, v13;
	v11 =	vmov s18;
	v9 =	vmov s19  }
0x355: {  	s20 =	simm.s32 $0x1A;
	s1 =	simm.s32 $0x16;
	v14 =	vmul.f32 v13, v14;
	s19 =	simm.s32 $0x15;
	v2 =	vadd.f32 v2, v10;
	v8 =	vadd.f32 v12, v8  }
0x356: {  	s0 =	simm.s32 $0x2F;
	v5 =	vmov s20;
	s20 =	simm.s32 $0x18;
	v13 =	vmov s19;
	v10 =	vmov s1  }
0x357: {  	s4 =	simm.s32 $0x14;
	s18 =	simm.s32 $0x10;
	v12 =	vmov s20;
	s1 =	simm.s32 $0x13;
	v2 =	vadd.f32 v14, v2;
	v8 =	vadd.f32 v15, v8  }
.LBB2_17:
0x358: {  	p1 =	sne.s32 s0, $0x7F;
	v14 =	vmov s18;
	s18 =	sadd.s32 $0xFFFFFFF2, s31;
	s19 =	sadd.s32 $0xFFFFFFF3, s31;
	v15 =	vmov s1;
	v16 =	vmov s4  }
0x359: {  	s31 =	smov.u32 s0;
	v14 =	vand.u32 $0x70, v14;
	v17 =	vmov s18;
	v18 =	vmov s19  }
0x35a: {  	v0 =	vbroadcast v0, $0x0;
	v14 =	vbroadcast v14, $0x0;
	v17 =	vand.u32 $0x71, v17  }
0x35b: {  	v3 =	vand.u32 $0x7D, v3;
	v1 =	vand.u32 $0x7E, v1;
	v17 =	vbroadcast v17, $0x0  }
0x35c: {  	v4 =	vand.u32 $0x7C, v4;
	v18 =	vand.u32 $0x72, v18;
	v14 =	vor.u32 v6, v14  }
0x35d: {  	v7 =	vand.u32 $0x7B, v7;
	v18 =	vbroadcast v18, $0x0;
	v17 =	vor.u32 v6, v17  }
0x35e: {  	v9 =	vand.u32 $0x79, v9;
	v19 =	vand.u32 $0x7A, v5;
	v15 =	vand.u32 $0x73, v15  }
0x35f: {  	v12 =	vand.u32 $0x78, v12;
	s30 =	sadd.s32 $0x10, s30;
	v15 =	vbroadcast v15, $0x0;
	v18 =	vor.u32 v6, v18  }
0x360: {  	v11 =	vand.u32 $0x77, v11;
	v16 =	vand.u32 $0x74, v16;
	v1 =	vbroadcast v1, $0x0;
	v5 =	vld [tilespmem:s30+$0x0]  }
0x361: {  	v3 =	vbroadcast v3, $0x0;
	v16 =	vbroadcast v16, $0x0;
	v15 =	vor.u32 v6, v15;
	v14 =	vld.idx.msk [tilespmem:v14+s21+$0x0], $0xffff  }
0x362: {  	v13 =	vand.u32 $0x75, v13;
	v7 =	vbroadcast v7, $0x0;
	v4 =	vbroadcast v4, $0x0;
	v17 =	vld.idx.msk [tilespmem:v17+s21+$0x0], $0xffff  }
0x363: {  	v13 =	vbroadcast v13, $0x0;
	v19 =	vbroadcast v19, $0x0;
	v16 =	vor.u32 v6, v16  }
0x364: {  	v10 =	vand.u32 $0x76, v10;
	v12 =	vbroadcast v12, $0x0;
	v9 =	vbroadcast v9, $0x0;
	v18 =	vld.idx.msk [tilespmem:v18+s21+$0x0], $0xffff  }
0x365: {  	v10 =	vbroadcast v10, $0x0;
	v13 =	vor.u32 v6, v13;
	v20 =	vbroadcast v5, $0x0  }
0x366: {  	v21 =	vmov s0;
	v11 =	vbroadcast v11, $0x0;
	v22 =	vbroadcast v5, $0x1;
	v15 =	vld.idx.msk [tilespmem:v15+s21+$0x0], $0xffff  }
0x367: {  	v10 =	vor.u32 v6, v10;
	v20 =	vmul.f32 v20, v14;
	v14 =	vmul.f32 v14, v14  }
0x368: {  	v11 =	vor.u32 v6, v11;
	v24 =	vbroadcast v5, $0x2;
	v23 =	vmul.f32 v17, v17;
	v16 =	vld.idx.msk [tilespmem:v16+s21+$0x0], $0xffff  }
0x369: {  	v2 =	vadd.f32 v20, v2;
	v8 =	vadd.f32 v14, v8;
	v14 =	vmul.f32 v17, v22  }
0x36a: {  	v12 =	vor.u32 v6, v12;
	v17 =	vmul.f32 v18, v18;
	v20 =	vbroadcast v5, $0x3;
	v13 =	vld.idx.msk [tilespmem:v13+s21+$0x0], $0xffff  }
0x36b: {  	v2 =	vadd.f32 v14, v2;
	v8 =	vadd.f32 v23, v8;
	v14 =	vmul.f32 v18, v24  }
0x36c: {  	v9 =	vor.u32 v6, v9;
	v22 =	vbroadcast v5, $0x4;
	v18 =	vmul.f32 v15, v15;
	v10 =	vld.idx.msk [tilespmem:v10+s21+$0x0], $0xffff  }
0x36d: {  	v2 =	vadd.f32 v14, v2;
	v8 =	vadd.f32 v17, v8;
	v14 =	vmul.f32 v15, v20  }
0x36e: {  	v19 =	vor.u32 v6, v19;
	v15 =	vmul.f32 v16, v16;
	v17 =	vbroadcast v5, $0x5;
	v11 =	vld.idx.msk [tilespmem:v11+s21+$0x0], $0xffff  }
0x36f: {  	v2 =	vadd.f32 v14, v2;
	v8 =	vadd.f32 v18, v8;
	v14 =	vmul.f32 v16, v22  }
0x370: {  	v7 =	vor.u32 v6, v7;
	v16 =	vmul.f32 v13, v13;
	v18 =	vbroadcast v5, $0x6;
	v12 =	vld.idx.msk [tilespmem:v12+s21+$0x0], $0xffff  }
0x371: {  	v13 =	vmul.f32 v13, v17;
	v2 =	vadd.f32 v14, v2;
	v8 =	vadd.f32 v15, v8  }
0x372: {  	v4 =	vor.u32 v6, v4;
	v14 =	vmul.f32 v10, v10;
	v15 =	vbroadcast v5, $0x7;
	v9 =	vld.idx.msk [tilespmem:v9+s21+$0x0], $0xffff  }
0x373: {  	v10 =	vmul.f32 v10, v18;
	v2 =	vadd.f32 v13, v2;
	v8 =	vadd.f32 v16, v8  }
0x374: {  	v3 =	vor.u32 v6, v3;
	v13 =	vmul.f32 v11, v11;
	v16 =	vbroadcast v5, $0x8;
	v17 =	vld.idx.msk [tilespmem:v19+s21+$0x0], $0xffff  }
0x375: {  	v2 =	vadd.f32 v10, v2;
	v8 =	vadd.f32 v14, v8;
	v10 =	vmul.f32 v11, v15  }
0x376: {  	v11 =	vmul.f32 v12, v12;
	v14 =	vbroadcast v5, $0x9;
	v15 =	vor.u32 v6, v1;
	v7 =	vld.idx.msk [tilespmem:v7+s21+$0x0], $0xffff  }
0x377: {  	v1 =	vadd.f32 v10, v2;
	v2 =	vadd.f32 v13, v8;
	v8 =	vmul.f32 v12, v16  }
0x378: {  	v10 =	vmul.f32 v9, v9;
	v12 =	vbroadcast v5, $0xA;
	v13 =	vor.u32 v6, v0;
	v4 =	vld.idx.msk [tilespmem:v4+s21+$0x0], $0xffff  }
0x379: {  	v1 =	vadd.f32 v8, v1;
	v2 =	vadd.f32 v11, v2;
	v8 =	vmul.f32 v9, v14  }
0x37a: {  	v0 =	vand.u32 $0x7F, v21;
	v9 =	vmul.f32 v17, v17;
	v11 =	vbroadcast v5, $0xB;
	v14 =	vld.idx.msk [tilespmem:v3+s21+$0x0], $0xffff  }
0x37b: {  	s1 =	sadd.s32 $0xFFFFFFFF, s0;
	v3 =	vadd.f32 v8, v1;
	v2 =	vadd.f32 v10, v2;
	v8 =	vmul.f32 v17, v12  }
0x37c: {  	v1 =	vmov s1;
	v10 =	vmul.f32 v7, v7;
	v12 =	vbroadcast v5, $0xC;
	v15 =	vld.idx.msk [tilespmem:v15+s21+$0x0], $0xffff  }
0x37d: {  	s1 =	sadd.s32 $0xFFFFFFFE, s0;
	v7 =	vmul.f32 v7, v11;
	v8 =	vadd.f32 v8, v3;
	v2 =	vadd.f32 v9, v2  }
0x37e: {  	v11 =	vbroadcast v5, $0xD;
	v3 =	vmov s1;
	v9 =	vmul.f32 v4, v4;
	v13 =	vld.idx.msk [tilespmem:v13+s21+$0x0], $0xffff  }
0x37f: {  	s1 =	sadd.s32 $0xFFFFFFFD, s0;
	v7 =	vadd.f32 v7, v8;
	v2 =	vadd.f32 v10, v2;
	v8 =	vmul.f32 v4, v12  }
0x380: {  	v4 =	vmov s1;
	v10 =	vmul.f32 v14, v14;
	v12 =	vbroadcast v5, $0xE  }
0x381: {  	s1 =	sadd.s32 $0xFFFFFFFC, s0;
	v8 =	vadd.f32 v8, v7;
	v2 =	vadd.f32 v9, v2;
	v9 =	vmul.f32 v14, v11  }
0x382: {  	v7 =	vmov s1;
	v11 =	vmul.f32 v15, v15;
	v14 =	vbroadcast v5, $0xF  }
.Ltmp7:
0x383: {  	s4 =	sadd.s32 $0xFFFFFFFB, s0;
	s1 =	sadd.s32 $0xFFFFFFFA, s0;
	v8 =	vadd.f32 v9, v8;
	v2 =	vadd.f32 v10, v2;
	v10 =	vmul.f32 v15, v12;
	(pc) =	sbr.rel @p1 .LBB2_17-.Ltmp7, $4  }
0x384: {  	v5 =	vmov s4;
	v9 =	vmov s1;
	v15 =	vmul.f32 v13, v13  }
0x385: {  	s18 =	sadd.s32 $0xFFFFFFF8, s0;
	s19 =	sadd.s32 $0xFFFFFFF9, s0;
	s1 =	sadd.s32 $0xFFFFFFF7, s0;
	v8 =	vadd.f32 v10, v8;
	v16 =	vadd.f32 v11, v2;
	v2 =	vmul.f32 v13, v14  }
0x386: {  	s20 =	sadd.s32 $0xFFFFFFF6, s0;
	s4 =	sadd.s32 $0xFFFFFFF5, s0;
	v12 =	vmov s19;
	v10 =	vmov s1;
	v11 =	vmov s18  }
0x387: {  	s0 =	sadd.s32 $0x10, s0;
	s18 =	sadd.s32 $0xFFFFFFF1, s31;
	s1 =	sadd.s32 $0xFFFFFFF4, s31;
	v13 =	vmov s20;
	v2 =	vadd.f32 v2, v8;
	v8 =	vadd.f32 v15, v16  }
0x388: {  	v14 =	vmov s18  }
0x389: {  	s0 =	sadd.s32 $0xFFFFFFF2, s31;
	v14 =	vand.u32 $0x70, v14  }
0x38a: {  	v15 =	vmov s0;
	v14 =	vbroadcast v14, $0x0  }
0x38b: {  	s20 =	sadd.s32 $0xFFFFFFF3, s31;
	v15 =	vand.u32 $0x71, v15  }
0x38c: {  	v16 =	vmov s20;
	v15 =	vbroadcast v15, $0x0;
	v14 =	vor.u32 v6, v14  }
0x38d: {  	v16 =	vand.u32 $0x72, v16  }
0x38e: {  	v17 =	vmov s1;
	v16 =	vbroadcast v16, $0x0;
	v15 =	vor.u32 v6, v15  }
0x38f: {  	v17 =	vand.u32 $0x73, v17  }
0x390: {  	v18 =	vmov s4;
	v17 =	vbroadcast v17, $0x0;
	v16 =	vor.u32 v6, v16  }
0x391: {  	v18 =	vand.u32 $0x74, v18;
	v14 =	vld.idx.msk [tilespmem:v14+s21+$0x0], $0xffff  }
0x392: {  	v18 =	vbroadcast v18, $0x0;
	v17 =	vor.u32 v6, v17  }
0x393: {  	v13 =	vand.u32 $0x75, v13;
	v15 =	vld.idx.msk [tilespmem:v15+s21+$0x0], $0xffff  }
0x394: {  	v13 =	vbroadcast v13, $0x0;
	v18 =	vor.u32 v6, v18  }
0x395: {  	v11 =	vand.u32 $0x77, v11;
	v10 =	vand.u32 $0x76, v10;
	v16 =	vld.idx.msk [tilespmem:v16+s21+$0x0], $0xffff  }
0x396: {  	v10 =	vbroadcast v10, $0x0;
	v13 =	vor.u32 v6, v13;
	v19 =	vmul.f32 v14, v14  }
0x397: {  	v12 =	vand.u32 $0x78, v12;
	v11 =	vbroadcast v11, $0x0;
	v17 =	vld.idx.msk [tilespmem:v17+s21+$0x0], $0xffff  }
0x398: {  	v10 =	vor.u32 v6, v10;
	v20 =	vmul.f32 v15, v15;
	v8 =	vadd.f32 v19, v8  }
0x399: {  	v9 =	vand.u32 $0x79, v9;
	v12 =	vbroadcast v12, $0x0;
	v18 =	vld.idx.msk [tilespmem:v18+s21+$0x0], $0xffff  }
0x39a: {  	v11 =	vor.u32 v6, v11;
	v52 =	vmul.f32 v16, v16;
	v8 =	vadd.f32 v20, v8  }
0x39b: {  	v5 =	vand.u32 $0x7A, v5;
	v9 =	vbroadcast v9, $0x0;
	v13 =	vld.idx.msk [tilespmem:v13+s21+$0x0], $0xffff  }
0x39c: {  	v12 =	vor.u32 v6, v12;
	v53 =	vmul.f32 v17, v17;
	v8 =	vadd.f32 v52, v8  }
0x39d: {  	v7 =	vand.u32 $0x7B, v7;
	v5 =	vbroadcast v5, $0x0;
	v10 =	vld.idx.msk [tilespmem:v10+s21+$0x0], $0xffff  }
0x39e: {  	v9 =	vor.u32 v6, v9;
	v54 =	vmul.f32 v18, v18;
	v8 =	vadd.f32 v53, v8  }
0x39f: {  	v4 =	vand.u32 $0x7C, v4;
	v7 =	vbroadcast v7, $0x0;
	v11 =	vld.idx.msk [tilespmem:v11+s21+$0x0], $0xffff  }
0x3a0: {  	v5 =	vor.u32 v6, v5;
	v55 =	vmul.f32 v13, v13;
	v8 =	vadd.f32 v54, v8  }
0x3a1: {  	v3 =	vand.u32 $0x7D, v3;
	v4 =	vbroadcast v4, $0x0;
	v12 =	vld.idx.msk [tilespmem:v12+s21+$0x0], $0xffff  }
0x3a2: {  	v7 =	vor.u32 v6, v7;
	v56 =	vmul.f32 v10, v10;
	v8 =	vadd.f32 v55, v8  }
0x3a3: {  	v1 =	vand.u32 $0x7E, v1;
	v3 =	vbroadcast v3, $0x0;
	v9 =	vld.idx.msk [tilespmem:v9+s21+$0x0], $0xffff  }
0x3a4: {  	v4 =	vor.u32 v6, v4;
	v57 =	vmul.f32 v11, v11;
	v8 =	vadd.f32 v56, v8  }
0x3a5: {  	v1 =	vbroadcast v1, $0x0;
	v5 =	vld.idx.msk [tilespmem:v5+s21+$0x0], $0xffff  }
0x3a6: {  	v3 =	vor.u32 v6, v3;
	v58 =	vmul.f32 v12, v12;
	v8 =	vadd.f32 v57, v8  }
0x3a7: {  	v0 =	vbroadcast v0, $0x0;
	v7 =	vld.idx.msk [tilespmem:v7+s21+$0x0], $0xffff  }
0x3a8: {  	v1 =	vor.u32 v6, v1;
	v21 =	vmul.f32 v9, v9;
	v8 =	vadd.f32 v58, v8  }
0x3a9: {  	s31 =	sadd.s32 $0x10, s30;
	v4 =	vld.idx.msk [tilespmem:v4+s21+$0x0], $0xffff  }
0x3aa: {  	v0 =	vor.u32 v6, v0;
	v59 =	vmul.f32 v5, v5;
	v20 =	vld [tilespmem:s31+$0x0];
	v8 =	vadd.f32 v21, v8  }
0x3ab: {  	v3 =	vld.idx.msk [tilespmem:v3+s21+$0x0], $0xffff  }
0x3ac: {  	v60 =	vmul.f32 v7, v7;
	v6 =	vadd.f32 v59, v8  }
0x3ad: {  	v1 =	vld.idx.msk [tilespmem:v1+s21+$0x0], $0xffff  }
0x3ae: {  	v62 =	vmul.f32 v4, v4;
	v6 =	vadd.f32 v60, v6  }
0x3af: {  	v0 =	vld.idx.msk [tilespmem:v0+s21+$0x0], $0xffff;
	v61 =	vbroadcast v20, $0x0  }
0x3b0: {  	v22 =	vmul.f32 v3, v3;
	v6 =	vadd.f32 v62, v6  }
0x3b1: {  	v63 =	vbroadcast v20, $0x1;
	v8 =	vmul.f32 v61, v14  }
0x3b2: {  	v29 =	vmul.f32 v1, v1;
	v6 =	vadd.f32 v22, v6  }
0x3b3: {  	v28 =	vbroadcast v20, $0x2;
	v23 =	vmul.f32 v15, v63;
	v2 =	vadd.f32 v8, v2  }
0x3b4: {  	v32 =	vmul.f32 v0, v0;
	v6 =	vadd.f32 v29, v6  }
0x3b5: {  	v30 =	vbroadcast v20, $0x3;
	v31 =	vmul.f32 v16, v28;
	v2 =	vadd.f32 v23, v2  }
0x3b6: {  	v34 =	vbroadcast v20, $0x4;
	v6 =	vadd.f32 v32, v6  }
0x3b7: {  	v33 =	vmul.f32 v17, v30;
	v2 =	vadd.f32 v31, v2  }
0x3b8: {  	v35 =	vbroadcast v20, $0x5;
	v36 =	vmul.f32 v18, v34;
	v6 =	vmax.f32 v6, $1.000000000e-30  }
0x3b9: {  	v2 =	vadd.f32 v33, v2;
	v37 =	vshra.s32 v6, $0x1;
	v6 =	vmul.f32 $5.000000000e-01, v6  }
0x3ba: {  	v38 =	vbroadcast v20, $0x6;
	v14 =	vsub.s32 $0x5F3759DF, v37  }
0x3bb: {  	v39 =	vmul.f32 v13, v35;
	v2 =	vadd.f32 v36, v2;
	v40 =	vmul.f32 v14, v6  }
0x3bc: {  	v41 =	vbroadcast v20, $0x7  }
0x3bd: {  	v42 =	vmul.f32 v10, v38;
	v2 =	vadd.f32 v39, v2;
	v43 =	vmul.f32 v14, v40  }
0x3be: {  	v44 =	vbroadcast v20, $0x8  }
0x3bf: {  	v45 =	vmul.f32 v11, v41;
	v2 =	vadd.f32 v42, v2;
	v10 =	vsub.f32 $1.500000000e+00, v43  }
0x3c0: {  	v46 =	vbroadcast v20, $0x9  }
0x3c1: {  	v47 =	vmul.f32 v12, v44;
	v2 =	vadd.f32 v45, v2;
	v10 =	vmul.f32 v14, v10  }
0x3c2: {  	v48 =	vbroadcast v20, $0xA  }
0x3c3: {  	v49 =	vmul.f32 v9, v46;
	v2 =	vadd.f32 v47, v2;
	v50 =	vmul.f32 v10, v6  }
0x3c4: {  	v51 =	vbroadcast v20, $0xB  }
0x3c5: {  	v5 =	vmul.f32 v5, v48;
	v2 =	vadd.f32 v49, v2;
	v52 =	vmul.f32 v50, v10  }
0x3c6: {  	v53 =	vbroadcast v20, $0xC  }
0x3c7: {  	v54 =	vmul.f32 v7, v51;
	v2 =	vadd.f32 v5, v2;
	v55 =	vsub.f32 $1.500000000e+00, v52  }
0x3c8: {  	v4 =	vmul.f32 v4, v53  }
0x3c9: {  	v56 =	vbroadcast v20, $0xD;
	v2 =	vadd.f32 v54, v2;
	v57 =	vmul.f32 v55, v10  }
0x3ca: {  	v58 =	vbroadcast v20, $0xE  }
0x3cb: {  	v3 =	vmul.f32 v3, v56;
	v2 =	vadd.f32 v4, v2;
	v59 =	vmul.f32 v57, v6  }
0x3cc: {  	v1 =	vmul.f32 v1, v58  }
0x3cd: {  	v60 =	vbroadcast v20, $0xF;
	v2 =	vadd.f32 v3, v2;
	v61 =	vmul.f32 v59, v57;
	_ =	sdelay $0x1  }
0x3ce: {  	v0 =	vmul.f32 v0, v60;
	v1 =	vadd.f32 v1, v2;
	v62 =	vsub.f32 $1.500000000e+00, v61;
	_ =	sdelay $0x1  }
0x3cf: {  	s28 =	sadd.s32 $0x1, s28;
	v0 =	vadd.f32 v0, v1;
	v63 =	vmul.f32 v62, v57  }
0x3d0: {  	p1 =	sne.s32 s28, s26  }
.Ltmp8:
0x3d1: {  	v0 =	vmul.f32 v63, v0;
	(pc) =	sbr.rel @p1 .LBB2_16-.Ltmp8, $3  }
0x3d2: {  	_ = 	snop  }
0x3d3: {  	v0 =	vsub.f32 $0.0e+00, v0;
	_ =	sdelay $0x1  }
0x3d4: {  	[tilespmem:s29+$0x15080] =	vst v0  }
0x3d5: {  	s0 =	simm.s32 @p0 $0x0;
	s1 =	simm.s32 @p0 $0x15080  }
0x3d6: {  	[hbm4b:s13+s0] =	stream.linear.scatter @p0 [tilespmem:s1], [sflag:$0x1], $0x50, $0x38;
	[tilespmem:$0x15480] =	vst v63  }
0x3d7: {  	s0 =	simm.s32 @p0 $0x1  }
0x3d8: {  	_ =	swait.ge @p0 [sflag:s0], $0x50  }
0x3d9: {  	s25 =	sadd.s32 $0x1, s25;
	s1 =	simm.s32 @!p0 $0x15080;
	[sflag:s0] =	ssyncset.done @p0 $0x0  }
0x3da: {  	p1 =	sne.s32 s25, s14;
	[sflag:s0] =	ssyncadd.s32 @p0 $0xFFFFFFB0;
	s0 =	simm.s32 @!p0 $0x0  }
0x3db: {  	[hbm4b:s12+s0] =	stream.linear.scatter @!p0 [tilespmem:s1], [sflag:$0x1], $0x140, $0x38;
	[tilespmem:$0x15480] =	vst v63  }
.Ltmp9:
0x3dc: {  	s0 =	simm.s32 @!p0 $0x1;
	(pc) =	sbr.rel @p1 .LBB2_1-.Ltmp9, $4  }
0x3dd: {  	_ =	swait.ge @!p0 [sflag:s0], $0x140  }
0x3de: {  	v7 =	vld [tilespmem:$0x1FFC0]  }
0x3df: {  	[sflag:s0] =	ssyncset.done @!p0 $0x0;
	v8 =	vld [tilespmem:$0x1FFD0]  }
0x3e0: {  	v6 =	vlaneseq.u32;
	v3 =	vimm.s32 $0x0;
	v9 =	vld [tilespmem:$0x1FFE0];
	[sflag:s0] =	ssyncadd.s32 @!p0 $0xFFFFFEC0  }
0x3e1: {  	_ =	sfence.sel $0x180000  }
0x3e2: {  	[bflag:$0x0] =	sbarrier.arrive $0xFFFF  }
0x3e3: {  	_ =	strace $0x90000047  }
0x3e4: {  	s0 =	stileid.u32;
	[bflag:$0x2] =	sbarrier.arrive $0xFFFF  }
0x3e5: {  	p0 =	sne.s32 s0, $0x0;
	s0 =	rddreg [dreg:$0x6]  }
0x3e6: {  	s0 =	sadd.s32 @!p0 $0x100000, s0  }
0x3e7: {  	[sflag:s0] =	ssyncadd.tile.s32 @!p0 $0x1;
	_ =	shalt  }
.Lfunc_end2:
_tile_overlayer_lowered:
.L_overlay_start_2:
0x3e8: {  	(tag) =	ssettag $0x2  }
0x3e9: {  	s0 =	rddreg [dreg:$0x0];
	s2 =	stileid.u32  }
0x3ea: {  	s1 =	rddreg [dreg:$0x1];
	p0 =	sne.s32 s2, $0x0  }
0x3eb: {  	s3 =	rddreg [dreg:$0x2];
	[bflag:$0x3] =	sbarrier.arrive $0xFFFF;
	s2 =	simm.s32 @!p0 $0x1C01  }
0x3ec: {  	[timem:s3], [sflag:s2] =	dma.local @!p0 [hbm:s0], s1  }
0x3ed: {  	s0 =	simm.s32 @!p0 $0x1  }
0x3ee: {  	_ =	swait.ge @!p0 [sflag:s0], s1  }
0x3ef: {  	s1 =	ssub.s32 @!p0 $0x0, s1;
	[sflag:s0] =	ssyncset.done @!p0 $0x0  }
0x3f0: {  	[sflag:s0] =	ssyncadd.s32 @!p0 s1  }
0x3f1: {  	[bflag:$0x3] =	sbarrier.arrive $0xFFFF  }
0x3f2: {  	_ =	shalt  }

</sc_bundles>
